<compile_context>
chip_gen: v7x
topology: tpu7x:2x2x1
jax: 0.10.2.dev20260603
libtpu: 0.0.44.dev20260713+nightly
codegen_flags: <defaults>
</compile_context>

<pallas_src>
import functools

import jax
import jax.numpy as jnp
from jax import lax
from jax.experimental import pallas as pl
from jax.experimental.pallas import tpu as pltpu
from jax.experimental.pallas import tpu_sc as plsc

N = 10000
D = 128
E = 320000
NC = 2
NS = 16
NW = NC * NS
CHUNK = 128
EPW = 10240
NCHUNK = EPW // CHUNK
E_PAD = NW * EPW
N_PAD = 10240
ROWS_Z = N_PAD // NS

NBUF = 4
CH_D = 64
NCHUNK_D = EPW // CH_D
NQ_D = 4
NCH_Q = NCHUNK_D // NQ_D
NSUP_Q = NCH_Q // NBUF

CH_A = 64
NCHUNK_A = EPW // CH_A
NBUF_A = 4
NHALF = 10
NCH_H = NCHUNK_A // NHALF
NSUP_H = NCH_H // NBUF_A

_mesh = plsc.VectorSubcoreMesh(core_axis_name="c", subcore_axis_name="s")



@functools.partial(
    pl.kernel,
    out_type=jax.ShapeDtypeStruct((NC, N_PAD), jnp.float32),
    mesh=_mesh,
    scratch_types=[
        pltpu.VMEM_SHARED((N_PAD,), jnp.float32),
        pltpu.VMEM((ROWS_Z,), jnp.float32),
        pltpu.VMEM((CH_D,), jnp.float32),
        pltpu.VMEM((NCH_Q, CH_D), jnp.int32),
        pltpu.SemaphoreType.DMA((NBUF,)),
    ],
)
def _deg_kernel(dst_hbm, out_hbm, acc, zbuf, ones, didx, ssem):
    c = lax.axis_index("c")
    s = lax.axis_index("s")
    wid = c * NS + s

    @pl.loop(0, ROWS_Z // 16)
    def _(i):
        zbuf[pl.ds(i * 16, 16)] = jnp.zeros((16,), jnp.float32)

    @pl.loop(0, CH_D // 16)
    def _(i):
        ones[pl.ds(i * 16, 16)] = jnp.full((16,), 1.0, jnp.float32)

    pltpu.sync_copy(zbuf, acc.at[pl.ds(s * ROWS_Z, ROWS_Z)])
    plsc.subcore_barrier()

    @pl.loop(0, NQ_D)
    def _(q):
        qbase = pl.multiple_of(q * NCH_Q, 8)
        pltpu.sync_copy(dst_hbm.at[wid, pl.ds(qbase, NCH_Q)], didx)

        for b in range(NBUF):
            pltpu.async_copy(ones, acc.at[didx.at[b]], ssem.at[b], add=True)

        @pl.loop(0, NSUP_Q - 1)
        def _(jj):
            for b in range(NBUF):
                j = jj * NBUF + b
                pltpu.make_async_copy(ones, acc.at[didx.at[j]],
                                      ssem.at[b]).wait()
                pltpu.async_copy(ones, acc.at[didx.at[j + NBUF]], ssem.at[b],
                                 add=True)

        for b in range(NBUF):
            j = (NSUP_Q - 1) * NBUF + b
            pltpu.make_async_copy(ones, acc.at[didx.at[j]], ssem.at[b]).wait()

    plsc.subcore_barrier()
    pltpu.sync_copy(acc.at[pl.ds(s * ROWS_Z, ROWS_Z)],
                    out_hbm.at[c, pl.ds(s * ROWS_Z, ROWS_Z)])


@functools.partial(
    pl.kernel,
    out_type=jax.ShapeDtypeStruct((NC, N_PAD, D), jnp.float32),
    mesh=_mesh,
    scratch_types=[
        pltpu.VMEM_SHARED((N_PAD, D), jnp.float32),
        pltpu.VMEM((NBUF_A, CH_A, D), jnp.float32),
        pltpu.VMEM((2, NCH_H, CH_A), jnp.int32),
        pltpu.VMEM((2, NCH_H, CH_A), jnp.int32),
        pltpu.SemaphoreType.DMA((NBUF_A,)),
        pltpu.SemaphoreType.DMA((NBUF_A,)),
        pltpu.SemaphoreType.DMA((2, 2)),
    ],
)
def _agg_kernel(y_hbm, src_hbm, dst_hbm, out_hbm, acc, rows, sidx, didx,
                gsem, ssem, isem):
    c = lax.axis_index("c")
    s = lax.axis_index("s")
    wid = c * NS + s

    @pl.loop(0, CH_A)
    def _(r):
        @pl.loop(0, D // 16)
        def _(k):
            rows[pl.ds(0, 1), pl.ds(r, 1), pl.ds(k * 16, 16)] = (
                jnp.zeros((1, 1, 16), jnp.float32))

    @pl.loop(0, ROWS_Z // CH_A)
    def _(i):
        pltpu.sync_copy(rows.at[0],
                        acc.at[pl.ds(s * ROWS_Z + i * CH_A, CH_A)])

    plsc.subcore_barrier()

    pltpu.async_copy(src_hbm.at[wid, pl.ds(0, NCH_H)], sidx.at[0],
                     isem.at[0, 0])
    pltpu.async_copy(dst_hbm.at[wid, pl.ds(0, NCH_H)], didx.at[0],
                     isem.at[0, 1])
    pltpu.make_async_copy(src_hbm.at[wid, pl.ds(0, NCH_H)], sidx.at[0],
                          isem.at[0, 0]).wait()
    pltpu.make_async_copy(dst_hbm.at[wid, pl.ds(0, NCH_H)], didx.at[0],
                          isem.at[0, 1]).wait()
    for b in range(NBUF_A):
        pltpu.async_copy(y_hbm.at[sidx.at[0, b]], rows.at[b], gsem.at[b])

    @pl.loop(0, NHALF)
    def _(h):
        slot = lax.rem(h, 2)
        nxt = 1 - slot

        @pl.when(h < NHALF - 1)
        def _():
            nbase = pl.multiple_of((h + 1) * NCH_H, 8)
            pltpu.async_copy(src_hbm.at[wid, pl.ds(nbase, NCH_H)],
                             sidx.at[nxt], isem.at[nxt, 0])
            pltpu.async_copy(dst_hbm.at[wid, pl.ds(nbase, NCH_H)],
                             didx.at[nxt], isem.at[nxt, 1])

        @pl.loop(0, NSUP_H)
        def _(jj):
            for b in range(NBUF_A):
                j = jj * NBUF_A + b
                pltpu.make_async_copy(y_hbm.at[sidx.at[slot, j]], rows.at[b],
                                      gsem.at[b]).wait()
                pltpu.async_copy(rows.at[b], acc.at[didx.at[slot, j]],
                                 ssem.at[b], add=True)

            @pl.when((jj == NSUP_H - 1) & (h < NHALF - 1))
            def _():
                hbase = pl.multiple_of((h + 1) * NCH_H, 8)
                pltpu.make_async_copy(src_hbm.at[wid, pl.ds(hbase, NCH_H)],
                                      sidx.at[nxt], isem.at[nxt, 0]).wait()
                pltpu.make_async_copy(dst_hbm.at[wid, pl.ds(hbase, NCH_H)],
                                      didx.at[nxt], isem.at[nxt, 1]).wait()

            for b in range(NBUF_A):
                j = jj * NBUF_A + b
                pltpu.make_async_copy(rows.at[b], acc.at[didx.at[slot, j]],
                                      ssem.at[b]).wait()

                @pl.when(jj < NSUP_H - 1)
                def _():
                    pltpu.async_copy(y_hbm.at[sidx.at[slot, j + NBUF_A]],
                                     rows.at[b], gsem.at[b])

                @pl.when((jj == NSUP_H - 1) & (h < NHALF - 1))
                def _():
                    pltpu.async_copy(y_hbm.at[sidx.at[nxt, b]],
                                     rows.at[b], gsem.at[b])

    plsc.subcore_barrier()
    pltpu.sync_copy(acc.at[pl.ds(s * ROWS_Z, ROWS_Z)],
                    out_hbm.at[c, pl.ds(s * ROWS_Z, ROWS_Z)])



def _dense1_body(d0, d1, x_ref, w_ref, y_o, xw_o):
    dinv = lax.rsqrt(d0[...] + d1[...] + 1.0)
    xw = jnp.dot(x_ref[...], w_ref[...], preferred_element_type=jnp.float32)
    xw_o[...] = xw
    y_o[...] = dinv * xw


def _dense1(d0, d1, x, w):
    return pl.pallas_call(
        _dense1_body,
        out_shape=[jax.ShapeDtypeStruct((N, D), jnp.float32),
                   jax.ShapeDtypeStruct((N, D), jnp.float32)],
    )(d0, d1, x, w)


def _mid_body(d0, d1, a0, a1, xw, b, g, be, w, y_o, xw_o):
    dinv = lax.rsqrt(d0[...] + d1[...] + 1.0)
    h = dinv * (a0[...] + a1[...]) + (dinv * dinv) * xw[...] + b[...]
    mean = jnp.mean(h, axis=0, keepdims=True)
    var = jnp.mean((h - mean) ** 2, axis=0, keepdims=True)
    h = (h - mean) * lax.rsqrt(var + 1e-5) * g[...] + be[...]
    h = jnp.maximum(h, 0.0)
    xw2 = jnp.dot(h, w[...], preferred_element_type=jnp.float32)
    xw_o[...] = xw2
    y_o[...] = dinv * xw2


def _mid(d0, d1, a0, a1, xw, b, g, be, w):
    return pl.pallas_call(
        _mid_body,
        out_shape=[jax.ShapeDtypeStruct((N, D), jnp.float32),
                   jax.ShapeDtypeStruct((N, D), jnp.float32)],
    )(d0, d1, a0, a1, xw, b, g, be, w)


def _final_body(d0, d1, a0, a1, xw, b, o_ref):
    dinv = lax.rsqrt(d0[...] + d1[...] + 1.0)
    h = dinv * (a0[...] + a1[...]) + (dinv * dinv) * xw[...] + b[...]
    m = jnp.max(h, axis=1, keepdims=True)
    lse = jnp.log(jnp.sum(jnp.exp(h - m), axis=1, keepdims=True)) + m
    o_ref[...] = h - lse


def _final(d0, d1, a0, a1, xw, b):
    return pl.pallas_call(
        _final_body,
        out_shape=jax.ShapeDtypeStruct((N, D), jnp.float32),
    )(d0, d1, a0, a1, xw, b)



def kernel(x, edge_index, W1, b1, g1, be1, W2, b2, g2, be2, W3, b3):
    src = edge_index[0].astype(jnp.int32)
    dst = edge_index[1].astype(jnp.int32)
    pad_ids = jnp.arange(E_PAD - E, dtype=jnp.int32)
    src_f = jnp.concatenate([src, pad_ids % N])
    dst_f = jnp.concatenate([dst, N + pad_ids % (N_PAD - N)])
    src_p = src_f.reshape(NW, NCHUNK_A, CH_A)
    dst_p = dst_f.reshape(NW, NCHUNK_A, CH_A)
    dst_d = dst_f.reshape(NW, NCHUNK_D, CH_D)

    deg2 = _deg_kernel(dst_d)
    d0 = deg2[0, :N, None]
    d1 = deg2[1, :N, None]

    b1r, g1r, be1r = b1[None, :], g1[None, :], be1[None, :]
    b2r, g2r, be2r = b2[None, :], g2[None, :], be2[None, :]
    b3r = b3[None, :]

    y1, xw1 = _dense1(d0, d1, x, W1)
    a1 = _agg_kernel(y1, src_p, dst_p)
    y2, xw2 = _mid(d0, d1, a1[0, :N], a1[1, :N], xw1, b1r, g1r, be1r, W2)
    a2 = _agg_kernel(y2, src_p, dst_p)
    y3, xw3 = _mid(d0, d1, a2[0, :N], a2[1, :N], xw2, b2r, g2r, be2r, W3)
    a3 = _agg_kernel(y3, src_p, dst_p)
    return _final(d0, d1, a3[0, :N], a3[1, :N], xw3, b3r)

# --- scband reference (transcript-rebuilt; emitter-appended) ---
"""Pipeline reference for scband-gcn-87926570483772 (READ-ONLY COPY).

The authoritative reference and input builder live on the scoring server;
editing this copy changes nothing except your own understanding.
"""

import jax, jax.numpy as jnp
import numpy as np

N = 10000
E = 320000
D_IN = 128
D_HID = 128
D_OUT = 128


def setup_inputs(seed: int = 0) -> dict:
    key = jax.random.key(seed)
    ks = jax.random.split(key, 12)
    x = jax.random.normal(ks[0], (N, D_IN), dtype=jnp.float32)
    edge_index = jax.random.randint(ks[1], (2, E), 0, N, dtype=jnp.int64)
    def glorot(k, fan_in, fan_out):
        lim = (6.0 / (fan_in + fan_out)) ** 0.5
        return jax.random.uniform(k, (fan_in, fan_out), dtype=jnp.float32, minval=-lim, maxval=lim)
    W1 = glorot(ks[2], D_IN, D_HID)
    b1 = jnp.zeros((D_HID,), dtype=jnp.float32)
    g1 = jnp.ones((D_HID,), dtype=jnp.float32)
    be1 = jnp.zeros((D_HID,), dtype=jnp.float32)
    W2 = glorot(ks[3], D_HID, D_HID)
    b2 = jnp.zeros((D_HID,), dtype=jnp.float32)
    g2 = jnp.ones((D_HID,), dtype=jnp.float32)
    be2 = jnp.zeros((D_HID,), dtype=jnp.float32)
    W3 = glorot(ks[4], D_HID, D_OUT)
    b3 = jnp.zeros((D_OUT,), dtype=jnp.float32)
    return {"x": x, "edge_index": edge_index, "W1": W1, "b1": b1, "g1": g1, "be1": be1,
            "W2": W2, "b2": b2, "g2": g2, "be2": be2, "W3": W3, "b3": b3}


def _gcn_conv(x, src, dst, norm, W, b):
    # GCNConv: x' = D^-1/2 (A + I) D^-1/2 (x W) + b
    xw = x @ W
    msg = norm[:, None] * jnp.take(xw, src, axis=0)
    out = jnp.zeros((x.shape[0], W.shape[1]), dtype=x.dtype).at[dst].add(msg)
    return out + b


def _bn(x, g, b, eps=1e-5):
    mean = jnp.mean(x, axis=0)
    var = jnp.var(x, axis=0)
    return (x - mean) / jnp.sqrt(var + eps) * g + b


def reference(x, edge_index, W1, b1, g1, be1, W2, b2, g2, be2, W3, b3):
    n = x.shape[0]
    loop = jnp.arange(n, dtype=edge_index.dtype)
    src = jnp.concatenate([edge_index[0], loop])
    dst = jnp.concatenate([edge_index[1], loop])
    deg = jnp.zeros((n,), dtype=x.dtype).at[dst].add(1.0)
    dinv = jnp.where(deg > 0, deg ** -0.5, 0.0)
    norm = jnp.take(dinv, src) * jnp.take(dinv, dst)
    # layer 1
    h = _gcn_conv(x, src, dst, norm, W1, b1)
    h = _bn(h, g1, be1)
    h = jax.nn.relu(h)
    # dropout is identity in eval / deterministic reference
    # layer 2
    h = _gcn_conv(h, src, dst, norm, W2, b2)
    h = _bn(h, g2, be2)
    h = jax.nn.relu(h)
    # final layer (no bn/relu)
    h = _gcn_conv(h, src, dst, norm, W3, b3)
    return jax.nn.log_softmax(h, axis=-1)

if __name__ == "__main__":
    import jax
    _d = setup_inputs()
    print(jax.jit(kernel)(*tuple(_d.values())))

</pallas_src>

<mosaic_0001>
#map = affine_map<(d0, d1) -> (0, 0)>
#map1 = affine_map<(d0, d1) -> (0, 0, 0)>
module attributes {stable_mosaic.version = 14 : i64} {
  func.func @_agg_kernel(%arg0: i32, %arg1: i32, %arg2: memref<10000x128xf32, #tpu.memory_space<hbm>>, %arg3: memref<32x160x64xi32, #tpu.memory_space<hbm>>, %arg4: memref<32x160x64xi32, #tpu.memory_space<hbm>>, %arg5: memref<2x10240x128xf32, #tpu.memory_space<hbm>>, %arg6: memref<10240x128xf32, #tpu.memory_space<vmem_shared>>, %arg7: memref<4x64x128xf32, #tpu.memory_space<vmem>>, %arg8: memref<2x16x64xi32, #tpu.memory_space<vmem>>, %arg9: memref<2x16x64xi32, #tpu.memory_space<vmem>>, %arg10: memref<4x!tpu.dma_semaphore, #tpu.memory_space<semaphore_mem>>, %arg11: memref<4x!tpu.dma_semaphore, #tpu.memory_space<semaphore_mem>>, %arg12: memref<2x2x!tpu.dma_semaphore, #tpu.memory_space<semaphore_mem>>) attributes {dimension_semantics = [#tpu.dimension_semantics<core_parallel>, #tpu.dimension_semantics<subcore_parallel>], iteration_bounds = array<i64: 2, 16>, scalar_prefetch = 0 : i64, scratch_operands = 7 : i64, tpu.core_type = #tpu.core_type<sc_vector_subcore>, window_params = [{transform_indices = #map}, {transform_indices = #map1}, {transform_indices = #map1}, {transform_indices = #map1}]} {
    %mul3A = arith.constant 16 : i32
    %mul3A_0 = arith.muli %arg0, %mul3A : i32
    %add3A = arith.addi %mul3A_0, %arg1 : i32
    %scan3A = arith.constant 0 : i32
    %scan3A_1 = arith.constant 64 : i32
    %scan3A_2 = arith.addi %scan3A, %scan3A_1 : i32
    %scan3A_3 = arith.constant 1 : i32
    scf.for %scan3A_166 = %scan3A to %scan3A_2 step %scan3A_3  : i32 {
      %mul3A_167 = arith.constant 1 : i32
      %mul3A_168 = arith.muli %scan3A_166, %mul3A_167 : i32
      %add3A_169 = arith.constant 0 : i32
      %add3A_170 = arith.addi %add3A_169, %mul3A_168 : i32
      %scan3A_171 = arith.constant 0 : i32
      %scan3A_172 = arith.constant 8 : i32
      %scan3A_173 = arith.addi %scan3A_171, %scan3A_172 : i32
      %scan3A_174 = arith.constant 1 : i32
      scf.for %scan3A_176 = %scan3A_171 to %scan3A_173 step %scan3A_174  : i32 {
        %mul3A_177 = arith.constant 1 : i32
        %mul3A_178 = arith.muli %scan3A_176, %mul3A_177 : i32
        %add3A_179 = arith.constant 0 : i32
        %add3A_180 = arith.addi %add3A_179, %mul3A_178 : i32
        %broadcast_in_dim3A = arith.constant 0.000000e+00 : f32
        %broadcast_in_dim3A_181 = vector.broadcast %broadcast_in_dim3A : f32 to vector<1x1x16xf32>
        %mul3A_182 = arith.constant 16 : i32
        %mul3A_183 = arith.muli %add3A_180, %mul3A_182 : i32
        %swap3A = arith.constant 0 : index
        %swap3A_184 = arith.index_cast %add3A_170 : i32 to index
        %swap3A_185 = arith.index_cast %mul3A_183 : i32 to index
        %swap3A_186 = tpu.vector_load %arg7[%swap3A, %swap3A_184, %swap3A_185] {strides = array<i32>} : memref<4x64x128xf32, #tpu.memory_space<vmem>>, vector<1x1x16xf32>,
        %swap3A_187 = vector.shape_cast %swap3A_186 : vector<1x1x16xf32> to vector<1x1x16xf32>
        %swap3A_188 = vector.shape_cast %broadcast_in_dim3A_181 : vector<1x1x16xf32> to vector<1x1x16xf32>
        tpu.vector_store %arg7[%swap3A, %swap3A_184, %swap3A_185], %swap3A_188 {strides = array<i32>} : memref<4x64x128xf32, #tpu.memory_space<vmem>>, vector<1x1x16xf32>,
      }
      %scan3A_175 = arith.constant 8 : i32
    }
    %scan3A_4 = arith.constant 64 : i32
    %scan3A_5 = arith.constant 0 : i32
    %scan3A_6 = arith.constant 10 : i32
    %scan3A_7 = arith.addi %scan3A_5, %scan3A_6 : i32
    %scan3A_8 = arith.constant 1 : i32
    scf.for %scan3A_166 = %scan3A_5 to %scan3A_7 step %scan3A_8  : i32 {
      %mul3A_167 = arith.constant 1 : i32
      %mul3A_168 = arith.muli %scan3A_166, %mul3A_167 : i32
      %add3A_169 = arith.constant 0 : i32
      %add3A_170 = arith.addi %add3A_169, %mul3A_168 : i32
      %mul3A_171 = arith.constant 640 : i32
      %mul3A_172 = arith.muli %arg1, %mul3A_171 : i32
      %mul3A_173 = arith.constant 64 : i32
      %mul3A_174 = arith.muli %add3A_170, %mul3A_173 : i32
      %add3A_175 = arith.addi %mul3A_172, %mul3A_174 : i32
      %run_scoped3A = arith.constant 0 : i32
      "tpu.region"() ({
        %run_scoped3A_176 = tpu.sem_alloc : memref<!tpu.dma_semaphore, #tpu.memory_space<semaphore_mem>>
        %dma_start3A_177 = arith.constant 0 : i32
        %dma_start3A_178 = arith.constant 0 : i32
        %dma_start3A_179 = tpu.memref_slice %arg7[%run_scoped3A, %dma_start3A_177, %dma_start3A_178] : memref<4x64x128xf32, #tpu.memory_space<vmem>> -> memref<1x64x128xf32, #tpu.memory_space<vmem>>
        %dma_start3A_180 = tpu.memref_squeeze %dma_start3A_179 : memref<1x64x128xf32, #tpu.memory_space<vmem>> -> memref<64x128xf32, #tpu.memory_space<vmem>>
        %dma_start3A_181 = arith.constant 0 : i32
        %dma_start3A_182 = tpu.memref_slice %arg6[%add3A_175, %dma_start3A_181] : memref<10240x128xf32, #tpu.memory_space<vmem_shared>> -> memref<64x128xf32, #tpu.memory_space<vmem_shared>>
        %dma_start3A_183 = arith.constant 0 : i32
        %dma_start3A_184 = tpu.memref_slice %arg6[%add3A_175, %dma_start3A_183] : memref<10240x128xf32, #tpu.memory_space<vmem_shared>> -> memref<64x128xf32, #tpu.memory_space<vmem_shared>>
        %dma_start3A_185 = arith.constant 0 : i32
        %dma_start3A_186 = arith.constant 0 : i32
        %dma_start3A_187 = tpu.memref_slice %arg7[%run_scoped3A, %dma_start3A_185, %dma_start3A_186] : memref<4x64x128xf32, #tpu.memory_space<vmem>> -> memref<1x64x128xf32, #tpu.memory_space<vmem>>
        %dma_start3A_188 = tpu.memref_squeeze %dma_start3A_187 : memref<1x64x128xf32, #tpu.memory_space<vmem>> -> memref<64x128xf32, #tpu.memory_space<vmem>>
        tpu.enqueue_dma source(%dma_start3A_188 : memref<64x128xf32, #tpu.memory_space<vmem>>) target(%dma_start3A_184 : memref<64x128xf32, #tpu.memory_space<vmem_shared>>) target_semaphore(%run_scoped3A_176 : memref<!tpu.dma_semaphore, #tpu.memory_space<semaphore_mem>>)
        %dma_wait3A_189 = arith.constant 0 : i32
        %dma_wait3A_190 = arith.constant 0 : i32
        %dma_wait3A_191 = tpu.memref_slice %arg7[%run_scoped3A, %dma_wait3A_189, %dma_wait3A_190] : memref<4x64x128xf32, #tpu.memory_space<vmem>> -> memref<1x64x128xf32, #tpu.memory_space<vmem>>
        %dma_wait3A_192 = tpu.memref_squeeze %dma_wait3A_191 : memref<1x64x128xf32, #tpu.memory_space<vmem>> -> memref<64x128xf32, #tpu.memory_space<vmem>>
        %dma_wait3A_193 = arith.constant 0 : i32
        %dma_wait3A_194 = tpu.memref_slice %arg6[%add3A_175, %dma_wait3A_193] : memref<10240x128xf32, #tpu.memory_space<vmem_shared>> -> memref<64x128xf32, #tpu.memory_space<vmem_shared>>
        %dma_wait3A_195 = arith.constant 0 : i32
        %dma_wait3A_196 = tpu.memref_slice %arg6[%add3A_175, %dma_wait3A_195] : memref<10240x128xf32, #tpu.memory_space<vmem_shared>> -> memref<64x128xf32, #tpu.memory_space<vmem_shared>>
        %dma_wait3A_197 = arith.constant 0 : i32
        %dma_wait3A_198 = arith.constant 0 : i32
        %dma_wait3A_199 = tpu.memref_slice %arg7[%run_scoped3A, %dma_wait3A_197, %dma_wait3A_198] : memref<4x64x128xf32, #tpu.memory_space<vmem>> -> memref<1x64x128xf32, #tpu.memory_space<vmem>>
        %dma_wait3A_200 = tpu.memref_squeeze %dma_wait3A_199 : memref<1x64x128xf32, #tpu.memory_space<vmem>> -> memref<64x128xf32, #tpu.memory_space<vmem>>
        tpu.wait_dma2 semaphore(%run_scoped3A_176 : memref<!tpu.dma_semaphore, #tpu.memory_space<semaphore_mem>>) src(%dma_wait3A_200 : memref<64x128xf32, #tpu.memory_space<vmem>>) dst(%dma_wait3A_196 : memref<64x128xf32, #tpu.memory_space<vmem_shared>>)
        tpu.yield
      }) : () -> ()
    }
    %scan3A_9 = arith.constant 10 : i32
    %barrier3A = arith.constant 0 : index
    tpu.barrier barrier_id(%barrier3A)
    %dma_start3A = arith.constant 0 : i32
    %dma_start3A_10 = arith.constant 0 : i32
    %dma_start3A_11 = arith.constant 0 : i32
    %dma_start3A_12 = arith.constant 0 : i32
    %dma_start3A_13 = arith.constant 0 : i32
    %dma_start3A_14 = tpu.memref_slice %arg8[%dma_start3A, %dma_start3A_12, %dma_start3A_13] : memref<2x16x64xi32, #tpu.memory_space<vmem>> -> memref<1x16x64xi32, #tpu.memory_space<vmem>>
    %dma_start3A_15 = tpu.memref_squeeze %dma_start3A_14 : memref<1x16x64xi32, #tpu.memory_space<vmem>> -> memref<16x64xi32, #tpu.memory_space<vmem>>
    %dma_start3A_16 = arith.constant 0 : i32
    %dma_start3A_17 = arith.constant 0 : i32
    %dma_start3A_18 = tpu.memref_slice %arg3[%add3A, %dma_start3A_16, %dma_start3A_17] : memref<32x160x64xi32, #tpu.memory_space<hbm>> -> memref<1x16x64xi32, #tpu.memory_space<hbm>>
    %dma_start3A_19 = tpu.memref_squeeze %dma_start3A_18 : memref<1x16x64xi32, #tpu.memory_space<hbm>> -> memref<16x64xi32, #tpu.memory_space<hbm>>
    %dma_start3A_20 = tpu.memref_slice %arg12[%dma_start3A_10, %dma_start3A_11] : memref<2x2x!tpu.dma_semaphore, #tpu.memory_space<semaphore_mem>> -> memref<1x1x!tpu.dma_semaphore, #tpu.memory_space<semaphore_mem>>
    %dma_start3A_21 = tpu.memref_squeeze %dma_start3A_20 : memref<1x1x!tpu.dma_semaphore, #tpu.memory_space<semaphore_mem>> -> memref<!tpu.dma_semaphore, #tpu.memory_space<semaphore_mem>>
    %dma_start3A_22 = arith.constant 0 : i32
    %dma_start3A_23 = arith.constant 0 : i32
    %dma_start3A_24 = tpu.memref_slice %arg8[%dma_start3A, %dma_start3A_22, %dma_start3A_23] : memref<2x16x64xi32, #tpu.memory_space<vmem>> -> memref<1x16x64xi32, #tpu.memory_space<vmem>>
    %dma_start3A_25 = tpu.memref_squeeze %dma_start3A_24 : memref<1x16x64xi32, #tpu.memory_space<vmem>> -> memref<16x64xi32, #tpu.memory_space<vmem>>
    %dma_start3A_26 = arith.constant 0 : i32
    %dma_start3A_27 = arith.constant 0 : i32
    %dma_start3A_28 = tpu.memref_slice %arg3[%add3A, %dma_start3A_26, %dma_start3A_27] : memref<32x160x64xi32, #tpu.memory_space<hbm>> -> memref<1x16x64xi32, #tpu.memory_space<hbm>>
    %dma_start3A_29 = tpu.memref_squeeze %dma_start3A_28 : memref<1x16x64xi32, #tpu.memory_space<hbm>> -> memref<16x64xi32, #tpu.memory_space<hbm>>
    tpu.enqueue_dma source(%dma_start3A_29 : memref<16x64xi32, #tpu.memory_space<hbm>>) target(%dma_start3A_25 : memref<16x64xi32, #tpu.memory_space<vmem>>) target_semaphore(%dma_start3A_21 : memref<!tpu.dma_semaphore, #tpu.memory_space<semaphore_mem>>)
    %dma_start3A_30 = arith.constant 0 : i32
    %dma_start3A_31 = arith.constant 0 : i32
    %dma_start3A_32 = arith.constant 1 : i32
    %dma_start3A_33 = arith.constant 0 : i32
    %dma_start3A_34 = arith.constant 0 : i32
    %dma_start3A_35 = tpu.memref_slice %arg9[%dma_start3A_30, %dma_start3A_33, %dma_start3A_34] : memref<2x16x64xi32, #tpu.memory_space<vmem>> -> memref<1x16x64xi32, #tpu.memory_space<vmem>>
    %dma_start3A_36 = tpu.memref_squeeze %dma_start3A_35 : memref<1x16x64xi32, #tpu.memory_space<vmem>> -> memref<16x64xi32, #tpu.memory_space<vmem>>
    %dma_start3A_37 = arith.constant 0 : i32
    %dma_start3A_38 = arith.constant 0 : i32
    %dma_start3A_39 = tpu.memref_slice %arg4[%add3A, %dma_start3A_37, %dma_start3A_38] : memref<32x160x64xi32, #tpu.memory_space<hbm>> -> memref<1x16x64xi32, #tpu.memory_space<hbm>>
    %dma_start3A_40 = tpu.memref_squeeze %dma_start3A_39 : memref<1x16x64xi32, #tpu.memory_space<hbm>> -> memref<16x64xi32, #tpu.memory_space<hbm>>
    %dma_start3A_41 = tpu.memref_slice %arg12[%dma_start3A_31, %dma_start3A_32] : memref<2x2x!tpu.dma_semaphore, #tpu.memory_space<semaphore_mem>> -> memref<1x1x!tpu.dma_semaphore, #tpu.memory_space<semaphore_mem>>
    %dma_start3A_42 = tpu.memref_squeeze %dma_start3A_41 : memref<1x1x!tpu.dma_semaphore, #tpu.memory_space<semaphore_mem>> -> memref<!tpu.dma_semaphore, #tpu.memory_space<semaphore_mem>>
    %dma_start3A_43 = arith.constant 0 : i32
    %dma_start3A_44 = arith.constant 0 : i32
    %dma_start3A_45 = tpu.memref_slice %arg9[%dma_start3A_30, %dma_start3A_43, %dma_start3A_44] : memref<2x16x64xi32, #tpu.memory_space<vmem>> -> memref<1x16x64xi32, #tpu.memory_space<vmem>>
    %dma_start3A_46 = tpu.memref_squeeze %dma_start3A_45 : memref<1x16x64xi32, #tpu.memory_space<vmem>> -> memref<16x64xi32, #tpu.memory_space<vmem>>
    %dma_start3A_47 = arith.constant 0 : i32
    %dma_start3A_48 = arith.constant 0 : i32
    %dma_start3A_49 = tpu.memref_slice %arg4[%add3A, %dma_start3A_47, %dma_start3A_48] : memref<32x160x64xi32, #tpu.memory_space<hbm>> -> memref<1x16x64xi32, #tpu.memory_space<hbm>>
    %dma_start3A_50 = tpu.memref_squeeze %dma_start3A_49 : memref<1x16x64xi32, #tpu.memory_space<hbm>> -> memref<16x64xi32, #tpu.memory_space<hbm>>
    tpu.enqueue_dma source(%dma_start3A_50 : memref<16x64xi32, #tpu.memory_space<hbm>>) target(%dma_start3A_46 : memref<16x64xi32, #tpu.memory_space<vmem>>) target_semaphore(%dma_start3A_42 : memref<!tpu.dma_semaphore, #tpu.memory_space<semaphore_mem>>)
    %dma_wait3A = arith.constant 0 : i32
    %dma_wait3A_51 = arith.constant 0 : i32
    %dma_wait3A_52 = arith.constant 0 : i32
    %dma_wait3A_53 = arith.constant 0 : i32
    %dma_wait3A_54 = arith.constant 0 : i32
    %dma_wait3A_55 = tpu.memref_slice %arg8[%dma_wait3A, %dma_wait3A_53, %dma_wait3A_54] : memref<2x16x64xi32, #tpu.memory_space<vmem>> -> memref<1x16x64xi32, #tpu.memory_space<vmem>>
    %dma_wait3A_56 = tpu.memref_squeeze %dma_wait3A_55 : memref<1x16x64xi32, #tpu.memory_space<vmem>> -> memref<16x64xi32, #tpu.memory_space<vmem>>
    %dma_wait3A_57 = arith.constant 0 : i32
    %dma_wait3A_58 = arith.constant 0 : i32
    %dma_wait3A_59 = tpu.memref_slice %arg3[%add3A, %dma_wait3A_57, %dma_wait3A_58] : memref<32x160x64xi32, #tpu.memory_space<hbm>> -> memref<1x16x64xi32, #tpu.memory_space<hbm>>
    %dma_wait3A_60 = tpu.memref_squeeze %dma_wait3A_59 : memref<1x16x64xi32, #tpu.memory_space<hbm>> -> memref<16x64xi32, #tpu.memory_space<hbm>>
    %dma_wait3A_61 = tpu.memref_slice %arg12[%dma_wait3A_51, %dma_wait3A_52] : memref<2x2x!tpu.dma_semaphore, #tpu.memory_space<semaphore_mem>> -> memref<1x1x!tpu.dma_semaphore, #tpu.memory_space<semaphore_mem>>
    %dma_wait3A_62 = tpu.memref_squeeze %dma_wait3A_61 : memref<1x1x!tpu.dma_semaphore, #tpu.memory_space<semaphore_mem>> -> memref<!tpu.dma_semaphore, #tpu.memory_space<semaphore_mem>>
    %dma_wait3A_63 = arith.constant 0 : i32
    %dma_wait3A_64 = arith.constant 0 : i32
    %dma_wait3A_65 = tpu.memref_slice %arg8[%dma_wait3A, %dma_wait3A_63, %dma_wait3A_64] : memref<2x16x64xi32, #tpu.memory_space<vmem>> -> memref<1x16x64xi32, #tpu.memory_space<vmem>>
    %dma_wait3A_66 = tpu.memref_squeeze %dma_wait3A_65 : memref<1x16x64xi32, #tpu.memory_space<vmem>> -> memref<16x64xi32, #tpu.memory_space<vmem>>
    %dma_wait3A_67 = arith.constant 0 : i32
    %dma_wait3A_68 = arith.constant 0 : i32
    %dma_wait3A_69 = tpu.memref_slice %arg3[%add3A, %dma_wait3A_67, %dma_wait3A_68] : memref<32x160x64xi32, #tpu.memory_space<hbm>> -> memref<1x16x64xi32, #tpu.memory_space<hbm>>
    %dma_wait3A_70 = tpu.memref_squeeze %dma_wait3A_69 : memref<1x16x64xi32, #tpu.memory_space<hbm>> -> memref<16x64xi32, #tpu.memory_space<hbm>>
    tpu.wait_dma2 semaphore(%dma_wait3A_62 : memref<!tpu.dma_semaphore, #tpu.memory_space<semaphore_mem>>) src(%dma_wait3A_70 : memref<16x64xi32, #tpu.memory_space<hbm>>) dst(%dma_wait3A_66 : memref<16x64xi32, #tpu.memory_space<vmem>>)
    %dma_wait3A_71 = arith.constant 0 : i32
    %dma_wait3A_72 = arith.constant 0 : i32
    %dma_wait3A_73 = arith.constant 1 : i32
    %dma_wait3A_74 = arith.constant 0 : i32
    %dma_wait3A_75 = arith.constant 0 : i32
    %dma_wait3A_76 = tpu.memref_slice %arg9[%dma_wait3A_71, %dma_wait3A_74, %dma_wait3A_75] : memref<2x16x64xi32, #tpu.memory_space<vmem>> -> memref<1x16x64xi32, #tpu.memory_space<vmem>>
    %dma_wait3A_77 = tpu.memref_squeeze %dma_wait3A_76 : memref<1x16x64xi32, #tpu.memory_space<vmem>> -> memref<16x64xi32, #tpu.memory_space<vmem>>
    %dma_wait3A_78 = arith.constant 0 : i32
    %dma_wait3A_79 = arith.constant 0 : i32
    %dma_wait3A_80 = tpu.memref_slice %arg4[%add3A, %dma_wait3A_78, %dma_wait3A_79] : memref<32x160x64xi32, #tpu.memory_space<hbm>> -> memref<1x16x64xi32, #tpu.memory_space<hbm>>
    %dma_wait3A_81 = tpu.memref_squeeze %dma_wait3A_80 : memref<1x16x64xi32, #tpu.memory_space<hbm>> -> memref<16x64xi32, #tpu.memory_space<hbm>>
    %dma_wait3A_82 = tpu.memref_slice %arg12[%dma_wait3A_72, %dma_wait3A_73] : memref<2x2x!tpu.dma_semaphore, #tpu.memory_space<semaphore_mem>> -> memref<1x1x!tpu.dma_semaphore, #tpu.memory_space<semaphore_mem>>
    %dma_wait3A_83 = tpu.memref_squeeze %dma_wait3A_82 : memref<1x1x!tpu.dma_semaphore, #tpu.memory_space<semaphore_mem>> -> memref<!tpu.dma_semaphore, #tpu.memory_space<semaphore_mem>>
    %dma_wait3A_84 = arith.constant 0 : i32
    %dma_wait3A_85 = arith.constant 0 : i32
    %dma_wait3A_86 = tpu.memref_slice %arg9[%dma_wait3A_71, %dma_wait3A_84, %dma_wait3A_85] : memref<2x16x64xi32, #tpu.memory_space<vmem>> -> memref<1x16x64xi32, #tpu.memory_space<vmem>>
    %dma_wait3A_87 = tpu.memref_squeeze %dma_wait3A_86 : memref<1x16x64xi32, #tpu.memory_space<vmem>> -> memref<16x64xi32, #tpu.memory_space<vmem>>
    %dma_wait3A_88 = arith.constant 0 : i32
    %dma_wait3A_89 = arith.constant 0 : i32
    %dma_wait3A_90 = tpu.memref_slice %arg4[%add3A, %dma_wait3A_88, %dma_wait3A_89] : memref<32x160x64xi32, #tpu.memory_space<hbm>> -> memref<1x16x64xi32, #tpu.memory_space<hbm>>
    %dma_wait3A_91 = tpu.memref_squeeze %dma_wait3A_90 : memref<1x16x64xi32, #tpu.memory_space<hbm>> -> memref<16x64xi32, #tpu.memory_space<hbm>>
    tpu.wait_dma2 semaphore(%dma_wait3A_83 : memref<!tpu.dma_semaphore, #tpu.memory_space<semaphore_mem>>) src(%dma_wait3A_91 : memref<16x64xi32, #tpu.memory_space<hbm>>) dst(%dma_wait3A_87 : memref<16x64xi32, #tpu.memory_space<vmem>>)
    %dma_start3A_92 = arith.constant 0 : i32
    %dma_start3A_93 = arith.constant 0 : i32
    %dma_start3A_94 = arith.constant 0 : i32
    %dma_start3A_95 = arith.constant 0 : i32
    %dma_start3A_96 = arith.constant 0 : i32
    %dma_start3A_97 = arith.constant 0 : i32
    %dma_start3A_98 = tpu.memref_slice %arg7[%dma_start3A_94, %dma_start3A_96, %dma_start3A_97] : memref<4x64x128xf32, #tpu.memory_space<vmem>> -> memref<1x64x128xf32, #tpu.memory_space<vmem>>
    %dma_start3A_99 = tpu.memref_squeeze %dma_start3A_98 : memref<1x64x128xf32, #tpu.memory_space<vmem>> -> memref<64x128xf32, #tpu.memory_space<vmem>>
    %dma_start3A_100 = arith.constant 0 : i32
    %dma_start3A_101 = tpu.memref_slice %arg8[%dma_start3A_92, %dma_start3A_93, %dma_start3A_100] : memref<2x16x64xi32, #tpu.memory_space<vmem>> -> memref<1x1x64xi32, #tpu.memory_space<vmem>>
    %dma_start3A_102 = tpu.memref_squeeze %dma_start3A_101 : memref<1x1x64xi32, #tpu.memory_space<vmem>> -> memref<64xi32, #tpu.memory_space<vmem>>
    %dma_start3A_103 = arith.constant 0 : i32
    %dma_start3A_104 = arith.constant 0 : i32
    %dma_start3A_105 = tpu.memref_slice %arg2[%dma_start3A_103, %dma_start3A_104] : memref<10000x128xf32, #tpu.memory_space<hbm>> -> memref<10000x128xf32, #tpu.memory_space<hbm>>
    %dma_start3A_106 = tpu.memref_slice %arg10[%dma_start3A_95] : memref<4x!tpu.dma_semaphore, #tpu.memory_space<semaphore_mem>> -> memref<1x!tpu.dma_semaphore, #tpu.memory_space<semaphore_mem>>
    %dma_start3A_107 = tpu.memref_squeeze %dma_start3A_106 : memref<1x!tpu.dma_semaphore, #tpu.memory_space<semaphore_mem>> -> memref<!tpu.dma_semaphore, #tpu.memory_space<semaphore_mem>>
    tpu.enqueue_indirect_dma source(%dma_start3A_105 : memref<10000x128xf32, #tpu.memory_space<hbm>>) target(%dma_start3A_99 : memref<64x128xf32, #tpu.memory_space<vmem>>) offsets(%dma_start3A_102 : memref<64xi32, #tpu.memory_space<vmem>>) semaphore(%dma_start3A_107 : memref<!tpu.dma_semaphore, #tpu.memory_space<semaphore_mem>>)
    %dma_start3A_108 = arith.constant 0 : i32
    %dma_start3A_109 = arith.constant 1 : i32
    %dma_start3A_110 = arith.constant 1 : i32
    %dma_start3A_111 = arith.constant 1 : i32
    %dma_start3A_112 = arith.constant 0 : i32
    %dma_start3A_113 = arith.constant 0 : i32
    %dma_start3A_114 = tpu.memref_slice %arg7[%dma_start3A_110, %dma_start3A_112, %dma_start3A_113] : memref<4x64x128xf32, #tpu.memory_space<vmem>> -> memref<1x64x128xf32, #tpu.memory_space<vmem>>
    %dma_start3A_115 = tpu.memref_squeeze %dma_start3A_114 : memref<1x64x128xf32, #tpu.memory_space<vmem>> -> memref<64x128xf32, #tpu.memory_space<vmem>>
    %dma_start3A_116 = arith.constant 0 : i32
    %dma_start3A_117 = tpu.memref_slice %arg8[%dma_start3A_108, %dma_start3A_109, %dma_start3A_116] : memref<2x16x64xi32, #tpu.memory_space<vmem>> -> memref<1x1x64xi32, #tpu.memory_space<vmem>>
    %dma_start3A_118 = tpu.memref_squeeze %dma_start3A_117 : memref<1x1x64xi32, #tpu.memory_space<vmem>> -> memref<64xi32, #tpu.memory_space<vmem>>
    %dma_start3A_119 = arith.constant 0 : i32
    %dma_start3A_120 = arith.constant 0 : i32
    %dma_start3A_121 = tpu.memref_slice %arg2[%dma_start3A_119, %dma_start3A_120] : memref<10000x128xf32, #tpu.memory_space<hbm>> -> memref<10000x128xf32, #tpu.memory_space<hbm>>
    %dma_start3A_122 = tpu.memref_slice %arg10[%dma_start3A_111] : memref<4x!tpu.dma_semaphore, #tpu.memory_space<semaphore_mem>> -> memref<1x!tpu.dma_semaphore, #tpu.memory_space<semaphore_mem>>
    %dma_start3A_123 = tpu.memref_squeeze %dma_start3A_122 : memref<1x!tpu.dma_semaphore, #tpu.memory_space<semaphore_mem>> -> memref<!tpu.dma_semaphore, #tpu.memory_space<semaphore_mem>>
    tpu.enqueue_indirect_dma source(%dma_start3A_121 : memref<10000x128xf32, #tpu.memory_space<hbm>>) target(%dma_start3A_115 : memref<64x128xf32, #tpu.memory_space<vmem>>) offsets(%dma_start3A_118 : memref<64xi32, #tpu.memory_space<vmem>>) semaphore(%dma_start3A_123 : memref<!tpu.dma_semaphore, #tpu.memory_space<semaphore_mem>>)
    %dma_start3A_124 = arith.constant 0 : i32
    %dma_start3A_125 = arith.constant 2 : i32
    %dma_start3A_126 = arith.constant 2 : i32
    %dma_start3A_127 = arith.constant 2 : i32
    %dma_start3A_128 = arith.constant 0 : i32
    %dma_start3A_129 = arith.constant 0 : i32
    %dma_start3A_130 = tpu.memref_slice %arg7[%dma_start3A_126, %dma_start3A_128, %dma_start3A_129] : memref<4x64x128xf32, #tpu.memory_space<vmem>> -> memref<1x64x128xf32, #tpu.memory_space<vmem>>
    %dma_start3A_131 = tpu.memref_squeeze %dma_start3A_130 : memref<1x64x128xf32, #tpu.memory_space<vmem>> -> memref<64x128xf32, #tpu.memory_space<vmem>>
    %dma_start3A_132 = arith.constant 0 : i32
    %dma_start3A_133 = tpu.memref_slice %arg8[%dma_start3A_124, %dma_start3A_125, %dma_start3A_132] : memref<2x16x64xi32, #tpu.memory_space<vmem>> -> memref<1x1x64xi32, #tpu.memory_space<vmem>>
    %dma_start3A_134 = tpu.memref_squeeze %dma_start3A_133 : memref<1x1x64xi32, #tpu.memory_space<vmem>> -> memref<64xi32, #tpu.memory_space<vmem>>
    %dma_start3A_135 = arith.constant 0 : i32
    %dma_start3A_136 = arith.constant 0 : i32
    %dma_start3A_137 = tpu.memref_slice %arg2[%dma_start3A_135, %dma_start3A_136] : memref<10000x128xf32, #tpu.memory_space<hbm>> -> memref<10000x128xf32, #tpu.memory_space<hbm>>
    %dma_start3A_138 = tpu.memref_slice %arg10[%dma_start3A_127] : memref<4x!tpu.dma_semaphore, #tpu.memory_space<semaphore_mem>> -> memref<1x!tpu.dma_semaphore, #tpu.memory_space<semaphore_mem>>
    %dma_start3A_139 = tpu.memref_squeeze %dma_start3A_138 : memref<1x!tpu.dma_semaphore, #tpu.memory_space<semaphore_mem>> -> memref<!tpu.dma_semaphore, #tpu.memory_space<semaphore_mem>>
    tpu.enqueue_indirect_dma source(%dma_start3A_137 : memref<10000x128xf32, #tpu.memory_space<hbm>>) target(%dma_start3A_131 : memref<64x128xf32, #tpu.memory_space<vmem>>) offsets(%dma_start3A_134 : memref<64xi32, #tpu.memory_space<vmem>>) semaphore(%dma_start3A_139 : memref<!tpu.dma_semaphore, #tpu.memory_space<semaphore_mem>>)
    %dma_start3A_140 = arith.constant 0 : i32
    %dma_start3A_141 = arith.constant 3 : i32
    %dma_start3A_142 = arith.constant 3 : i32
    %dma_start3A_143 = arith.constant 3 : i32
    %dma_start3A_144 = arith.constant 0 : i32
    %dma_start3A_145 = arith.constant 0 : i32
    %dma_start3A_146 = tpu.memref_slice %arg7[%dma_start3A_142, %dma_start3A_144, %dma_start3A_145] : memref<4x64x128xf32, #tpu.memory_space<vmem>> -> memref<1x64x128xf32, #tpu.memory_space<vmem>>
    %dma_start3A_147 = tpu.memref_squeeze %dma_start3A_146 : memref<1x64x128xf32, #tpu.memory_space<vmem>> -> memref<64x128xf32, #tpu.memory_space<vmem>>
    %dma_start3A_148 = arith.constant 0 : i32
    %dma_start3A_149 = tpu.memref_slice %arg8[%dma_start3A_140, %dma_start3A_141, %dma_start3A_148] : memref<2x16x64xi32, #tpu.memory_space<vmem>> -> memref<1x1x64xi32, #tpu.memory_space<vmem>>
    %dma_start3A_150 = tpu.memref_squeeze %dma_start3A_149 : memref<1x1x64xi32, #tpu.memory_space<vmem>> -> memref<64xi32, #tpu.memory_space<vmem>>
    %dma_start3A_151 = arith.constant 0 : i32
    %dma_start3A_152 = arith.constant 0 : i32
    %dma_start3A_153 = tpu.memref_slice %arg2[%dma_start3A_151, %dma_start3A_152] : memref<10000x128xf32, #tpu.memory_space<hbm>> -> memref<10000x128xf32, #tpu.memory_space<hbm>>
    %dma_start3A_154 = tpu.memref_slice %arg10[%dma_start3A_143] : memref<4x!tpu.dma_semaphore, #tpu.memory_space<semaphore_mem>> -> memref<1x!tpu.dma_semaphore, #tpu.memory_space<semaphore_mem>>
    %dma_start3A_155 = tpu.memref_squeeze %dma_start3A_154 : memref<1x!tpu.dma_semaphore, #tpu.memory_space<semaphore_mem>> -> memref<!tpu.dma_semaphore, #tpu.memory_space<semaphore_mem>>
    tpu.enqueue_indirect_dma source(%dma_start3A_153 : memref<10000x128xf32, #tpu.memory_space<hbm>>) target(%dma_start3A_147 : memref<64x128xf32, #tpu.memory_space<vmem>>) offsets(%dma_start3A_150 : memref<64xi32, #tpu.memory_space<vmem>>) semaphore(%dma_start3A_155 : memref<!tpu.dma_semaphore, #tpu.memory_space<semaphore_mem>>)
    %scan3A_156 = arith.constant 0 : i32
    %scan3A_157 = arith.constant 10 : i32
    %scan3A_158 = arith.addi %scan3A_156, %scan3A_157 : i32
    %scan3A_159 = arith.constant 1 : i32
    scf.for %scan3A_166 = %scan3A_156 to %scan3A_158 step %scan3A_159  : i32 {
      %mul3A_167 = arith.constant 1 : i32
      %mul3A_168 = arith.muli %scan3A_166, %mul3A_167 : i32
      %add3A_169 = arith.constant 0 : i32
      %add3A_170 = arith.addi %add3A_169, %mul3A_168 : i32
      %rem3A = arith.constant 2 : i32
      %rem3A_171 = arith.remsi %add3A_170, %rem3A : i32
      %sub3A = arith.constant 1 : i32
      %sub3A_172 = arith.subi %sub3A, %rem3A_171 : i32
      %lt3A = arith.constant 9 : i32
      %lt3A_173 = arith.cmpi slt, %add3A_170, %lt3A : i32
      %convert_element_type3A = arith.extui %lt3A_173 : i1 to i32
      %cond3A = arith.constant 0 : i32
      %cond3A_174 = arith.cmpi ne, %convert_element_type3A, %cond3A : i32
      scf.if %cond3A_174 {
        %add3A_180 = arith.constant 1 : i32
        %add3A_181 = arith.addi %add3A_170, %add3A_180 : i32
        %mul3A_182 = arith.constant 16 : i32
        %mul3A_183 = arith.muli %add3A_181, %mul3A_182 : i32
        %multiple_of3A = tpu.assume_multiple %mul3A_183, 8 : i32
        %dma_start3A_184 = arith.constant 0 : i32
        %dma_start3A_185 = arith.constant 0 : i32
        %dma_start3A_186 = arith.constant 0 : i32
        %dma_start3A_187 = tpu.memref_slice %arg8[%sub3A_172, %dma_start3A_185, %dma_start3A_186] : memref<2x16x64xi32, #tpu.memory_space<vmem>> -> memref<1x16x64xi32, #tpu.memory_space<vmem>>
        %dma_start3A_188 = tpu.memref_squeeze %dma_start3A_187 : memref<1x16x64xi32, #tpu.memory_space<vmem>> -> memref<16x64xi32, #tpu.memory_space<vmem>>
        %dma_start3A_189 = arith.constant 0 : i32
        %dma_start3A_190 = tpu.memref_slice %arg3[%add3A, %multiple_of3A, %dma_start3A_189] : memref<32x160x64xi32, #tpu.memory_space<hbm>> -> memref<1x16x64xi32, #tpu.memory_space<hbm>>
        %dma_start3A_191 = tpu.memref_squeeze %dma_start3A_190 : memref<1x16x64xi32, #tpu.memory_space<hbm>> -> memref<16x64xi32, #tpu.memory_space<hbm>>
        %dma_start3A_192 = tpu.memref_slice %arg12[%sub3A_172, %dma_start3A_184] : memref<2x2x!tpu.dma_semaphore, #tpu.memory_space<semaphore_mem>> -> memref<1x1x!tpu.dma_semaphore, #tpu.memory_space<semaphore_mem>>
        %dma_start3A_193 = tpu.memref_squeeze %dma_start3A_192 : memref<1x1x!tpu.dma_semaphore, #tpu.memory_space<semaphore_mem>> -> memref<!tpu.dma_semaphore, #tpu.memory_space<semaphore_mem>>
        %dma_start3A_194 = arith.constant 0 : i32
        %dma_start3A_195 = arith.constant 0 : i32
        %dma_start3A_196 = tpu.memref_slice %arg8[%sub3A_172, %dma_start3A_194, %dma_start3A_195] : memref<2x16x64xi32, #tpu.memory_space<vmem>> -> memref<1x16x64xi32, #tpu.memory_space<vmem>>
        %dma_start3A_197 = tpu.memref_squeeze %dma_start3A_196 : memref<1x16x64xi32, #tpu.memory_space<vmem>> -> memref<16x64xi32, #tpu.memory_space<vmem>>
        %dma_start3A_198 = arith.constant 0 : i32
        %dma_start3A_199 = tpu.memref_slice %arg3[%add3A, %multiple_of3A, %dma_start3A_198] : memref<32x160x64xi32, #tpu.memory_space<hbm>> -> memref<1x16x64xi32, #tpu.memory_space<hbm>>
        %dma_start3A_200 = tpu.memref_squeeze %dma_start3A_199 : memref<1x16x64xi32, #tpu.memory_space<hbm>> -> memref<16x64xi32, #tpu.memory_space<hbm>>
        tpu.enqueue_dma source(%dma_start3A_200 : memref<16x64xi32, #tpu.memory_space<hbm>>) target(%dma_start3A_197 : memref<16x64xi32, #tpu.memory_space<vmem>>) target_semaphore(%dma_start3A_193 : memref<!tpu.dma_semaphore, #tpu.memory_space<semaphore_mem>>)
        %dma_start3A_201 = arith.constant 1 : i32
        %dma_start3A_202 = arith.constant 0 : i32
        %dma_start3A_203 = arith.constant 0 : i32
        %dma_start3A_204 = tpu.memref_slice %arg9[%sub3A_172, %dma_start3A_202, %dma_start3A_203] : memref<2x16x64xi32, #tpu.memory_space<vmem>> -> memref<1x16x64xi32, #tpu.memory_space<vmem>>
        %dma_start3A_205 = tpu.memref_squeeze %dma_start3A_204 : memref<1x16x64xi32, #tpu.memory_space<vmem>> -> memref<16x64xi32, #tpu.memory_space<vmem>>
        %dma_start3A_206 = arith.constant 0 : i32
        %dma_start3A_207 = tpu.memref_slice %arg4[%add3A, %multiple_of3A, %dma_start3A_206] : memref<32x160x64xi32, #tpu.memory_space<hbm>> -> memref<1x16x64xi32, #tpu.memory_space<hbm>>
        %dma_start3A_208 = tpu.memref_squeeze %dma_start3A_207 : memref<1x16x64xi32, #tpu.memory_space<hbm>> -> memref<16x64xi32, #tpu.memory_space<hbm>>
        %dma_start3A_209 = tpu.memref_slice %arg12[%sub3A_172, %dma_start3A_201] : memref<2x2x!tpu.dma_semaphore, #tpu.memory_space<semaphore_mem>> -> memref<1x1x!tpu.dma_semaphore, #tpu.memory_space<semaphore_mem>>
        %dma_start3A_210 = tpu.memref_squeeze %dma_start3A_209 : memref<1x1x!tpu.dma_semaphore, #tpu.memory_space<semaphore_mem>> -> memref<!tpu.dma_semaphore, #tpu.memory_space<semaphore_mem>>
        %dma_start3A_211 = arith.constant 0 : i32
        %dma_start3A_212 = arith.constant 0 : i32
        %dma_start3A_213 = tpu.memref_slice %arg9[%sub3A_172, %dma_start3A_211, %dma_start3A_212] : memref<2x16x64xi32, #tpu.memory_space<vmem>> -> memref<1x16x64xi32, #tpu.memory_space<vmem>>
        %dma_start3A_214 = tpu.memref_squeeze %dma_start3A_213 : memref<1x16x64xi32, #tpu.memory_space<vmem>> -> memref<16x64xi32, #tpu.memory_space<vmem>>
        %dma_start3A_215 = arith.constant 0 : i32
        %dma_start3A_216 = tpu.memref_slice %arg4[%add3A, %multiple_of3A, %dma_start3A_215] : memref<32x160x64xi32, #tpu.memory_space<hbm>> -> memref<1x16x64xi32, #tpu.memory_space<hbm>>
        %dma_start3A_217 = tpu.memref_squeeze %dma_start3A_216 : memref<1x16x64xi32, #tpu.memory_space<hbm>> -> memref<16x64xi32, #tpu.memory_space<hbm>>
        tpu.enqueue_dma source(%dma_start3A_217 : memref<16x64xi32, #tpu.memory_space<hbm>>) target(%dma_start3A_214 : memref<16x64xi32, #tpu.memory_space<vmem>>) target_semaphore(%dma_start3A_210 : memref<!tpu.dma_semaphore, #tpu.memory_space<semaphore_mem>>)
      } else {
      }
      %scan3A_175 = arith.constant 0 : i32
      %scan3A_176 = arith.constant 4 : i32
      %scan3A_177 = arith.addi %scan3A_175, %scan3A_176 : i32
      %scan3A_178 = arith.constant 1 : i32
      scf.for %scan3A_180 = %scan3A_175 to %scan3A_177 step %scan3A_178  : i32 {
        %mul3A_181 = arith.constant 1 : i32
        %mul3A_182 = arith.muli %scan3A_180, %mul3A_181 : i32
        %add3A_183 = arith.constant 0 : i32
        %add3A_184 = arith.addi %add3A_183, %mul3A_182 : i32
        %mul3A_185 = arith.constant 4 : i32
        %mul3A_186 = arith.muli %add3A_184, %mul3A_185 : i32
        %add3A_187 = arith.constant 0 : i32
        %add3A_188 = arith.addi %mul3A_186, %add3A_187 : i32
        %dma_wait3A_189 = arith.constant 0 : i32
        %dma_wait3A_190 = arith.constant 0 : i32
        %dma_wait3A_191 = arith.constant 0 : i32
        %dma_wait3A_192 = arith.constant 0 : i32
        %dma_wait3A_193 = tpu.memref_slice %arg7[%dma_wait3A_189, %dma_wait3A_191, %dma_wait3A_192] : memref<4x64x128xf32, #tpu.memory_space<vmem>> -> memref<1x64x128xf32, #tpu.memory_space<vmem>>
        %dma_wait3A_194 = tpu.memref_squeeze %dma_wait3A_193 : memref<1x64x128xf32, #tpu.memory_space<vmem>> -> memref<64x128xf32, #tpu.memory_space<vmem>>
        %dma_wait3A_195 = arith.constant 0 : i32
        %dma_wait3A_196 = tpu.memref_slice %arg8[%rem3A_171, %add3A_188, %dma_wait3A_195] : memref<2x16x64xi32, #tpu.memory_space<vmem>> -> memref<1x1x64xi32, #tpu.memory_space<vmem>>
        %dma_wait3A_197 = tpu.memref_squeeze %dma_wait3A_196 : memref<1x1x64xi32, #tpu.memory_space<vmem>> -> memref<64xi32, #tpu.memory_space<vmem>>
        %dma_wait3A_198 = arith.constant 0 : i32
        %dma_wait3A_199 = arith.constant 0 : i32
        %dma_wait3A_200 = tpu.memref_slice %arg2[%dma_wait3A_198, %dma_wait3A_199] : memref<10000x128xf32, #tpu.memory_space<hbm>> -> memref<10000x128xf32, #tpu.memory_space<hbm>>
        %dma_wait3A_201 = tpu.memref_slice %arg10[%dma_wait3A_190] : memref<4x!tpu.dma_semaphore, #tpu.memory_space<semaphore_mem>> -> memref<1x!tpu.dma_semaphore, #tpu.memory_space<semaphore_mem>>
        %dma_wait3A_202 = tpu.memref_squeeze %dma_wait3A_201 : memref<1x!tpu.dma_semaphore, #tpu.memory_space<semaphore_mem>> -> memref<!tpu.dma_semaphore, #tpu.memory_space<semaphore_mem>>
        tpu.wait_indirect_dma semaphore(%dma_wait3A_202 : memref<!tpu.dma_semaphore, #tpu.memory_space<semaphore_mem>>) src(%dma_wait3A_200 : memref<10000x128xf32, #tpu.memory_space<hbm>>) dst(%dma_wait3A_194 : memref<64x128xf32, #tpu.memory_space<vmem>>)
        %dma_start3A_203 = arith.constant 0 : i32
        %dma_start3A_204 = arith.constant 0 : i32
        %dma_start3A_205 = arith.constant 0 : i32
        %dma_start3A_206 = arith.constant 0 : i32
        %dma_start3A_207 = tpu.memref_slice %arg7[%dma_start3A_203, %dma_start3A_205, %dma_start3A_206] : memref<4x64x128xf32, #tpu.memory_space<vmem>> -> memref<1x64x128xf32, #tpu.memory_space<vmem>>
        %dma_start3A_208 = tpu.memref_squeeze %dma_start3A_207 : memref<1x64x128xf32, #tpu.memory_space<vmem>> -> memref<64x128xf32, #tpu.memory_space<vmem>>
        %dma_start3A_209 = arith.constant 0 : i32
        %dma_start3A_210 = tpu.memref_slice %arg9[%rem3A_171, %add3A_188, %dma_start3A_209] : memref<2x16x64xi32, #tpu.memory_space<vmem>> -> memref<1x1x64xi32, #tpu.memory_space<vmem>>
        %dma_start3A_211 = tpu.memref_squeeze %dma_start3A_210 : memref<1x1x64xi32, #tpu.memory_space<vmem>> -> memref<64xi32, #tpu.memory_space<vmem>>
        %dma_start3A_212 = arith.constant 0 : i32
        %dma_start3A_213 = arith.constant 0 : i32
        %dma_start3A_214 = tpu.memref_slice %arg6[%dma_start3A_212, %dma_start3A_213] : memref<10240x128xf32, #tpu.memory_space<vmem_shared>> -> memref<10240x128xf32, #tpu.memory_space<vmem_shared>>
        %dma_start3A_215 = tpu.memref_slice %arg11[%dma_start3A_204] : memref<4x!tpu.dma_semaphore, #tpu.memory_space<semaphore_mem>> -> memref<1x!tpu.dma_semaphore, #tpu.memory_space<semaphore_mem>>
        %dma_start3A_216 = tpu.memref_squeeze %dma_start3A_215 : memref<1x!tpu.dma_semaphore, #tpu.memory_space<semaphore_mem>> -> memref<!tpu.dma_semaphore, #tpu.memory_space<semaphore_mem>>
        tpu.enqueue_indirect_dma source(%dma_start3A_208 : memref<64x128xf32, #tpu.memory_space<vmem>>) target(%dma_start3A_214 : memref<10240x128xf32, #tpu.memory_space<vmem_shared>>) offsets(%dma_start3A_211 : memref<64xi32, #tpu.memory_space<vmem>>) semaphore(%dma_start3A_216 : memref<!tpu.dma_semaphore, #tpu.memory_space<semaphore_mem>>) {add = true}
        %mul3A_217 = arith.constant 4 : i32
        %mul3A_218 = arith.muli %add3A_184, %mul3A_217 : i32
        %add3A_219 = arith.constant 1 : i32
        %add3A_220 = arith.addi %mul3A_218, %add3A_219 : i32
        %dma_wait3A_221 = arith.constant 1 : i32
        %dma_wait3A_222 = arith.constant 1 : i32
        %dma_wait3A_223 = arith.constant 0 : i32
        %dma_wait3A_224 = arith.constant 0 : i32
        %dma_wait3A_225 = tpu.memref_slice %arg7[%dma_wait3A_221, %dma_wait3A_223, %dma_wait3A_224] : memref<4x64x128xf32, #tpu.memory_space<vmem>> -> memref<1x64x128xf32, #tpu.memory_space<vmem>>
        %dma_wait3A_226 = tpu.memref_squeeze %dma_wait3A_225 : memref<1x64x128xf32, #tpu.memory_space<vmem>> -> memref<64x128xf32, #tpu.memory_space<vmem>>
        %dma_wait3A_227 = arith.constant 0 : i32
        %dma_wait3A_228 = tpu.memref_slice %arg8[%rem3A_171, %add3A_220, %dma_wait3A_227] : memref<2x16x64xi32, #tpu.memory_space<vmem>> -> memref<1x1x64xi32, #tpu.memory_space<vmem>>
        %dma_wait3A_229 = tpu.memref_squeeze %dma_wait3A_228 : memref<1x1x64xi32, #tpu.memory_space<vmem>> -> memref<64xi32, #tpu.memory_space<vmem>>
        %dma_wait3A_230 = arith.constant 0 : i32
        %dma_wait3A_231 = arith.constant 0 : i32
        %dma_wait3A_232 = tpu.memref_slice %arg2[%dma_wait3A_230, %dma_wait3A_231] : memref<10000x128xf32, #tpu.memory_space<hbm>> -> memref<10000x128xf32, #tpu.memory_space<hbm>>
        %dma_wait3A_233 = tpu.memref_slice %arg10[%dma_wait3A_222] : memref<4x!tpu.dma_semaphore, #tpu.memory_space<semaphore_mem>> -> memref<1x!tpu.dma_semaphore, #tpu.memory_space<semaphore_mem>>
        %dma_wait3A_234 = tpu.memref_squeeze %dma_wait3A_233 : memref<1x!tpu.dma_semaphore, #tpu.memory_space<semaphore_mem>> -> memref<!tpu.dma_semaphore, #tpu.memory_space<semaphore_mem>>
        tpu.wait_indirect_dma semaphore(%dma_wait3A_234 : memref<!tpu.dma_semaphore, #tpu.memory_space<semaphore_mem>>) src(%dma_wait3A_232 : memref<10000x128xf32, #tpu.memory_space<hbm>>) dst(%dma_wait3A_226 : memref<64x128xf32, #tpu.memory_space<vmem>>)
        %dma_start3A_235 = arith.constant 1 : i32
        %dma_start3A_236 = arith.constant 1 : i32
        %dma_start3A_237 = arith.constant 0 : i32
        %dma_start3A_238 = arith.constant 0 : i32
        %dma_start3A_239 = tpu.memref_slice %arg7[%dma_start3A_235, %dma_start3A_237, %dma_start3A_238] : memref<4x64x128xf32, #tpu.memory_space<vmem>> -> memref<1x64x128xf32, #tpu.memory_space<vmem>>
        %dma_start3A_240 = tpu.memref_squeeze %dma_start3A_239 : memref<1x64x128xf32, #tpu.memory_space<vmem>> -> memref<64x128xf32, #tpu.memory_space<vmem>>
        %dma_start3A_241 = arith.constant 0 : i32
        %dma_start3A_242 = tpu.memref_slice %arg9[%rem3A_171, %add3A_220, %dma_start3A_241] : memref<2x16x64xi32, #tpu.memory_space<vmem>> -> memref<1x1x64xi32, #tpu.memory_space<vmem>>
        %dma_start3A_243 = tpu.memref_squeeze %dma_start3A_242 : memref<1x1x64xi32, #tpu.memory_space<vmem>> -> memref<64xi32, #tpu.memory_space<vmem>>
        %dma_start3A_244 = arith.constant 0 : i32
        %dma_start3A_245 = arith.constant 0 : i32
        %dma_start3A_246 = tpu.memref_slice %arg6[%dma_start3A_244, %dma_start3A_245] : memref<10240x128xf32, #tpu.memory_space<vmem_shared>> -> memref<10240x128xf32, #tpu.memory_space<vmem_shared>>
        %dma_start3A_247 = tpu.memref_slice %arg11[%dma_start3A_236] : memref<4x!tpu.dma_semaphore, #tpu.memory_space<semaphore_mem>> -> memref<1x!tpu.dma_semaphore, #tpu.memory_space<semaphore_mem>>
        %dma_start3A_248 = tpu.memref_squeeze %dma_start3A_247 : memref<1x!tpu.dma_semaphore, #tpu.memory_space<semaphore_mem>> -> memref<!tpu.dma_semaphore, #tpu.memory_space<semaphore_mem>>
        tpu.enqueue_indirect_dma source(%dma_start3A_240 : memref<64x128xf32, #tpu.memory_space<vmem>>) target(%dma_start3A_246 : memref<10240x128xf32, #tpu.memory_space<vmem_shared>>) offsets(%dma_start3A_243 : memref<64xi32, #tpu.memory_space<vmem>>) semaphore(%dma_start3A_248 : memref<!tpu.dma_semaphore, #tpu.memory_space<semaphore_mem>>) {add = true}
        %mul3A_249 = arith.constant 4 : i32
        %mul3A_250 = arith.muli %add3A_184, %mul3A_249 : i32
        %add3A_251 = arith.constant 2 : i32
        %add3A_252 = arith.addi %mul3A_250, %add3A_251 : i32
        %dma_wait3A_253 = arith.constant 2 : i32
        %dma_wait3A_254 = arith.constant 2 : i32
        %dma_wait3A_255 = arith.constant 0 : i32
        %dma_wait3A_256 = arith.constant 0 : i32
        %dma_wait3A_257 = tpu.memref_slice %arg7[%dma_wait3A_253, %dma_wait3A_255, %dma_wait3A_256] : memref<4x64x128xf32, #tpu.memory_space<vmem>> -> memref<1x64x128xf32, #tpu.memory_space<vmem>>
        %dma_wait3A_258 = tpu.memref_squeeze %dma_wait3A_257 : memref<1x64x128xf32, #tpu.memory_space<vmem>> -> memref<64x128xf32, #tpu.memory_space<vmem>>
        %dma_wait3A_259 = arith.constant 0 : i32
        %dma_wait3A_260 = tpu.memref_slice %arg8[%rem3A_171, %add3A_252, %dma_wait3A_259] : memref<2x16x64xi32, #tpu.memory_space<vmem>> -> memref<1x1x64xi32, #tpu.memory_space<vmem>>
        %dma_wait3A_261 = tpu.memref_squeeze %dma_wait3A_260 : memref<1x1x64xi32, #tpu.memory_space<vmem>> -> memref<64xi32, #tpu.memory_space<vmem>>
        %dma_wait3A_262 = arith.constant 0 : i32
        %dma_wait3A_263 = arith.constant 0 : i32
        %dma_wait3A_264 = tpu.memref_slice %arg2[%dma_wait3A_262, %dma_wait3A_263] : memref<10000x128xf32, #tpu.memory_space<hbm>> -> memref<10000x128xf32, #tpu.memory_space<hbm>>
        %dma_wait3A_265 = tpu.memref_slice %arg10[%dma_wait3A_254] : memref<4x!tpu.dma_semaphore, #tpu.memory_space<semaphore_mem>> -> memref<1x!tpu.dma_semaphore, #tpu.memory_space<semaphore_mem>>
        %dma_wait3A_266 = tpu.memref_squeeze %dma_wait3A_265 : memref<1x!tpu.dma_semaphore, #tpu.memory_space<semaphore_mem>> -> memref<!tpu.dma_semaphore, #tpu.memory_space<semaphore_mem>>
        tpu.wait_indirect_dma semaphore(%dma_wait3A_266 : memref<!tpu.dma_semaphore, #tpu.memory_space<semaphore_mem>>) src(%dma_wait3A_264 : memref<10000x128xf32, #tpu.memory_space<hbm>>) dst(%dma_wait3A_258 : memref<64x128xf32, #tpu.memory_space<vmem>>)
        %dma_start3A_267 = arith.constant 2 : i32
        %dma_start3A_268 = arith.constant 2 : i32
        %dma_start3A_269 = arith.constant 0 : i32
        %dma_start3A_270 = arith.constant 0 : i32
        %dma_start3A_271 = tpu.memref_slice %arg7[%dma_start3A_267, %dma_start3A_269, %dma_start3A_270] : memref<4x64x128xf32, #tpu.memory_space<vmem>> -> memref<1x64x128xf32, #tpu.memory_space<vmem>>
        %dma_start3A_272 = tpu.memref_squeeze %dma_start3A_271 : memref<1x64x128xf32, #tpu.memory_space<vmem>> -> memref<64x128xf32, #tpu.memory_space<vmem>>
        %dma_start3A_273 = arith.constant 0 : i32
        %dma_start3A_274 = tpu.memref_slice %arg9[%rem3A_171, %add3A_252, %dma_start3A_273] : memref<2x16x64xi32, #tpu.memory_space<vmem>> -> memref<1x1x64xi32, #tpu.memory_space<vmem>>
        %dma_start3A_275 = tpu.memref_squeeze %dma_start3A_274 : memref<1x1x64xi32, #tpu.memory_space<vmem>> -> memref<64xi32, #tpu.memory_space<vmem>>
        %dma_start3A_276 = arith.constant 0 : i32
        %dma_start3A_277 = arith.constant 0 : i32
        %dma_start3A_278 = tpu.memref_slice %arg6[%dma_start3A_276, %dma_start3A_277] : memref<10240x128xf32, #tpu.memory_space<vmem_shared>> -> memref<10240x128xf32, #tpu.memory_space<vmem_shared>>
        %dma_start3A_279 = tpu.memref_slice %arg11[%dma_start3A_268] : memref<4x!tpu.dma_semaphore, #tpu.memory_space<semaphore_mem>> -> memref<1x!tpu.dma_semaphore, #tpu.memory_space<semaphore_mem>>
        %dma_start3A_280 = tpu.memref_squeeze %dma_start3A_279 : memref<1x!tpu.dma_semaphore, #tpu.memory_space<semaphore_mem>> -> memref<!tpu.dma_semaphore, #tpu.memory_space<semaphore_mem>>
        tpu.enqueue_indirect_dma source(%dma_start3A_272 : memref<64x128xf32, #tpu.memory_space<vmem>>) target(%dma_start3A_278 : memref<10240x128xf32, #tpu.memory_space<vmem_shared>>) offsets(%dma_start3A_275 : memref<64xi32, #tpu.memory_space<vmem>>) semaphore(%dma_start3A_280 : memref<!tpu.dma_semaphore, #tpu.memory_space<semaphore_mem>>) {add = true}
        %mul3A_281 = arith.constant 4 : i32
        %mul3A_282 = arith.muli %add3A_184, %mul3A_281 : i32
        %add3A_283 = arith.constant 3 : i32
        %add3A_284 = arith.addi %mul3A_282, %add3A_283 : i32
        %dma_wait3A_285 = arith.constant 3 : i32
        %dma_wait3A_286 = arith.constant 3 : i32
        %dma_wait3A_287 = arith.constant 0 : i32
        %dma_wait3A_288 = arith.constant 0 : i32
        %dma_wait3A_289 = tpu.memref_slice %arg7[%dma_wait3A_285, %dma_wait3A_287, %dma_wait3A_288] : memref<4x64x128xf32, #tpu.memory_space<vmem>> -> memref<1x64x128xf32, #tpu.memory_space<vmem>>
        %dma_wait3A_290 = tpu.memref_squeeze %dma_wait3A_289 : memref<1x64x128xf32, #tpu.memory_space<vmem>> -> memref<64x128xf32, #tpu.memory_space<vmem>>
        %dma_wait3A_291 = arith.constant 0 : i32
        %dma_wait3A_292 = tpu.memref_slice %arg8[%rem3A_171, %add3A_284, %dma_wait3A_291] : memref<2x16x64xi32, #tpu.memory_space<vmem>> -> memref<1x1x64xi32, #tpu.memory_space<vmem>>
        %dma_wait3A_293 = tpu.memref_squeeze %dma_wait3A_292 : memref<1x1x64xi32, #tpu.memory_space<vmem>> -> memref<64xi32, #tpu.memory_space<vmem>>
        %dma_wait3A_294 = arith.constant 0 : i32
        %dma_wait3A_295 = arith.constant 0 : i32
        %dma_wait3A_296 = tpu.memref_slice %arg2[%dma_wait3A_294, %dma_wait3A_295] : memref<10000x128xf32, #tpu.memory_space<hbm>> -> memref<10000x128xf32, #tpu.memory_space<hbm>>
        %dma_wait3A_297 = tpu.memref_slice %arg10[%dma_wait3A_286] : memref<4x!tpu.dma_semaphore, #tpu.memory_space<semaphore_mem>> -> memref<1x!tpu.dma_semaphore, #tpu.memory_space<semaphore_mem>>
        %dma_wait3A_298 = tpu.memref_squeeze %dma_wait3A_297 : memref<1x!tpu.dma_semaphore, #tpu.memory_space<semaphore_mem>> -> memref<!tpu.dma_semaphore, #tpu.memory_space<semaphore_mem>>
        tpu.wait_indirect_dma semaphore(%dma_wait3A_298 : memref<!tpu.dma_semaphore, #tpu.memory_space<semaphore_mem>>) src(%dma_wait3A_296 : memref<10000x128xf32, #tpu.memory_space<hbm>>) dst(%dma_wait3A_290 : memref<64x128xf32, #tpu.memory_space<vmem>>)
        %dma_start3A_299 = arith.constant 3 : i32
        %dma_start3A_300 = arith.constant 3 : i32
        %dma_start3A_301 = arith.constant 0 : i32
        %dma_start3A_302 = arith.constant 0 : i32
        %dma_start3A_303 = tpu.memref_slice %arg7[%dma_start3A_299, %dma_start3A_301, %dma_start3A_302] : memref<4x64x128xf32, #tpu.memory_space<vmem>> -> memref<1x64x128xf32, #tpu.memory_space<vmem>>
        %dma_start3A_304 = tpu.memref_squeeze %dma_start3A_303 : memref<1x64x128xf32, #tpu.memory_space<vmem>> -> memref<64x128xf32, #tpu.memory_space<vmem>>
        %dma_start3A_305 = arith.constant 0 : i32
        %dma_start3A_306 = tpu.memref_slice %arg9[%rem3A_171, %add3A_284, %dma_start3A_305] : memref<2x16x64xi32, #tpu.memory_space<vmem>> -> memref<1x1x64xi32, #tpu.memory_space<vmem>>
        %dma_start3A_307 = tpu.memref_squeeze %dma_start3A_306 : memref<1x1x64xi32, #tpu.memory_space<vmem>> -> memref<64xi32, #tpu.memory_space<vmem>>
        %dma_start3A_308 = arith.constant 0 : i32
        %dma_start3A_309 = arith.constant 0 : i32
        %dma_start3A_310 = tpu.memref_slice %arg6[%dma_start3A_308, %dma_start3A_309] : memref<10240x128xf32, #tpu.memory_space<vmem_shared>> -> memref<10240x128xf32, #tpu.memory_space<vmem_shared>>
        %dma_start3A_311 = tpu.memref_slice %arg11[%dma_start3A_300] : memref<4x!tpu.dma_semaphore, #tpu.memory_space<semaphore_mem>> -> memref<1x!tpu.dma_semaphore, #tpu.memory_space<semaphore_mem>>
        %dma_start3A_312 = tpu.memref_squeeze %dma_start3A_311 : memref<1x!tpu.dma_semaphore, #tpu.memory_space<semaphore_mem>> -> memref<!tpu.dma_semaphore, #tpu.memory_space<semaphore_mem>>
        tpu.enqueue_indirect_dma source(%dma_start3A_304 : memref<64x128xf32, #tpu.memory_space<vmem>>) target(%dma_start3A_310 : memref<10240x128xf32, #tpu.memory_space<vmem_shared>>) offsets(%dma_start3A_307 : memref<64xi32, #tpu.memory_space<vmem>>) semaphore(%dma_start3A_312 : memref<!tpu.dma_semaphore, #tpu.memory_space<semaphore_mem>>) {add = true}
        %eq3A = arith.constant 3 : i32
        %eq3A_313 = arith.cmpi eq, %add3A_184, %eq3A : i32
        %lt3A_314 = arith.constant 9 : i32
        %lt3A_315 = arith.cmpi slt, %add3A_170, %lt3A_314 : i32
        %and3A = arith.andi %eq3A_313, %lt3A_315 : i1
        %convert_element_type3A_316 = arith.extui %and3A : i1 to i32
        %cond3A_317 = arith.constant 0 : i32
        %cond3A_318 = arith.cmpi ne, %convert_element_type3A_316, %cond3A_317 : i32
        scf.if %cond3A_318 {
          %add3A_443 = arith.constant 1 : i32
          %add3A_444 = arith.addi %add3A_170, %add3A_443 : i32
          %mul3A_445 = arith.constant 16 : i32
          %mul3A_446 = arith.muli %add3A_444, %mul3A_445 : i32
          %multiple_of3A = tpu.assume_multiple %mul3A_446, 8 : i32
          %dma_wait3A_447 = arith.constant 0 : i32
          %dma_wait3A_448 = arith.constant 0 : i32
          %dma_wait3A_449 = arith.constant 0 : i32
          %dma_wait3A_450 = tpu.memref_slice %arg8[%sub3A_172, %dma_wait3A_448, %dma_wait3A_449] : memref<2x16x64xi32, #tpu.memory_space<vmem>> -> memref<1x16x64xi32, #tpu.memory_space<vmem>>
          %dma_wait3A_451 = tpu.memref_squeeze %dma_wait3A_450 : memref<1x16x64xi32, #tpu.memory_space<vmem>> -> memref<16x64xi32, #tpu.memory_space<vmem>>
          %dma_wait3A_452 = arith.constant 0 : i32
          %dma_wait3A_453 = tpu.memref_slice %arg3[%add3A, %multiple_of3A, %dma_wait3A_452] : memref<32x160x64xi32, #tpu.memory_space<hbm>> -> memref<1x16x64xi32, #tpu.memory_space<hbm>>
          %dma_wait3A_454 = tpu.memref_squeeze %dma_wait3A_453 : memref<1x16x64xi32, #tpu.memory_space<hbm>> -> memref<16x64xi32, #tpu.memory_space<hbm>>
          %dma_wait3A_455 = tpu.memref_slice %arg12[%sub3A_172, %dma_wait3A_447] : memref<2x2x!tpu.dma_semaphore, #tpu.memory_space<semaphore_mem>> -> memref<1x1x!tpu.dma_semaphore, #tpu.memory_space<semaphore_mem>>
          %dma_wait3A_456 = tpu.memref_squeeze %dma_wait3A_455 : memref<1x1x!tpu.dma_semaphore, #tpu.memory_space<semaphore_mem>> -> memref<!tpu.dma_semaphore, #tpu.memory_space<semaphore_mem>>
          %dma_wait3A_457 = arith.constant 0 : i32
          %dma_wait3A_458 = arith.constant 0 : i32
          %dma_wait3A_459 = tpu.memref_slice %arg8[%sub3A_172, %dma_wait3A_457, %dma_wait3A_458] : memref<2x16x64xi32, #tpu.memory_space<vmem>> -> memref<1x16x64xi32, #tpu.memory_space<vmem>>
          %dma_wait3A_460 = tpu.memref_squeeze %dma_wait3A_459 : memref<1x16x64xi32, #tpu.memory_space<vmem>> -> memref<16x64xi32, #tpu.memory_space<vmem>>
          %dma_wait3A_461 = arith.constant 0 : i32
          %dma_wait3A_462 = tpu.memref_slice %arg3[%add3A, %multiple_of3A, %dma_wait3A_461] : memref<32x160x64xi32, #tpu.memory_space<hbm>> -> memref<1x16x64xi32, #tpu.memory_space<hbm>>
          %dma_wait3A_463 = tpu.memref_squeeze %dma_wait3A_462 : memref<1x16x64xi32, #tpu.memory_space<hbm>> -> memref<16x64xi32, #tpu.memory_space<hbm>>
          tpu.wait_dma2 semaphore(%dma_wait3A_456 : memref<!tpu.dma_semaphore, #tpu.memory_space<semaphore_mem>>) src(%dma_wait3A_463 : memref<16x64xi32, #tpu.memory_space<hbm>>) dst(%dma_wait3A_460 : memref<16x64xi32, #tpu.memory_space<vmem>>)
          %dma_wait3A_464 = arith.constant 1 : i32
          %dma_wait3A_465 = arith.constant 0 : i32
          %dma_wait3A_466 = arith.constant 0 : i32
          %dma_wait3A_467 = tpu.memref_slice %arg9[%sub3A_172, %dma_wait3A_465, %dma_wait3A_466] : memref<2x16x64xi32, #tpu.memory_space<vmem>> -> memref<1x16x64xi32, #tpu.memory_space<vmem>>
          %dma_wait3A_468 = tpu.memref_squeeze %dma_wait3A_467 : memref<1x16x64xi32, #tpu.memory_space<vmem>> -> memref<16x64xi32, #tpu.memory_space<vmem>>
          %dma_wait3A_469 = arith.constant 0 : i32
          %dma_wait3A_470 = tpu.memref_slice %arg4[%add3A, %multiple_of3A, %dma_wait3A_469] : memref<32x160x64xi32, #tpu.memory_space<hbm>> -> memref<1x16x64xi32, #tpu.memory_space<hbm>>
          %dma_wait3A_471 = tpu.memref_squeeze %dma_wait3A_470 : memref<1x16x64xi32, #tpu.memory_space<hbm>> -> memref<16x64xi32, #tpu.memory_space<hbm>>
          %dma_wait3A_472 = tpu.memref_slice %arg12[%sub3A_172, %dma_wait3A_464] : memref<2x2x!tpu.dma_semaphore, #tpu.memory_space<semaphore_mem>> -> memref<1x1x!tpu.dma_semaphore, #tpu.memory_space<semaphore_mem>>
          %dma_wait3A_473 = tpu.memref_squeeze %dma_wait3A_472 : memref<1x1x!tpu.dma_semaphore, #tpu.memory_space<semaphore_mem>> -> memref<!tpu.dma_semaphore, #tpu.memory_space<semaphore_mem>>
          %dma_wait3A_474 = arith.constant 0 : i32
          %dma_wait3A_475 = arith.constant 0 : i32
          %dma_wait3A_476 = tpu.memref_slice %arg9[%sub3A_172, %dma_wait3A_474, %dma_wait3A_475] : memref<2x16x64xi32, #tpu.memory_space<vmem>> -> memref<1x16x64xi32, #tpu.memory_space<vmem>>
          %dma_wait3A_477 = tpu.memref_squeeze %dma_wait3A_476 : memref<1x16x64xi32, #tpu.memory_space<vmem>> -> memref<16x64xi32, #tpu.memory_space<vmem>>
          %dma_wait3A_478 = arith.constant 0 : i32
          %dma_wait3A_479 = tpu.memref_slice %arg4[%add3A, %multiple_of3A, %dma_wait3A_478] : memref<32x160x64xi32, #tpu.memory_space<hbm>> -> memref<1x16x64xi32, #tpu.memory_space<hbm>>
          %dma_wait3A_480 = tpu.memref_squeeze %dma_wait3A_479 : memref<1x16x64xi32, #tpu.memory_space<hbm>> -> memref<16x64xi32, #tpu.memory_space<hbm>>
          tpu.wait_dma2 semaphore(%dma_wait3A_473 : memref<!tpu.dma_semaphore, #tpu.memory_space<semaphore_mem>>) src(%dma_wait3A_480 : memref<16x64xi32, #tpu.memory_space<hbm>>) dst(%dma_wait3A_477 : memref<16x64xi32, #tpu.memory_space<vmem>>)
        } else {
        }
        %mul3A_319 = arith.constant 4 : i32
        %mul3A_320 = arith.muli %add3A_184, %mul3A_319 : i32
        %add3A_321 = arith.constant 0 : i32
        %add3A_322 = arith.addi %mul3A_320, %add3A_321 : i32
        %dma_wait3A_323 = arith.constant 0 : i32
        %dma_wait3A_324 = arith.constant 0 : i32
        %dma_wait3A_325 = arith.constant 0 : i32
        %dma_wait3A_326 = arith.constant 0 : i32
        %dma_wait3A_327 = tpu.memref_slice %arg7[%dma_wait3A_323, %dma_wait3A_325, %dma_wait3A_326] : memref<4x64x128xf32, #tpu.memory_space<vmem>> -> memref<1x64x128xf32, #tpu.memory_space<vmem>>
        %dma_wait3A_328 = tpu.memref_squeeze %dma_wait3A_327 : memref<1x64x128xf32, #tpu.memory_space<vmem>> -> memref<64x128xf32, #tpu.memory_space<vmem>>
        %dma_wait3A_329 = arith.constant 0 : i32
        %dma_wait3A_330 = tpu.memref_slice %arg9[%rem3A_171, %add3A_322, %dma_wait3A_329] : memref<2x16x64xi32, #tpu.memory_space<vmem>> -> memref<1x1x64xi32, #tpu.memory_space<vmem>>
        %dma_wait3A_331 = tpu.memref_squeeze %dma_wait3A_330 : memref<1x1x64xi32, #tpu.memory_space<vmem>> -> memref<64xi32, #tpu.memory_space<vmem>>
        %dma_wait3A_332 = arith.constant 0 : i32
        %dma_wait3A_333 = arith.constant 0 : i32
        %dma_wait3A_334 = tpu.memref_slice %arg6[%dma_wait3A_332, %dma_wait3A_333] : memref<10240x128xf32, #tpu.memory_space<vmem_shared>> -> memref<10240x128xf32, #tpu.memory_space<vmem_shared>>
        %dma_wait3A_335 = tpu.memref_slice %arg11[%dma_wait3A_324] : memref<4x!tpu.dma_semaphore, #tpu.memory_space<semaphore_mem>> -> memref<1x!tpu.dma_semaphore, #tpu.memory_space<semaphore_mem>>
        %dma_wait3A_336 = tpu.memref_squeeze %dma_wait3A_335 : memref<1x!tpu.dma_semaphore, #tpu.memory_space<semaphore_mem>> -> memref<!tpu.dma_semaphore, #tpu.memory_space<semaphore_mem>>
        tpu.wait_indirect_dma semaphore(%dma_wait3A_336 : memref<!tpu.dma_semaphore, #tpu.memory_space<semaphore_mem>>) src(%dma_wait3A_328 : memref<64x128xf32, #tpu.memory_space<vmem>>) dst(%dma_wait3A_334 : memref<10240x128xf32, #tpu.memory_space<vmem_shared>>)
        %lt3A_337 = arith.constant 3 : i32
        %lt3A_338 = arith.cmpi slt, %add3A_184, %lt3A_337 : i32
        %convert_element_type3A_339 = arith.extui %lt3A_338 : i1 to i32
        %cond3A_340 = arith.constant 0 : i32
        %cond3A_341 = arith.cmpi ne, %convert_element_type3A_339, %cond3A_340 : i32
        scf.if %cond3A_341 {
          %add3A_443 = arith.constant 4 : i32
          %add3A_444 = arith.addi %add3A_322, %add3A_443 : i32
          %dma_start3A_445 = arith.constant 0 : i32
          %dma_start3A_446 = arith.constant 0 : i32
          %dma_start3A_447 = arith.constant 0 : i32
          %dma_start3A_448 = arith.constant 0 : i32
          %dma_start3A_449 = tpu.memref_slice %arg7[%dma_start3A_445, %dma_start3A_447, %dma_start3A_448] : memref<4x64x128xf32, #tpu.memory_space<vmem>> -> memref<1x64x128xf32, #tpu.memory_space<vmem>>
          %dma_start3A_450 = tpu.memref_squeeze %dma_start3A_449 : memref<1x64x128xf32, #tpu.memory_space<vmem>> -> memref<64x128xf32, #tpu.memory_space<vmem>>
          %dma_start3A_451 = arith.constant 0 : i32
          %dma_start3A_452 = tpu.memref_slice %arg8[%rem3A_171, %add3A_444, %dma_start3A_451] : memref<2x16x64xi32, #tpu.memory_space<vmem>> -> memref<1x1x64xi32, #tpu.memory_space<vmem>>
          %dma_start3A_453 = tpu.memref_squeeze %dma_start3A_452 : memref<1x1x64xi32, #tpu.memory_space<vmem>> -> memref<64xi32, #tpu.memory_space<vmem>>
          %dma_start3A_454 = arith.constant 0 : i32
          %dma_start3A_455 = arith.constant 0 : i32
          %dma_start3A_456 = tpu.memref_slice %arg2[%dma_start3A_454, %dma_start3A_455] : memref<10000x128xf32, #tpu.memory_space<hbm>> -> memref<10000x128xf32, #tpu.memory_space<hbm>>
          %dma_start3A_457 = tpu.memref_slice %arg10[%dma_start3A_446] : memref<4x!tpu.dma_semaphore, #tpu.memory_space<semaphore_mem>> -> memref<1x!tpu.dma_semaphore, #tpu.memory_space<semaphore_mem>>
          %dma_start3A_458 = tpu.memref_squeeze %dma_start3A_457 : memref<1x!tpu.dma_semaphore, #tpu.memory_space<semaphore_mem>> -> memref<!tpu.dma_semaphore, #tpu.memory_space<semaphore_mem>>
          tpu.enqueue_indirect_dma source(%dma_start3A_456 : memref<10000x128xf32, #tpu.memory_space<hbm>>) target(%dma_start3A_450 : memref<64x128xf32, #tpu.memory_space<vmem>>) offsets(%dma_start3A_453 : memref<64xi32, #tpu.memory_space<vmem>>) semaphore(%dma_start3A_458 : memref<!tpu.dma_semaphore, #tpu.memory_space<semaphore_mem>>)
        } else {
        }
        %eq3A_342 = arith.constant 3 : i32
        %eq3A_343 = arith.cmpi eq, %add3A_184, %eq3A_342 : i32
        %lt3A_344 = arith.constant 9 : i32
        %lt3A_345 = arith.cmpi slt, %add3A_170, %lt3A_344 : i32
        %and3A_346 = arith.andi %eq3A_343, %lt3A_345 : i1
        %convert_element_type3A_347 = arith.extui %and3A_346 : i1 to i32
        %cond3A_348 = arith.constant 0 : i32
        %cond3A_349 = arith.cmpi ne, %convert_element_type3A_347, %cond3A_348 : i32
        scf.if %cond3A_349 {
          %dma_start3A_443 = arith.constant 0 : i32
          %dma_start3A_444 = arith.constant 0 : i32
          %dma_start3A_445 = arith.constant 0 : i32
          %dma_start3A_446 = arith.constant 0 : i32
          %dma_start3A_447 = arith.constant 0 : i32
          %dma_start3A_448 = tpu.memref_slice %arg7[%dma_start3A_444, %dma_start3A_446, %dma_start3A_447] : memref<4x64x128xf32, #tpu.memory_space<vmem>> -> memref<1x64x128xf32, #tpu.memory_space<vmem>>
          %dma_start3A_449 = tpu.memref_squeeze %dma_start3A_448 : memref<1x64x128xf32, #tpu.memory_space<vmem>> -> memref<64x128xf32, #tpu.memory_space<vmem>>
          %dma_start3A_450 = arith.constant 0 : i32
          %dma_start3A_451 = tpu.memref_slice %arg8[%sub3A_172, %dma_start3A_443, %dma_start3A_450] : memref<2x16x64xi32, #tpu.memory_space<vmem>> -> memref<1x1x64xi32, #tpu.memory_space<vmem>>
          %dma_start3A_452 = tpu.memref_squeeze %dma_start3A_451 : memref<1x1x64xi32, #tpu.memory_space<vmem>> -> memref<64xi32, #tpu.memory_space<vmem>>
          %dma_start3A_453 = arith.constant 0 : i32
          %dma_start3A_454 = arith.constant 0 : i32
          %dma_start3A_455 = tpu.memref_slice %arg2[%dma_start3A_453, %dma_start3A_454] : memref<10000x128xf32, #tpu.memory_space<hbm>> -> memref<10000x128xf32, #tpu.memory_space<hbm>>
          %dma_start3A_456 = tpu.memref_slice %arg10[%dma_start3A_445] : memref<4x!tpu.dma_semaphore, #tpu.memory_space<semaphore_mem>> -> memref<1x!tpu.dma_semaphore, #tpu.memory_space<semaphore_mem>>
          %dma_start3A_457 = tpu.memref_squeeze %dma_start3A_456 : memref<1x!tpu.dma_semaphore, #tpu.memory_space<semaphore_mem>> -> memref<!tpu.dma_semaphore, #tpu.memory_space<semaphore_mem>>
          tpu.enqueue_indirect_dma source(%dma_start3A_455 : memref<10000x128xf32, #tpu.memory_space<hbm>>) target(%dma_start3A_449 : memref<64x128xf32, #tpu.memory_space<vmem>>) offsets(%dma_start3A_452 : memref<64xi32, #tpu.memory_space<vmem>>) semaphore(%dma_start3A_457 : memref<!tpu.dma_semaphore, #tpu.memory_space<semaphore_mem>>)
        } else {
        }
        %mul3A_350 = arith.constant 4 : i32
        %mul3A_351 = arith.muli %add3A_184, %mul3A_350 : i32
        %add3A_352 = arith.constant 1 : i32
        %add3A_353 = arith.addi %mul3A_351, %add3A_352 : i32
        %dma_wait3A_354 = arith.constant 1 : i32
        %dma_wait3A_355 = arith.constant 1 : i32
        %dma_wait3A_356 = arith.constant 0 : i32
        %dma_wait3A_357 = arith.constant 0 : i32
        %dma_wait3A_358 = tpu.memref_slice %arg7[%dma_wait3A_354, %dma_wait3A_356, %dma_wait3A_357] : memref<4x64x128xf32, #tpu.memory_space<vmem>> -> memref<1x64x128xf32, #tpu.memory_space<vmem>>
        %dma_wait3A_359 = tpu.memref_squeeze %dma_wait3A_358 : memref<1x64x128xf32, #tpu.memory_space<vmem>> -> memref<64x128xf32, #tpu.memory_space<vmem>>
        %dma_wait3A_360 = arith.constant 0 : i32
        %dma_wait3A_361 = tpu.memref_slice %arg9[%rem3A_171, %add3A_353, %dma_wait3A_360] : memref<2x16x64xi32, #tpu.memory_space<vmem>> -> memref<1x1x64xi32, #tpu.memory_space<vmem>>
        %dma_wait3A_362 = tpu.memref_squeeze %dma_wait3A_361 : memref<1x1x64xi32, #tpu.memory_space<vmem>> -> memref<64xi32, #tpu.memory_space<vmem>>
        %dma_wait3A_363 = arith.constant 0 : i32
        %dma_wait3A_364 = arith.constant 0 : i32
        %dma_wait3A_365 = tpu.memref_slice %arg6[%dma_wait3A_363, %dma_wait3A_364] : memref<10240x128xf32, #tpu.memory_space<vmem_shared>> -> memref<10240x128xf32, #tpu.memory_space<vmem_shared>>
        %dma_wait3A_366 = tpu.memref_slice %arg11[%dma_wait3A_355] : memref<4x!tpu.dma_semaphore, #tpu.memory_space<semaphore_mem>> -> memref<1x!tpu.dma_semaphore, #tpu.memory_space<semaphore_mem>>
        %dma_wait3A_367 = tpu.memref_squeeze %dma_wait3A_366 : memref<1x!tpu.dma_semaphore, #tpu.memory_space<semaphore_mem>> -> memref<!tpu.dma_semaphore, #tpu.memory_space<semaphore_mem>>
        tpu.wait_indirect_dma semaphore(%dma_wait3A_367 : memref<!tpu.dma_semaphore, #tpu.memory_space<semaphore_mem>>) src(%dma_wait3A_359 : memref<64x128xf32, #tpu.memory_space<vmem>>) dst(%dma_wait3A_365 : memref<10240x128xf32, #tpu.memory_space<vmem_shared>>)
        %lt3A_368 = arith.constant 3 : i32
        %lt3A_369 = arith.cmpi slt, %add3A_184, %lt3A_368 : i32
        %convert_element_type3A_370 = arith.extui %lt3A_369 : i1 to i32
        %cond3A_371 = arith.constant 0 : i32
        %cond3A_372 = arith.cmpi ne, %convert_element_type3A_370, %cond3A_371 : i32
        scf.if %cond3A_372 {
          %add3A_443 = arith.constant 4 : i32
          %add3A_444 = arith.addi %add3A_353, %add3A_443 : i32
          %dma_start3A_445 = arith.constant 1 : i32
          %dma_start3A_446 = arith.constant 1 : i32
          %dma_start3A_447 = arith.constant 0 : i32
          %dma_start3A_448 = arith.constant 0 : i32
          %dma_start3A_449 = tpu.memref_slice %arg7[%dma_start3A_445, %dma_start3A_447, %dma_start3A_448] : memref<4x64x128xf32, #tpu.memory_space<vmem>> -> memref<1x64x128xf32, #tpu.memory_space<vmem>>
          %dma_start3A_450 = tpu.memref_squeeze %dma_start3A_449 : memref<1x64x128xf32, #tpu.memory_space<vmem>> -> memref<64x128xf32, #tpu.memory_space<vmem>>
          %dma_start3A_451 = arith.constant 0 : i32
          %dma_start3A_452 = tpu.memref_slice %arg8[%rem3A_171, %add3A_444, %dma_start3A_451] : memref<2x16x64xi32, #tpu.memory_space<vmem>> -> memref<1x1x64xi32, #tpu.memory_space<vmem>>
          %dma_start3A_453 = tpu.memref_squeeze %dma_start3A_452 : memref<1x1x64xi32, #tpu.memory_space<vmem>> -> memref<64xi32, #tpu.memory_space<vmem>>
          %dma_start3A_454 = arith.constant 0 : i32
          %dma_start3A_455 = arith.constant 0 : i32
          %dma_start3A_456 = tpu.memref_slice %arg2[%dma_start3A_454, %dma_start3A_455] : memref<10000x128xf32, #tpu.memory_space<hbm>> -> memref<10000x128xf32, #tpu.memory_space<hbm>>
          %dma_start3A_457 = tpu.memref_slice %arg10[%dma_start3A_446] : memref<4x!tpu.dma_semaphore, #tpu.memory_space<semaphore_mem>> -> memref<1x!tpu.dma_semaphore, #tpu.memory_space<semaphore_mem>>
          %dma_start3A_458 = tpu.memref_squeeze %dma_start3A_457 : memref<1x!tpu.dma_semaphore, #tpu.memory_space<semaphore_mem>> -> memref<!tpu.dma_semaphore, #tpu.memory_space<semaphore_mem>>
          tpu.enqueue_indirect_dma source(%dma_start3A_456 : memref<10000x128xf32, #tpu.memory_space<hbm>>) target(%dma_start3A_450 : memref<64x128xf32, #tpu.memory_space<vmem>>) offsets(%dma_start3A_453 : memref<64xi32, #tpu.memory_space<vmem>>) semaphore(%dma_start3A_458 : memref<!tpu.dma_semaphore, #tpu.memory_space<semaphore_mem>>)
        } else {
        }
        %eq3A_373 = arith.constant 3 : i32
        %eq3A_374 = arith.cmpi eq, %add3A_184, %eq3A_373 : i32
        %lt3A_375 = arith.constant 9 : i32
        %lt3A_376 = arith.cmpi slt, %add3A_170, %lt3A_375 : i32
        %and3A_377 = arith.andi %eq3A_374, %lt3A_376 : i1
        %convert_element_type3A_378 = arith.extui %and3A_377 : i1 to i32
        %cond3A_379 = arith.constant 0 : i32
        %cond3A_380 = arith.cmpi ne, %convert_element_type3A_378, %cond3A_379 : i32
        scf.if %cond3A_380 {
          %dma_start3A_443 = arith.constant 1 : i32
          %dma_start3A_444 = arith.constant 1 : i32
          %dma_start3A_445 = arith.constant 1 : i32
          %dma_start3A_446 = arith.constant 0 : i32
          %dma_start3A_447 = arith.constant 0 : i32
          %dma_start3A_448 = tpu.memref_slice %arg7[%dma_start3A_444, %dma_start3A_446, %dma_start3A_447] : memref<4x64x128xf32, #tpu.memory_space<vmem>> -> memref<1x64x128xf32, #tpu.memory_space<vmem>>
          %dma_start3A_449 = tpu.memref_squeeze %dma_start3A_448 : memref<1x64x128xf32, #tpu.memory_space<vmem>> -> memref<64x128xf32, #tpu.memory_space<vmem>>
          %dma_start3A_450 = arith.constant 0 : i32
          %dma_start3A_451 = tpu.memref_slice %arg8[%sub3A_172, %dma_start3A_443, %dma_start3A_450] : memref<2x16x64xi32, #tpu.memory_space<vmem>> -> memref<1x1x64xi32, #tpu.memory_space<vmem>>
          %dma_start3A_452 = tpu.memref_squeeze %dma_start3A_451 : memref<1x1x64xi32, #tpu.memory_space<vmem>> -> memref<64xi32, #tpu.memory_space<vmem>>
          %dma_start3A_453 = arith.constant 0 : i32
          %dma_start3A_454 = arith.constant 0 : i32
          %dma_start3A_455 = tpu.memref_slice %arg2[%dma_start3A_453, %dma_start3A_454] : memref<10000x128xf32, #tpu.memory_space<hbm>> -> memref<10000x128xf32, #tpu.memory_space<hbm>>
          %dma_start3A_456 = tpu.memref_slice %arg10[%dma_start3A_445] : memref<4x!tpu.dma_semaphore, #tpu.memory_space<semaphore_mem>> -> memref<1x!tpu.dma_semaphore, #tpu.memory_space<semaphore_mem>>
          %dma_start3A_457 = tpu.memref_squeeze %dma_start3A_456 : memref<1x!tpu.dma_semaphore, #tpu.memory_space<semaphore_mem>> -> memref<!tpu.dma_semaphore, #tpu.memory_space<semaphore_mem>>
          tpu.enqueue_indirect_dma source(%dma_start3A_455 : memref<10000x128xf32, #tpu.memory_space<hbm>>) target(%dma_start3A_449 : memref<64x128xf32, #tpu.memory_space<vmem>>) offsets(%dma_start3A_452 : memref<64xi32, #tpu.memory_space<vmem>>) semaphore(%dma_start3A_457 : memref<!tpu.dma_semaphore, #tpu.memory_space<semaphore_mem>>)
        } else {
        }
        %mul3A_381 = arith.constant 4 : i32
        %mul3A_382 = arith.muli %add3A_184, %mul3A_381 : i32
        %add3A_383 = arith.constant 2 : i32
        %add3A_384 = arith.addi %mul3A_382, %add3A_383 : i32
        %dma_wait3A_385 = arith.constant 2 : i32
        %dma_wait3A_386 = arith.constant 2 : i32
        %dma_wait3A_387 = arith.constant 0 : i32
        %dma_wait3A_388 = arith.constant 0 : i32
        %dma_wait3A_389 = tpu.memref_slice %arg7[%dma_wait3A_385, %dma_wait3A_387, %dma_wait3A_388] : memref<4x64x128xf32, #tpu.memory_space<vmem>> -> memref<1x64x128xf32, #tpu.memory_space<vmem>>
        %dma_wait3A_390 = tpu.memref_squeeze %dma_wait3A_389 : memref<1x64x128xf32, #tpu.memory_space<vmem>> -> memref<64x128xf32, #tpu.memory_space<vmem>>
        %dma_wait3A_391 = arith.constant 0 : i32
        %dma_wait3A_392 = tpu.memref_slice %arg9[%rem3A_171, %add3A_384, %dma_wait3A_391] : memref<2x16x64xi32, #tpu.memory_space<vmem>> -> memref<1x1x64xi32, #tpu.memory_space<vmem>>
        %dma_wait3A_393 = tpu.memref_squeeze %dma_wait3A_392 : memref<1x1x64xi32, #tpu.memory_space<vmem>> -> memref<64xi32, #tpu.memory_space<vmem>>
        %dma_wait3A_394 = arith.constant 0 : i32
        %dma_wait3A_395 = arith.constant 0 : i32
        %dma_wait3A_396 = tpu.memref_slice %arg6[%dma_wait3A_394, %dma_wait3A_395] : memref<10240x128xf32, #tpu.memory_space<vmem_shared>> -> memref<10240x128xf32, #tpu.memory_space<vmem_shared>>
        %dma_wait3A_397 = tpu.memref_slice %arg11[%dma_wait3A_386] : memref<4x!tpu.dma_semaphore, #tpu.memory_space<semaphore_mem>> -> memref<1x!tpu.dma_semaphore, #tpu.memory_space<semaphore_mem>>
        %dma_wait3A_398 = tpu.memref_squeeze %dma_wait3A_397 : memref<1x!tpu.dma_semaphore, #tpu.memory_space<semaphore_mem>> -> memref<!tpu.dma_semaphore, #tpu.memory_space<semaphore_mem>>
        tpu.wait_indirect_dma semaphore(%dma_wait3A_398 : memref<!tpu.dma_semaphore, #tpu.memory_space<semaphore_mem>>) src(%dma_wait3A_390 : memref<64x128xf32, #tpu.memory_space<vmem>>) dst(%dma_wait3A_396 : memref<10240x128xf32, #tpu.memory_space<vmem_shared>>)
        %lt3A_399 = arith.constant 3 : i32
        %lt3A_400 = arith.cmpi slt, %add3A_184, %lt3A_399 : i32
        %convert_element_type3A_401 = arith.extui %lt3A_400 : i1 to i32
        %cond3A_402 = arith.constant 0 : i32
        %cond3A_403 = arith.cmpi ne, %convert_element_type3A_401, %cond3A_402 : i32
        scf.if %cond3A_403 {
          %add3A_443 = arith.constant 4 : i32
          %add3A_444 = arith.addi %add3A_384, %add3A_443 : i32
          %dma_start3A_445 = arith.constant 2 : i32
          %dma_start3A_446 = arith.constant 2 : i32
          %dma_start3A_447 = arith.constant 0 : i32
          %dma_start3A_448 = arith.constant 0 : i32
          %dma_start3A_449 = tpu.memref_slice %arg7[%dma_start3A_445, %dma_start3A_447, %dma_start3A_448] : memref<4x64x128xf32, #tpu.memory_space<vmem>> -> memref<1x64x128xf32, #tpu.memory_space<vmem>>
          %dma_start3A_450 = tpu.memref_squeeze %dma_start3A_449 : memref<1x64x128xf32, #tpu.memory_space<vmem>> -> memref<64x128xf32, #tpu.memory_space<vmem>>
          %dma_start3A_451 = arith.constant 0 : i32
          %dma_start3A_452 = tpu.memref_slice %arg8[%rem3A_171, %add3A_444, %dma_start3A_451] : memref<2x16x64xi32, #tpu.memory_space<vmem>> -> memref<1x1x64xi32, #tpu.memory_space<vmem>>
          %dma_start3A_453 = tpu.memref_squeeze %dma_start3A_452 : memref<1x1x64xi32, #tpu.memory_space<vmem>> -> memref<64xi32, #tpu.memory_space<vmem>>
          %dma_start3A_454 = arith.constant 0 : i32
          %dma_start3A_455 = arith.constant 0 : i32
          %dma_start3A_456 = tpu.memref_slice %arg2[%dma_start3A_454, %dma_start3A_455] : memref<10000x128xf32, #tpu.memory_space<hbm>> -> memref<10000x128xf32, #tpu.memory_space<hbm>>
          %dma_start3A_457 = tpu.memref_slice %arg10[%dma_start3A_446] : memref<4x!tpu.dma_semaphore, #tpu.memory_space<semaphore_mem>> -> memref<1x!tpu.dma_semaphore, #tpu.memory_space<semaphore_mem>>
          %dma_start3A_458 = tpu.memref_squeeze %dma_start3A_457 : memref<1x!tpu.dma_semaphore, #tpu.memory_space<semaphore_mem>> -> memref<!tpu.dma_semaphore, #tpu.memory_space<semaphore_mem>>
          tpu.enqueue_indirect_dma source(%dma_start3A_456 : memref<10000x128xf32, #tpu.memory_space<hbm>>) target(%dma_start3A_450 : memref<64x128xf32, #tpu.memory_space<vmem>>) offsets(%dma_start3A_453 : memref<64xi32, #tpu.memory_space<vmem>>) semaphore(%dma_start3A_458 : memref<!tpu.dma_semaphore, #tpu.memory_space<semaphore_mem>>)
        } else {
        }
        %eq3A_404 = arith.constant 3 : i32
        %eq3A_405 = arith.cmpi eq, %add3A_184, %eq3A_404 : i32
        %lt3A_406 = arith.constant 9 : i32
        %lt3A_407 = arith.cmpi slt, %add3A_170, %lt3A_406 : i32
        %and3A_408 = arith.andi %eq3A_405, %lt3A_407 : i1
        %convert_element_type3A_409 = arith.extui %and3A_408 : i1 to i32
        %cond3A_410 = arith.constant 0 : i32
        %cond3A_411 = arith.cmpi ne, %convert_element_type3A_409, %cond3A_410 : i32
        scf.if %cond3A_411 {
          %dma_start3A_443 = arith.constant 2 : i32
          %dma_start3A_444 = arith.constant 2 : i32
          %dma_start3A_445 = arith.constant 2 : i32
          %dma_start3A_446 = arith.constant 0 : i32
          %dma_start3A_447 = arith.constant 0 : i32
          %dma_start3A_448 = tpu.memref_slice %arg7[%dma_start3A_444, %dma_start3A_446, %dma_start3A_447] : memref<4x64x128xf32, #tpu.memory_space<vmem>> -> memref<1x64x128xf32, #tpu.memory_space<vmem>>
          %dma_start3A_449 = tpu.memref_squeeze %dma_start3A_448 : memref<1x64x128xf32, #tpu.memory_space<vmem>> -> memref<64x128xf32, #tpu.memory_space<vmem>>
          %dma_start3A_450 = arith.constant 0 : i32
          %dma_start3A_451 = tpu.memref_slice %arg8[%sub3A_172, %dma_start3A_443, %dma_start3A_450] : memref<2x16x64xi32, #tpu.memory_space<vmem>> -> memref<1x1x64xi32, #tpu.memory_space<vmem>>
          %dma_start3A_452 = tpu.memref_squeeze %dma_start3A_451 : memref<1x1x64xi32, #tpu.memory_space<vmem>> -> memref<64xi32, #tpu.memory_space<vmem>>
          %dma_start3A_453 = arith.constant 0 : i32
          %dma_start3A_454 = arith.constant 0 : i32
          %dma_start3A_455 = tpu.memref_slice %arg2[%dma_start3A_453, %dma_start3A_454] : memref<10000x128xf32, #tpu.memory_space<hbm>> -> memref<10000x128xf32, #tpu.memory_space<hbm>>
          %dma_start3A_456 = tpu.memref_slice %arg10[%dma_start3A_445] : memref<4x!tpu.dma_semaphore, #tpu.memory_space<semaphore_mem>> -> memref<1x!tpu.dma_semaphore, #tpu.memory_space<semaphore_mem>>
          %dma_start3A_457 = tpu.memref_squeeze %dma_start3A_456 : memref<1x!tpu.dma_semaphore, #tpu.memory_space<semaphore_mem>> -> memref<!tpu.dma_semaphore, #tpu.memory_space<semaphore_mem>>
          tpu.enqueue_indirect_dma source(%dma_start3A_455 : memref<10000x128xf32, #tpu.memory_space<hbm>>) target(%dma_start3A_449 : memref<64x128xf32, #tpu.memory_space<vmem>>) offsets(%dma_start3A_452 : memref<64xi32, #tpu.memory_space<vmem>>) semaphore(%dma_start3A_457 : memref<!tpu.dma_semaphore, #tpu.memory_space<semaphore_mem>>)
        } else {
        }
        %mul3A_412 = arith.constant 4 : i32
        %mul3A_413 = arith.muli %add3A_184, %mul3A_412 : i32
        %add3A_414 = arith.constant 3 : i32
        %add3A_415 = arith.addi %mul3A_413, %add3A_414 : i32
        %dma_wait3A_416 = arith.constant 3 : i32
        %dma_wait3A_417 = arith.constant 3 : i32
        %dma_wait3A_418 = arith.constant 0 : i32
        %dma_wait3A_419 = arith.constant 0 : i32
        %dma_wait3A_420 = tpu.memref_slice %arg7[%dma_wait3A_416, %dma_wait3A_418, %dma_wait3A_419] : memref<4x64x128xf32, #tpu.memory_space<vmem>> -> memref<1x64x128xf32, #tpu.memory_space<vmem>>
        %dma_wait3A_421 = tpu.memref_squeeze %dma_wait3A_420 : memref<1x64x128xf32, #tpu.memory_space<vmem>> -> memref<64x128xf32, #tpu.memory_space<vmem>>
        %dma_wait3A_422 = arith.constant 0 : i32
        %dma_wait3A_423 = tpu.memref_slice %arg9[%rem3A_171, %add3A_415, %dma_wait3A_422] : memref<2x16x64xi32, #tpu.memory_space<vmem>> -> memref<1x1x64xi32, #tpu.memory_space<vmem>>
        %dma_wait3A_424 = tpu.memref_squeeze %dma_wait3A_423 : memref<1x1x64xi32, #tpu.memory_space<vmem>> -> memref<64xi32, #tpu.memory_space<vmem>>
        %dma_wait3A_425 = arith.constant 0 : i32
        %dma_wait3A_426 = arith.constant 0 : i32
        %dma_wait3A_427 = tpu.memref_slice %arg6[%dma_wait3A_425, %dma_wait3A_426] : memref<10240x128xf32, #tpu.memory_space<vmem_shared>> -> memref<10240x128xf32, #tpu.memory_space<vmem_shared>>
        %dma_wait3A_428 = tpu.memref_slice %arg11[%dma_wait3A_417] : memref<4x!tpu.dma_semaphore, #tpu.memory_space<semaphore_mem>> -> memref<1x!tpu.dma_semaphore, #tpu.memory_space<semaphore_mem>>
        %dma_wait3A_429 = tpu.memref_squeeze %dma_wait3A_428 : memref<1x!tpu.dma_semaphore, #tpu.memory_space<semaphore_mem>> -> memref<!tpu.dma_semaphore, #tpu.memory_space<semaphore_mem>>
        tpu.wait_indirect_dma semaphore(%dma_wait3A_429 : memref<!tpu.dma_semaphore, #tpu.memory_space<semaphore_mem>>) src(%dma_wait3A_421 : memref<64x128xf32, #tpu.memory_space<vmem>>) dst(%dma_wait3A_427 : memref<10240x128xf32, #tpu.memory_space<vmem_shared>>)
        %lt3A_430 = arith.constant 3 : i32
        %lt3A_431 = arith.cmpi slt, %add3A_184, %lt3A_430 : i32
        %convert_element_type3A_432 = arith.extui %lt3A_431 : i1 to i32
        %cond3A_433 = arith.constant 0 : i32
        %cond3A_434 = arith.cmpi ne, %convert_element_type3A_432, %cond3A_433 : i32
        scf.if %cond3A_434 {
          %add3A_443 = arith.constant 4 : i32
          %add3A_444 = arith.addi %add3A_415, %add3A_443 : i32
          %dma_start3A_445 = arith.constant 3 : i32
          %dma_start3A_446 = arith.constant 3 : i32
          %dma_start3A_447 = arith.constant 0 : i32
          %dma_start3A_448 = arith.constant 0 : i32
          %dma_start3A_449 = tpu.memref_slice %arg7[%dma_start3A_445, %dma_start3A_447, %dma_start3A_448] : memref<4x64x128xf32, #tpu.memory_space<vmem>> -> memref<1x64x128xf32, #tpu.memory_space<vmem>>
          %dma_start3A_450 = tpu.memref_squeeze %dma_start3A_449 : memref<1x64x128xf32, #tpu.memory_space<vmem>> -> memref<64x128xf32, #tpu.memory_space<vmem>>
          %dma_start3A_451 = arith.constant 0 : i32
          %dma_start3A_452 = tpu.memref_slice %arg8[%rem3A_171, %add3A_444, %dma_start3A_451] : memref<2x16x64xi32, #tpu.memory_space<vmem>> -> memref<1x1x64xi32, #tpu.memory_space<vmem>>
          %dma_start3A_453 = tpu.memref_squeeze %dma_start3A_452 : memref<1x1x64xi32, #tpu.memory_space<vmem>> -> memref<64xi32, #tpu.memory_space<vmem>>
          %dma_start3A_454 = arith.constant 0 : i32
          %dma_start3A_455 = arith.constant 0 : i32
          %dma_start3A_456 = tpu.memref_slice %arg2[%dma_start3A_454, %dma_start3A_455] : memref<10000x128xf32, #tpu.memory_space<hbm>> -> memref<10000x128xf32, #tpu.memory_space<hbm>>
          %dma_start3A_457 = tpu.memref_slice %arg10[%dma_start3A_446] : memref<4x!tpu.dma_semaphore, #tpu.memory_space<semaphore_mem>> -> memref<1x!tpu.dma_semaphore, #tpu.memory_space<semaphore_mem>>
          %dma_start3A_458 = tpu.memref_squeeze %dma_start3A_457 : memref<1x!tpu.dma_semaphore, #tpu.memory_space<semaphore_mem>> -> memref<!tpu.dma_semaphore, #tpu.memory_space<semaphore_mem>>
          tpu.enqueue_indirect_dma source(%dma_start3A_456 : memref<10000x128xf32, #tpu.memory_space<hbm>>) target(%dma_start3A_450 : memref<64x128xf32, #tpu.memory_space<vmem>>) offsets(%dma_start3A_453 : memref<64xi32, #tpu.memory_space<vmem>>) semaphore(%dma_start3A_458 : memref<!tpu.dma_semaphore, #tpu.memory_space<semaphore_mem>>)
        } else {
        }
        %eq3A_435 = arith.constant 3 : i32
        %eq3A_436 = arith.cmpi eq, %add3A_184, %eq3A_435 : i32
        %lt3A_437 = arith.constant 9 : i32
        %lt3A_438 = arith.cmpi slt, %add3A_170, %lt3A_437 : i32
        %and3A_439 = arith.andi %eq3A_436, %lt3A_438 : i1
        %convert_element_type3A_440 = arith.extui %and3A_439 : i1 to i32
        %cond3A_441 = arith.constant 0 : i32
        %cond3A_442 = arith.cmpi ne, %convert_element_type3A_440, %cond3A_441 : i32
        scf.if %cond3A_442 {
          %dma_start3A_443 = arith.constant 3 : i32
          %dma_start3A_444 = arith.constant 3 : i32
          %dma_start3A_445 = arith.constant 3 : i32
          %dma_start3A_446 = arith.constant 0 : i32
          %dma_start3A_447 = arith.constant 0 : i32
          %dma_start3A_448 = tpu.memref_slice %arg7[%dma_start3A_444, %dma_start3A_446, %dma_start3A_447] : memref<4x64x128xf32, #tpu.memory_space<vmem>> -> memref<1x64x128xf32, #tpu.memory_space<vmem>>
          %dma_start3A_449 = tpu.memref_squeeze %dma_start3A_448 : memref<1x64x128xf32, #tpu.memory_space<vmem>> -> memref<64x128xf32, #tpu.memory_space<vmem>>
          %dma_start3A_450 = arith.constant 0 : i32
          %dma_start3A_451 = tpu.memref_slice %arg8[%sub3A_172, %dma_start3A_443, %dma_start3A_450] : memref<2x16x64xi32, #tpu.memory_space<vmem>> -> memref<1x1x64xi32, #tpu.memory_space<vmem>>
          %dma_start3A_452 = tpu.memref_squeeze %dma_start3A_451 : memref<1x1x64xi32, #tpu.memory_space<vmem>> -> memref<64xi32, #tpu.memory_space<vmem>>
          %dma_start3A_453 = arith.constant 0 : i32
          %dma_start3A_454 = arith.constant 0 : i32
          %dma_start3A_455 = tpu.memref_slice %arg2[%dma_start3A_453, %dma_start3A_454] : memref<10000x128xf32, #tpu.memory_space<hbm>> -> memref<10000x128xf32, #tpu.memory_space<hbm>>
          %dma_start3A_456 = tpu.memref_slice %arg10[%dma_start3A_445] : memref<4x!tpu.dma_semaphore, #tpu.memory_space<semaphore_mem>> -> memref<1x!tpu.dma_semaphore, #tpu.memory_space<semaphore_mem>>
          %dma_start3A_457 = tpu.memref_squeeze %dma_start3A_456 : memref<1x!tpu.dma_semaphore, #tpu.memory_space<semaphore_mem>> -> memref<!tpu.dma_semaphore, #tpu.memory_space<semaphore_mem>>
          tpu.enqueue_indirect_dma source(%dma_start3A_455 : memref<10000x128xf32, #tpu.memory_space<hbm>>) target(%dma_start3A_449 : memref<64x128xf32, #tpu.memory_space<vmem>>) offsets(%dma_start3A_452 : memref<64xi32, #tpu.memory_space<vmem>>) semaphore(%dma_start3A_457 : memref<!tpu.dma_semaphore, #tpu.memory_space<semaphore_mem>>)
        } else {
        }
      }
      %scan3A_179 = arith.constant 4 : i32
    }
    %scan3A_160 = arith.constant 10 : i32
    %barrier3A_161 = arith.constant 0 : index
    tpu.barrier barrier_id(%barrier3A_161)
    %mul3A_162 = arith.constant 640 : i32
    %mul3A_163 = arith.muli %arg1, %mul3A_162 : i32
    %mul3A_164 = arith.constant 640 : i32
    %mul3A_165 = arith.muli %arg1, %mul3A_164 : i32
    "tpu.region"() ({
      %run_scoped3A = tpu.sem_alloc : memref<!tpu.dma_semaphore, #tpu.memory_space<semaphore_mem>>
      %dma_start3A_166 = arith.constant 0 : i32
      %dma_start3A_167 = tpu.memref_slice %arg5[%arg0, %mul3A_165, %dma_start3A_166] : memref<2x10240x128xf32, #tpu.memory_space<hbm>> -> memref<1x640x128xf32, #tpu.memory_space<hbm>>
      %dma_start3A_168 = tpu.memref_squeeze %dma_start3A_167 : memref<1x640x128xf32, #tpu.memory_space<hbm>> -> memref<640x128xf32, #tpu.memory_space<hbm>>
      %dma_start3A_169 = arith.constant 0 : i32
      %dma_start3A_170 = tpu.memref_slice %arg6[%mul3A_163, %dma_start3A_169] : memref<10240x128xf32, #tpu.memory_space<vmem_shared>> -> memref<640x128xf32, #tpu.memory_space<vmem_shared>>
      tpu.enqueue_dma source(%dma_start3A_170 : memref<640x128xf32, #tpu.memory_space<vmem_shared>>) target(%dma_start3A_168 : memref<640x128xf32, #tpu.memory_space<hbm>>) target_semaphore(%run_scoped3A : memref<!tpu.dma_semaphore, #tpu.memory_space<semaphore_mem>>)
      %dma_wait3A_171 = arith.constant 0 : i32
      %dma_wait3A_172 = tpu.memref_slice %arg5[%arg0, %mul3A_165, %dma_wait3A_171] : memref<2x10240x128xf32, #tpu.memory_space<hbm>> -> memref<1x640x128xf32, #tpu.memory_space<hbm>>
      %dma_wait3A_173 = tpu.memref_squeeze %dma_wait3A_172 : memref<1x640x128xf32, #tpu.memory_space<hbm>> -> memref<640x128xf32, #tpu.memory_space<hbm>>
      %dma_wait3A_174 = arith.constant 0 : i32
      %dma_wait3A_175 = tpu.memref_slice %arg6[%mul3A_163, %dma_wait3A_174] : memref<10240x128xf32, #tpu.memory_space<vmem_shared>> -> memref<640x128xf32, #tpu.memory_space<vmem_shared>>
      tpu.wait_dma2 semaphore(%run_scoped3A : memref<!tpu.dma_semaphore, #tpu.memory_space<semaphore_mem>>) src(%dma_wait3A_175 : memref<640x128xf32, #tpu.memory_space<vmem_shared>>) dst(%dma_wait3A_173 : memref<640x128xf32, #tpu.memory_space<hbm>>)
      tpu.yield
    }) : () -> ()
    return
  }
}

#map = affine_map<(d0, d1) -> (0, 0, 0)>
#map1 = affine_map<(d0, d1) -> (0, 0)>
module attributes {stable_mosaic.version = 14 : i64} {
  func.func @_deg_kernel(%arg0: i32, %arg1: i32, %arg2: memref<32x160x64xi32, #tpu.memory_space<hbm>>, %arg3: memref<2x10240xf32, #tpu.memory_space<hbm>>, %arg4: memref<10240xf32, #tpu.memory_space<vmem_shared>>, %arg5: memref<640xf32, #tpu.memory_space<vmem>>, %arg6: memref<64xf32, #tpu.memory_space<vmem>>, %arg7: memref<40x64xi32, #tpu.memory_space<vmem>>, %arg8: memref<4x!tpu.dma_semaphore, #tpu.memory_space<semaphore_mem>>) attributes {dimension_semantics = [#tpu.dimension_semantics<core_parallel>, #tpu.dimension_semantics<subcore_parallel>], iteration_bounds = array<i64: 2, 16>, scalar_prefetch = 0 : i64, scratch_operands = 5 : i64, tpu.core_type = #tpu.core_type<sc_vector_subcore>, window_params = [{transform_indices = #map}, {transform_indices = #map1}]} {
    %mul3A = arith.constant 16 : i32
    %mul3A_0 = arith.muli %arg0, %mul3A : i32
    %add3A = arith.addi %mul3A_0, %arg1 : i32
    %scan3A = arith.constant 0 : i32
    %scan3A_1 = arith.constant 40 : i32
    %scan3A_2 = arith.addi %scan3A, %scan3A_1 : i32
    %scan3A_3 = arith.constant 1 : i32
    scf.for %scan3A_22 = %scan3A to %scan3A_2 step %scan3A_3  : i32 {
      %mul3A_23 = arith.constant 1 : i32
      %mul3A_24 = arith.muli %scan3A_22, %mul3A_23 : i32
      %add3A_25 = arith.constant 0 : i32
      %add3A_26 = arith.addi %add3A_25, %mul3A_24 : i32
      %broadcast_in_dim3A = arith.constant 0.000000e+00 : f32
      %broadcast_in_dim3A_27 = vector.broadcast %broadcast_in_dim3A : f32 to vector<16xf32>
      %mul3A_28 = arith.constant 16 : i32
      %mul3A_29 = arith.muli %add3A_26, %mul3A_28 : i32
      %swap3A = arith.index_cast %mul3A_29 : i32 to index
      %swap3A_30 = tpu.vector_load %arg5[%swap3A] {strides = array<i32>} : memref<640xf32, #tpu.memory_space<vmem>>, vector<16xf32>,
      %swap3A_31 = vector.shape_cast %swap3A_30 : vector<16xf32> to vector<16xf32>
      %swap3A_32 = vector.shape_cast %broadcast_in_dim3A_27 : vector<16xf32> to vector<16xf32>
      tpu.vector_store %arg5[%swap3A], %swap3A_32 {strides = array<i32>} : memref<640xf32, #tpu.memory_space<vmem>>, vector<16xf32>,
    }
    %scan3A_4 = arith.constant 40 : i32
    %scan3A_5 = arith.constant 0 : i32
    %scan3A_6 = arith.constant 4 : i32
    %scan3A_7 = arith.addi %scan3A_5, %scan3A_6 : i32
    %scan3A_8 = arith.constant 1 : i32
    scf.for %scan3A_22 = %scan3A_5 to %scan3A_7 step %scan3A_8  : i32 {
      %mul3A_23 = arith.constant 1 : i32
      %mul3A_24 = arith.muli %scan3A_22, %mul3A_23 : i32
      %add3A_25 = arith.constant 0 : i32
      %add3A_26 = arith.addi %add3A_25, %mul3A_24 : i32
      %broadcast_in_dim3A = arith.constant 1.000000e+00 : f32
      %broadcast_in_dim3A_27 = vector.broadcast %broadcast_in_dim3A : f32 to vector<16xf32>
      %mul3A_28 = arith.constant 16 : i32
      %mul3A_29 = arith.muli %add3A_26, %mul3A_28 : i32
      %swap3A = arith.index_cast %mul3A_29 : i32 to index
      %swap3A_30 = tpu.vector_load %arg6[%swap3A] {strides = array<i32>} : memref<64xf32, #tpu.memory_space<vmem>>, vector<16xf32>,
      %swap3A_31 = vector.shape_cast %swap3A_30 : vector<16xf32> to vector<16xf32>
      %swap3A_32 = vector.shape_cast %broadcast_in_dim3A_27 : vector<16xf32> to vector<16xf32>
      tpu.vector_store %arg6[%swap3A], %swap3A_32 {strides = array<i32>} : memref<64xf32, #tpu.memory_space<vmem>>, vector<16xf32>,
    }
    %scan3A_9 = arith.constant 4 : i32
    %mul3A_10 = arith.constant 640 : i32
    %mul3A_11 = arith.muli %arg1, %mul3A_10 : i32
    "tpu.region"() ({
      %run_scoped3A = tpu.sem_alloc : memref<!tpu.dma_semaphore, #tpu.memory_space<semaphore_mem>>
      %dma_start3A = tpu.memref_slice %arg4[%mul3A_11] : memref<10240xf32, #tpu.memory_space<vmem_shared>> -> memref<640xf32, #tpu.memory_space<vmem_shared>>
      %dma_start3A_22 = tpu.memref_slice %arg4[%mul3A_11] : memref<10240xf32, #tpu.memory_space<vmem_shared>> -> memref<640xf32, #tpu.memory_space<vmem_shared>>
      tpu.enqueue_dma source(%arg5 : memref<640xf32, #tpu.memory_space<vmem>>) target(%dma_start3A_22 : memref<640xf32, #tpu.memory_space<vmem_shared>>) target_semaphore(%run_scoped3A : memref<!tpu.dma_semaphore, #tpu.memory_space<semaphore_mem>>)
      %dma_wait3A = tpu.memref_slice %arg4[%mul3A_11] : memref<10240xf32, #tpu.memory_space<vmem_shared>> -> memref<640xf32, #tpu.memory_space<vmem_shared>>
      %dma_wait3A_23 = tpu.memref_slice %arg4[%mul3A_11] : memref<10240xf32, #tpu.memory_space<vmem_shared>> -> memref<640xf32, #tpu.memory_space<vmem_shared>>
      tpu.wait_dma2 semaphore(%run_scoped3A : memref<!tpu.dma_semaphore, #tpu.memory_space<semaphore_mem>>) src(%arg5 : memref<640xf32, #tpu.memory_space<vmem>>) dst(%dma_wait3A_23 : memref<640xf32, #tpu.memory_space<vmem_shared>>)
      tpu.yield
    }) : () -> ()
    %barrier3A = arith.constant 0 : index
    tpu.barrier barrier_id(%barrier3A)
    %scan3A_12 = arith.constant 0 : i32
    %scan3A_13 = arith.constant 4 : i32
    %scan3A_14 = arith.addi %scan3A_12, %scan3A_13 : i32
    %scan3A_15 = arith.constant 1 : i32
    scf.for %scan3A_22 = %scan3A_12 to %scan3A_14 step %scan3A_15  : i32 {
      %mul3A_23 = arith.constant 1 : i32
      %mul3A_24 = arith.muli %scan3A_22, %mul3A_23 : i32
      %add3A_25 = arith.constant 0 : i32
      %add3A_26 = arith.addi %add3A_25, %mul3A_24 : i32
      %mul3A_27 = arith.constant 40 : i32
      %mul3A_28 = arith.muli %add3A_26, %mul3A_27 : i32
      %multiple_of3A = tpu.assume_multiple %mul3A_28, 8 : i32
      "tpu.region"() ({
        %run_scoped3A = tpu.sem_alloc : memref<!tpu.dma_semaphore, #tpu.memory_space<semaphore_mem>>
        %dma_start3A_104 = arith.constant 0 : i32
        %dma_start3A_105 = tpu.memref_slice %arg2[%add3A, %multiple_of3A, %dma_start3A_104] : memref<32x160x64xi32, #tpu.memory_space<hbm>> -> memref<1x40x64xi32, #tpu.memory_space<hbm>>
        %dma_start3A_106 = tpu.memref_squeeze %dma_start3A_105 : memref<1x40x64xi32, #tpu.memory_space<hbm>> -> memref<40x64xi32, #tpu.memory_space<hbm>>
        %dma_start3A_107 = arith.constant 0 : i32
        %dma_start3A_108 = tpu.memref_slice %arg2[%add3A, %multiple_of3A, %dma_start3A_107] : memref<32x160x64xi32, #tpu.memory_space<hbm>> -> memref<1x40x64xi32, #tpu.memory_space<hbm>>
        %dma_start3A_109 = tpu.memref_squeeze %dma_start3A_108 : memref<1x40x64xi32, #tpu.memory_space<hbm>> -> memref<40x64xi32, #tpu.memory_space<hbm>>
        tpu.enqueue_dma source(%dma_start3A_109 : memref<40x64xi32, #tpu.memory_space<hbm>>) target(%arg7 : memref<40x64xi32, #tpu.memory_space<vmem>>) target_semaphore(%run_scoped3A : memref<!tpu.dma_semaphore, #tpu.memory_space<semaphore_mem>>)
        %dma_wait3A_110 = arith.constant 0 : i32
        %dma_wait3A_111 = tpu.memref_slice %arg2[%add3A, %multiple_of3A, %dma_wait3A_110] : memref<32x160x64xi32, #tpu.memory_space<hbm>> -> memref<1x40x64xi32, #tpu.memory_space<hbm>>
        %dma_wait3A_112 = tpu.memref_squeeze %dma_wait3A_111 : memref<1x40x64xi32, #tpu.memory_space<hbm>> -> memref<40x64xi32, #tpu.memory_space<hbm>>
        %dma_wait3A_113 = arith.constant 0 : i32
        %dma_wait3A_114 = tpu.memref_slice %arg2[%add3A, %multiple_of3A, %dma_wait3A_113] : memref<32x160x64xi32, #tpu.memory_space<hbm>> -> memref<1x40x64xi32, #tpu.memory_space<hbm>>
        %dma_wait3A_115 = tpu.memref_squeeze %dma_wait3A_114 : memref<1x40x64xi32, #tpu.memory_space<hbm>> -> memref<40x64xi32, #tpu.memory_space<hbm>>
        tpu.wait_dma2 semaphore(%run_scoped3A : memref<!tpu.dma_semaphore, #tpu.memory_space<semaphore_mem>>) src(%dma_wait3A_115 : memref<40x64xi32, #tpu.memory_space<hbm>>) dst(%arg7 : memref<40x64xi32, #tpu.memory_space<vmem>>)
        tpu.yield
      }) : () -> ()
      %dma_start3A = arith.constant 0 : i32
      %dma_start3A_29 = arith.constant 0 : i32
      %dma_start3A_30 = arith.constant 0 : i32
      %dma_start3A_31 = tpu.memref_slice %arg7[%dma_start3A, %dma_start3A_30] : memref<40x64xi32, #tpu.memory_space<vmem>> -> memref<1x64xi32, #tpu.memory_space<vmem>>
      %dma_start3A_32 = tpu.memref_squeeze %dma_start3A_31 : memref<1x64xi32, #tpu.memory_space<vmem>> -> memref<64xi32, #tpu.memory_space<vmem>>
      %dma_start3A_33 = arith.constant 0 : i32
      %dma_start3A_34 = tpu.memref_slice %arg4[%dma_start3A_33] : memref<10240xf32, #tpu.memory_space<vmem_shared>> -> memref<10240xf32, #tpu.memory_space<vmem_shared>>
      %dma_start3A_35 = tpu.memref_slice %arg8[%dma_start3A_29] : memref<4x!tpu.dma_semaphore, #tpu.memory_space<semaphore_mem>> -> memref<1x!tpu.dma_semaphore, #tpu.memory_space<semaphore_mem>>
      %dma_start3A_36 = tpu.memref_squeeze %dma_start3A_35 : memref<1x!tpu.dma_semaphore, #tpu.memory_space<semaphore_mem>> -> memref<!tpu.dma_semaphore, #tpu.memory_space<semaphore_mem>>
      tpu.enqueue_indirect_dma source(%arg6 : memref<64xf32, #tpu.memory_space<vmem>>) target(%dma_start3A_34 : memref<10240xf32, #tpu.memory_space<vmem_shared>>) offsets(%dma_start3A_32 : memref<64xi32, #tpu.memory_space<vmem>>) semaphore(%dma_start3A_36 : memref<!tpu.dma_semaphore, #tpu.memory_space<semaphore_mem>>) {add = true}
      %dma_start3A_37 = arith.constant 1 : i32
      %dma_start3A_38 = arith.constant 1 : i32
      %dma_start3A_39 = arith.constant 0 : i32
      %dma_start3A_40 = tpu.memref_slice %arg7[%dma_start3A_37, %dma_start3A_39] : memref<40x64xi32, #tpu.memory_space<vmem>> -> memref<1x64xi32, #tpu.memory_space<vmem>>
      %dma_start3A_41 = tpu.memref_squeeze %dma_start3A_40 : memref<1x64xi32, #tpu.memory_space<vmem>> -> memref<64xi32, #tpu.memory_space<vmem>>
      %dma_start3A_42 = arith.constant 0 : i32
      %dma_start3A_43 = tpu.memref_slice %arg4[%dma_start3A_42] : memref<10240xf32, #tpu.memory_space<vmem_shared>> -> memref<10240xf32, #tpu.memory_space<vmem_shared>>
      %dma_start3A_44 = tpu.memref_slice %arg8[%dma_start3A_38] : memref<4x!tpu.dma_semaphore, #tpu.memory_space<semaphore_mem>> -> memref<1x!tpu.dma_semaphore, #tpu.memory_space<semaphore_mem>>
      %dma_start3A_45 = tpu.memref_squeeze %dma_start3A_44 : memref<1x!tpu.dma_semaphore, #tpu.memory_space<semaphore_mem>> -> memref<!tpu.dma_semaphore, #tpu.memory_space<semaphore_mem>>
      tpu.enqueue_indirect_dma source(%arg6 : memref<64xf32, #tpu.memory_space<vmem>>) target(%dma_start3A_43 : memref<10240xf32, #tpu.memory_space<vmem_shared>>) offsets(%dma_start3A_41 : memref<64xi32, #tpu.memory_space<vmem>>) semaphore(%dma_start3A_45 : memref<!tpu.dma_semaphore, #tpu.memory_space<semaphore_mem>>) {add = true}
      %dma_start3A_46 = arith.constant 2 : i32
      %dma_start3A_47 = arith.constant 2 : i32
      %dma_start3A_48 = arith.constant 0 : i32
      %dma_start3A_49 = tpu.memref_slice %arg7[%dma_start3A_46, %dma_start3A_48] : memref<40x64xi32, #tpu.memory_space<vmem>> -> memref<1x64xi32, #tpu.memory_space<vmem>>
      %dma_start3A_50 = tpu.memref_squeeze %dma_start3A_49 : memref<1x64xi32, #tpu.memory_space<vmem>> -> memref<64xi32, #tpu.memory_space<vmem>>
      %dma_start3A_51 = arith.constant 0 : i32
      %dma_start3A_52 = tpu.memref_slice %arg4[%dma_start3A_51] : memref<10240xf32, #tpu.memory_space<vmem_shared>> -> memref<10240xf32, #tpu.memory_space<vmem_shared>>
      %dma_start3A_53 = tpu.memref_slice %arg8[%dma_start3A_47] : memref<4x!tpu.dma_semaphore, #tpu.memory_space<semaphore_mem>> -> memref<1x!tpu.dma_semaphore, #tpu.memory_space<semaphore_mem>>
      %dma_start3A_54 = tpu.memref_squeeze %dma_start3A_53 : memref<1x!tpu.dma_semaphore, #tpu.memory_space<semaphore_mem>> -> memref<!tpu.dma_semaphore, #tpu.memory_space<semaphore_mem>>
      tpu.enqueue_indirect_dma source(%arg6 : memref<64xf32, #tpu.memory_space<vmem>>) target(%dma_start3A_52 : memref<10240xf32, #tpu.memory_space<vmem_shared>>) offsets(%dma_start3A_50 : memref<64xi32, #tpu.memory_space<vmem>>) semaphore(%dma_start3A_54 : memref<!tpu.dma_semaphore, #tpu.memory_space<semaphore_mem>>) {add = true}
      %dma_start3A_55 = arith.constant 3 : i32
      %dma_start3A_56 = arith.constant 3 : i32
      %dma_start3A_57 = arith.constant 0 : i32
      %dma_start3A_58 = tpu.memref_slice %arg7[%dma_start3A_55, %dma_start3A_57] : memref<40x64xi32, #tpu.memory_space<vmem>> -> memref<1x64xi32, #tpu.memory_space<vmem>>
      %dma_start3A_59 = tpu.memref_squeeze %dma_start3A_58 : memref<1x64xi32, #tpu.memory_space<vmem>> -> memref<64xi32, #tpu.memory_space<vmem>>
      %dma_start3A_60 = arith.constant 0 : i32
      %dma_start3A_61 = tpu.memref_slice %arg4[%dma_start3A_60] : memref<10240xf32, #tpu.memory_space<vmem_shared>> -> memref<10240xf32, #tpu.memory_space<vmem_shared>>
      %dma_start3A_62 = tpu.memref_slice %arg8[%dma_start3A_56] : memref<4x!tpu.dma_semaphore, #tpu.memory_space<semaphore_mem>> -> memref<1x!tpu.dma_semaphore, #tpu.memory_space<semaphore_mem>>
      %dma_start3A_63 = tpu.memref_squeeze %dma_start3A_62 : memref<1x!tpu.dma_semaphore, #tpu.memory_space<semaphore_mem>> -> memref<!tpu.dma_semaphore, #tpu.memory_space<semaphore_mem>>
      tpu.enqueue_indirect_dma source(%arg6 : memref<64xf32, #tpu.memory_space<vmem>>) target(%dma_start3A_61 : memref<10240xf32, #tpu.memory_space<vmem_shared>>) offsets(%dma_start3A_59 : memref<64xi32, #tpu.memory_space<vmem>>) semaphore(%dma_start3A_63 : memref<!tpu.dma_semaphore, #tpu.memory_space<semaphore_mem>>) {add = true}
      %scan3A_64 = arith.constant 0 : i32
      %scan3A_65 = arith.constant 9 : i32
      %scan3A_66 = arith.addi %scan3A_64, %scan3A_65 : i32
      %scan3A_67 = arith.constant 1 : i32
      scf.for %scan3A_104 = %scan3A_64 to %scan3A_66 step %scan3A_67  : i32 {
        %mul3A_105 = arith.constant 1 : i32
        %mul3A_106 = arith.muli %scan3A_104, %mul3A_105 : i32
        %add3A_107 = arith.constant 0 : i32
        %add3A_108 = arith.addi %add3A_107, %mul3A_106 : i32
        %mul3A_109 = arith.constant 4 : i32
        %mul3A_110 = arith.muli %add3A_108, %mul3A_109 : i32
        %add3A_111 = arith.constant 0 : i32
        %add3A_112 = arith.addi %mul3A_110, %add3A_111 : i32
        %dma_wait3A_113 = arith.constant 0 : i32
        %dma_wait3A_114 = arith.constant 0 : i32
        %dma_wait3A_115 = tpu.memref_slice %arg7[%add3A_112, %dma_wait3A_114] : memref<40x64xi32, #tpu.memory_space<vmem>> -> memref<1x64xi32, #tpu.memory_space<vmem>>
        %dma_wait3A_116 = tpu.memref_squeeze %dma_wait3A_115 : memref<1x64xi32, #tpu.memory_space<vmem>> -> memref<64xi32, #tpu.memory_space<vmem>>
        %dma_wait3A_117 = arith.constant 0 : i32
        %dma_wait3A_118 = tpu.memref_slice %arg4[%dma_wait3A_117] : memref<10240xf32, #tpu.memory_space<vmem_shared>> -> memref<10240xf32, #tpu.memory_space<vmem_shared>>
        %dma_wait3A_119 = tpu.memref_slice %arg8[%dma_wait3A_113] : memref<4x!tpu.dma_semaphore, #tpu.memory_space<semaphore_mem>> -> memref<1x!tpu.dma_semaphore, #tpu.memory_space<semaphore_mem>>
        %dma_wait3A_120 = tpu.memref_squeeze %dma_wait3A_119 : memref<1x!tpu.dma_semaphore, #tpu.memory_space<semaphore_mem>> -> memref<!tpu.dma_semaphore, #tpu.memory_space<semaphore_mem>>
        tpu.wait_indirect_dma semaphore(%dma_wait3A_120 : memref<!tpu.dma_semaphore, #tpu.memory_space<semaphore_mem>>) src(%arg6 : memref<64xf32, #tpu.memory_space<vmem>>) dst(%dma_wait3A_118 : memref<10240xf32, #tpu.memory_space<vmem_shared>>)
        %add3A_121 = arith.constant 4 : i32
        %add3A_122 = arith.addi %add3A_112, %add3A_121 : i32
        %dma_start3A_123 = arith.constant 0 : i32
        %dma_start3A_124 = arith.constant 0 : i32
        %dma_start3A_125 = tpu.memref_slice %arg7[%add3A_122, %dma_start3A_124] : memref<40x64xi32, #tpu.memory_space<vmem>> -> memref<1x64xi32, #tpu.memory_space<vmem>>
        %dma_start3A_126 = tpu.memref_squeeze %dma_start3A_125 : memref<1x64xi32, #tpu.memory_space<vmem>> -> memref<64xi32, #tpu.memory_space<vmem>>
        %dma_start3A_127 = arith.constant 0 : i32
        %dma_start3A_128 = tpu.memref_slice %arg4[%dma_start3A_127] : memref<10240xf32, #tpu.memory_space<vmem_shared>> -> memref<10240xf32, #tpu.memory_space<vmem_shared>>
        %dma_start3A_129 = tpu.memref_slice %arg8[%dma_start3A_123] : memref<4x!tpu.dma_semaphore, #tpu.memory_space<semaphore_mem>> -> memref<1x!tpu.dma_semaphore, #tpu.memory_space<semaphore_mem>>
        %dma_start3A_130 = tpu.memref_squeeze %dma_start3A_129 : memref<1x!tpu.dma_semaphore, #tpu.memory_space<semaphore_mem>> -> memref<!tpu.dma_semaphore, #tpu.memory_space<semaphore_mem>>
        tpu.enqueue_indirect_dma source(%arg6 : memref<64xf32, #tpu.memory_space<vmem>>) target(%dma_start3A_128 : memref<10240xf32, #tpu.memory_space<vmem_shared>>) offsets(%dma_start3A_126 : memref<64xi32, #tpu.memory_space<vmem>>) semaphore(%dma_start3A_130 : memref<!tpu.dma_semaphore, #tpu.memory_space<semaphore_mem>>) {add = true}
        %mul3A_131 = arith.constant 4 : i32
        %mul3A_132 = arith.muli %add3A_108, %mul3A_131 : i32
        %add3A_133 = arith.constant 1 : i32
        %add3A_134 = arith.addi %mul3A_132, %add3A_133 : i32
        %dma_wait3A_135 = arith.constant 1 : i32
        %dma_wait3A_136 = arith.constant 0 : i32
        %dma_wait3A_137 = tpu.memref_slice %arg7[%add3A_134, %dma_wait3A_136] : memref<40x64xi32, #tpu.memory_space<vmem>> -> memref<1x64xi32, #tpu.memory_space<vmem>>
        %dma_wait3A_138 = tpu.memref_squeeze %dma_wait3A_137 : memref<1x64xi32, #tpu.memory_space<vmem>> -> memref<64xi32, #tpu.memory_space<vmem>>
        %dma_wait3A_139 = arith.constant 0 : i32
        %dma_wait3A_140 = tpu.memref_slice %arg4[%dma_wait3A_139] : memref<10240xf32, #tpu.memory_space<vmem_shared>> -> memref<10240xf32, #tpu.memory_space<vmem_shared>>
        %dma_wait3A_141 = tpu.memref_slice %arg8[%dma_wait3A_135] : memref<4x!tpu.dma_semaphore, #tpu.memory_space<semaphore_mem>> -> memref<1x!tpu.dma_semaphore, #tpu.memory_space<semaphore_mem>>
        %dma_wait3A_142 = tpu.memref_squeeze %dma_wait3A_141 : memref<1x!tpu.dma_semaphore, #tpu.memory_space<semaphore_mem>> -> memref<!tpu.dma_semaphore, #tpu.memory_space<semaphore_mem>>
        tpu.wait_indirect_dma semaphore(%dma_wait3A_142 : memref<!tpu.dma_semaphore, #tpu.memory_space<semaphore_mem>>) src(%arg6 : memref<64xf32, #tpu.memory_space<vmem>>) dst(%dma_wait3A_140 : memref<10240xf32, #tpu.memory_space<vmem_shared>>)
        %add3A_143 = arith.constant 4 : i32
        %add3A_144 = arith.addi %add3A_134, %add3A_143 : i32
        %dma_start3A_145 = arith.constant 1 : i32
        %dma_start3A_146 = arith.constant 0 : i32
        %dma_start3A_147 = tpu.memref_slice %arg7[%add3A_144, %dma_start3A_146] : memref<40x64xi32, #tpu.memory_space<vmem>> -> memref<1x64xi32, #tpu.memory_space<vmem>>
        %dma_start3A_148 = tpu.memref_squeeze %dma_start3A_147 : memref<1x64xi32, #tpu.memory_space<vmem>> -> memref<64xi32, #tpu.memory_space<vmem>>
        %dma_start3A_149 = arith.constant 0 : i32
        %dma_start3A_150 = tpu.memref_slice %arg4[%dma_start3A_149] : memref<10240xf32, #tpu.memory_space<vmem_shared>> -> memref<10240xf32, #tpu.memory_space<vmem_shared>>
        %dma_start3A_151 = tpu.memref_slice %arg8[%dma_start3A_145] : memref<4x!tpu.dma_semaphore, #tpu.memory_space<semaphore_mem>> -> memref<1x!tpu.dma_semaphore, #tpu.memory_space<semaphore_mem>>
        %dma_start3A_152 = tpu.memref_squeeze %dma_start3A_151 : memref<1x!tpu.dma_semaphore, #tpu.memory_space<semaphore_mem>> -> memref<!tpu.dma_semaphore, #tpu.memory_space<semaphore_mem>>
        tpu.enqueue_indirect_dma source(%arg6 : memref<64xf32, #tpu.memory_space<vmem>>) target(%dma_start3A_150 : memref<10240xf32, #tpu.memory_space<vmem_shared>>) offsets(%dma_start3A_148 : memref<64xi32, #tpu.memory_space<vmem>>) semaphore(%dma_start3A_152 : memref<!tpu.dma_semaphore, #tpu.memory_space<semaphore_mem>>) {add = true}
        %mul3A_153 = arith.constant 4 : i32
        %mul3A_154 = arith.muli %add3A_108, %mul3A_153 : i32
        %add3A_155 = arith.constant 2 : i32
        %add3A_156 = arith.addi %mul3A_154, %add3A_155 : i32
        %dma_wait3A_157 = arith.constant 2 : i32
        %dma_wait3A_158 = arith.constant 0 : i32
        %dma_wait3A_159 = tpu.memref_slice %arg7[%add3A_156, %dma_wait3A_158] : memref<40x64xi32, #tpu.memory_space<vmem>> -> memref<1x64xi32, #tpu.memory_space<vmem>>
        %dma_wait3A_160 = tpu.memref_squeeze %dma_wait3A_159 : memref<1x64xi32, #tpu.memory_space<vmem>> -> memref<64xi32, #tpu.memory_space<vmem>>
        %dma_wait3A_161 = arith.constant 0 : i32
        %dma_wait3A_162 = tpu.memref_slice %arg4[%dma_wait3A_161] : memref<10240xf32, #tpu.memory_space<vmem_shared>> -> memref<10240xf32, #tpu.memory_space<vmem_shared>>
        %dma_wait3A_163 = tpu.memref_slice %arg8[%dma_wait3A_157] : memref<4x!tpu.dma_semaphore, #tpu.memory_space<semaphore_mem>> -> memref<1x!tpu.dma_semaphore, #tpu.memory_space<semaphore_mem>>
        %dma_wait3A_164 = tpu.memref_squeeze %dma_wait3A_163 : memref<1x!tpu.dma_semaphore, #tpu.memory_space<semaphore_mem>> -> memref<!tpu.dma_semaphore, #tpu.memory_space<semaphore_mem>>
        tpu.wait_indirect_dma semaphore(%dma_wait3A_164 : memref<!tpu.dma_semaphore, #tpu.memory_space<semaphore_mem>>) src(%arg6 : memref<64xf32, #tpu.memory_space<vmem>>) dst(%dma_wait3A_162 : memref<10240xf32, #tpu.memory_space<vmem_shared>>)
        %add3A_165 = arith.constant 4 : i32
        %add3A_166 = arith.addi %add3A_156, %add3A_165 : i32
        %dma_start3A_167 = arith.constant 2 : i32
        %dma_start3A_168 = arith.constant 0 : i32
        %dma_start3A_169 = tpu.memref_slice %arg7[%add3A_166, %dma_start3A_168] : memref<40x64xi32, #tpu.memory_space<vmem>> -> memref<1x64xi32, #tpu.memory_space<vmem>>
        %dma_start3A_170 = tpu.memref_squeeze %dma_start3A_169 : memref<1x64xi32, #tpu.memory_space<vmem>> -> memref<64xi32, #tpu.memory_space<vmem>>
        %dma_start3A_171 = arith.constant 0 : i32
        %dma_start3A_172 = tpu.memref_slice %arg4[%dma_start3A_171] : memref<10240xf32, #tpu.memory_space<vmem_shared>> -> memref<10240xf32, #tpu.memory_space<vmem_shared>>
        %dma_start3A_173 = tpu.memref_slice %arg8[%dma_start3A_167] : memref<4x!tpu.dma_semaphore, #tpu.memory_space<semaphore_mem>> -> memref<1x!tpu.dma_semaphore, #tpu.memory_space<semaphore_mem>>
        %dma_start3A_174 = tpu.memref_squeeze %dma_start3A_173 : memref<1x!tpu.dma_semaphore, #tpu.memory_space<semaphore_mem>> -> memref<!tpu.dma_semaphore, #tpu.memory_space<semaphore_mem>>
        tpu.enqueue_indirect_dma source(%arg6 : memref<64xf32, #tpu.memory_space<vmem>>) target(%dma_start3A_172 : memref<10240xf32, #tpu.memory_space<vmem_shared>>) offsets(%dma_start3A_170 : memref<64xi32, #tpu.memory_space<vmem>>) semaphore(%dma_start3A_174 : memref<!tpu.dma_semaphore, #tpu.memory_space<semaphore_mem>>) {add = true}
        %mul3A_175 = arith.constant 4 : i32
        %mul3A_176 = arith.muli %add3A_108, %mul3A_175 : i32
        %add3A_177 = arith.constant 3 : i32
        %add3A_178 = arith.addi %mul3A_176, %add3A_177 : i32
        %dma_wait3A_179 = arith.constant 3 : i32
        %dma_wait3A_180 = arith.constant 0 : i32
        %dma_wait3A_181 = tpu.memref_slice %arg7[%add3A_178, %dma_wait3A_180] : memref<40x64xi32, #tpu.memory_space<vmem>> -> memref<1x64xi32, #tpu.memory_space<vmem>>
        %dma_wait3A_182 = tpu.memref_squeeze %dma_wait3A_181 : memref<1x64xi32, #tpu.memory_space<vmem>> -> memref<64xi32, #tpu.memory_space<vmem>>
        %dma_wait3A_183 = arith.constant 0 : i32
        %dma_wait3A_184 = tpu.memref_slice %arg4[%dma_wait3A_183] : memref<10240xf32, #tpu.memory_space<vmem_shared>> -> memref<10240xf32, #tpu.memory_space<vmem_shared>>
        %dma_wait3A_185 = tpu.memref_slice %arg8[%dma_wait3A_179] : memref<4x!tpu.dma_semaphore, #tpu.memory_space<semaphore_mem>> -> memref<1x!tpu.dma_semaphore, #tpu.memory_space<semaphore_mem>>
        %dma_wait3A_186 = tpu.memref_squeeze %dma_wait3A_185 : memref<1x!tpu.dma_semaphore, #tpu.memory_space<semaphore_mem>> -> memref<!tpu.dma_semaphore, #tpu.memory_space<semaphore_mem>>
        tpu.wait_indirect_dma semaphore(%dma_wait3A_186 : memref<!tpu.dma_semaphore, #tpu.memory_space<semaphore_mem>>) src(%arg6 : memref<64xf32, #tpu.memory_space<vmem>>) dst(%dma_wait3A_184 : memref<10240xf32, #tpu.memory_space<vmem_shared>>)
        %add3A_187 = arith.constant 4 : i32
        %add3A_188 = arith.addi %add3A_178, %add3A_187 : i32
        %dma_start3A_189 = arith.constant 3 : i32
        %dma_start3A_190 = arith.constant 0 : i32
        %dma_start3A_191 = tpu.memref_slice %arg7[%add3A_188, %dma_start3A_190] : memref<40x64xi32, #tpu.memory_space<vmem>> -> memref<1x64xi32, #tpu.memory_space<vmem>>
        %dma_start3A_192 = tpu.memref_squeeze %dma_start3A_191 : memref<1x64xi32, #tpu.memory_space<vmem>> -> memref<64xi32, #tpu.memory_space<vmem>>
        %dma_start3A_193 = arith.constant 0 : i32
        %dma_start3A_194 = tpu.memref_slice %arg4[%dma_start3A_193] : memref<10240xf32, #tpu.memory_space<vmem_shared>> -> memref<10240xf32, #tpu.memory_space<vmem_shared>>
        %dma_start3A_195 = tpu.memref_slice %arg8[%dma_start3A_189] : memref<4x!tpu.dma_semaphore, #tpu.memory_space<semaphore_mem>> -> memref<1x!tpu.dma_semaphore, #tpu.memory_space<semaphore_mem>>
        %dma_start3A_196 = tpu.memref_squeeze %dma_start3A_195 : memref<1x!tpu.dma_semaphore, #tpu.memory_space<semaphore_mem>> -> memref<!tpu.dma_semaphore, #tpu.memory_space<semaphore_mem>>
        tpu.enqueue_indirect_dma source(%arg6 : memref<64xf32, #tpu.memory_space<vmem>>) target(%dma_start3A_194 : memref<10240xf32, #tpu.memory_space<vmem_shared>>) offsets(%dma_start3A_192 : memref<64xi32, #tpu.memory_space<vmem>>) semaphore(%dma_start3A_196 : memref<!tpu.dma_semaphore, #tpu.memory_space<semaphore_mem>>) {add = true}
      }
      %scan3A_68 = arith.constant 9 : i32
      %dma_wait3A = arith.constant 36 : i32
      %dma_wait3A_69 = arith.constant 0 : i32
      %dma_wait3A_70 = arith.constant 0 : i32
      %dma_wait3A_71 = tpu.memref_slice %arg7[%dma_wait3A, %dma_wait3A_70] : memref<40x64xi32, #tpu.memory_space<vmem>> -> memref<1x64xi32, #tpu.memory_space<vmem>>
      %dma_wait3A_72 = tpu.memref_squeeze %dma_wait3A_71 : memref<1x64xi32, #tpu.memory_space<vmem>> -> memref<64xi32, #tpu.memory_space<vmem>>
      %dma_wait3A_73 = arith.constant 0 : i32
      %dma_wait3A_74 = tpu.memref_slice %arg4[%dma_wait3A_73] : memref<10240xf32, #tpu.memory_space<vmem_shared>> -> memref<10240xf32, #tpu.memory_space<vmem_shared>>
      %dma_wait3A_75 = tpu.memref_slice %arg8[%dma_wait3A_69] : memref<4x!tpu.dma_semaphore, #tpu.memory_space<semaphore_mem>> -> memref<1x!tpu.dma_semaphore, #tpu.memory_space<semaphore_mem>>
      %dma_wait3A_76 = tpu.memref_squeeze %dma_wait3A_75 : memref<1x!tpu.dma_semaphore, #tpu.memory_space<semaphore_mem>> -> memref<!tpu.dma_semaphore, #tpu.memory_space<semaphore_mem>>
      tpu.wait_indirect_dma semaphore(%dma_wait3A_76 : memref<!tpu.dma_semaphore, #tpu.memory_space<semaphore_mem>>) src(%arg6 : memref<64xf32, #tpu.memory_space<vmem>>) dst(%dma_wait3A_74 : memref<10240xf32, #tpu.memory_space<vmem_shared>>)
      %dma_wait3A_77 = arith.constant 37 : i32
      %dma_wait3A_78 = arith.constant 1 : i32
      %dma_wait3A_79 = arith.constant 0 : i32
      %dma_wait3A_80 = tpu.memref_slice %arg7[%dma_wait3A_77, %dma_wait3A_79] : memref<40x64xi32, #tpu.memory_space<vmem>> -> memref<1x64xi32, #tpu.memory_space<vmem>>
      %dma_wait3A_81 = tpu.memref_squeeze %dma_wait3A_80 : memref<1x64xi32, #tpu.memory_space<vmem>> -> memref<64xi32, #tpu.memory_space<vmem>>
      %dma_wait3A_82 = arith.constant 0 : i32
      %dma_wait3A_83 = tpu.memref_slice %arg4[%dma_wait3A_82] : memref<10240xf32, #tpu.memory_space<vmem_shared>> -> memref<10240xf32, #tpu.memory_space<vmem_shared>>
      %dma_wait3A_84 = tpu.memref_slice %arg8[%dma_wait3A_78] : memref<4x!tpu.dma_semaphore, #tpu.memory_space<semaphore_mem>> -> memref<1x!tpu.dma_semaphore, #tpu.memory_space<semaphore_mem>>
      %dma_wait3A_85 = tpu.memref_squeeze %dma_wait3A_84 : memref<1x!tpu.dma_semaphore, #tpu.memory_space<semaphore_mem>> -> memref<!tpu.dma_semaphore, #tpu.memory_space<semaphore_mem>>
      tpu.wait_indirect_dma semaphore(%dma_wait3A_85 : memref<!tpu.dma_semaphore, #tpu.memory_space<semaphore_mem>>) src(%arg6 : memref<64xf32, #tpu.memory_space<vmem>>) dst(%dma_wait3A_83 : memref<10240xf32, #tpu.memory_space<vmem_shared>>)
      %dma_wait3A_86 = arith.constant 38 : i32
      %dma_wait3A_87 = arith.constant 2 : i32
      %dma_wait3A_88 = arith.constant 0 : i32
      %dma_wait3A_89 = tpu.memref_slice %arg7[%dma_wait3A_86, %dma_wait3A_88] : memref<40x64xi32, #tpu.memory_space<vmem>> -> memref<1x64xi32, #tpu.memory_space<vmem>>
      %dma_wait3A_90 = tpu.memref_squeeze %dma_wait3A_89 : memref<1x64xi32, #tpu.memory_space<vmem>> -> memref<64xi32, #tpu.memory_space<vmem>>
      %dma_wait3A_91 = arith.constant 0 : i32
      %dma_wait3A_92 = tpu.memref_slice %arg4[%dma_wait3A_91] : memref<10240xf32, #tpu.memory_space<vmem_shared>> -> memref<10240xf32, #tpu.memory_space<vmem_shared>>
      %dma_wait3A_93 = tpu.memref_slice %arg8[%dma_wait3A_87] : memref<4x!tpu.dma_semaphore, #tpu.memory_space<semaphore_mem>> -> memref<1x!tpu.dma_semaphore, #tpu.memory_space<semaphore_mem>>
      %dma_wait3A_94 = tpu.memref_squeeze %dma_wait3A_93 : memref<1x!tpu.dma_semaphore, #tpu.memory_space<semaphore_mem>> -> memref<!tpu.dma_semaphore, #tpu.memory_space<semaphore_mem>>
      tpu.wait_indirect_dma semaphore(%dma_wait3A_94 : memref<!tpu.dma_semaphore, #tpu.memory_space<semaphore_mem>>) src(%arg6 : memref<64xf32, #tpu.memory_space<vmem>>) dst(%dma_wait3A_92 : memref<10240xf32, #tpu.memory_space<vmem_shared>>)
      %dma_wait3A_95 = arith.constant 39 : i32
      %dma_wait3A_96 = arith.constant 3 : i32
      %dma_wait3A_97 = arith.constant 0 : i32
      %dma_wait3A_98 = tpu.memref_slice %arg7[%dma_wait3A_95, %dma_wait3A_97] : memref<40x64xi32, #tpu.memory_space<vmem>> -> memref<1x64xi32, #tpu.memory_space<vmem>>
      %dma_wait3A_99 = tpu.memref_squeeze %dma_wait3A_98 : memref<1x64xi32, #tpu.memory_space<vmem>> -> memref<64xi32, #tpu.memory_space<vmem>>
      %dma_wait3A_100 = arith.constant 0 : i32
      %dma_wait3A_101 = tpu.memref_slice %arg4[%dma_wait3A_100] : memref<10240xf32, #tpu.memory_space<vmem_shared>> -> memref<10240xf32, #tpu.memory_space<vmem_shared>>
      %dma_wait3A_102 = tpu.memref_slice %arg8[%dma_wait3A_96] : memref<4x!tpu.dma_semaphore, #tpu.memory_space<semaphore_mem>> -> memref<1x!tpu.dma_semaphore, #tpu.memory_space<semaphore_mem>>
      %dma_wait3A_103 = tpu.memref_squeeze %dma_wait3A_102 : memref<1x!tpu.dma_semaphore, #tpu.memory_space<semaphore_mem>> -> memref<!tpu.dma_semaphore, #tpu.memory_space<semaphore_mem>>
      tpu.wait_indirect_dma semaphore(%dma_wait3A_103 : memref<!tpu.dma_semaphore, #tpu.memory_space<semaphore_mem>>) src(%arg6 : memref<64xf32, #tpu.memory_space<vmem>>) dst(%dma_wait3A_101 : memref<10240xf32, #tpu.memory_space<vmem_shared>>)
    }
    %scan3A_16 = arith.constant 4 : i32
    %barrier3A_17 = arith.constant 0 : index
    tpu.barrier barrier_id(%barrier3A_17)
    %mul3A_18 = arith.constant 640 : i32
    %mul3A_19 = arith.muli %arg1, %mul3A_18 : i32
    %mul3A_20 = arith.constant 640 : i32
    %mul3A_21 = arith.muli %arg1, %mul3A_20 : i32
    "tpu.region"() ({
      %run_scoped3A = tpu.sem_alloc : memref<!tpu.dma_semaphore, #tpu.memory_space<semaphore_mem>>
      %dma_start3A = tpu.memref_slice %arg3[%arg0, %mul3A_21] : memref<2x10240xf32, #tpu.memory_space<hbm>> -> memref<1x640xf32, #tpu.memory_space<hbm>>
      %dma_start3A_22 = tpu.memref_squeeze %dma_start3A : memref<1x640xf32, #tpu.memory_space<hbm>> -> memref<640xf32, #tpu.memory_space<hbm>>
      %dma_start3A_23 = tpu.memref_slice %arg4[%mul3A_19] : memref<10240xf32, #tpu.memory_space<vmem_shared>> -> memref<640xf32, #tpu.memory_space<vmem_shared>>
      tpu.enqueue_dma source(%dma_start3A_23 : memref<640xf32, #tpu.memory_space<vmem_shared>>) target(%dma_start3A_22 : memref<640xf32, #tpu.memory_space<hbm>>) target_semaphore(%run_scoped3A : memref<!tpu.dma_semaphore, #tpu.memory_space<semaphore_mem>>)
      %dma_wait3A = tpu.memref_slice %arg3[%arg0, %mul3A_21] : memref<2x10240xf32, #tpu.memory_space<hbm>> -> memref<1x640xf32, #tpu.memory_space<hbm>>
      %dma_wait3A_24 = tpu.memref_squeeze %dma_wait3A : memref<1x640xf32, #tpu.memory_space<hbm>> -> memref<640xf32, #tpu.memory_space<hbm>>
      %dma_wait3A_25 = tpu.memref_slice %arg4[%mul3A_19] : memref<10240xf32, #tpu.memory_space<vmem_shared>> -> memref<640xf32, #tpu.memory_space<vmem_shared>>
      tpu.wait_dma2 semaphore(%run_scoped3A : memref<!tpu.dma_semaphore, #tpu.memory_space<semaphore_mem>>) src(%dma_wait3A_25 : memref<640xf32, #tpu.memory_space<vmem_shared>>) dst(%dma_wait3A_24 : memref<640xf32, #tpu.memory_space<hbm>>)
      tpu.yield
    }) : () -> ()
    return
  }
}

#map = affine_map<(d0, d1) -> (0, 0)>
#map1 = affine_map<(d0, d1) -> (0, 0, 0)>
module attributes {stable_mosaic.version = 14 : i64} {
  func.func @_agg_kernel(%arg0: i32, %arg1: i32, %arg2: memref<10000x128xf32, #tpu.memory_space<hbm>>, %arg3: memref<32x160x64xi32, #tpu.memory_space<hbm>>, %arg4: memref<32x160x64xi32, #tpu.memory_space<hbm>>, %arg5: memref<2x10240x128xf32, #tpu.memory_space<hbm>>, %arg6: memref<10240x128xf32, #tpu.memory_space<vmem_shared>>, %arg7: memref<4x64x128xf32, #tpu.memory_space<vmem>>, %arg8: memref<2x16x64xi32, #tpu.memory_space<vmem>>, %arg9: memref<2x16x64xi32, #tpu.memory_space<vmem>>, %arg10: memref<4x!tpu.dma_semaphore, #tpu.memory_space<semaphore_mem>>, %arg11: memref<4x!tpu.dma_semaphore, #tpu.memory_space<semaphore_mem>>, %arg12: memref<2x2x!tpu.dma_semaphore, #tpu.memory_space<semaphore_mem>>) attributes {dimension_semantics = [#tpu.dimension_semantics<core_parallel>, #tpu.dimension_semantics<subcore_parallel>], iteration_bounds = array<i64: 2, 16>, scalar_prefetch = 0 : i64, scratch_operands = 7 : i64, tpu.core_type = #tpu.core_type<sc_vector_subcore>, window_params = [{transform_indices = #map}, {transform_indices = #map1}, {transform_indices = #map1}, {transform_indices = #map1}]} {
    %mul3A = arith.constant 16 : i32
    %mul3A_0 = arith.muli %arg0, %mul3A : i32
    %add3A = arith.addi %mul3A_0, %arg1 : i32
    %scan3A = arith.constant 0 : i32
    %scan3A_1 = arith.constant 64 : i32
    %scan3A_2 = arith.addi %scan3A, %scan3A_1 : i32
    %scan3A_3 = arith.constant 1 : i32
    scf.for %scan3A_166 = %scan3A to %scan3A_2 step %scan3A_3  : i32 {
      %mul3A_167 = arith.constant 1 : i32
      %mul3A_168 = arith.muli %scan3A_166, %mul3A_167 : i32
      %add3A_169 = arith.constant 0 : i32
      %add3A_170 = arith.addi %add3A_169, %mul3A_168 : i32
      %scan3A_171 = arith.constant 0 : i32
      %scan3A_172 = arith.constant 8 : i32
      %scan3A_173 = arith.addi %scan3A_171, %scan3A_172 : i32
      %scan3A_174 = arith.constant 1 : i32
      scf.for %scan3A_176 = %scan3A_171 to %scan3A_173 step %scan3A_174  : i32 {
        %mul3A_177 = arith.constant 1 : i32
        %mul3A_178 = arith.muli %scan3A_176, %mul3A_177 : i32
        %add3A_179 = arith.constant 0 : i32
        %add3A_180 = arith.addi %add3A_179, %mul3A_178 : i32
        %broadcast_in_dim3A = arith.constant 0.000000e+00 : f32
        %broadcast_in_dim3A_181 = vector.broadcast %broadcast_in_dim3A : f32 to vector<1x1x16xf32>
        %mul3A_182 = arith.constant 16 : i32
        %mul3A_183 = arith.muli %add3A_180, %mul3A_182 : i32
        %swap3A = arith.constant 0 : index
        %swap3A_184 = arith.index_cast %add3A_170 : i32 to index
        %swap3A_185 = arith.index_cast %mul3A_183 : i32 to index
        %swap3A_186 = tpu.vector_load %arg7[%swap3A, %swap3A_184, %swap3A_185] {strides = array<i32>} : memref<4x64x128xf32, #tpu.memory_space<vmem>>, vector<1x1x16xf32>,
        %swap3A_187 = vector.shape_cast %swap3A_186 : vector<1x1x16xf32> to vector<1x1x16xf32>
        %swap3A_188 = vector.shape_cast %broadcast_in_dim3A_181 : vector<1x1x16xf32> to vector<1x1x16xf32>
        tpu.vector_store %arg7[%swap3A, %swap3A_184, %swap3A_185], %swap3A_188 {strides = array<i32>} : memref<4x64x128xf32, #tpu.memory_space<vmem>>, vector<1x1x16xf32>,
      }
      %scan3A_175 = arith.constant 8 : i32
    }
    %scan3A_4 = arith.constant 64 : i32
    %scan3A_5 = arith.constant 0 : i32
    %scan3A_6 = arith.constant 10 : i32
    %scan3A_7 = arith.addi %scan3A_5, %scan3A_6 : i32
    %scan3A_8 = arith.constant 1 : i32
    scf.for %scan3A_166 = %scan3A_5 to %scan3A_7 step %scan3A_8  : i32 {
      %mul3A_167 = arith.constant 1 : i32
      %mul3A_168 = arith.muli %scan3A_166, %mul3A_167 : i32
      %add3A_169 = arith.constant 0 : i32
      %add3A_170 = arith.addi %add3A_169, %mul3A_168 : i32
      %mul3A_171 = arith.constant 640 : i32
      %mul3A_172 = arith.muli %arg1, %mul3A_171 : i32
      %mul3A_173 = arith.constant 64 : i32
      %mul3A_174 = arith.muli %add3A_170, %mul3A_173 : i32
      %add3A_175 = arith.addi %mul3A_172, %mul3A_174 : i32
      %run_scoped3A = arith.constant 0 : i32
      "tpu.region"() ({
        %run_scoped3A_176 = tpu.sem_alloc : memref<!tpu.dma_semaphore, #tpu.memory_space<semaphore_mem>>
        %dma_start3A_177 = arith.constant 0 : i32
        %dma_start3A_178 = arith.constant 0 : i32
        %dma_start3A_179 = tpu.memref_slice %arg7[%run_scoped3A, %dma_start3A_177, %dma_start3A_178] : memref<4x64x128xf32, #tpu.memory_space<vmem>> -> memref<1x64x128xf32, #tpu.memory_space<vmem>>
        %dma_start3A_180 = tpu.memref_squeeze %dma_start3A_179 : memref<1x64x128xf32, #tpu.memory_space<vmem>> -> memref<64x128xf32, #tpu.memory_space<vmem>>
        %dma_start3A_181 = arith.constant 0 : i32
        %dma_start3A_182 = tpu.memref_slice %arg6[%add3A_175, %dma_start3A_181] : memref<10240x128xf32, #tpu.memory_space<vmem_shared>> -> memref<64x128xf32, #tpu.memory_space<vmem_shared>>
        %dma_start3A_183 = arith.constant 0 : i32
        %dma_start3A_184 = tpu.memref_slice %arg6[%add3A_175, %dma_start3A_183] : memref<10240x128xf32, #tpu.memory_space<vmem_shared>> -> memref<64x128xf32, #tpu.memory_space<vmem_shared>>
        %dma_start3A_185 = arith.constant 0 : i32
        %dma_start3A_186 = arith.constant 0 : i32
        %dma_start3A_187 = tpu.memref_slice %arg7[%run_scoped3A, %dma_start3A_185, %dma_start3A_186] : memref<4x64x128xf32, #tpu.memory_space<vmem>> -> memref<1x64x128xf32, #tpu.memory_space<vmem>>
        %dma_start3A_188 = tpu.memref_squeeze %dma_start3A_187 : memref<1x64x128xf32, #tpu.memory_space<vmem>> -> memref<64x128xf32, #tpu.memory_space<vmem>>
        tpu.enqueue_dma source(%dma_start3A_188 : memref<64x128xf32, #tpu.memory_space<vmem>>) target(%dma_start3A_184 : memref<64x128xf32, #tpu.memory_space<vmem_shared>>) target_semaphore(%run_scoped3A_176 : memref<!tpu.dma_semaphore, #tpu.memory_space<semaphore_mem>>)
        %dma_wait3A_189 = arith.constant 0 : i32
        %dma_wait3A_190 = arith.constant 0 : i32
        %dma_wait3A_191 = tpu.memref_slice %arg7[%run_scoped3A, %dma_wait3A_189, %dma_wait3A_190] : memref<4x64x128xf32, #tpu.memory_space<vmem>> -> memref<1x64x128xf32, #tpu.memory_space<vmem>>
        %dma_wait3A_192 = tpu.memref_squeeze %dma_wait3A_191 : memref<1x64x128xf32, #tpu.memory_space<vmem>> -> memref<64x128xf32, #tpu.memory_space<vmem>>
        %dma_wait3A_193 = arith.constant 0 : i32
        %dma_wait3A_194 = tpu.memref_slice %arg6[%add3A_175, %dma_wait3A_193] : memref<10240x128xf32, #tpu.memory_space<vmem_shared>> -> memref<64x128xf32, #tpu.memory_space<vmem_shared>>
        %dma_wait3A_195 = arith.constant 0 : i32
        %dma_wait3A_196 = tpu.memref_slice %arg6[%add3A_175, %dma_wait3A_195] : memref<10240x128xf32, #tpu.memory_space<vmem_shared>> -> memref<64x128xf32, #tpu.memory_space<vmem_shared>>
        %dma_wait3A_197 = arith.constant 0 : i32
        %dma_wait3A_198 = arith.constant 0 : i32
        %dma_wait3A_199 = tpu.memref_slice %arg7[%run_scoped3A, %dma_wait3A_197, %dma_wait3A_198] : memref<4x64x128xf32, #tpu.memory_space<vmem>> -> memref<1x64x128xf32, #tpu.memory_space<vmem>>
        %dma_wait3A_200 = tpu.memref_squeeze %dma_wait3A_199 : memref<1x64x128xf32, #tpu.memory_space<vmem>> -> memref<64x128xf32, #tpu.memory_space<vmem>>
        tpu.wait_dma2 semaphore(%run_scoped3A_176 : memref<!tpu.dma_semaphore, #tpu.memory_space<semaphore_mem>>) src(%dma_wait3A_200 : memref<64x128xf32, #tpu.memory_space<vmem>>) dst(%dma_wait3A_196 : memref<64x128xf32, #tpu.memory_space<vmem_shared>>)
        tpu.yield
      }) : () -> ()
    }
    %scan3A_9 = arith.constant 10 : i32
    %barrier3A = arith.constant 0 : index
    tpu.barrier barrier_id(%barrier3A)
    %dma_start3A = arith.constant 0 : i32
    %dma_start3A_10 = arith.constant 0 : i32
    %dma_start3A_11 = arith.constant 0 : i32
    %dma_start3A_12 = arith.constant 0 : i32
    %dma_start3A_13 = arith.constant 0 : i32
    %dma_start3A_14 = tpu.memref_slice %arg8[%dma_start3A, %dma_start3A_12, %dma_start3A_13] : memref<2x16x64xi32, #tpu.memory_space<vmem>> -> memref<1x16x64xi32, #tpu.memory_space<vmem>>
    %dma_start3A_15 = tpu.memref_squeeze %dma_start3A_14 : memref<1x16x64xi32, #tpu.memory_space<vmem>> -> memref<16x64xi32, #tpu.memory_space<vmem>>
    %dma_start3A_16 = arith.constant 0 : i32
    %dma_start3A_17 = arith.constant 0 : i32
    %dma_start3A_18 = tpu.memref_slice %arg3[%add3A, %dma_start3A_16, %dma_start3A_17] : memref<32x160x64xi32, #tpu.memory_space<hbm>> -> memref<1x16x64xi32, #tpu.memory_space<hbm>>
    %dma_start3A_19 = tpu.memref_squeeze %dma_start3A_18 : memref<1x16x64xi32, #tpu.memory_space<hbm>> -> memref<16x64xi32, #tpu.memory_space<hbm>>
    %dma_start3A_20 = tpu.memref_slice %arg12[%dma_start3A_10, %dma_start3A_11] : memref<2x2x!tpu.dma_semaphore, #tpu.memory_space<semaphore_mem>> -> memref<1x1x!tpu.dma_semaphore, #tpu.memory_space<semaphore_mem>>
    %dma_start3A_21 = tpu.memref_squeeze %dma_start3A_20 : memref<1x1x!tpu.dma_semaphore, #tpu.memory_space<semaphore_mem>> -> memref<!tpu.dma_semaphore, #tpu.memory_space<semaphore_mem>>
    %dma_start3A_22 = arith.constant 0 : i32
    %dma_start3A_23 = arith.constant 0 : i32
    %dma_start3A_24 = tpu.memref_slice %arg8[%dma_start3A, %dma_start3A_22, %dma_start3A_23] : memref<2x16x64xi32, #tpu.memory_space<vmem>> -> memref<1x16x64xi32, #tpu.memory_space<vmem>>
    %dma_start3A_25 = tpu.memref_squeeze %dma_start3A_24 : memref<1x16x64xi32, #tpu.memory_space<vmem>> -> memref<16x64xi32, #tpu.memory_space<vmem>>
    %dma_start3A_26 = arith.constant 0 : i32
    %dma_start3A_27 = arith.constant 0 : i32
    %dma_start3A_28 = tpu.memref_slice %arg3[%add3A, %dma_start3A_26, %dma_start3A_27] : memref<32x160x64xi32, #tpu.memory_space<hbm>> -> memref<1x16x64xi32, #tpu.memory_space<hbm>>
    %dma_start3A_29 = tpu.memref_squeeze %dma_start3A_28 : memref<1x16x64xi32, #tpu.memory_space<hbm>> -> memref<16x64xi32, #tpu.memory_space<hbm>>
    tpu.enqueue_dma source(%dma_start3A_29 : memref<16x64xi32, #tpu.memory_space<hbm>>) target(%dma_start3A_25 : memref<16x64xi32, #tpu.memory_space<vmem>>) target_semaphore(%dma_start3A_21 : memref<!tpu.dma_semaphore, #tpu.memory_space<semaphore_mem>>)
    %dma_start3A_30 = arith.constant 0 : i32
    %dma_start3A_31 = arith.constant 0 : i32
    %dma_start3A_32 = arith.constant 1 : i32
    %dma_start3A_33 = arith.constant 0 : i32
    %dma_start3A_34 = arith.constant 0 : i32
    %dma_start3A_35 = tpu.memref_slice %arg9[%dma_start3A_30, %dma_start3A_33, %dma_start3A_34] : memref<2x16x64xi32, #tpu.memory_space<vmem>> -> memref<1x16x64xi32, #tpu.memory_space<vmem>>
    %dma_start3A_36 = tpu.memref_squeeze %dma_start3A_35 : memref<1x16x64xi32, #tpu.memory_space<vmem>> -> memref<16x64xi32, #tpu.memory_space<vmem>>
    %dma_start3A_37 = arith.constant 0 : i32
    %dma_start3A_38 = arith.constant 0 : i32
    %dma_start3A_39 = tpu.memref_slice %arg4[%add3A, %dma_start3A_37, %dma_start3A_38] : memref<32x160x64xi32, #tpu.memory_space<hbm>> -> memref<1x16x64xi32, #tpu.memory_space<hbm>>
    %dma_start3A_40 = tpu.memref_squeeze %dma_start3A_39 : memref<1x16x64xi32, #tpu.memory_space<hbm>> -> memref<16x64xi32, #tpu.memory_space<hbm>>
    %dma_start3A_41 = tpu.memref_slice %arg12[%dma_start3A_31, %dma_start3A_32] : memref<2x2x!tpu.dma_semaphore, #tpu.memory_space<semaphore_mem>> -> memref<1x1x!tpu.dma_semaphore, #tpu.memory_space<semaphore_mem>>
    %dma_start3A_42 = tpu.memref_squeeze %dma_start3A_41 : memref<1x1x!tpu.dma_semaphore, #tpu.memory_space<semaphore_mem>> -> memref<!tpu.dma_semaphore, #tpu.memory_space<semaphore_mem>>
    %dma_start3A_43 = arith.constant 0 : i32
    %dma_start3A_44 = arith.constant 0 : i32
    %dma_start3A_45 = tpu.memref_slice %arg9[%dma_start3A_30, %dma_start3A_43, %dma_start3A_44] : memref<2x16x64xi32, #tpu.memory_space<vmem>> -> memref<1x16x64xi32, #tpu.memory_space<vmem>>
    %dma_start3A_46 = tpu.memref_squeeze %dma_start3A_45 : memref<1x16x64xi32, #tpu.memory_space<vmem>> -> memref<16x64xi32, #tpu.memory_space<vmem>>
    %dma_start3A_47 = arith.constant 0 : i32
    %dma_start3A_48 = arith.constant 0 : i32
    %dma_start3A_49 = tpu.memref_slice %arg4[%add3A, %dma_start3A_47, %dma_start3A_48] : memref<32x160x64xi32, #tpu.memory_space<hbm>> -> memref<1x16x64xi32, #tpu.memory_space<hbm>>
    %dma_start3A_50 = tpu.memref_squeeze %dma_start3A_49 : memref<1x16x64xi32, #tpu.memory_space<hbm>> -> memref<16x64xi32, #tpu.memory_space<hbm>>
    tpu.enqueue_dma source(%dma_start3A_50 : memref<16x64xi32, #tpu.memory_space<hbm>>) target(%dma_start3A_46 : memref<16x64xi32, #tpu.memory_space<vmem>>) target_semaphore(%dma_start3A_42 : memref<!tpu.dma_semaphore, #tpu.memory_space<semaphore_mem>>)
    %dma_wait3A = arith.constant 0 : i32
    %dma_wait3A_51 = arith.constant 0 : i32
    %dma_wait3A_52 = arith.constant 0 : i32
    %dma_wait3A_53 = arith.constant 0 : i32
    %dma_wait3A_54 = arith.constant 0 : i32
    %dma_wait3A_55 = tpu.memref_slice %arg8[%dma_wait3A, %dma_wait3A_53, %dma_wait3A_54] : memref<2x16x64xi32, #tpu.memory_space<vmem>> -> memref<1x16x64xi32, #tpu.memory_space<vmem>>
    %dma_wait3A_56 = tpu.memref_squeeze %dma_wait3A_55 : memref<1x16x64xi32, #tpu.memory_space<vmem>> -> memref<16x64xi32, #tpu.memory_space<vmem>>
    %dma_wait3A_57 = arith.constant 0 : i32
    %dma_wait3A_58 = arith.constant 0 : i32
    %dma_wait3A_59 = tpu.memref_slice %arg3[%add3A, %dma_wait3A_57, %dma_wait3A_58] : memref<32x160x64xi32, #tpu.memory_space<hbm>> -> memref<1x16x64xi32, #tpu.memory_space<hbm>>
    %dma_wait3A_60 = tpu.memref_squeeze %dma_wait3A_59 : memref<1x16x64xi32, #tpu.memory_space<hbm>> -> memref<16x64xi32, #tpu.memory_space<hbm>>
    %dma_wait3A_61 = tpu.memref_slice %arg12[%dma_wait3A_51, %dma_wait3A_52] : memref<2x2x!tpu.dma_semaphore, #tpu.memory_space<semaphore_mem>> -> memref<1x1x!tpu.dma_semaphore, #tpu.memory_space<semaphore_mem>>
    %dma_wait3A_62 = tpu.memref_squeeze %dma_wait3A_61 : memref<1x1x!tpu.dma_semaphore, #tpu.memory_space<semaphore_mem>> -> memref<!tpu.dma_semaphore, #tpu.memory_space<semaphore_mem>>
    %dma_wait3A_63 = arith.constant 0 : i32
    %dma_wait3A_64 = arith.constant 0 : i32
    %dma_wait3A_65 = tpu.memref_slice %arg8[%dma_wait3A, %dma_wait3A_63, %dma_wait3A_64] : memref<2x16x64xi32, #tpu.memory_space<vmem>> -> memref<1x16x64xi32, #tpu.memory_space<vmem>>
    %dma_wait3A_66 = tpu.memref_squeeze %dma_wait3A_65 : memref<1x16x64xi32, #tpu.memory_space<vmem>> -> memref<16x64xi32, #tpu.memory_space<vmem>>
    %dma_wait3A_67 = arith.constant 0 : i32
    %dma_wait3A_68 = arith.constant 0 : i32
    %dma_wait3A_69 = tpu.memref_slice %arg3[%add3A, %dma_wait3A_67, %dma_wait3A_68] : memref<32x160x64xi32, #tpu.memory_space<hbm>> -> memref<1x16x64xi32, #tpu.memory_space<hbm>>
    %dma_wait3A_70 = tpu.memref_squeeze %dma_wait3A_69 : memref<1x16x64xi32, #tpu.memory_space<hbm>> -> memref<16x64xi32, #tpu.memory_space<hbm>>
    tpu.wait_dma2 semaphore(%dma_wait3A_62 : memref<!tpu.dma_semaphore, #tpu.memory_space<semaphore_mem>>) src(%dma_wait3A_70 : memref<16x64xi32, #tpu.memory_space<hbm>>) dst(%dma_wait3A_66 : memref<16x64xi32, #tpu.memory_space<vmem>>)
    %dma_wait3A_71 = arith.constant 0 : i32
    %dma_wait3A_72 = arith.constant 0 : i32
    %dma_wait3A_73 = arith.constant 1 : i32
    %dma_wait3A_74 = arith.constant 0 : i32
    %dma_wait3A_75 = arith.constant 0 : i32
    %dma_wait3A_76 = tpu.memref_slice %arg9[%dma_wait3A_71, %dma_wait3A_74, %dma_wait3A_75] : memref<2x16x64xi32, #tpu.memory_space<vmem>> -> memref<1x16x64xi32, #tpu.memory_space<vmem>>
    %dma_wait3A_77 = tpu.memref_squeeze %dma_wait3A_76 : memref<1x16x64xi32, #tpu.memory_space<vmem>> -> memref<16x64xi32, #tpu.memory_space<vmem>>
    %dma_wait3A_78 = arith.constant 0 : i32
    %dma_wait3A_79 = arith.constant 0 : i32
    %dma_wait3A_80 = tpu.memref_slice %arg4[%add3A, %dma_wait3A_78, %dma_wait3A_79] : memref<32x160x64xi32, #tpu.memory_space<hbm>> -> memref<1x16x64xi32, #tpu.memory_space<hbm>>
    %dma_wait3A_81 = tpu.memref_squeeze %dma_wait3A_80 : memref<1x16x64xi32, #tpu.memory_space<hbm>> -> memref<16x64xi32, #tpu.memory_space<hbm>>
    %dma_wait3A_82 = tpu.memref_slice %arg12[%dma_wait3A_72, %dma_wait3A_73] : memref<2x2x!tpu.dma_semaphore, #tpu.memory_space<semaphore_mem>> -> memref<1x1x!tpu.dma_semaphore, #tpu.memory_space<semaphore_mem>>
    %dma_wait3A_83 = tpu.memref_squeeze %dma_wait3A_82 : memref<1x1x!tpu.dma_semaphore, #tpu.memory_space<semaphore_mem>> -> memref<!tpu.dma_semaphore, #tpu.memory_space<semaphore_mem>>
    %dma_wait3A_84 = arith.constant 0 : i32
    %dma_wait3A_85 = arith.constant 0 : i32
    %dma_wait3A_86 = tpu.memref_slice %arg9[%dma_wait3A_71, %dma_wait3A_84, %dma_wait3A_85] : memref<2x16x64xi32, #tpu.memory_space<vmem>> -> memref<1x16x64xi32, #tpu.memory_space<vmem>>
    %dma_wait3A_87 = tpu.memref_squeeze %dma_wait3A_86 : memref<1x16x64xi32, #tpu.memory_space<vmem>> -> memref<16x64xi32, #tpu.memory_space<vmem>>
    %dma_wait3A_88 = arith.constant 0 : i32
    %dma_wait3A_89 = arith.constant 0 : i32
    %dma_wait3A_90 = tpu.memref_slice %arg4[%add3A, %dma_wait3A_88, %dma_wait3A_89] : memref<32x160x64xi32, #tpu.memory_space<hbm>> -> memref<1x16x64xi32, #tpu.memory_space<hbm>>
    %dma_wait3A_91 = tpu.memref_squeeze %dma_wait3A_90 : memref<1x16x64xi32, #tpu.memory_space<hbm>> -> memref<16x64xi32, #tpu.memory_space<hbm>>
    tpu.wait_dma2 semaphore(%dma_wait3A_83 : memref<!tpu.dma_semaphore, #tpu.memory_space<semaphore_mem>>) src(%dma_wait3A_91 : memref<16x64xi32, #tpu.memory_space<hbm>>) dst(%dma_wait3A_87 : memref<16x64xi32, #tpu.memory_space<vmem>>)
    %dma_start3A_92 = arith.constant 0 : i32
    %dma_start3A_93 = arith.constant 0 : i32
    %dma_start3A_94 = arith.constant 0 : i32
    %dma_start3A_95 = arith.constant 0 : i32
    %dma_start3A_96 = arith.constant 0 : i32
    %dma_start3A_97 = arith.constant 0 : i32
    %dma_start3A_98 = tpu.memref_slice %arg7[%dma_start3A_94, %dma_start3A_96, %dma_start3A_97] : memref<4x64x128xf32, #tpu.memory_space<vmem>> -> memref<1x64x128xf32, #tpu.memory_space<vmem>>
    %dma_start3A_99 = tpu.memref_squeeze %dma_start3A_98 : memref<1x64x128xf32, #tpu.memory_space<vmem>> -> memref<64x128xf32, #tpu.memory_space<vmem>>
    %dma_start3A_100 = arith.constant 0 : i32
    %dma_start3A_101 = tpu.memref_slice %arg8[%dma_start3A_92, %dma_start3A_93, %dma_start3A_100] : memref<2x16x64xi32, #tpu.memory_space<vmem>> -> memref<1x1x64xi32, #tpu.memory_space<vmem>>
    %dma_start3A_102 = tpu.memref_squeeze %dma_start3A_101 : memref<1x1x64xi32, #tpu.memory_space<vmem>> -> memref<64xi32, #tpu.memory_space<vmem>>
    %dma_start3A_103 = arith.constant 0 : i32
    %dma_start3A_104 = arith.constant 0 : i32
    %dma_start3A_105 = tpu.memref_slice %arg2[%dma_start3A_103, %dma_start3A_104] : memref<10000x128xf32, #tpu.memory_space<hbm>> -> memref<10000x128xf32, #tpu.memory_space<hbm>>
    %dma_start3A_106 = tpu.memref_slice %arg10[%dma_start3A_95] : memref<4x!tpu.dma_semaphore, #tpu.memory_space<semaphore_mem>> -> memref<1x!tpu.dma_semaphore, #tpu.memory_space<semaphore_mem>>
    %dma_start3A_107 = tpu.memref_squeeze %dma_start3A_106 : memref<1x!tpu.dma_semaphore, #tpu.memory_space<semaphore_mem>> -> memref<!tpu.dma_semaphore, #tpu.memory_space<semaphore_mem>>
    tpu.enqueue_indirect_dma source(%dma_start3A_105 : memref<10000x128xf32, #tpu.memory_space<hbm>>) target(%dma_start3A_99 : memref<64x128xf32, #tpu.memory_space<vmem>>) offsets(%dma_start3A_102 : memref<64xi32, #tpu.memory_space<vmem>>) semaphore(%dma_start3A_107 : memref<!tpu.dma_semaphore, #tpu.memory_space<semaphore_mem>>)
    %dma_start3A_108 = arith.constant 0 : i32
    %dma_start3A_109 = arith.constant 1 : i32
    %dma_start3A_110 = arith.constant 1 : i32
    %dma_start3A_111 = arith.constant 1 : i32
    %dma_start3A_112 = arith.constant 0 : i32
    %dma_start3A_113 = arith.constant 0 : i32
    %dma_start3A_114 = tpu.memref_slice %arg7[%dma_start3A_110, %dma_start3A_112, %dma_start3A_113] : memref<4x64x128xf32, #tpu.memory_space<vmem>> -> memref<1x64x128xf32, #tpu.memory_space<vmem>>
    %dma_start3A_115 = tpu.memref_squeeze %dma_start3A_114 : memref<1x64x128xf32, #tpu.memory_space<vmem>> -> memref<64x128xf32, #tpu.memory_space<vmem>>
    %dma_start3A_116 = arith.constant 0 : i32
    %dma_start3A_117 = tpu.memref_slice %arg8[%dma_start3A_108, %dma_start3A_109, %dma_start3A_116] : memref<2x16x64xi32, #tpu.memory_space<vmem>> -> memref<1x1x64xi32, #tpu.memory_space<vmem>>
    %dma_start3A_118 = tpu.memref_squeeze %dma_start3A_117 : memref<1x1x64xi32, #tpu.memory_space<vmem>> -> memref<64xi32, #tpu.memory_space<vmem>>
    %dma_start3A_119 = arith.constant 0 : i32
    %dma_start3A_120 = arith.constant 0 : i32
    %dma_start3A_121 = tpu.memref_slice %arg2[%dma_start3A_119, %dma_start3A_120] : memref<10000x128xf32, #tpu.memory_space<hbm>> -> memref<10000x128xf32, #tpu.memory_space<hbm>>
    %dma_start3A_122 = tpu.memref_slice %arg10[%dma_start3A_111] : memref<4x!tpu.dma_semaphore, #tpu.memory_space<semaphore_mem>> -> memref<1x!tpu.dma_semaphore, #tpu.memory_space<semaphore_mem>>
    %dma_start3A_123 = tpu.memref_squeeze %dma_start3A_122 : memref<1x!tpu.dma_semaphore, #tpu.memory_space<semaphore_mem>> -> memref<!tpu.dma_semaphore, #tpu.memory_space<semaphore_mem>>
    tpu.enqueue_indirect_dma source(%dma_start3A_121 : memref<10000x128xf32, #tpu.memory_space<hbm>>) target(%dma_start3A_115 : memref<64x128xf32, #tpu.memory_space<vmem>>) offsets(%dma_start3A_118 : memref<64xi32, #tpu.memory_space<vmem>>) semaphore(%dma_start3A_123 : memref<!tpu.dma_semaphore, #tpu.memory_space<semaphore_mem>>)
    %dma_start3A_124 = arith.constant 0 : i32
    %dma_start3A_125 = arith.constant 2 : i32
    %dma_start3A_126 = arith.constant 2 : i32
    %dma_start3A_127 = arith.constant 2 : i32
    %dma_start3A_128 = arith.constant 0 : i32
    %dma_start3A_129 = arith.constant 0 : i32
    %dma_start3A_130 = tpu.memref_slice %arg7[%dma_start3A_126, %dma_start3A_128, %dma_start3A_129] : memref<4x64x128xf32, #tpu.memory_space<vmem>> -> memref<1x64x128xf32, #tpu.memory_space<vmem>>
    %dma_start3A_131 = tpu.memref_squeeze %dma_start3A_130 : memref<1x64x128xf32, #tpu.memory_space<vmem>> -> memref<64x128xf32, #tpu.memory_space<vmem>>
    %dma_start3A_132 = arith.constant 0 : i32
    %dma_start3A_133 = tpu.memref_slice %arg8[%dma_start3A_124, %dma_start3A_125, %dma_start3A_132] : memref<2x16x64xi32, #tpu.memory_space<vmem>> -> memref<1x1x64xi32, #tpu.memory_space<vmem>>
    %dma_start3A_134 = tpu.memref_squeeze %dma_start3A_133 : memref<1x1x64xi32, #tpu.memory_space<vmem>> -> memref<64xi32, #tpu.memory_space<vmem>>
    %dma_start3A_135 = arith.constant 0 : i32
    %dma_start3A_136 = arith.constant 0 : i32
    %dma_start3A_137 = tpu.memref_slice %arg2[%dma_start3A_135, %dma_start3A_136] : memref<10000x128xf32, #tpu.memory_space<hbm>> -> memref<10000x128xf32, #tpu.memory_space<hbm>>
    %dma_start3A_138 = tpu.memref_slice %arg10[%dma_start3A_127] : memref<4x!tpu.dma_semaphore, #tpu.memory_space<semaphore_mem>> -> memref<1x!tpu.dma_semaphore, #tpu.memory_space<semaphore_mem>>
    %dma_start3A_139 = tpu.memref_squeeze %dma_start3A_138 : memref<1x!tpu.dma_semaphore, #tpu.memory_space<semaphore_mem>> -> memref<!tpu.dma_semaphore, #tpu.memory_space<semaphore_mem>>
    tpu.enqueue_indirect_dma source(%dma_start3A_137 : memref<10000x128xf32, #tpu.memory_space<hbm>>) target(%dma_start3A_131 : memref<64x128xf32, #tpu.memory_space<vmem>>) offsets(%dma_start3A_134 : memref<64xi32, #tpu.memory_space<vmem>>) semaphore(%dma_start3A_139 : memref<!tpu.dma_semaphore, #tpu.memory_space<semaphore_mem>>)
    %dma_start3A_140 = arith.constant 0 : i32
    %dma_start3A_141 = arith.constant 3 : i32
    %dma_start3A_142 = arith.constant 3 : i32
    %dma_start3A_143 = arith.constant 3 : i32
    %dma_start3A_144 = arith.constant 0 : i32
    %dma_start3A_145 = arith.constant 0 : i32
    %dma_start3A_146 = tpu.memref_slice %arg7[%dma_start3A_142, %dma_start3A_144, %dma_start3A_145] : memref<4x64x128xf32, #tpu.memory_space<vmem>> -> memref<1x64x128xf32, #tpu.memory_space<vmem>>
    %dma_start3A_147 = tpu.memref_squeeze %dma_start3A_146 : memref<1x64x128xf32, #tpu.memory_space<vmem>> -> memref<64x128xf32, #tpu.memory_space<vmem>>
    %dma_start3A_148 = arith.constant 0 : i32
    %dma_start3A_149 = tpu.memref_slice %arg8[%dma_start3A_140, %dma_start3A_141, %dma_start3A_148] : memref<2x16x64xi32, #tpu.memory_space<vmem>> -> memref<1x1x64xi32, #tpu.memory_space<vmem>>
    %dma_start3A_150 = tpu.memref_squeeze %dma_start3A_149 : memref<1x1x64xi32, #tpu.memory_space<vmem>> -> memref<64xi32, #tpu.memory_space<vmem>>
    %dma_start3A_151 = arith.constant 0 : i32
    %dma_start3A_152 = arith.constant 0 : i32
    %dma_start3A_153 = tpu.memref_slice %arg2[%dma_start3A_151, %dma_start3A_152] : memref<10000x128xf32, #tpu.memory_space<hbm>> -> memref<10000x128xf32, #tpu.memory_space<hbm>>
    %dma_start3A_154 = tpu.memref_slice %arg10[%dma_start3A_143] : memref<4x!tpu.dma_semaphore, #tpu.memory_space<semaphore_mem>> -> memref<1x!tpu.dma_semaphore, #tpu.memory_space<semaphore_mem>>
    %dma_start3A_155 = tpu.memref_squeeze %dma_start3A_154 : memref<1x!tpu.dma_semaphore, #tpu.memory_space<semaphore_mem>> -> memref<!tpu.dma_semaphore, #tpu.memory_space<semaphore_mem>>
    tpu.enqueue_indirect_dma source(%dma_start3A_153 : memref<10000x128xf32, #tpu.memory_space<hbm>>) target(%dma_start3A_147 : memref<64x128xf32, #tpu.memory_space<vmem>>) offsets(%dma_start3A_150 : memref<64xi32, #tpu.memory_space<vmem>>) semaphore(%dma_start3A_155 : memref<!tpu.dma_semaphore, #tpu.memory_space<semaphore_mem>>)
    %scan3A_156 = arith.constant 0 : i32
    %scan3A_157 = arith.constant 10 : i32
    %scan3A_158 = arith.addi %scan3A_156, %scan3A_157 : i32
    %scan3A_159 = arith.constant 1 : i32
    scf.for %scan3A_166 = %scan3A_156 to %scan3A_158 step %scan3A_159  : i32 {
      %mul3A_167 = arith.constant 1 : i32
      %mul3A_168 = arith.muli %scan3A_166, %mul3A_167 : i32
      %add3A_169 = arith.constant 0 : i32
      %add3A_170 = arith.addi %add3A_169, %mul3A_168 : i32
      %rem3A = arith.constant 2 : i32
      %rem3A_171 = arith.remsi %add3A_170, %rem3A : i32
      %sub3A = arith.constant 1 : i32
      %sub3A_172 = arith.subi %sub3A, %rem3A_171 : i32
      %lt3A = arith.constant 9 : i32
      %lt3A_173 = arith.cmpi slt, %add3A_170, %lt3A : i32
      %convert_element_type3A = arith.extui %lt3A_173 : i1 to i32
      %cond3A = arith.constant 0 : i32
      %cond3A_174 = arith.cmpi ne, %convert_element_type3A, %cond3A : i32
      scf.if %cond3A_174 {
        %add3A_180 = arith.constant 1 : i32
        %add3A_181 = arith.addi %add3A_170, %add3A_180 : i32
        %mul3A_182 = arith.constant 16 : i32
        %mul3A_183 = arith.muli %add3A_181, %mul3A_182 : i32
        %multiple_of3A = tpu.assume_multiple %mul3A_183, 8 : i32
        %dma_start3A_184 = arith.constant 0 : i32
        %dma_start3A_185 = arith.constant 0 : i32
        %dma_start3A_186 = arith.constant 0 : i32
        %dma_start3A_187 = tpu.memref_slice %arg8[%sub3A_172, %dma_start3A_185, %dma_start3A_186] : memref<2x16x64xi32, #tpu.memory_space<vmem>> -> memref<1x16x64xi32, #tpu.memory_space<vmem>>
        %dma_start3A_188 = tpu.memref_squeeze %dma_start3A_187 : memref<1x16x64xi32, #tpu.memory_space<vmem>> -> memref<16x64xi32, #tpu.memory_space<vmem>>
        %dma_start3A_189 = arith.constant 0 : i32
        %dma_start3A_190 = tpu.memref_slice %arg3[%add3A, %multiple_of3A, %dma_start3A_189] : memref<32x160x64xi32, #tpu.memory_space<hbm>> -> memref<1x16x64xi32, #tpu.memory_space<hbm>>
        %dma_start3A_191 = tpu.memref_squeeze %dma_start3A_190 : memref<1x16x64xi32, #tpu.memory_space<hbm>> -> memref<16x64xi32, #tpu.memory_space<hbm>>
        %dma_start3A_192 = tpu.memref_slice %arg12[%sub3A_172, %dma_start3A_184] : memref<2x2x!tpu.dma_semaphore, #tpu.memory_space<semaphore_mem>> -> memref<1x1x!tpu.dma_semaphore, #tpu.memory_space<semaphore_mem>>
        %dma_start3A_193 = tpu.memref_squeeze %dma_start3A_192 : memref<1x1x!tpu.dma_semaphore, #tpu.memory_space<semaphore_mem>> -> memref<!tpu.dma_semaphore, #tpu.memory_space<semaphore_mem>>
        %dma_start3A_194 = arith.constant 0 : i32
        %dma_start3A_195 = arith.constant 0 : i32
        %dma_start3A_196 = tpu.memref_slice %arg8[%sub3A_172, %dma_start3A_194, %dma_start3A_195] : memref<2x16x64xi32, #tpu.memory_space<vmem>> -> memref<1x16x64xi32, #tpu.memory_space<vmem>>
        %dma_start3A_197 = tpu.memref_squeeze %dma_start3A_196 : memref<1x16x64xi32, #tpu.memory_space<vmem>> -> memref<16x64xi32, #tpu.memory_space<vmem>>
        %dma_start3A_198 = arith.constant 0 : i32
        %dma_start3A_199 = tpu.memref_slice %arg3[%add3A, %multiple_of3A, %dma_start3A_198] : memref<32x160x64xi32, #tpu.memory_space<hbm>> -> memref<1x16x64xi32, #tpu.memory_space<hbm>>
        %dma_start3A_200 = tpu.memref_squeeze %dma_start3A_199 : memref<1x16x64xi32, #tpu.memory_space<hbm>> -> memref<16x64xi32, #tpu.memory_space<hbm>>
        tpu.enqueue_dma source(%dma_start3A_200 : memref<16x64xi32, #tpu.memory_space<hbm>>) target(%dma_start3A_197 : memref<16x64xi32, #tpu.memory_space<vmem>>) target_semaphore(%dma_start3A_193 : memref<!tpu.dma_semaphore, #tpu.memory_space<semaphore_mem>>)
        %dma_start3A_201 = arith.constant 1 : i32
        %dma_start3A_202 = arith.constant 0 : i32
        %dma_start3A_203 = arith.constant 0 : i32
        %dma_start3A_204 = tpu.memref_slice %arg9[%sub3A_172, %dma_start3A_202, %dma_start3A_203] : memref<2x16x64xi32, #tpu.memory_space<vmem>> -> memref<1x16x64xi32, #tpu.memory_space<vmem>>
        %dma_start3A_205 = tpu.memref_squeeze %dma_start3A_204 : memref<1x16x64xi32, #tpu.memory_space<vmem>> -> memref<16x64xi32, #tpu.memory_space<vmem>>
        %dma_start3A_206 = arith.constant 0 : i32
        %dma_start3A_207 = tpu.memref_slice %arg4[%add3A, %multiple_of3A, %dma_start3A_206] : memref<32x160x64xi32, #tpu.memory_space<hbm>> -> memref<1x16x64xi32, #tpu.memory_space<hbm>>
        %dma_start3A_208 = tpu.memref_squeeze %dma_start3A_207 : memref<1x16x64xi32, #tpu.memory_space<hbm>> -> memref<16x64xi32, #tpu.memory_space<hbm>>
        %dma_start3A_209 = tpu.memref_slice %arg12[%sub3A_172, %dma_start3A_201] : memref<2x2x!tpu.dma_semaphore, #tpu.memory_space<semaphore_mem>> -> memref<1x1x!tpu.dma_semaphore, #tpu.memory_space<semaphore_mem>>
        %dma_start3A_210 = tpu.memref_squeeze %dma_start3A_209 : memref<1x1x!tpu.dma_semaphore, #tpu.memory_space<semaphore_mem>> -> memref<!tpu.dma_semaphore, #tpu.memory_space<semaphore_mem>>
        %dma_start3A_211 = arith.constant 0 : i32
        %dma_start3A_212 = arith.constant 0 : i32
        %dma_start3A_213 = tpu.memref_slice %arg9[%sub3A_172, %dma_start3A_211, %dma_start3A_212] : memref<2x16x64xi32, #tpu.memory_space<vmem>> -> memref<1x16x64xi32, #tpu.memory_space<vmem>>
        %dma_start3A_214 = tpu.memref_squeeze %dma_start3A_213 : memref<1x16x64xi32, #tpu.memory_space<vmem>> -> memref<16x64xi32, #tpu.memory_space<vmem>>
        %dma_start3A_215 = arith.constant 0 : i32
        %dma_start3A_216 = tpu.memref_slice %arg4[%add3A, %multiple_of3A, %dma_start3A_215] : memref<32x160x64xi32, #tpu.memory_space<hbm>> -> memref<1x16x64xi32, #tpu.memory_space<hbm>>
        %dma_start3A_217 = tpu.memref_squeeze %dma_start3A_216 : memref<1x16x64xi32, #tpu.memory_space<hbm>> -> memref<16x64xi32, #tpu.memory_space<hbm>>
        tpu.enqueue_dma source(%dma_start3A_217 : memref<16x64xi32, #tpu.memory_space<hbm>>) target(%dma_start3A_214 : memref<16x64xi32, #tpu.memory_space<vmem>>) target_semaphore(%dma_start3A_210 : memref<!tpu.dma_semaphore, #tpu.memory_space<semaphore_mem>>)
      } else {
      }
      %scan3A_175 = arith.constant 0 : i32
      %scan3A_176 = arith.constant 4 : i32
      %scan3A_177 = arith.addi %scan3A_175, %scan3A_176 : i32
      %scan3A_178 = arith.constant 1 : i32
      scf.for %scan3A_180 = %scan3A_175 to %scan3A_177 step %scan3A_178  : i32 {
        %mul3A_181 = arith.constant 1 : i32
        %mul3A_182 = arith.muli %scan3A_180, %mul3A_181 : i32
        %add3A_183 = arith.constant 0 : i32
        %add3A_184 = arith.addi %add3A_183, %mul3A_182 : i32
        %mul3A_185 = arith.constant 4 : i32
        %mul3A_186 = arith.muli %add3A_184, %mul3A_185 : i32
        %add3A_187 = arith.constant 0 : i32
        %add3A_188 = arith.addi %mul3A_186, %add3A_187 : i32
        %dma_wait3A_189 = arith.constant 0 : i32
        %dma_wait3A_190 = arith.constant 0 : i32
        %dma_wait3A_191 = arith.constant 0 : i32
        %dma_wait3A_192 = arith.constant 0 : i32
        %dma_wait3A_193 = tpu.memref_slice %arg7[%dma_wait3A_189, %dma_wait3A_191, %dma_wait3A_192] : memref<4x64x128xf32, #tpu.memory_space<vmem>> -> memref<1x64x128xf32, #tpu.memory_space<vmem>>
        %dma_wait3A_194 = tpu.memref_squeeze %dma_wait3A_193 : memref<1x64x128xf32, #tpu.memory_space<vmem>> -> memref<64x128xf32, #tpu.memory_space<vmem>>
        %dma_wait3A_195 = arith.constant 0 : i32
        %dma_wait3A_196 = tpu.memref_slice %arg8[%rem3A_171, %add3A_188, %dma_wait3A_195] : memref<2x16x64xi32, #tpu.memory_space<vmem>> -> memref<1x1x64xi32, #tpu.memory_space<vmem>>
        %dma_wait3A_197 = tpu.memref_squeeze %dma_wait3A_196 : memref<1x1x64xi32, #tpu.memory_space<vmem>> -> memref<64xi32, #tpu.memory_space<vmem>>
        %dma_wait3A_198 = arith.constant 0 : i32
        %dma_wait3A_199 = arith.constant 0 : i32
        %dma_wait3A_200 = tpu.memref_slice %arg2[%dma_wait3A_198, %dma_wait3A_199] : memref<10000x128xf32, #tpu.memory_space<hbm>> -> memref<10000x128xf32, #tpu.memory_space<hbm>>
        %dma_wait3A_201 = tpu.memref_slice %arg10[%dma_wait3A_190] : memref<4x!tpu.dma_semaphore, #tpu.memory_space<semaphore_mem>> -> memref<1x!tpu.dma_semaphore, #tpu.memory_space<semaphore_mem>>
        %dma_wait3A_202 = tpu.memref_squeeze %dma_wait3A_201 : memref<1x!tpu.dma_semaphore, #tpu.memory_space<semaphore_mem>> -> memref<!tpu.dma_semaphore, #tpu.memory_space<semaphore_mem>>
        tpu.wait_indirect_dma semaphore(%dma_wait3A_202 : memref<!tpu.dma_semaphore, #tpu.memory_space<semaphore_mem>>) src(%dma_wait3A_200 : memref<10000x128xf32, #tpu.memory_space<hbm>>) dst(%dma_wait3A_194 : memref<64x128xf32, #tpu.memory_space<vmem>>)
        %dma_start3A_203 = arith.constant 0 : i32
        %dma_start3A_204 = arith.constant 0 : i32
        %dma_start3A_205 = arith.constant 0 : i32
        %dma_start3A_206 = arith.constant 0 : i32
        %dma_start3A_207 = tpu.memref_slice %arg7[%dma_start3A_203, %dma_start3A_205, %dma_start3A_206] : memref<4x64x128xf32, #tpu.memory_space<vmem>> -> memref<1x64x128xf32, #tpu.memory_space<vmem>>
        %dma_start3A_208 = tpu.memref_squeeze %dma_start3A_207 : memref<1x64x128xf32, #tpu.memory_space<vmem>> -> memref<64x128xf32, #tpu.memory_space<vmem>>
        %dma_start3A_209 = arith.constant 0 : i32
        %dma_start3A_210 = tpu.memref_slice %arg9[%rem3A_171, %add3A_188, %dma_start3A_209] : memref<2x16x64xi32, #tpu.memory_space<vmem>> -> memref<1x1x64xi32, #tpu.memory_space<vmem>>
        %dma_start3A_211 = tpu.memref_squeeze %dma_start3A_210 : memref<1x1x64xi32, #tpu.memory_space<vmem>> -> memref<64xi32, #tpu.memory_space<vmem>>
        %dma_start3A_212 = arith.constant 0 : i32
        %dma_start3A_213 = arith.constant 0 : i32
        %dma_start3A_214 = tpu.memref_slice %arg6[%dma_start3A_212, %dma_start3A_213] : memref<10240x128xf32, #tpu.memory_space<vmem_shared>> -> memref<10240x128xf32, #tpu.memory_space<vmem_shared>>
        %dma_start3A_215 = tpu.memref_slice %arg11[%dma_start3A_204] : memref<4x!tpu.dma_semaphore, #tpu.memory_space<semaphore_mem>> -> memref<1x!tpu.dma_semaphore, #tpu.memory_space<semaphore_mem>>
        %dma_start3A_216 = tpu.memref_squeeze %dma_start3A_215 : memref<1x!tpu.dma_semaphore, #tpu.memory_space<semaphore_mem>> -> memref<!tpu.dma_semaphore, #tpu.memory_space<semaphore_mem>>
        tpu.enqueue_indirect_dma source(%dma_start3A_208 : memref<64x128xf32, #tpu.memory_space<vmem>>) target(%dma_start3A_214 : memref<10240x128xf32, #tpu.memory_space<vmem_shared>>) offsets(%dma_start3A_211 : memref<64xi32, #tpu.memory_space<vmem>>) semaphore(%dma_start3A_216 : memref<!tpu.dma_semaphore, #tpu.memory_space<semaphore_mem>>) {add = true}
        %mul3A_217 = arith.constant 4 : i32
        %mul3A_218 = arith.muli %add3A_184, %mul3A_217 : i32
        %add3A_219 = arith.constant 1 : i32
        %add3A_220 = arith.addi %mul3A_218, %add3A_219 : i32
        %dma_wait3A_221 = arith.constant 1 : i32
        %dma_wait3A_222 = arith.constant 1 : i32
        %dma_wait3A_223 = arith.constant 0 : i32
        %dma_wait3A_224 = arith.constant 0 : i32
        %dma_wait3A_225 = tpu.memref_slice %arg7[%dma_wait3A_221, %dma_wait3A_223, %dma_wait3A_224] : memref<4x64x128xf32, #tpu.memory_space<vmem>> -> memref<1x64x128xf32, #tpu.memory_space<vmem>>
        %dma_wait3A_226 = tpu.memref_squeeze %dma_wait3A_225 : memref<1x64x128xf32, #tpu.memory_space<vmem>> -> memref<64x128xf32, #tpu.memory_space<vmem>>
        %dma_wait3A_227 = arith.constant 0 : i32
        %dma_wait3A_228 = tpu.memref_slice %arg8[%rem3A_171, %add3A_220, %dma_wait3A_227] : memref<2x16x64xi32, #tpu.memory_space<vmem>> -> memref<1x1x64xi32, #tpu.memory_space<vmem>>
        %dma_wait3A_229 = tpu.memref_squeeze %dma_wait3A_228 : memref<1x1x64xi32, #tpu.memory_space<vmem>> -> memref<64xi32, #tpu.memory_space<vmem>>
        %dma_wait3A_230 = arith.constant 0 : i32
        %dma_wait3A_231 = arith.constant 0 : i32
        %dma_wait3A_232 = tpu.memref_slice %arg2[%dma_wait3A_230, %dma_wait3A_231] : memref<10000x128xf32, #tpu.memory_space<hbm>> -> memref<10000x128xf32, #tpu.memory_space<hbm>>
        %dma_wait3A_233 = tpu.memref_slice %arg10[%dma_wait3A_222] : memref<4x!tpu.dma_semaphore, #tpu.memory_space<semaphore_mem>> -> memref<1x!tpu.dma_semaphore, #tpu.memory_space<semaphore_mem>>
        %dma_wait3A_234 = tpu.memref_squeeze %dma_wait3A_233 : memref<1x!tpu.dma_semaphore, #tpu.memory_space<semaphore_mem>> -> memref<!tpu.dma_semaphore, #tpu.memory_space<semaphore_mem>>
        tpu.wait_indirect_dma semaphore(%dma_wait3A_234 : memref<!tpu.dma_semaphore, #tpu.memory_space<semaphore_mem>>) src(%dma_wait3A_232 : memref<10000x128xf32, #tpu.memory_space<hbm>>) dst(%dma_wait3A_226 : memref<64x128xf32, #tpu.memory_space<vmem>>)
        %dma_start3A_235 = arith.constant 1 : i32
        %dma_start3A_236 = arith.constant 1 : i32
        %dma_start3A_237 = arith.constant 0 : i32
        %dma_start3A_238 = arith.constant 0 : i32
        %dma_start3A_239 = tpu.memref_slice %arg7[%dma_start3A_235, %dma_start3A_237, %dma_start3A_238] : memref<4x64x128xf32, #tpu.memory_space<vmem>> -> memref<1x64x128xf32, #tpu.memory_space<vmem>>
        %dma_start3A_240 = tpu.memref_squeeze %dma_start3A_239 : memref<1x64x128xf32, #tpu.memory_space<vmem>> -> memref<64x128xf32, #tpu.memory_space<vmem>>
        %dma_start3A_241 = arith.constant 0 : i32
        %dma_start3A_242 = tpu.memref_slice %arg9[%rem3A_171, %add3A_220, %dma_start3A_241] : memref<2x16x64xi32, #tpu.memory_space<vmem>> -> memref<1x1x64xi32, #tpu.memory_space<vmem>>
        %dma_start3A_243 = tpu.memref_squeeze %dma_start3A_242 : memref<1x1x64xi32, #tpu.memory_space<vmem>> -> memref<64xi32, #tpu.memory_space<vmem>>
        %dma_start3A_244 = arith.constant 0 : i32
        %dma_start3A_245 = arith.constant 0 : i32
        %dma_start3A_246 = tpu.memref_slice %arg6[%dma_start3A_244, %dma_start3A_245] : memref<10240x128xf32, #tpu.memory_space<vmem_shared>> -> memref<10240x128xf32, #tpu.memory_space<vmem_shared>>
        %dma_start3A_247 = tpu.memref_slice %arg11[%dma_start3A_236] : memref<4x!tpu.dma_semaphore, #tpu.memory_space<semaphore_mem>> -> memref<1x!tpu.dma_semaphore, #tpu.memory_space<semaphore_mem>>
        %dma_start3A_248 = tpu.memref_squeeze %dma_start3A_247 : memref<1x!tpu.dma_semaphore, #tpu.memory_space<semaphore_mem>> -> memref<!tpu.dma_semaphore, #tpu.memory_space<semaphore_mem>>
        tpu.enqueue_indirect_dma source(%dma_start3A_240 : memref<64x128xf32, #tpu.memory_space<vmem>>) target(%dma_start3A_246 : memref<10240x128xf32, #tpu.memory_space<vmem_shared>>) offsets(%dma_start3A_243 : memref<64xi32, #tpu.memory_space<vmem>>) semaphore(%dma_start3A_248 : memref<!tpu.dma_semaphore, #tpu.memory_space<semaphore_mem>>) {add = true}
        %mul3A_249 = arith.constant 4 : i32
        %mul3A_250 = arith.muli %add3A_184, %mul3A_249 : i32
        %add3A_251 = arith.constant 2 : i32
        %add3A_252 = arith.addi %mul3A_250, %add3A_251 : i32
        %dma_wait3A_253 = arith.constant 2 : i32
        %dma_wait3A_254 = arith.constant 2 : i32
        %dma_wait3A_255 = arith.constant 0 : i32
        %dma_wait3A_256 = arith.constant 0 : i32
        %dma_wait3A_257 = tpu.memref_slice %arg7[%dma_wait3A_253, %dma_wait3A_255, %dma_wait3A_256] : memref<4x64x128xf32, #tpu.memory_space<vmem>> -> memref<1x64x128xf32, #tpu.memory_space<vmem>>
        %dma_wait3A_258 = tpu.memref_squeeze %dma_wait3A_257 : memref<1x64x128xf32, #tpu.memory_space<vmem>> -> memref<64x128xf32, #tpu.memory_space<vmem>>
        %dma_wait3A_259 = arith.constant 0 : i32
        %dma_wait3A_260 = tpu.memref_slice %arg8[%rem3A_171, %add3A_252, %dma_wait3A_259] : memref<2x16x64xi32, #tpu.memory_space<vmem>> -> memref<1x1x64xi32, #tpu.memory_space<vmem>>
        %dma_wait3A_261 = tpu.memref_squeeze %dma_wait3A_260 : memref<1x1x64xi32, #tpu.memory_space<vmem>> -> memref<64xi32, #tpu.memory_space<vmem>>
        %dma_wait3A_262 = arith.constant 0 : i32
        %dma_wait3A_263 = arith.constant 0 : i32
        %dma_wait3A_264 = tpu.memref_slice %arg2[%dma_wait3A_262, %dma_wait3A_263] : memref<10000x128xf32, #tpu.memory_space<hbm>> -> memref<10000x128xf32, #tpu.memory_space<hbm>>
        %dma_wait3A_265 = tpu.memref_slice %arg10[%dma_wait3A_254] : memref<4x!tpu.dma_semaphore, #tpu.memory_space<semaphore_mem>> -> memref<1x!tpu.dma_semaphore, #tpu.memory_space<semaphore_mem>>
        %dma_wait3A_266 = tpu.memref_squeeze %dma_wait3A_265 : memref<1x!tpu.dma_semaphore, #tpu.memory_space<semaphore_mem>> -> memref<!tpu.dma_semaphore, #tpu.memory_space<semaphore_mem>>
        tpu.wait_indirect_dma semaphore(%dma_wait3A_266 : memref<!tpu.dma_semaphore, #tpu.memory_space<semaphore_mem>>) src(%dma_wait3A_264 : memref<10000x128xf32, #tpu.memory_space<hbm>>) dst(%dma_wait3A_258 : memref<64x128xf32, #tpu.memory_space<vmem>>)
        %dma_start3A_267 = arith.constant 2 : i32
        %dma_start3A_268 = arith.constant 2 : i32
        %dma_start3A_269 = arith.constant 0 : i32
        %dma_start3A_270 = arith.constant 0 : i32
        %dma_start3A_271 = tpu.memref_slice %arg7[%dma_start3A_267, %dma_start3A_269, %dma_start3A_270] : memref<4x64x128xf32, #tpu.memory_space<vmem>> -> memref<1x64x128xf32, #tpu.memory_space<vmem>>
        %dma_start3A_272 = tpu.memref_squeeze %dma_start3A_271 : memref<1x64x128xf32, #tpu.memory_space<vmem>> -> memref<64x128xf32, #tpu.memory_space<vmem>>
        %dma_start3A_273 = arith.constant 0 : i32
        %dma_start3A_274 = tpu.memref_slice %arg9[%rem3A_171, %add3A_252, %dma_start3A_273] : memref<2x16x64xi32, #tpu.memory_space<vmem>> -> memref<1x1x64xi32, #tpu.memory_space<vmem>>
        %dma_start3A_275 = tpu.memref_squeeze %dma_start3A_274 : memref<1x1x64xi32, #tpu.memory_space<vmem>> -> memref<64xi32, #tpu.memory_space<vmem>>
        %dma_start3A_276 = arith.constant 0 : i32
        %dma_start3A_277 = arith.constant 0 : i32
        %dma_start3A_278 = tpu.memref_slice %arg6[%dma_start3A_276, %dma_start3A_277] : memref<10240x128xf32, #tpu.memory_space<vmem_shared>> -> memref<10240x128xf32, #tpu.memory_space<vmem_shared>>
        %dma_start3A_279 = tpu.memref_slice %arg11[%dma_start3A_268] : memref<4x!tpu.dma_semaphore, #tpu.memory_space<semaphore_mem>> -> memref<1x!tpu.dma_semaphore, #tpu.memory_space<semaphore_mem>>
        %dma_start3A_280 = tpu.memref_squeeze %dma_start3A_279 : memref<1x!tpu.dma_semaphore, #tpu.memory_space<semaphore_mem>> -> memref<!tpu.dma_semaphore, #tpu.memory_space<semaphore_mem>>
        tpu.enqueue_indirect_dma source(%dma_start3A_272 : memref<64x128xf32, #tpu.memory_space<vmem>>) target(%dma_start3A_278 : memref<10240x128xf32, #tpu.memory_space<vmem_shared>>) offsets(%dma_start3A_275 : memref<64xi32, #tpu.memory_space<vmem>>) semaphore(%dma_start3A_280 : memref<!tpu.dma_semaphore, #tpu.memory_space<semaphore_mem>>) {add = true}
        %mul3A_281 = arith.constant 4 : i32
        %mul3A_282 = arith.muli %add3A_184, %mul3A_281 : i32
        %add3A_283 = arith.constant 3 : i32
        %add3A_284 = arith.addi %mul3A_282, %add3A_283 : i32
        %dma_wait3A_285 = arith.constant 3 : i32
        %dma_wait3A_286 = arith.constant 3 : i32
        %dma_wait3A_287 = arith.constant 0 : i32
        %dma_wait3A_288 = arith.constant 0 : i32
        %dma_wait3A_289 = tpu.memref_slice %arg7[%dma_wait3A_285, %dma_wait3A_287, %dma_wait3A_288] : memref<4x64x128xf32, #tpu.memory_space<vmem>> -> memref<1x64x128xf32, #tpu.memory_space<vmem>>
        %dma_wait3A_290 = tpu.memref_squeeze %dma_wait3A_289 : memref<1x64x128xf32, #tpu.memory_space<vmem>> -> memref<64x128xf32, #tpu.memory_space<vmem>>
        %dma_wait3A_291 = arith.constant 0 : i32
        %dma_wait3A_292 = tpu.memref_slice %arg8[%rem3A_171, %add3A_284, %dma_wait3A_291] : memref<2x16x64xi32, #tpu.memory_space<vmem>> -> memref<1x1x64xi32, #tpu.memory_space<vmem>>
        %dma_wait3A_293 = tpu.memref_squeeze %dma_wait3A_292 : memref<1x1x64xi32, #tpu.memory_space<vmem>> -> memref<64xi32, #tpu.memory_space<vmem>>
        %dma_wait3A_294 = arith.constant 0 : i32
        %dma_wait3A_295 = arith.constant 0 : i32
        %dma_wait3A_296 = tpu.memref_slice %arg2[%dma_wait3A_294, %dma_wait3A_295] : memref<10000x128xf32, #tpu.memory_space<hbm>> -> memref<10000x128xf32, #tpu.memory_space<hbm>>
        %dma_wait3A_297 = tpu.memref_slice %arg10[%dma_wait3A_286] : memref<4x!tpu.dma_semaphore, #tpu.memory_space<semaphore_mem>> -> memref<1x!tpu.dma_semaphore, #tpu.memory_space<semaphore_mem>>
        %dma_wait3A_298 = tpu.memref_squeeze %dma_wait3A_297 : memref<1x!tpu.dma_semaphore, #tpu.memory_space<semaphore_mem>> -> memref<!tpu.dma_semaphore, #tpu.memory_space<semaphore_mem>>
        tpu.wait_indirect_dma semaphore(%dma_wait3A_298 : memref<!tpu.dma_semaphore, #tpu.memory_space<semaphore_mem>>) src(%dma_wait3A_296 : memref<10000x128xf32, #tpu.memory_space<hbm>>) dst(%dma_wait3A_290 : memref<64x128xf32, #tpu.memory_space<vmem>>)
        %dma_start3A_299 = arith.constant 3 : i32
        %dma_start3A_300 = arith.constant 3 : i32
        %dma_start3A_301 = arith.constant 0 : i32
        %dma_start3A_302 = arith.constant 0 : i32
        %dma_start3A_303 = tpu.memref_slice %arg7[%dma_start3A_299, %dma_start3A_301, %dma_start3A_302] : memref<4x64x128xf32, #tpu.memory_space<vmem>> -> memref<1x64x128xf32, #tpu.memory_space<vmem>>
        %dma_start3A_304 = tpu.memref_squeeze %dma_start3A_303 : memref<1x64x128xf32, #tpu.memory_space<vmem>> -> memref<64x128xf32, #tpu.memory_space<vmem>>
        %dma_start3A_305 = arith.constant 0 : i32
        %dma_start3A_306 = tpu.memref_slice %arg9[%rem3A_171, %add3A_284, %dma_start3A_305] : memref<2x16x64xi32, #tpu.memory_space<vmem>> -> memref<1x1x64xi32, #tpu.memory_space<vmem>>
        %dma_start3A_307 = tpu.memref_squeeze %dma_start3A_306 : memref<1x1x64xi32, #tpu.memory_space<vmem>> -> memref<64xi32, #tpu.memory_space<vmem>>
        %dma_start3A_308 = arith.constant 0 : i32
        %dma_start3A_309 = arith.constant 0 : i32
        %dma_start3A_310 = tpu.memref_slice %arg6[%dma_start3A_308, %dma_start3A_309] : memref<10240x128xf32, #tpu.memory_space<vmem_shared>> -> memref<10240x128xf32, #tpu.memory_space<vmem_shared>>
        %dma_start3A_311 = tpu.memref_slice %arg11[%dma_start3A_300] : memref<4x!tpu.dma_semaphore, #tpu.memory_space<semaphore_mem>> -> memref<1x!tpu.dma_semaphore, #tpu.memory_space<semaphore_mem>>
        %dma_start3A_312 = tpu.memref_squeeze %dma_start3A_311 : memref<1x!tpu.dma_semaphore, #tpu.memory_space<semaphore_mem>> -> memref<!tpu.dma_semaphore, #tpu.memory_space<semaphore_mem>>
        tpu.enqueue_indirect_dma source(%dma_start3A_304 : memref<64x128xf32, #tpu.memory_space<vmem>>) target(%dma_start3A_310 : memref<10240x128xf32, #tpu.memory_space<vmem_shared>>) offsets(%dma_start3A_307 : memref<64xi32, #tpu.memory_space<vmem>>) semaphore(%dma_start3A_312 : memref<!tpu.dma_semaphore, #tpu.memory_space<semaphore_mem>>) {add = true}
        %eq3A = arith.constant 3 : i32
        %eq3A_313 = arith.cmpi eq, %add3A_184, %eq3A : i32
        %lt3A_314 = arith.constant 9 : i32
        %lt3A_315 = arith.cmpi slt, %add3A_170, %lt3A_314 : i32
        %and3A = arith.andi %eq3A_313, %lt3A_315 : i1
        %convert_element_type3A_316 = arith.extui %and3A : i1 to i32
        %cond3A_317 = arith.constant 0 : i32
        %cond3A_318 = arith.cmpi ne, %convert_element_type3A_316, %cond3A_317 : i32
        scf.if %cond3A_318 {
          %add3A_443 = arith.constant 1 : i32
          %add3A_444 = arith.addi %add3A_170, %add3A_443 : i32
          %mul3A_445 = arith.constant 16 : i32
          %mul3A_446 = arith.muli %add3A_444, %mul3A_445 : i32
          %multiple_of3A = tpu.assume_multiple %mul3A_446, 8 : i32
          %dma_wait3A_447 = arith.constant 0 : i32
          %dma_wait3A_448 = arith.constant 0 : i32
          %dma_wait3A_449 = arith.constant 0 : i32
          %dma_wait3A_450 = tpu.memref_slice %arg8[%sub3A_172, %dma_wait3A_448, %dma_wait3A_449] : memref<2x16x64xi32, #tpu.memory_space<vmem>> -> memref<1x16x64xi32, #tpu.memory_space<vmem>>
          %dma_wait3A_451 = tpu.memref_squeeze %dma_wait3A_450 : memref<1x16x64xi32, #tpu.memory_space<vmem>> -> memref<16x64xi32, #tpu.memory_space<vmem>>
          %dma_wait3A_452 = arith.constant 0 : i32
          %dma_wait3A_453 = tpu.memref_slice %arg3[%add3A, %multiple_of3A, %dma_wait3A_452] : memref<32x160x64xi32, #tpu.memory_space<hbm>> -> memref<1x16x64xi32, #tpu.memory_space<hbm>>
          %dma_wait3A_454 = tpu.memref_squeeze %dma_wait3A_453 : memref<1x16x64xi32, #tpu.memory_space<hbm>> -> memref<16x64xi32, #tpu.memory_space<hbm>>
          %dma_wait3A_455 = tpu.memref_slice %arg12[%sub3A_172, %dma_wait3A_447] : memref<2x2x!tpu.dma_semaphore, #tpu.memory_space<semaphore_mem>> -> memref<1x1x!tpu.dma_semaphore, #tpu.memory_space<semaphore_mem>>
          %dma_wait3A_456 = tpu.memref_squeeze %dma_wait3A_455 : memref<1x1x!tpu.dma_semaphore, #tpu.memory_space<semaphore_mem>> -> memref<!tpu.dma_semaphore, #tpu.memory_space<semaphore_mem>>
          %dma_wait3A_457 = arith.constant 0 : i32
          %dma_wait3A_458 = arith.constant 0 : i32
          %dma_wait3A_459 = tpu.memref_slice %arg8[%sub3A_172, %dma_wait3A_457, %dma_wait3A_458] : memref<2x16x64xi32, #tpu.memory_space<vmem>> -> memref<1x16x64xi32, #tpu.memory_space<vmem>>
          %dma_wait3A_460 = tpu.memref_squeeze %dma_wait3A_459 : memref<1x16x64xi32, #tpu.memory_space<vmem>> -> memref<16x64xi32, #tpu.memory_space<vmem>>
          %dma_wait3A_461 = arith.constant 0 : i32
          %dma_wait3A_462 = tpu.memref_slice %arg3[%add3A, %multiple_of3A, %dma_wait3A_461] : memref<32x160x64xi32, #tpu.memory_space<hbm>> -> memref<1x16x64xi32, #tpu.memory_space<hbm>>
          %dma_wait3A_463 = tpu.memref_squeeze %dma_wait3A_462 : memref<1x16x64xi32, #tpu.memory_space<hbm>> -> memref<16x64xi32, #tpu.memory_space<hbm>>
          tpu.wait_dma2 semaphore(%dma_wait3A_456 : memref<!tpu.dma_semaphore, #tpu.memory_space<semaphore_mem>>) src(%dma_wait3A_463 : memref<16x64xi32, #tpu.memory_space<hbm>>) dst(%dma_wait3A_460 : memref<16x64xi32, #tpu.memory_space<vmem>>)
          %dma_wait3A_464 = arith.constant 1 : i32
          %dma_wait3A_465 = arith.constant 0 : i32
          %dma_wait3A_466 = arith.constant 0 : i32
          %dma_wait3A_467 = tpu.memref_slice %arg9[%sub3A_172, %dma_wait3A_465, %dma_wait3A_466] : memref<2x16x64xi32, #tpu.memory_space<vmem>> -> memref<1x16x64xi32, #tpu.memory_space<vmem>>
          %dma_wait3A_468 = tpu.memref_squeeze %dma_wait3A_467 : memref<1x16x64xi32, #tpu.memory_space<vmem>> -> memref<16x64xi32, #tpu.memory_space<vmem>>
          %dma_wait3A_469 = arith.constant 0 : i32
          %dma_wait3A_470 = tpu.memref_slice %arg4[%add3A, %multiple_of3A, %dma_wait3A_469] : memref<32x160x64xi32, #tpu.memory_space<hbm>> -> memref<1x16x64xi32, #tpu.memory_space<hbm>>
          %dma_wait3A_471 = tpu.memref_squeeze %dma_wait3A_470 : memref<1x16x64xi32, #tpu.memory_space<hbm>> -> memref<16x64xi32, #tpu.memory_space<hbm>>
          %dma_wait3A_472 = tpu.memref_slice %arg12[%sub3A_172, %dma_wait3A_464] : memref<2x2x!tpu.dma_semaphore, #tpu.memory_space<semaphore_mem>> -> memref<1x1x!tpu.dma_semaphore, #tpu.memory_space<semaphore_mem>>
          %dma_wait3A_473 = tpu.memref_squeeze %dma_wait3A_472 : memref<1x1x!tpu.dma_semaphore, #tpu.memory_space<semaphore_mem>> -> memref<!tpu.dma_semaphore, #tpu.memory_space<semaphore_mem>>
          %dma_wait3A_474 = arith.constant 0 : i32
          %dma_wait3A_475 = arith.constant 0 : i32
          %dma_wait3A_476 = tpu.memref_slice %arg9[%sub3A_172, %dma_wait3A_474, %dma_wait3A_475] : memref<2x16x64xi32, #tpu.memory_space<vmem>> -> memref<1x16x64xi32, #tpu.memory_space<vmem>>
          %dma_wait3A_477 = tpu.memref_squeeze %dma_wait3A_476 : memref<1x16x64xi32, #tpu.memory_space<vmem>> -> memref<16x64xi32, #tpu.memory_space<vmem>>
          %dma_wait3A_478 = arith.constant 0 : i32
          %dma_wait3A_479 = tpu.memref_slice %arg4[%add3A, %multiple_of3A, %dma_wait3A_478] : memref<32x160x64xi32, #tpu.memory_space<hbm>> -> memref<1x16x64xi32, #tpu.memory_space<hbm>>
          %dma_wait3A_480 = tpu.memref_squeeze %dma_wait3A_479 : memref<1x16x64xi32, #tpu.memory_space<hbm>> -> memref<16x64xi32, #tpu.memory_space<hbm>>
          tpu.wait_dma2 semaphore(%dma_wait3A_473 : memref<!tpu.dma_semaphore, #tpu.memory_space<semaphore_mem>>) src(%dma_wait3A_480 : memref<16x64xi32, #tpu.memory_space<hbm>>) dst(%dma_wait3A_477 : memref<16x64xi32, #tpu.memory_space<vmem>>)
        } else {
        }
        %mul3A_319 = arith.constant 4 : i32
        %mul3A_320 = arith.muli %add3A_184, %mul3A_319 : i32
        %add3A_321 = arith.constant 0 : i32
        %add3A_322 = arith.addi %mul3A_320, %add3A_321 : i32
        %dma_wait3A_323 = arith.constant 0 : i32
        %dma_wait3A_324 = arith.constant 0 : i32
        %dma_wait3A_325 = arith.constant 0 : i32
        %dma_wait3A_326 = arith.constant 0 : i32
        %dma_wait3A_327 = tpu.memref_slice %arg7[%dma_wait3A_323, %dma_wait3A_325, %dma_wait3A_326] : memref<4x64x128xf32, #tpu.memory_space<vmem>> -> memref<1x64x128xf32, #tpu.memory_space<vmem>>
        %dma_wait3A_328 = tpu.memref_squeeze %dma_wait3A_327 : memref<1x64x128xf32, #tpu.memory_space<vmem>> -> memref<64x128xf32, #tpu.memory_space<vmem>>
        %dma_wait3A_329 = arith.constant 0 : i32
        %dma_wait3A_330 = tpu.memref_slice %arg9[%rem3A_171, %add3A_322, %dma_wait3A_329] : memref<2x16x64xi32, #tpu.memory_space<vmem>> -> memref<1x1x64xi32, #tpu.memory_space<vmem>>
        %dma_wait3A_331 = tpu.memref_squeeze %dma_wait3A_330 : memref<1x1x64xi32, #tpu.memory_space<vmem>> -> memref<64xi32, #tpu.memory_space<vmem>>
        %dma_wait3A_332 = arith.constant 0 : i32
        %dma_wait3A_333 = arith.constant 0 : i32
        %dma_wait3A_334 = tpu.memref_slice %arg6[%dma_wait3A_332, %dma_wait3A_333] : memref<10240x128xf32, #tpu.memory_space<vmem_shared>> -> memref<10240x128xf32, #tpu.memory_space<vmem_shared>>
        %dma_wait3A_335 = tpu.memref_slice %arg11[%dma_wait3A_324] : memref<4x!tpu.dma_semaphore, #tpu.memory_space<semaphore_mem>> -> memref<1x!tpu.dma_semaphore, #tpu.memory_space<semaphore_mem>>
        %dma_wait3A_336 = tpu.memref_squeeze %dma_wait3A_335 : memref<1x!tpu.dma_semaphore, #tpu.memory_space<semaphore_mem>> -> memref<!tpu.dma_semaphore, #tpu.memory_space<semaphore_mem>>
        tpu.wait_indirect_dma semaphore(%dma_wait3A_336 : memref<!tpu.dma_semaphore, #tpu.memory_space<semaphore_mem>>) src(%dma_wait3A_328 : memref<64x128xf32, #tpu.memory_space<vmem>>) dst(%dma_wait3A_334 : memref<10240x128xf32, #tpu.memory_space<vmem_shared>>)
        %lt3A_337 = arith.constant 3 : i32
        %lt3A_338 = arith.cmpi slt, %add3A_184, %lt3A_337 : i32
        %convert_element_type3A_339 = arith.extui %lt3A_338 : i1 to i32
        %cond3A_340 = arith.constant 0 : i32
        %cond3A_341 = arith.cmpi ne, %convert_element_type3A_339, %cond3A_340 : i32
        scf.if %cond3A_341 {
          %add3A_443 = arith.constant 4 : i32
          %add3A_444 = arith.addi %add3A_322, %add3A_443 : i32
          %dma_start3A_445 = arith.constant 0 : i32
          %dma_start3A_446 = arith.constant 0 : i32
          %dma_start3A_447 = arith.constant 0 : i32
          %dma_start3A_448 = arith.constant 0 : i32
          %dma_start3A_449 = tpu.memref_slice %arg7[%dma_start3A_445, %dma_start3A_447, %dma_start3A_448] : memref<4x64x128xf32, #tpu.memory_space<vmem>> -> memref<1x64x128xf32, #tpu.memory_space<vmem>>
          %dma_start3A_450 = tpu.memref_squeeze %dma_start3A_449 : memref<1x64x128xf32, #tpu.memory_space<vmem>> -> memref<64x128xf32, #tpu.memory_space<vmem>>
          %dma_start3A_451 = arith.constant 0 : i32
          %dma_start3A_452 = tpu.memref_slice %arg8[%rem3A_171, %add3A_444, %dma_start3A_451] : memref<2x16x64xi32, #tpu.memory_space<vmem>> -> memref<1x1x64xi32, #tpu.memory_space<vmem>>
          %dma_start3A_453 = tpu.memref_squeeze %dma_start3A_452 : memref<1x1x64xi32, #tpu.memory_space<vmem>> -> memref<64xi32, #tpu.memory_space<vmem>>
          %dma_start3A_454 = arith.constant 0 : i32
          %dma_start3A_455 = arith.constant 0 : i32
          %dma_start3A_456 = tpu.memref_slice %arg2[%dma_start3A_454, %dma_start3A_455] : memref<10000x128xf32, #tpu.memory_space<hbm>> -> memref<10000x128xf32, #tpu.memory_space<hbm>>
          %dma_start3A_457 = tpu.memref_slice %arg10[%dma_start3A_446] : memref<4x!tpu.dma_semaphore, #tpu.memory_space<semaphore_mem>> -> memref<1x!tpu.dma_semaphore, #tpu.memory_space<semaphore_mem>>
          %dma_start3A_458 = tpu.memref_squeeze %dma_start3A_457 : memref<1x!tpu.dma_semaphore, #tpu.memory_space<semaphore_mem>> -> memref<!tpu.dma_semaphore, #tpu.memory_space<semaphore_mem>>
          tpu.enqueue_indirect_dma source(%dma_start3A_456 : memref<10000x128xf32, #tpu.memory_space<hbm>>) target(%dma_start3A_450 : memref<64x128xf32, #tpu.memory_space<vmem>>) offsets(%dma_start3A_453 : memref<64xi32, #tpu.memory_space<vmem>>) semaphore(%dma_start3A_458 : memref<!tpu.dma_semaphore, #tpu.memory_space<semaphore_mem>>)
        } else {
        }
        %eq3A_342 = arith.constant 3 : i32
        %eq3A_343 = arith.cmpi eq, %add3A_184, %eq3A_342 : i32
        %lt3A_344 = arith.constant 9 : i32
        %lt3A_345 = arith.cmpi slt, %add3A_170, %lt3A_344 : i32
        %and3A_346 = arith.andi %eq3A_343, %lt3A_345 : i1
        %convert_element_type3A_347 = arith.extui %and3A_346 : i1 to i32
        %cond3A_348 = arith.constant 0 : i32
        %cond3A_349 = arith.cmpi ne, %convert_element_type3A_347, %cond3A_348 : i32
        scf.if %cond3A_349 {
          %dma_start3A_443 = arith.constant 0 : i32
          %dma_start3A_444 = arith.constant 0 : i32
          %dma_start3A_445 = arith.constant 0 : i32
          %dma_start3A_446 = arith.constant 0 : i32
          %dma_start3A_447 = arith.constant 0 : i32
          %dma_start3A_448 = tpu.memref_slice %arg7[%dma_start3A_444, %dma_start3A_446, %dma_start3A_447] : memref<4x64x128xf32, #tpu.memory_space<vmem>> -> memref<1x64x128xf32, #tpu.memory_space<vmem>>
          %dma_start3A_449 = tpu.memref_squeeze %dma_start3A_448 : memref<1x64x128xf32, #tpu.memory_space<vmem>> -> memref<64x128xf32, #tpu.memory_space<vmem>>
          %dma_start3A_450 = arith.constant 0 : i32
          %dma_start3A_451 = tpu.memref_slice %arg8[%sub3A_172, %dma_start3A_443, %dma_start3A_450] : memref<2x16x64xi32, #tpu.memory_space<vmem>> -> memref<1x1x64xi32, #tpu.memory_space<vmem>>
          %dma_start3A_452 = tpu.memref_squeeze %dma_start3A_451 : memref<1x1x64xi32, #tpu.memory_space<vmem>> -> memref<64xi32, #tpu.memory_space<vmem>>
          %dma_start3A_453 = arith.constant 0 : i32
          %dma_start3A_454 = arith.constant 0 : i32
          %dma_start3A_455 = tpu.memref_slice %arg2[%dma_start3A_453, %dma_start3A_454] : memref<10000x128xf32, #tpu.memory_space<hbm>> -> memref<10000x128xf32, #tpu.memory_space<hbm>>
          %dma_start3A_456 = tpu.memref_slice %arg10[%dma_start3A_445] : memref<4x!tpu.dma_semaphore, #tpu.memory_space<semaphore_mem>> -> memref<1x!tpu.dma_semaphore, #tpu.memory_space<semaphore_mem>>
          %dma_start3A_457 = tpu.memref_squeeze %dma_start3A_456 : memref<1x!tpu.dma_semaphore, #tpu.memory_space<semaphore_mem>> -> memref<!tpu.dma_semaphore, #tpu.memory_space<semaphore_mem>>
          tpu.enqueue_indirect_dma source(%dma_start3A_455 : memref<10000x128xf32, #tpu.memory_space<hbm>>) target(%dma_start3A_449 : memref<64x128xf32, #tpu.memory_space<vmem>>) offsets(%dma_start3A_452 : memref<64xi32, #tpu.memory_space<vmem>>) semaphore(%dma_start3A_457 : memref<!tpu.dma_semaphore, #tpu.memory_space<semaphore_mem>>)
        } else {
        }
        %mul3A_350 = arith.constant 4 : i32
        %mul3A_351 = arith.muli %add3A_184, %mul3A_350 : i32
        %add3A_352 = arith.constant 1 : i32
        %add3A_353 = arith.addi %mul3A_351, %add3A_352 : i32
        %dma_wait3A_354 = arith.constant 1 : i32
        %dma_wait3A_355 = arith.constant 1 : i32
        %dma_wait3A_356 = arith.constant 0 : i32
        %dma_wait3A_357 = arith.constant 0 : i32
        %dma_wait3A_358 = tpu.memref_slice %arg7[%dma_wait3A_354, %dma_wait3A_356, %dma_wait3A_357] : memref<4x64x128xf32, #tpu.memory_space<vmem>> -> memref<1x64x128xf32, #tpu.memory_space<vmem>>
        %dma_wait3A_359 = tpu.memref_squeeze %dma_wait3A_358 : memref<1x64x128xf32, #tpu.memory_space<vmem>> -> memref<64x128xf32, #tpu.memory_space<vmem>>
        %dma_wait3A_360 = arith.constant 0 : i32
        %dma_wait3A_361 = tpu.memref_slice %arg9[%rem3A_171, %add3A_353, %dma_wait3A_360] : memref<2x16x64xi32, #tpu.memory_space<vmem>> -> memref<1x1x64xi32, #tpu.memory_space<vmem>>
        %dma_wait3A_362 = tpu.memref_squeeze %dma_wait3A_361 : memref<1x1x64xi32, #tpu.memory_space<vmem>> -> memref<64xi32, #tpu.memory_space<vmem>>
        %dma_wait3A_363 = arith.constant 0 : i32
        %dma_wait3A_364 = arith.constant 0 : i32
        %dma_wait3A_365 = tpu.memref_slice %arg6[%dma_wait3A_363, %dma_wait3A_364] : memref<10240x128xf32, #tpu.memory_space<vmem_shared>> -> memref<10240x128xf32, #tpu.memory_space<vmem_shared>>
        %dma_wait3A_366 = tpu.memref_slice %arg11[%dma_wait3A_355] : memref<4x!tpu.dma_semaphore, #tpu.memory_space<semaphore_mem>> -> memref<1x!tpu.dma_semaphore, #tpu.memory_space<semaphore_mem>>
        %dma_wait3A_367 = tpu.memref_squeeze %dma_wait3A_366 : memref<1x!tpu.dma_semaphore, #tpu.memory_space<semaphore_mem>> -> memref<!tpu.dma_semaphore, #tpu.memory_space<semaphore_mem>>
        tpu.wait_indirect_dma semaphore(%dma_wait3A_367 : memref<!tpu.dma_semaphore, #tpu.memory_space<semaphore_mem>>) src(%dma_wait3A_359 : memref<64x128xf32, #tpu.memory_space<vmem>>) dst(%dma_wait3A_365 : memref<10240x128xf32, #tpu.memory_space<vmem_shared>>)
        %lt3A_368 = arith.constant 3 : i32
        %lt3A_369 = arith.cmpi slt, %add3A_184, %lt3A_368 : i32
        %convert_element_type3A_370 = arith.extui %lt3A_369 : i1 to i32
        %cond3A_371 = arith.constant 0 : i32
        %cond3A_372 = arith.cmpi ne, %convert_element_type3A_370, %cond3A_371 : i32
        scf.if %cond3A_372 {
          %add3A_443 = arith.constant 4 : i32
          %add3A_444 = arith.addi %add3A_353, %add3A_443 : i32
          %dma_start3A_445 = arith.constant 1 : i32
          %dma_start3A_446 = arith.constant 1 : i32
          %dma_start3A_447 = arith.constant 0 : i32
          %dma_start3A_448 = arith.constant 0 : i32
          %dma_start3A_449 = tpu.memref_slice %arg7[%dma_start3A_445, %dma_start3A_447, %dma_start3A_448] : memref<4x64x128xf32, #tpu.memory_space<vmem>> -> memref<1x64x128xf32, #tpu.memory_space<vmem>>
          %dma_start3A_450 = tpu.memref_squeeze %dma_start3A_449 : memref<1x64x128xf32, #tpu.memory_space<vmem>> -> memref<64x128xf32, #tpu.memory_space<vmem>>
          %dma_start3A_451 = arith.constant 0 : i32
          %dma_start3A_452 = tpu.memref_slice %arg8[%rem3A_171, %add3A_444, %dma_start3A_451] : memref<2x16x64xi32, #tpu.memory_space<vmem>> -> memref<1x1x64xi32, #tpu.memory_space<vmem>>
          %dma_start3A_453 = tpu.memref_squeeze %dma_start3A_452 : memref<1x1x64xi32, #tpu.memory_space<vmem>> -> memref<64xi32, #tpu.memory_space<vmem>>
          %dma_start3A_454 = arith.constant 0 : i32
          %dma_start3A_455 = arith.constant 0 : i32
          %dma_start3A_456 = tpu.memref_slice %arg2[%dma_start3A_454, %dma_start3A_455] : memref<10000x128xf32, #tpu.memory_space<hbm>> -> memref<10000x128xf32, #tpu.memory_space<hbm>>
          %dma_start3A_457 = tpu.memref_slice %arg10[%dma_start3A_446] : memref<4x!tpu.dma_semaphore, #tpu.memory_space<semaphore_mem>> -> memref<1x!tpu.dma_semaphore, #tpu.memory_space<semaphore_mem>>
          %dma_start3A_458 = tpu.memref_squeeze %dma_start3A_457 : memref<1x!tpu.dma_semaphore, #tpu.memory_space<semaphore_mem>> -> memref<!tpu.dma_semaphore, #tpu.memory_space<semaphore_mem>>
          tpu.enqueue_indirect_dma source(%dma_start3A_456 : memref<10000x128xf32, #tpu.memory_space<hbm>>) target(%dma_start3A_450 : memref<64x128xf32, #tpu.memory_space<vmem>>) offsets(%dma_start3A_453 : memref<64xi32, #tpu.memory_space<vmem>>) semaphore(%dma_start3A_458 : memref<!tpu.dma_semaphore, #tpu.memory_space<semaphore_mem>>)
        } else {
        }
        %eq3A_373 = arith.constant 3 : i32
        %eq3A_374 = arith.cmpi eq, %add3A_184, %eq3A_373 : i32
        %lt3A_375 = arith.constant 9 : i32
        %lt3A_376 = arith.cmpi slt, %add3A_170, %lt3A_375 : i32
        %and3A_377 = arith.andi %eq3A_374, %lt3A_376 : i1
        %convert_element_type3A_378 = arith.extui %and3A_377 : i1 to i32
        %cond3A_379 = arith.constant 0 : i32
        %cond3A_380 = arith.cmpi ne, %convert_element_type3A_378, %cond3A_379 : i32
        scf.if %cond3A_380 {
          %dma_start3A_443 = arith.constant 1 : i32
          %dma_start3A_444 = arith.constant 1 : i32
          %dma_start3A_445 = arith.constant 1 : i32
          %dma_start3A_446 = arith.constant 0 : i32
          %dma_start3A_447 = arith.constant 0 : i32
          %dma_start3A_448 = tpu.memref_slice %arg7[%dma_start3A_444, %dma_start3A_446, %dma_start3A_447] : memref<4x64x128xf32, #tpu.memory_space<vmem>> -> memref<1x64x128xf32, #tpu.memory_space<vmem>>
          %dma_start3A_449 = tpu.memref_squeeze %dma_start3A_448 : memref<1x64x128xf32, #tpu.memory_space<vmem>> -> memref<64x128xf32, #tpu.memory_space<vmem>>
          %dma_start3A_450 = arith.constant 0 : i32
          %dma_start3A_451 = tpu.memref_slice %arg8[%sub3A_172, %dma_start3A_443, %dma_start3A_450] : memref<2x16x64xi32, #tpu.memory_space<vmem>> -> memref<1x1x64xi32, #tpu.memory_space<vmem>>
          %dma_start3A_452 = tpu.memref_squeeze %dma_start3A_451 : memref<1x1x64xi32, #tpu.memory_space<vmem>> -> memref<64xi32, #tpu.memory_space<vmem>>
          %dma_start3A_453 = arith.constant 0 : i32
          %dma_start3A_454 = arith.constant 0 : i32
          %dma_start3A_455 = tpu.memref_slice %arg2[%dma_start3A_453, %dma_start3A_454] : memref<10000x128xf32, #tpu.memory_space<hbm>> -> memref<10000x128xf32, #tpu.memory_space<hbm>>
          %dma_start3A_456 = tpu.memref_slice %arg10[%dma_start3A_445] : memref<4x!tpu.dma_semaphore, #tpu.memory_space<semaphore_mem>> -> memref<1x!tpu.dma_semaphore, #tpu.memory_space<semaphore_mem>>
          %dma_start3A_457 = tpu.memref_squeeze %dma_start3A_456 : memref<1x!tpu.dma_semaphore, #tpu.memory_space<semaphore_mem>> -> memref<!tpu.dma_semaphore, #tpu.memory_space<semaphore_mem>>
          tpu.enqueue_indirect_dma source(%dma_start3A_455 : memref<10000x128xf32, #tpu.memory_space<hbm>>) target(%dma_start3A_449 : memref<64x128xf32, #tpu.memory_space<vmem>>) offsets(%dma_start3A_452 : memref<64xi32, #tpu.memory_space<vmem>>) semaphore(%dma_start3A_457 : memref<!tpu.dma_semaphore, #tpu.memory_space<semaphore_mem>>)
        } else {
        }
        %mul3A_381 = arith.constant 4 : i32
        %mul3A_382 = arith.muli %add3A_184, %mul3A_381 : i32
        %add3A_383 = arith.constant 2 : i32
        %add3A_384 = arith.addi %mul3A_382, %add3A_383 : i32
        %dma_wait3A_385 = arith.constant 2 : i32
        %dma_wait3A_386 = arith.constant 2 : i32
        %dma_wait3A_387 = arith.constant 0 : i32
        %dma_wait3A_388 = arith.constant 0 : i32
        %dma_wait3A_389 = tpu.memref_slice %arg7[%dma_wait3A_385, %dma_wait3A_387, %dma_wait3A_388] : memref<4x64x128xf32, #tpu.memory_space<vmem>> -> memref<1x64x128xf32, #tpu.memory_space<vmem>>
        %dma_wait3A_390 = tpu.memref_squeeze %dma_wait3A_389 : memref<1x64x128xf32, #tpu.memory_space<vmem>> -> memref<64x128xf32, #tpu.memory_space<vmem>>
        %dma_wait3A_391 = arith.constant 0 : i32
        %dma_wait3A_392 = tpu.memref_slice %arg9[%rem3A_171, %add3A_384, %dma_wait3A_391] : memref<2x16x64xi32, #tpu.memory_space<vmem>> -> memref<1x1x64xi32, #tpu.memory_space<vmem>>
        %dma_wait3A_393 = tpu.memref_squeeze %dma_wait3A_392 : memref<1x1x64xi32, #tpu.memory_space<vmem>> -> memref<64xi32, #tpu.memory_space<vmem>>
        %dma_wait3A_394 = arith.constant 0 : i32
        %dma_wait3A_395 = arith.constant 0 : i32
        %dma_wait3A_396 = tpu.memref_slice %arg6[%dma_wait3A_394, %dma_wait3A_395] : memref<10240x128xf32, #tpu.memory_space<vmem_shared>> -> memref<10240x128xf32, #tpu.memory_space<vmem_shared>>
        %dma_wait3A_397 = tpu.memref_slice %arg11[%dma_wait3A_386] : memref<4x!tpu.dma_semaphore, #tpu.memory_space<semaphore_mem>> -> memref<1x!tpu.dma_semaphore, #tpu.memory_space<semaphore_mem>>
        %dma_wait3A_398 = tpu.memref_squeeze %dma_wait3A_397 : memref<1x!tpu.dma_semaphore, #tpu.memory_space<semaphore_mem>> -> memref<!tpu.dma_semaphore, #tpu.memory_space<semaphore_mem>>
        tpu.wait_indirect_dma semaphore(%dma_wait3A_398 : memref<!tpu.dma_semaphore, #tpu.memory_space<semaphore_mem>>) src(%dma_wait3A_390 : memref<64x128xf32, #tpu.memory_space<vmem>>) dst(%dma_wait3A_396 : memref<10240x128xf32, #tpu.memory_space<vmem_shared>>)
        %lt3A_399 = arith.constant 3 : i32
        %lt3A_400 = arith.cmpi slt, %add3A_184, %lt3A_399 : i32
        %convert_element_type3A_401 = arith.extui %lt3A_400 : i1 to i32
        %cond3A_402 = arith.constant 0 : i32
        %cond3A_403 = arith.cmpi ne, %convert_element_type3A_401, %cond3A_402 : i32
        scf.if %cond3A_403 {
          %add3A_443 = arith.constant 4 : i32
          %add3A_444 = arith.addi %add3A_384, %add3A_443 : i32
          %dma_start3A_445 = arith.constant 2 : i32
          %dma_start3A_446 = arith.constant 2 : i32
          %dma_start3A_447 = arith.constant 0 : i32
          %dma_start3A_448 = arith.constant 0 : i32
          %dma_start3A_449 = tpu.memref_slice %arg7[%dma_start3A_445, %dma_start3A_447, %dma_start3A_448] : memref<4x64x128xf32, #tpu.memory_space<vmem>> -> memref<1x64x128xf32, #tpu.memory_space<vmem>>
          %dma_start3A_450 = tpu.memref_squeeze %dma_start3A_449 : memref<1x64x128xf32, #tpu.memory_space<vmem>> -> memref<64x128xf32, #tpu.memory_space<vmem>>
          %dma_start3A_451 = arith.constant 0 : i32
          %dma_start3A_452 = tpu.memref_slice %arg8[%rem3A_171, %add3A_444, %dma_start3A_451] : memref<2x16x64xi32, #tpu.memory_space<vmem>> -> memref<1x1x64xi32, #tpu.memory_space<vmem>>
          %dma_start3A_453 = tpu.memref_squeeze %dma_start3A_452 : memref<1x1x64xi32, #tpu.memory_space<vmem>> -> memref<64xi32, #tpu.memory_space<vmem>>
          %dma_start3A_454 = arith.constant 0 : i32
          %dma_start3A_455 = arith.constant 0 : i32
          %dma_start3A_456 = tpu.memref_slice %arg2[%dma_start3A_454, %dma_start3A_455] : memref<10000x128xf32, #tpu.memory_space<hbm>> -> memref<10000x128xf32, #tpu.memory_space<hbm>>
          %dma_start3A_457 = tpu.memref_slice %arg10[%dma_start3A_446] : memref<4x!tpu.dma_semaphore, #tpu.memory_space<semaphore_mem>> -> memref<1x!tpu.dma_semaphore, #tpu.memory_space<semaphore_mem>>
          %dma_start3A_458 = tpu.memref_squeeze %dma_start3A_457 : memref<1x!tpu.dma_semaphore, #tpu.memory_space<semaphore_mem>> -> memref<!tpu.dma_semaphore, #tpu.memory_space<semaphore_mem>>
          tpu.enqueue_indirect_dma source(%dma_start3A_456 : memref<10000x128xf32, #tpu.memory_space<hbm>>) target(%dma_start3A_450 : memref<64x128xf32, #tpu.memory_space<vmem>>) offsets(%dma_start3A_453 : memref<64xi32, #tpu.memory_space<vmem>>) semaphore(%dma_start3A_458 : memref<!tpu.dma_semaphore, #tpu.memory_space<semaphore_mem>>)
        } else {
        }
        %eq3A_404 = arith.constant 3 : i32
        %eq3A_405 = arith.cmpi eq, %add3A_184, %eq3A_404 : i32
        %lt3A_406 = arith.constant 9 : i32
        %lt3A_407 = arith.cmpi slt, %add3A_170, %lt3A_406 : i32
        %and3A_408 = arith.andi %eq3A_405, %lt3A_407 : i1
        %convert_element_type3A_409 = arith.extui %and3A_408 : i1 to i32
        %cond3A_410 = arith.constant 0 : i32
        %cond3A_411 = arith.cmpi ne, %convert_element_type3A_409, %cond3A_410 : i32
        scf.if %cond3A_411 {
          %dma_start3A_443 = arith.constant 2 : i32
          %dma_start3A_444 = arith.constant 2 : i32
          %dma_start3A_445 = arith.constant 2 : i32
          %dma_start3A_446 = arith.constant 0 : i32
          %dma_start3A_447 = arith.constant 0 : i32
          %dma_start3A_448 = tpu.memref_slice %arg7[%dma_start3A_444, %dma_start3A_446, %dma_start3A_447] : memref<4x64x128xf32, #tpu.memory_space<vmem>> -> memref<1x64x128xf32, #tpu.memory_space<vmem>>
          %dma_start3A_449 = tpu.memref_squeeze %dma_start3A_448 : memref<1x64x128xf32, #tpu.memory_space<vmem>> -> memref<64x128xf32, #tpu.memory_space<vmem>>
          %dma_start3A_450 = arith.constant 0 : i32
          %dma_start3A_451 = tpu.memref_slice %arg8[%sub3A_172, %dma_start3A_443, %dma_start3A_450] : memref<2x16x64xi32, #tpu.memory_space<vmem>> -> memref<1x1x64xi32, #tpu.memory_space<vmem>>
          %dma_start3A_452 = tpu.memref_squeeze %dma_start3A_451 : memref<1x1x64xi32, #tpu.memory_space<vmem>> -> memref<64xi32, #tpu.memory_space<vmem>>
          %dma_start3A_453 = arith.constant 0 : i32
          %dma_start3A_454 = arith.constant 0 : i32
          %dma_start3A_455 = tpu.memref_slice %arg2[%dma_start3A_453, %dma_start3A_454] : memref<10000x128xf32, #tpu.memory_space<hbm>> -> memref<10000x128xf32, #tpu.memory_space<hbm>>
          %dma_start3A_456 = tpu.memref_slice %arg10[%dma_start3A_445] : memref<4x!tpu.dma_semaphore, #tpu.memory_space<semaphore_mem>> -> memref<1x!tpu.dma_semaphore, #tpu.memory_space<semaphore_mem>>
          %dma_start3A_457 = tpu.memref_squeeze %dma_start3A_456 : memref<1x!tpu.dma_semaphore, #tpu.memory_space<semaphore_mem>> -> memref<!tpu.dma_semaphore, #tpu.memory_space<semaphore_mem>>
          tpu.enqueue_indirect_dma source(%dma_start3A_455 : memref<10000x128xf32, #tpu.memory_space<hbm>>) target(%dma_start3A_449 : memref<64x128xf32, #tpu.memory_space<vmem>>) offsets(%dma_start3A_452 : memref<64xi32, #tpu.memory_space<vmem>>) semaphore(%dma_start3A_457 : memref<!tpu.dma_semaphore, #tpu.memory_space<semaphore_mem>>)
        } else {
        }
        %mul3A_412 = arith.constant 4 : i32
        %mul3A_413 = arith.muli %add3A_184, %mul3A_412 : i32
        %add3A_414 = arith.constant 3 : i32
        %add3A_415 = arith.addi %mul3A_413, %add3A_414 : i32
        %dma_wait3A_416 = arith.constant 3 : i32
        %dma_wait3A_417 = arith.constant 3 : i32
        %dma_wait3A_418 = arith.constant 0 : i32
        %dma_wait3A_419 = arith.constant 0 : i32
        %dma_wait3A_420 = tpu.memref_slice %arg7[%dma_wait3A_416, %dma_wait3A_418, %dma_wait3A_419] : memref<4x64x128xf32, #tpu.memory_space<vmem>> -> memref<1x64x128xf32, #tpu.memory_space<vmem>>
        %dma_wait3A_421 = tpu.memref_squeeze %dma_wait3A_420 : memref<1x64x128xf32, #tpu.memory_space<vmem>> -> memref<64x128xf32, #tpu.memory_space<vmem>>
        %dma_wait3A_422 = arith.constant 0 : i32
        %dma_wait3A_423 = tpu.memref_slice %arg9[%rem3A_171, %add3A_415, %dma_wait3A_422] : memref<2x16x64xi32, #tpu.memory_space<vmem>> -> memref<1x1x64xi32, #tpu.memory_space<vmem>>
        %dma_wait3A_424 = tpu.memref_squeeze %dma_wait3A_423 : memref<1x1x64xi32, #tpu.memory_space<vmem>> -> memref<64xi32, #tpu.memory_space<vmem>>
        %dma_wait3A_425 = arith.constant 0 : i32
        %dma_wait3A_426 = arith.constant 0 : i32
        %dma_wait3A_427 = tpu.memref_slice %arg6[%dma_wait3A_425, %dma_wait3A_426] : memref<10240x128xf32, #tpu.memory_space<vmem_shared>> -> memref<10240x128xf32, #tpu.memory_space<vmem_shared>>
        %dma_wait3A_428 = tpu.memref_slice %arg11[%dma_wait3A_417] : memref<4x!tpu.dma_semaphore, #tpu.memory_space<semaphore_mem>> -> memref<1x!tpu.dma_semaphore, #tpu.memory_space<semaphore_mem>>
        %dma_wait3A_429 = tpu.memref_squeeze %dma_wait3A_428 : memref<1x!tpu.dma_semaphore, #tpu.memory_space<semaphore_mem>> -> memref<!tpu.dma_semaphore, #tpu.memory_space<semaphore_mem>>
        tpu.wait_indirect_dma semaphore(%dma_wait3A_429 : memref<!tpu.dma_semaphore, #tpu.memory_space<semaphore_mem>>) src(%dma_wait3A_421 : memref<64x128xf32, #tpu.memory_space<vmem>>) dst(%dma_wait3A_427 : memref<10240x128xf32, #tpu.memory_space<vmem_shared>>)
        %lt3A_430 = arith.constant 3 : i32
        %lt3A_431 = arith.cmpi slt, %add3A_184, %lt3A_430 : i32
        %convert_element_type3A_432 = arith.extui %lt3A_431 : i1 to i32
        %cond3A_433 = arith.constant 0 : i32
        %cond3A_434 = arith.cmpi ne, %convert_element_type3A_432, %cond3A_433 : i32
        scf.if %cond3A_434 {
          %add3A_443 = arith.constant 4 : i32
          %add3A_444 = arith.addi %add3A_415, %add3A_443 : i32
          %dma_start3A_445 = arith.constant 3 : i32
          %dma_start3A_446 = arith.constant 3 : i32
          %dma_start3A_447 = arith.constant 0 : i32
          %dma_start3A_448 = arith.constant 0 : i32
          %dma_start3A_449 = tpu.memref_slice %arg7[%dma_start3A_445, %dma_start3A_447, %dma_start3A_448] : memref<4x64x128xf32, #tpu.memory_space<vmem>> -> memref<1x64x128xf32, #tpu.memory_space<vmem>>
          %dma_start3A_450 = tpu.memref_squeeze %dma_start3A_449 : memref<1x64x128xf32, #tpu.memory_space<vmem>> -> memref<64x128xf32, #tpu.memory_space<vmem>>
          %dma_start3A_451 = arith.constant 0 : i32
          %dma_start3A_452 = tpu.memref_slice %arg8[%rem3A_171, %add3A_444, %dma_start3A_451] : memref<2x16x64xi32, #tpu.memory_space<vmem>> -> memref<1x1x64xi32, #tpu.memory_space<vmem>>
          %dma_start3A_453 = tpu.memref_squeeze %dma_start3A_452 : memref<1x1x64xi32, #tpu.memory_space<vmem>> -> memref<64xi32, #tpu.memory_space<vmem>>
          %dma_start3A_454 = arith.constant 0 : i32
          %dma_start3A_455 = arith.constant 0 : i32
          %dma_start3A_456 = tpu.memref_slice %arg2[%dma_start3A_454, %dma_start3A_455] : memref<10000x128xf32, #tpu.memory_space<hbm>> -> memref<10000x128xf32, #tpu.memory_space<hbm>>
          %dma_start3A_457 = tpu.memref_slice %arg10[%dma_start3A_446] : memref<4x!tpu.dma_semaphore, #tpu.memory_space<semaphore_mem>> -> memref<1x!tpu.dma_semaphore, #tpu.memory_space<semaphore_mem>>
          %dma_start3A_458 = tpu.memref_squeeze %dma_start3A_457 : memref<1x!tpu.dma_semaphore, #tpu.memory_space<semaphore_mem>> -> memref<!tpu.dma_semaphore, #tpu.memory_space<semaphore_mem>>
          tpu.enqueue_indirect_dma source(%dma_start3A_456 : memref<10000x128xf32, #tpu.memory_space<hbm>>) target(%dma_start3A_450 : memref<64x128xf32, #tpu.memory_space<vmem>>) offsets(%dma_start3A_453 : memref<64xi32, #tpu.memory_space<vmem>>) semaphore(%dma_start3A_458 : memref<!tpu.dma_semaphore, #tpu.memory_space<semaphore_mem>>)
        } else {
        }
        %eq3A_435 = arith.constant 3 : i32
        %eq3A_436 = arith.cmpi eq, %add3A_184, %eq3A_435 : i32
        %lt3A_437 = arith.constant 9 : i32
        %lt3A_438 = arith.cmpi slt, %add3A_170, %lt3A_437 : i32
        %and3A_439 = arith.andi %eq3A_436, %lt3A_438 : i1
        %convert_element_type3A_440 = arith.extui %and3A_439 : i1 to i32
        %cond3A_441 = arith.constant 0 : i32
        %cond3A_442 = arith.cmpi ne, %convert_element_type3A_440, %cond3A_441 : i32
        scf.if %cond3A_442 {
          %dma_start3A_443 = arith.constant 3 : i32
          %dma_start3A_444 = arith.constant 3 : i32
          %dma_start3A_445 = arith.constant 3 : i32
          %dma_start3A_446 = arith.constant 0 : i32
          %dma_start3A_447 = arith.constant 0 : i32
          %dma_start3A_448 = tpu.memref_slice %arg7[%dma_start3A_444, %dma_start3A_446, %dma_start3A_447] : memref<4x64x128xf32, #tpu.memory_space<vmem>> -> memref<1x64x128xf32, #tpu.memory_space<vmem>>
          %dma_start3A_449 = tpu.memref_squeeze %dma_start3A_448 : memref<1x64x128xf32, #tpu.memory_space<vmem>> -> memref<64x128xf32, #tpu.memory_space<vmem>>
          %dma_start3A_450 = arith.constant 0 : i32
          %dma_start3A_451 = tpu.memref_slice %arg8[%sub3A_172, %dma_start3A_443, %dma_start3A_450] : memref<2x16x64xi32, #tpu.memory_space<vmem>> -> memref<1x1x64xi32, #tpu.memory_space<vmem>>
          %dma_start3A_452 = tpu.memref_squeeze %dma_start3A_451 : memref<1x1x64xi32, #tpu.memory_space<vmem>> -> memref<64xi32, #tpu.memory_space<vmem>>
          %dma_start3A_453 = arith.constant 0 : i32
          %dma_start3A_454 = arith.constant 0 : i32
          %dma_start3A_455 = tpu.memref_slice %arg2[%dma_start3A_453, %dma_start3A_454] : memref<10000x128xf32, #tpu.memory_space<hbm>> -> memref<10000x128xf32, #tpu.memory_space<hbm>>
          %dma_start3A_456 = tpu.memref_slice %arg10[%dma_start3A_445] : memref<4x!tpu.dma_semaphore, #tpu.memory_space<semaphore_mem>> -> memref<1x!tpu.dma_semaphore, #tpu.memory_space<semaphore_mem>>
          %dma_start3A_457 = tpu.memref_squeeze %dma_start3A_456 : memref<1x!tpu.dma_semaphore, #tpu.memory_space<semaphore_mem>> -> memref<!tpu.dma_semaphore, #tpu.memory_space<semaphore_mem>>
          tpu.enqueue_indirect_dma source(%dma_start3A_455 : memref<10000x128xf32, #tpu.memory_space<hbm>>) target(%dma_start3A_449 : memref<64x128xf32, #tpu.memory_space<vmem>>) offsets(%dma_start3A_452 : memref<64xi32, #tpu.memory_space<vmem>>) semaphore(%dma_start3A_457 : memref<!tpu.dma_semaphore, #tpu.memory_space<semaphore_mem>>)
        } else {
        }
      }
      %scan3A_179 = arith.constant 4 : i32
    }
    %scan3A_160 = arith.constant 10 : i32
    %barrier3A_161 = arith.constant 0 : index
    tpu.barrier barrier_id(%barrier3A_161)
    %mul3A_162 = arith.constant 640 : i32
    %mul3A_163 = arith.muli %arg1, %mul3A_162 : i32
    %mul3A_164 = arith.constant 640 : i32
    %mul3A_165 = arith.muli %arg1, %mul3A_164 : i32
    "tpu.region"() ({
      %run_scoped3A = tpu.sem_alloc : memref<!tpu.dma_semaphore, #tpu.memory_space<semaphore_mem>>
      %dma_start3A_166 = arith.constant 0 : i32
      %dma_start3A_167 = tpu.memref_slice %arg5[%arg0, %mul3A_165, %dma_start3A_166] : memref<2x10240x128xf32, #tpu.memory_space<hbm>> -> memref<1x640x128xf32, #tpu.memory_space<hbm>>
      %dma_start3A_168 = tpu.memref_squeeze %dma_start3A_167 : memref<1x640x128xf32, #tpu.memory_space<hbm>> -> memref<640x128xf32, #tpu.memory_space<hbm>>
      %dma_start3A_169 = arith.constant 0 : i32
      %dma_start3A_170 = tpu.memref_slice %arg6[%mul3A_163, %dma_start3A_169] : memref<10240x128xf32, #tpu.memory_space<vmem_shared>> -> memref<640x128xf32, #tpu.memory_space<vmem_shared>>
      tpu.enqueue_dma source(%dma_start3A_170 : memref<640x128xf32, #tpu.memory_space<vmem_shared>>) target(%dma_start3A_168 : memref<640x128xf32, #tpu.memory_space<hbm>>) target_semaphore(%run_scoped3A : memref<!tpu.dma_semaphore, #tpu.memory_space<semaphore_mem>>)
      %dma_wait3A_171 = arith.constant 0 : i32
      %dma_wait3A_172 = tpu.memref_slice %arg5[%arg0, %mul3A_165, %dma_wait3A_171] : memref<2x10240x128xf32, #tpu.memory_space<hbm>> -> memref<1x640x128xf32, #tpu.memory_space<hbm>>
      %dma_wait3A_173 = tpu.memref_squeeze %dma_wait3A_172 : memref<1x640x128xf32, #tpu.memory_space<hbm>> -> memref<640x128xf32, #tpu.memory_space<hbm>>
      %dma_wait3A_174 = arith.constant 0 : i32
      %dma_wait3A_175 = tpu.memref_slice %arg6[%mul3A_163, %dma_wait3A_174] : memref<10240x128xf32, #tpu.memory_space<vmem_shared>> -> memref<640x128xf32, #tpu.memory_space<vmem_shared>>
      tpu.wait_dma2 semaphore(%run_scoped3A : memref<!tpu.dma_semaphore, #tpu.memory_space<semaphore_mem>>) src(%dma_wait3A_175 : memref<640x128xf32, #tpu.memory_space<vmem_shared>>) dst(%dma_wait3A_173 : memref<640x128xf32, #tpu.memory_space<hbm>>)
      tpu.yield
    }) : () -> ()
    return
  }
}

#map = affine_map<(d0, d1) -> (0, 0)>
#map1 = affine_map<(d0, d1) -> (0, 0, 0)>
module attributes {stable_mosaic.version = 14 : i64} {
  func.func @_agg_kernel(%arg0: i32, %arg1: i32, %arg2: memref<10000x128xf32, #tpu.memory_space<hbm>>, %arg3: memref<32x160x64xi32, #tpu.memory_space<hbm>>, %arg4: memref<32x160x64xi32, #tpu.memory_space<hbm>>, %arg5: memref<2x10240x128xf32, #tpu.memory_space<hbm>>, %arg6: memref<10240x128xf32, #tpu.memory_space<vmem_shared>>, %arg7: memref<4x64x128xf32, #tpu.memory_space<vmem>>, %arg8: memref<2x16x64xi32, #tpu.memory_space<vmem>>, %arg9: memref<2x16x64xi32, #tpu.memory_space<vmem>>, %arg10: memref<4x!tpu.dma_semaphore, #tpu.memory_space<semaphore_mem>>, %arg11: memref<4x!tpu.dma_semaphore, #tpu.memory_space<semaphore_mem>>, %arg12: memref<2x2x!tpu.dma_semaphore, #tpu.memory_space<semaphore_mem>>) attributes {dimension_semantics = [#tpu.dimension_semantics<core_parallel>, #tpu.dimension_semantics<subcore_parallel>], iteration_bounds = array<i64: 2, 16>, scalar_prefetch = 0 : i64, scratch_operands = 7 : i64, tpu.core_type = #tpu.core_type<sc_vector_subcore>, window_params = [{transform_indices = #map}, {transform_indices = #map1}, {transform_indices = #map1}, {transform_indices = #map1}]} {
    %mul3A = arith.constant 16 : i32
    %mul3A_0 = arith.muli %arg0, %mul3A : i32
    %add3A = arith.addi %mul3A_0, %arg1 : i32
    %scan3A = arith.constant 0 : i32
    %scan3A_1 = arith.constant 64 : i32
    %scan3A_2 = arith.addi %scan3A, %scan3A_1 : i32
    %scan3A_3 = arith.constant 1 : i32
    scf.for %scan3A_166 = %scan3A to %scan3A_2 step %scan3A_3  : i32 {
      %mul3A_167 = arith.constant 1 : i32
      %mul3A_168 = arith.muli %scan3A_166, %mul3A_167 : i32
      %add3A_169 = arith.constant 0 : i32
      %add3A_170 = arith.addi %add3A_169, %mul3A_168 : i32
      %scan3A_171 = arith.constant 0 : i32
      %scan3A_172 = arith.constant 8 : i32
      %scan3A_173 = arith.addi %scan3A_171, %scan3A_172 : i32
      %scan3A_174 = arith.constant 1 : i32
      scf.for %scan3A_176 = %scan3A_171 to %scan3A_173 step %scan3A_174  : i32 {
        %mul3A_177 = arith.constant 1 : i32
        %mul3A_178 = arith.muli %scan3A_176, %mul3A_177 : i32
        %add3A_179 = arith.constant 0 : i32
        %add3A_180 = arith.addi %add3A_179, %mul3A_178 : i32
        %broadcast_in_dim3A = arith.constant 0.000000e+00 : f32
        %broadcast_in_dim3A_181 = vector.broadcast %broadcast_in_dim3A : f32 to vector<1x1x16xf32>
        %mul3A_182 = arith.constant 16 : i32
        %mul3A_183 = arith.muli %add3A_180, %mul3A_182 : i32
        %swap3A = arith.constant 0 : index
        %swap3A_184 = arith.index_cast %add3A_170 : i32 to index
        %swap3A_185 = arith.index_cast %mul3A_183 : i32 to index
        %swap3A_186 = tpu.vector_load %arg7[%swap3A, %swap3A_184, %swap3A_185] {strides = array<i32>} : memref<4x64x128xf32, #tpu.memory_space<vmem>>, vector<1x1x16xf32>,
        %swap3A_187 = vector.shape_cast %swap3A_186 : vector<1x1x16xf32> to vector<1x1x16xf32>
        %swap3A_188 = vector.shape_cast %broadcast_in_dim3A_181 : vector<1x1x16xf32> to vector<1x1x16xf32>
        tpu.vector_store %arg7[%swap3A, %swap3A_184, %swap3A_185], %swap3A_188 {strides = array<i32>} : memref<4x64x128xf32, #tpu.memory_space<vmem>>, vector<1x1x16xf32>,
      }
      %scan3A_175 = arith.constant 8 : i32
    }
    %scan3A_4 = arith.constant 64 : i32
    %scan3A_5 = arith.constant 0 : i32
    %scan3A_6 = arith.constant 10 : i32
    %scan3A_7 = arith.addi %scan3A_5, %scan3A_6 : i32
    %scan3A_8 = arith.constant 1 : i32
    scf.for %scan3A_166 = %scan3A_5 to %scan3A_7 step %scan3A_8  : i32 {
      %mul3A_167 = arith.constant 1 : i32
      %mul3A_168 = arith.muli %scan3A_166, %mul3A_167 : i32
      %add3A_169 = arith.constant 0 : i32
      %add3A_170 = arith.addi %add3A_169, %mul3A_168 : i32
      %mul3A_171 = arith.constant 640 : i32
      %mul3A_172 = arith.muli %arg1, %mul3A_171 : i32
      %mul3A_173 = arith.constant 64 : i32
      %mul3A_174 = arith.muli %add3A_170, %mul3A_173 : i32
      %add3A_175 = arith.addi %mul3A_172, %mul3A_174 : i32
      %run_scoped3A = arith.constant 0 : i32
      "tpu.region"() ({
        %run_scoped3A_176 = tpu.sem_alloc : memref<!tpu.dma_semaphore, #tpu.memory_space<semaphore_mem>>
        %dma_start3A_177 = arith.constant 0 : i32
        %dma_start3A_178 = arith.constant 0 : i32
        %dma_start3A_179 = tpu.memref_slice %arg7[%run_scoped3A, %dma_start3A_177, %dma_start3A_178] : memref<4x64x128xf32, #tpu.memory_space<vmem>> -> memref<1x64x128xf32, #tpu.memory_space<vmem>>
        %dma_start3A_180 = tpu.memref_squeeze %dma_start3A_179 : memref<1x64x128xf32, #tpu.memory_space<vmem>> -> memref<64x128xf32, #tpu.memory_space<vmem>>
        %dma_start3A_181 = arith.constant 0 : i32
        %dma_start3A_182 = tpu.memref_slice %arg6[%add3A_175, %dma_start3A_181] : memref<10240x128xf32, #tpu.memory_space<vmem_shared>> -> memref<64x128xf32, #tpu.memory_space<vmem_shared>>
        %dma_start3A_183 = arith.constant 0 : i32
        %dma_start3A_184 = tpu.memref_slice %arg6[%add3A_175, %dma_start3A_183] : memref<10240x128xf32, #tpu.memory_space<vmem_shared>> -> memref<64x128xf32, #tpu.memory_space<vmem_shared>>
        %dma_start3A_185 = arith.constant 0 : i32
        %dma_start3A_186 = arith.constant 0 : i32
        %dma_start3A_187 = tpu.memref_slice %arg7[%run_scoped3A, %dma_start3A_185, %dma_start3A_186] : memref<4x64x128xf32, #tpu.memory_space<vmem>> -> memref<1x64x128xf32, #tpu.memory_space<vmem>>
        %dma_start3A_188 = tpu.memref_squeeze %dma_start3A_187 : memref<1x64x128xf32, #tpu.memory_space<vmem>> -> memref<64x128xf32, #tpu.memory_space<vmem>>
        tpu.enqueue_dma source(%dma_start3A_188 : memref<64x128xf32, #tpu.memory_space<vmem>>) target(%dma_start3A_184 : memref<64x128xf32, #tpu.memory_space<vmem_shared>>) target_semaphore(%run_scoped3A_176 : memref<!tpu.dma_semaphore, #tpu.memory_space<semaphore_mem>>)
        %dma_wait3A_189 = arith.constant 0 : i32
        %dma_wait3A_190 = arith.constant 0 : i32
        %dma_wait3A_191 = tpu.memref_slice %arg7[%run_scoped3A, %dma_wait3A_189, %dma_wait3A_190] : memref<4x64x128xf32, #tpu.memory_space<vmem>> -> memref<1x64x128xf32, #tpu.memory_space<vmem>>
        %dma_wait3A_192 = tpu.memref_squeeze %dma_wait3A_191 : memref<1x64x128xf32, #tpu.memory_space<vmem>> -> memref<64x128xf32, #tpu.memory_space<vmem>>
        %dma_wait3A_193 = arith.constant 0 : i32
        %dma_wait3A_194 = tpu.memref_slice %arg6[%add3A_175, %dma_wait3A_193] : memref<10240x128xf32, #tpu.memory_space<vmem_shared>> -> memref<64x128xf32, #tpu.memory_space<vmem_shared>>
        %dma_wait3A_195 = arith.constant 0 : i32
        %dma_wait3A_196 = tpu.memref_slice %arg6[%add3A_175, %dma_wait3A_195] : memref<10240x128xf32, #tpu.memory_space<vmem_shared>> -> memref<64x128xf32, #tpu.memory_space<vmem_shared>>
        %dma_wait3A_197 = arith.constant 0 : i32
        %dma_wait3A_198 = arith.constant 0 : i32
        %dma_wait3A_199 = tpu.memref_slice %arg7[%run_scoped3A, %dma_wait3A_197, %dma_wait3A_198] : memref<4x64x128xf32, #tpu.memory_space<vmem>> -> memref<1x64x128xf32, #tpu.memory_space<vmem>>
        %dma_wait3A_200 = tpu.memref_squeeze %dma_wait3A_199 : memref<1x64x128xf32, #tpu.memory_space<vmem>> -> memref<64x128xf32, #tpu.memory_space<vmem>>
        tpu.wait_dma2 semaphore(%run_scoped3A_176 : memref<!tpu.dma_semaphore, #tpu.memory_space<semaphore_mem>>) src(%dma_wait3A_200 : memref<64x128xf32, #tpu.memory_space<vmem>>) dst(%dma_wait3A_196 : memref<64x128xf32, #tpu.memory_space<vmem_shared>>)
        tpu.yield
      }) : () -> ()
    }
    %scan3A_9 = arith.constant 10 : i32
    %barrier3A = arith.constant 0 : index
    tpu.barrier barrier_id(%barrier3A)
    %dma_start3A = arith.constant 0 : i32
    %dma_start3A_10 = arith.constant 0 : i32
    %dma_start3A_11 = arith.constant 0 : i32
    %dma_start3A_12 = arith.constant 0 : i32
    %dma_start3A_13 = arith.constant 0 : i32
    %dma_start3A_14 = tpu.memref_slice %arg8[%dma_start3A, %dma_start3A_12, %dma_start3A_13] : memref<2x16x64xi32, #tpu.memory_space<vmem>> -> memref<1x16x64xi32, #tpu.memory_space<vmem>>
    %dma_start3A_15 = tpu.memref_squeeze %dma_start3A_14 : memref<1x16x64xi32, #tpu.memory_space<vmem>> -> memref<16x64xi32, #tpu.memory_space<vmem>>
    %dma_start3A_16 = arith.constant 0 : i32
    %dma_start3A_17 = arith.constant 0 : i32
    %dma_start3A_18 = tpu.memref_slice %arg3[%add3A, %dma_start3A_16, %dma_start3A_17] : memref<32x160x64xi32, #tpu.memory_space<hbm>> -> memref<1x16x64xi32, #tpu.memory_space<hbm>>
    %dma_start3A_19 = tpu.memref_squeeze %dma_start3A_18 : memref<1x16x64xi32, #tpu.memory_space<hbm>> -> memref<16x64xi32, #tpu.memory_space<hbm>>
    %dma_start3A_20 = tpu.memref_slice %arg12[%dma_start3A_10, %dma_start3A_11] : memref<2x2x!tpu.dma_semaphore, #tpu.memory_space<semaphore_mem>> -> memref<1x1x!tpu.dma_semaphore, #tpu.memory_space<semaphore_mem>>
    %dma_start3A_21 = tpu.memref_squeeze %dma_start3A_20 : memref<1x1x!tpu.dma_semaphore, #tpu.memory_space<semaphore_mem>> -> memref<!tpu.dma_semaphore, #tpu.memory_space<semaphore_mem>>
    %dma_start3A_22 = arith.constant 0 : i32
    %dma_start3A_23 = arith.constant 0 : i32
    %dma_start3A_24 = tpu.memref_slice %arg8[%dma_start3A, %dma_start3A_22, %dma_start3A_23] : memref<2x16x64xi32, #tpu.memory_space<vmem>> -> memref<1x16x64xi32, #tpu.memory_space<vmem>>
    %dma_start3A_25 = tpu.memref_squeeze %dma_start3A_24 : memref<1x16x64xi32, #tpu.memory_space<vmem>> -> memref<16x64xi32, #tpu.memory_space<vmem>>
    %dma_start3A_26 = arith.constant 0 : i32
    %dma_start3A_27 = arith.constant 0 : i32
    %dma_start3A_28 = tpu.memref_slice %arg3[%add3A, %dma_start3A_26, %dma_start3A_27] : memref<32x160x64xi32, #tpu.memory_space<hbm>> -> memref<1x16x64xi32, #tpu.memory_space<hbm>>
    %dma_start3A_29 = tpu.memref_squeeze %dma_start3A_28 : memref<1x16x64xi32, #tpu.memory_space<hbm>> -> memref<16x64xi32, #tpu.memory_space<hbm>>
    tpu.enqueue_dma source(%dma_start3A_29 : memref<16x64xi32, #tpu.memory_space<hbm>>) target(%dma_start3A_25 : memref<16x64xi32, #tpu.memory_space<vmem>>) target_semaphore(%dma_start3A_21 : memref<!tpu.dma_semaphore, #tpu.memory_space<semaphore_mem>>)
    %dma_start3A_30 = arith.constant 0 : i32
    %dma_start3A_31 = arith.constant 0 : i32
    %dma_start3A_32 = arith.constant 1 : i32
    %dma_start3A_33 = arith.constant 0 : i32
    %dma_start3A_34 = arith.constant 0 : i32
    %dma_start3A_35 = tpu.memref_slice %arg9[%dma_start3A_30, %dma_start3A_33, %dma_start3A_34] : memref<2x16x64xi32, #tpu.memory_space<vmem>> -> memref<1x16x64xi32, #tpu.memory_space<vmem>>
    %dma_start3A_36 = tpu.memref_squeeze %dma_start3A_35 : memref<1x16x64xi32, #tpu.memory_space<vmem>> -> memref<16x64xi32, #tpu.memory_space<vmem>>
    %dma_start3A_37 = arith.constant 0 : i32
    %dma_start3A_38 = arith.constant 0 : i32
    %dma_start3A_39 = tpu.memref_slice %arg4[%add3A, %dma_start3A_37, %dma_start3A_38] : memref<32x160x64xi32, #tpu.memory_space<hbm>> -> memref<1x16x64xi32, #tpu.memory_space<hbm>>
    %dma_start3A_40 = tpu.memref_squeeze %dma_start3A_39 : memref<1x16x64xi32, #tpu.memory_space<hbm>> -> memref<16x64xi32, #tpu.memory_space<hbm>>
    %dma_start3A_41 = tpu.memref_slice %arg12[%dma_start3A_31, %dma_start3A_32] : memref<2x2x!tpu.dma_semaphore, #tpu.memory_space<semaphore_mem>> -> memref<1x1x!tpu.dma_semaphore, #tpu.memory_space<semaphore_mem>>
    %dma_start3A_42 = tpu.memref_squeeze %dma_start3A_41 : memref<1x1x!tpu.dma_semaphore, #tpu.memory_space<semaphore_mem>> -> memref<!tpu.dma_semaphore, #tpu.memory_space<semaphore_mem>>
    %dma_start3A_43 = arith.constant 0 : i32
    %dma_start3A_44 = arith.constant 0 : i32
    %dma_start3A_45 = tpu.memref_slice %arg9[%dma_start3A_30, %dma_start3A_43, %dma_start3A_44] : memref<2x16x64xi32, #tpu.memory_space<vmem>> -> memref<1x16x64xi32, #tpu.memory_space<vmem>>
    %dma_start3A_46 = tpu.memref_squeeze %dma_start3A_45 : memref<1x16x64xi32, #tpu.memory_space<vmem>> -> memref<16x64xi32, #tpu.memory_space<vmem>>
    %dma_start3A_47 = arith.constant 0 : i32
    %dma_start3A_48 = arith.constant 0 : i32
    %dma_start3A_49 = tpu.memref_slice %arg4[%add3A, %dma_start3A_47, %dma_start3A_48] : memref<32x160x64xi32, #tpu.memory_space<hbm>> -> memref<1x16x64xi32, #tpu.memory_space<hbm>>
    %dma_start3A_50 = tpu.memref_squeeze %dma_start3A_49 : memref<1x16x64xi32, #tpu.memory_space<hbm>> -> memref<16x64xi32, #tpu.memory_space<hbm>>
    tpu.enqueue_dma source(%dma_start3A_50 : memref<16x64xi32, #tpu.memory_space<hbm>>) target(%dma_start3A_46 : memref<16x64xi32, #tpu.memory_space<vmem>>) target_semaphore(%dma_start3A_42 : memref<!tpu.dma_semaphore, #tpu.memory_space<semaphore_mem>>)
    %dma_wait3A = arith.constant 0 : i32
    %dma_wait3A_51 = arith.constant 0 : i32
    %dma_wait3A_52 = arith.constant 0 : i32
    %dma_wait3A_53 = arith.constant 0 : i32
    %dma_wait3A_54 = arith.constant 0 : i32
    %dma_wait3A_55 = tpu.memref_slice %arg8[%dma_wait3A, %dma_wait3A_53, %dma_wait3A_54] : memref<2x16x64xi32, #tpu.memory_space<vmem>> -> memref<1x16x64xi32, #tpu.memory_space<vmem>>
    %dma_wait3A_56 = tpu.memref_squeeze %dma_wait3A_55 : memref<1x16x64xi32, #tpu.memory_space<vmem>> -> memref<16x64xi32, #tpu.memory_space<vmem>>
    %dma_wait3A_57 = arith.constant 0 : i32
    %dma_wait3A_58 = arith.constant 0 : i32
    %dma_wait3A_59 = tpu.memref_slice %arg3[%add3A, %dma_wait3A_57, %dma_wait3A_58] : memref<32x160x64xi32, #tpu.memory_space<hbm>> -> memref<1x16x64xi32, #tpu.memory_space<hbm>>
    %dma_wait3A_60 = tpu.memref_squeeze %dma_wait3A_59 : memref<1x16x64xi32, #tpu.memory_space<hbm>> -> memref<16x64xi32, #tpu.memory_space<hbm>>
    %dma_wait3A_61 = tpu.memref_slice %arg12[%dma_wait3A_51, %dma_wait3A_52] : memref<2x2x!tpu.dma_semaphore, #tpu.memory_space<semaphore_mem>> -> memref<1x1x!tpu.dma_semaphore, #tpu.memory_space<semaphore_mem>>
    %dma_wait3A_62 = tpu.memref_squeeze %dma_wait3A_61 : memref<1x1x!tpu.dma_semaphore, #tpu.memory_space<semaphore_mem>> -> memref<!tpu.dma_semaphore, #tpu.memory_space<semaphore_mem>>
    %dma_wait3A_63 = arith.constant 0 : i32
    %dma_wait3A_64 = arith.constant 0 : i32
    %dma_wait3A_65 = tpu.memref_slice %arg8[%dma_wait3A, %dma_wait3A_63, %dma_wait3A_64] : memref<2x16x64xi32, #tpu.memory_space<vmem>> -> memref<1x16x64xi32, #tpu.memory_space<vmem>>
    %dma_wait3A_66 = tpu.memref_squeeze %dma_wait3A_65 : memref<1x16x64xi32, #tpu.memory_space<vmem>> -> memref<16x64xi32, #tpu.memory_space<vmem>>
    %dma_wait3A_67 = arith.constant 0 : i32
    %dma_wait3A_68 = arith.constant 0 : i32
    %dma_wait3A_69 = tpu.memref_slice %arg3[%add3A, %dma_wait3A_67, %dma_wait3A_68] : memref<32x160x64xi32, #tpu.memory_space<hbm>> -> memref<1x16x64xi32, #tpu.memory_space<hbm>>
    %dma_wait3A_70 = tpu.memref_squeeze %dma_wait3A_69 : memref<1x16x64xi32, #tpu.memory_space<hbm>> -> memref<16x64xi32, #tpu.memory_space<hbm>>
    tpu.wait_dma2 semaphore(%dma_wait3A_62 : memref<!tpu.dma_semaphore, #tpu.memory_space<semaphore_mem>>) src(%dma_wait3A_70 : memref<16x64xi32, #tpu.memory_space<hbm>>) dst(%dma_wait3A_66 : memref<16x64xi32, #tpu.memory_space<vmem>>)
    %dma_wait3A_71 = arith.constant 0 : i32
    %dma_wait3A_72 = arith.constant 0 : i32
    %dma_wait3A_73 = arith.constant 1 : i32
    %dma_wait3A_74 = arith.constant 0 : i32
    %dma_wait3A_75 = arith.constant 0 : i32
    %dma_wait3A_76 = tpu.memref_slice %arg9[%dma_wait3A_71, %dma_wait3A_74, %dma_wait3A_75] : memref<2x16x64xi32, #tpu.memory_space<vmem>> -> memref<1x16x64xi32, #tpu.memory_space<vmem>>
    %dma_wait3A_77 = tpu.memref_squeeze %dma_wait3A_76 : memref<1x16x64xi32, #tpu.memory_space<vmem>> -> memref<16x64xi32, #tpu.memory_space<vmem>>
    %dma_wait3A_78 = arith.constant 0 : i32
    %dma_wait3A_79 = arith.constant 0 : i32
    %dma_wait3A_80 = tpu.memref_slice %arg4[%add3A, %dma_wait3A_78, %dma_wait3A_79] : memref<32x160x64xi32, #tpu.memory_space<hbm>> -> memref<1x16x64xi32, #tpu.memory_space<hbm>>
    %dma_wait3A_81 = tpu.memref_squeeze %dma_wait3A_80 : memref<1x16x64xi32, #tpu.memory_space<hbm>> -> memref<16x64xi32, #tpu.memory_space<hbm>>
    %dma_wait3A_82 = tpu.memref_slice %arg12[%dma_wait3A_72, %dma_wait3A_73] : memref<2x2x!tpu.dma_semaphore, #tpu.memory_space<semaphore_mem>> -> memref<1x1x!tpu.dma_semaphore, #tpu.memory_space<semaphore_mem>>
    %dma_wait3A_83 = tpu.memref_squeeze %dma_wait3A_82 : memref<1x1x!tpu.dma_semaphore, #tpu.memory_space<semaphore_mem>> -> memref<!tpu.dma_semaphore, #tpu.memory_space<semaphore_mem>>
    %dma_wait3A_84 = arith.constant 0 : i32
    %dma_wait3A_85 = arith.constant 0 : i32
    %dma_wait3A_86 = tpu.memref_slice %arg9[%dma_wait3A_71, %dma_wait3A_84, %dma_wait3A_85] : memref<2x16x64xi32, #tpu.memory_space<vmem>> -> memref<1x16x64xi32, #tpu.memory_space<vmem>>
    %dma_wait3A_87 = tpu.memref_squeeze %dma_wait3A_86 : memref<1x16x64xi32, #tpu.memory_space<vmem>> -> memref<16x64xi32, #tpu.memory_space<vmem>>
    %dma_wait3A_88 = arith.constant 0 : i32
    %dma_wait3A_89 = arith.constant 0 : i32
    %dma_wait3A_90 = tpu.memref_slice %arg4[%add3A, %dma_wait3A_88, %dma_wait3A_89] : memref<32x160x64xi32, #tpu.memory_space<hbm>> -> memref<1x16x64xi32, #tpu.memory_space<hbm>>
    %dma_wait3A_91 = tpu.memref_squeeze %dma_wait3A_90 : memref<1x16x64xi32, #tpu.memory_space<hbm>> -> memref<16x64xi32, #tpu.memory_space<hbm>>
    tpu.wait_dma2 semaphore(%dma_wait3A_83 : memref<!tpu.dma_semaphore, #tpu.memory_space<semaphore_mem>>) src(%dma_wait3A_91 : memref<16x64xi32, #tpu.memory_space<hbm>>) dst(%dma_wait3A_87 : memref<16x64xi32, #tpu.memory_space<vmem>>)
    %dma_start3A_92 = arith.constant 0 : i32
    %dma_start3A_93 = arith.constant 0 : i32
    %dma_start3A_94 = arith.constant 0 : i32
    %dma_start3A_95 = arith.constant 0 : i32
    %dma_start3A_96 = arith.constant 0 : i32
    %dma_start3A_97 = arith.constant 0 : i32
    %dma_start3A_98 = tpu.memref_slice %arg7[%dma_start3A_94, %dma_start3A_96, %dma_start3A_97] : memref<4x64x128xf32, #tpu.memory_space<vmem>> -> memref<1x64x128xf32, #tpu.memory_space<vmem>>
    %dma_start3A_99 = tpu.memref_squeeze %dma_start3A_98 : memref<1x64x128xf32, #tpu.memory_space<vmem>> -> memref<64x128xf32, #tpu.memory_space<vmem>>
    %dma_start3A_100 = arith.constant 0 : i32
    %dma_start3A_101 = tpu.memref_slice %arg8[%dma_start3A_92, %dma_start3A_93, %dma_start3A_100] : memref<2x16x64xi32, #tpu.memory_space<vmem>> -> memref<1x1x64xi32, #tpu.memory_space<vmem>>
    %dma_start3A_102 = tpu.memref_squeeze %dma_start3A_101 : memref<1x1x64xi32, #tpu.memory_space<vmem>> -> memref<64xi32, #tpu.memory_space<vmem>>
    %dma_start3A_103 = arith.constant 0 : i32
    %dma_start3A_104 = arith.constant 0 : i32
    %dma_start3A_105 = tpu.memref_slice %arg2[%dma_start3A_103, %dma_start3A_104] : memref<10000x128xf32, #tpu.memory_space<hbm>> -> memref<10000x128xf32, #tpu.memory_space<hbm>>
    %dma_start3A_106 = tpu.memref_slice %arg10[%dma_start3A_95] : memref<4x!tpu.dma_semaphore, #tpu.memory_space<semaphore_mem>> -> memref<1x!tpu.dma_semaphore, #tpu.memory_space<semaphore_mem>>
    %dma_start3A_107 = tpu.memref_squeeze %dma_start3A_106 : memref<1x!tpu.dma_semaphore, #tpu.memory_space<semaphore_mem>> -> memref<!tpu.dma_semaphore, #tpu.memory_space<semaphore_mem>>
    tpu.enqueue_indirect_dma source(%dma_start3A_105 : memref<10000x128xf32, #tpu.memory_space<hbm>>) target(%dma_start3A_99 : memref<64x128xf32, #tpu.memory_space<vmem>>) offsets(%dma_start3A_102 : memref<64xi32, #tpu.memory_space<vmem>>) semaphore(%dma_start3A_107 : memref<!tpu.dma_semaphore, #tpu.memory_space<semaphore_mem>>)
    %dma_start3A_108 = arith.constant 0 : i32
    %dma_start3A_109 = arith.constant 1 : i32
    %dma_start3A_110 = arith.constant 1 : i32
    %dma_start3A_111 = arith.constant 1 : i32
    %dma_start3A_112 = arith.constant 0 : i32
    %dma_start3A_113 = arith.constant 0 : i32
    %dma_start3A_114 = tpu.memref_slice %arg7[%dma_start3A_110, %dma_start3A_112, %dma_start3A_113] : memref<4x64x128xf32, #tpu.memory_space<vmem>> -> memref<1x64x128xf32, #tpu.memory_space<vmem>>
    %dma_start3A_115 = tpu.memref_squeeze %dma_start3A_114 : memref<1x64x128xf32, #tpu.memory_space<vmem>> -> memref<64x128xf32, #tpu.memory_space<vmem>>
    %dma_start3A_116 = arith.constant 0 : i32
    %dma_start3A_117 = tpu.memref_slice %arg8[%dma_start3A_108, %dma_start3A_109, %dma_start3A_116] : memref<2x16x64xi32, #tpu.memory_space<vmem>> -> memref<1x1x64xi32, #tpu.memory_space<vmem>>
    %dma_start3A_118 = tpu.memref_squeeze %dma_start3A_117 : memref<1x1x64xi32, #tpu.memory_space<vmem>> -> memref<64xi32, #tpu.memory_space<vmem>>
    %dma_start3A_119 = arith.constant 0 : i32
    %dma_start3A_120 = arith.constant 0 : i32
    %dma_start3A_121 = tpu.memref_slice %arg2[%dma_start3A_119, %dma_start3A_120] : memref<10000x128xf32, #tpu.memory_space<hbm>> -> memref<10000x128xf32, #tpu.memory_space<hbm>>
    %dma_start3A_122 = tpu.memref_slice %arg10[%dma_start3A_111] : memref<4x!tpu.dma_semaphore, #tpu.memory_space<semaphore_mem>> -> memref<1x!tpu.dma_semaphore, #tpu.memory_space<semaphore_mem>>
    %dma_start3A_123 = tpu.memref_squeeze %dma_start3A_122 : memref<1x!tpu.dma_semaphore, #tpu.memory_space<semaphore_mem>> -> memref<!tpu.dma_semaphore, #tpu.memory_space<semaphore_mem>>
    tpu.enqueue_indirect_dma source(%dma_start3A_121 : memref<10000x128xf32, #tpu.memory_space<hbm>>) target(%dma_start3A_115 : memref<64x128xf32, #tpu.memory_space<vmem>>) offsets(%dma_start3A_118 : memref<64xi32, #tpu.memory_space<vmem>>) semaphore(%dma_start3A_123 : memref<!tpu.dma_semaphore, #tpu.memory_space<semaphore_mem>>)
    %dma_start3A_124 = arith.constant 0 : i32
    %dma_start3A_125 = arith.constant 2 : i32
    %dma_start3A_126 = arith.constant 2 : i32
    %dma_start3A_127 = arith.constant 2 : i32
    %dma_start3A_128 = arith.constant 0 : i32
    %dma_start3A_129 = arith.constant 0 : i32
    %dma_start3A_130 = tpu.memref_slice %arg7[%dma_start3A_126, %dma_start3A_128, %dma_start3A_129] : memref<4x64x128xf32, #tpu.memory_space<vmem>> -> memref<1x64x128xf32, #tpu.memory_space<vmem>>
    %dma_start3A_131 = tpu.memref_squeeze %dma_start3A_130 : memref<1x64x128xf32, #tpu.memory_space<vmem>> -> memref<64x128xf32, #tpu.memory_space<vmem>>
    %dma_start3A_132 = arith.constant 0 : i32
    %dma_start3A_133 = tpu.memref_slice %arg8[%dma_start3A_124, %dma_start3A_125, %dma_start3A_132] : memref<2x16x64xi32, #tpu.memory_space<vmem>> -> memref<1x1x64xi32, #tpu.memory_space<vmem>>
    %dma_start3A_134 = tpu.memref_squeeze %dma_start3A_133 : memref<1x1x64xi32, #tpu.memory_space<vmem>> -> memref<64xi32, #tpu.memory_space<vmem>>
    %dma_start3A_135 = arith.constant 0 : i32
    %dma_start3A_136 = arith.constant 0 : i32
    %dma_start3A_137 = tpu.memref_slice %arg2[%dma_start3A_135, %dma_start3A_136] : memref<10000x128xf32, #tpu.memory_space<hbm>> -> memref<10000x128xf32, #tpu.memory_space<hbm>>
    %dma_start3A_138 = tpu.memref_slice %arg10[%dma_start3A_127] : memref<4x!tpu.dma_semaphore, #tpu.memory_space<semaphore_mem>> -> memref<1x!tpu.dma_semaphore, #tpu.memory_space<semaphore_mem>>
    %dma_start3A_139 = tpu.memref_squeeze %dma_start3A_138 : memref<1x!tpu.dma_semaphore, #tpu.memory_space<semaphore_mem>> -> memref<!tpu.dma_semaphore, #tpu.memory_space<semaphore_mem>>
    tpu.enqueue_indirect_dma source(%dma_start3A_137 : memref<10000x128xf32, #tpu.memory_space<hbm>>) target(%dma_start3A_131 : memref<64x128xf32, #tpu.memory_space<vmem>>) offsets(%dma_start3A_134 : memref<64xi32, #tpu.memory_space<vmem>>) semaphore(%dma_start3A_139 : memref<!tpu.dma_semaphore, #tpu.memory_space<semaphore_mem>>)
    %dma_start3A_140 = arith.constant 0 : i32
    %dma_start3A_141 = arith.constant 3 : i32
    %dma_start3A_142 = arith.constant 3 : i32
    %dma_start3A_143 = arith.constant 3 : i32
    %dma_start3A_144 = arith.constant 0 : i32
    %dma_start3A_145 = arith.constant 0 : i32
    %dma_start3A_146 = tpu.memref_slice %arg7[%dma_start3A_142, %dma_start3A_144, %dma_start3A_145] : memref<4x64x128xf32, #tpu.memory_space<vmem>> -> memref<1x64x128xf32, #tpu.memory_space<vmem>>
    %dma_start3A_147 = tpu.memref_squeeze %dma_start3A_146 : memref<1x64x128xf32, #tpu.memory_space<vmem>> -> memref<64x128xf32, #tpu.memory_space<vmem>>
    %dma_start3A_148 = arith.constant 0 : i32
    %dma_start3A_149 = tpu.memref_slice %arg8[%dma_start3A_140, %dma_start3A_141, %dma_start3A_148] : memref<2x16x64xi32, #tpu.memory_space<vmem>> -> memref<1x1x64xi32, #tpu.memory_space<vmem>>
    %dma_start3A_150 = tpu.memref_squeeze %dma_start3A_149 : memref<1x1x64xi32, #tpu.memory_space<vmem>> -> memref<64xi32, #tpu.memory_space<vmem>>
    %dma_start3A_151 = arith.constant 0 : i32
    %dma_start3A_152 = arith.constant 0 : i32
    %dma_start3A_153 = tpu.memref_slice %arg2[%dma_start3A_151, %dma_start3A_152] : memref<10000x128xf32, #tpu.memory_space<hbm>> -> memref<10000x128xf32, #tpu.memory_space<hbm>>
    %dma_start3A_154 = tpu.memref_slice %arg10[%dma_start3A_143] : memref<4x!tpu.dma_semaphore, #tpu.memory_space<semaphore_mem>> -> memref<1x!tpu.dma_semaphore, #tpu.memory_space<semaphore_mem>>
    %dma_start3A_155 = tpu.memref_squeeze %dma_start3A_154 : memref<1x!tpu.dma_semaphore, #tpu.memory_space<semaphore_mem>> -> memref<!tpu.dma_semaphore, #tpu.memory_space<semaphore_mem>>
    tpu.enqueue_indirect_dma source(%dma_start3A_153 : memref<10000x128xf32, #tpu.memory_space<hbm>>) target(%dma_start3A_147 : memref<64x128xf32, #tpu.memory_space<vmem>>) offsets(%dma_start3A_150 : memref<64xi32, #tpu.memory_space<vmem>>) semaphore(%dma_start3A_155 : memref<!tpu.dma_semaphore, #tpu.memory_space<semaphore_mem>>)
    %scan3A_156 = arith.constant 0 : i32
    %scan3A_157 = arith.constant 10 : i32
    %scan3A_158 = arith.addi %scan3A_156, %scan3A_157 : i32
    %scan3A_159 = arith.constant 1 : i32
    scf.for %scan3A_166 = %scan3A_156 to %scan3A_158 step %scan3A_159  : i32 {
      %mul3A_167 = arith.constant 1 : i32
      %mul3A_168 = arith.muli %scan3A_166, %mul3A_167 : i32
      %add3A_169 = arith.constant 0 : i32
      %add3A_170 = arith.addi %add3A_169, %mul3A_168 : i32
      %rem3A = arith.constant 2 : i32
      %rem3A_171 = arith.remsi %add3A_170, %rem3A : i32
      %sub3A = arith.constant 1 : i32
      %sub3A_172 = arith.subi %sub3A, %rem3A_171 : i32
      %lt3A = arith.constant 9 : i32
      %lt3A_173 = arith.cmpi slt, %add3A_170, %lt3A : i32
      %convert_element_type3A = arith.extui %lt3A_173 : i1 to i32
      %cond3A = arith.constant 0 : i32
      %cond3A_174 = arith.cmpi ne, %convert_element_type3A, %cond3A : i32
      scf.if %cond3A_174 {
        %add3A_180 = arith.constant 1 : i32
        %add3A_181 = arith.addi %add3A_170, %add3A_180 : i32
        %mul3A_182 = arith.constant 16 : i32
        %mul3A_183 = arith.muli %add3A_181, %mul3A_182 : i32
        %multiple_of3A = tpu.assume_multiple %mul3A_183, 8 : i32
        %dma_start3A_184 = arith.constant 0 : i32
        %dma_start3A_185 = arith.constant 0 : i32
        %dma_start3A_186 = arith.constant 0 : i32
        %dma_start3A_187 = tpu.memref_slice %arg8[%sub3A_172, %dma_start3A_185, %dma_start3A_186] : memref<2x16x64xi32, #tpu.memory_space<vmem>> -> memref<1x16x64xi32, #tpu.memory_space<vmem>>
        %dma_start3A_188 = tpu.memref_squeeze %dma_start3A_187 : memref<1x16x64xi32, #tpu.memory_space<vmem>> -> memref<16x64xi32, #tpu.memory_space<vmem>>
        %dma_start3A_189 = arith.constant 0 : i32
        %dma_start3A_190 = tpu.memref_slice %arg3[%add3A, %multiple_of3A, %dma_start3A_189] : memref<32x160x64xi32, #tpu.memory_space<hbm>> -> memref<1x16x64xi32, #tpu.memory_space<hbm>>
        %dma_start3A_191 = tpu.memref_squeeze %dma_start3A_190 : memref<1x16x64xi32, #tpu.memory_space<hbm>> -> memref<16x64xi32, #tpu.memory_space<hbm>>
        %dma_start3A_192 = tpu.memref_slice %arg12[%sub3A_172, %dma_start3A_184] : memref<2x2x!tpu.dma_semaphore, #tpu.memory_space<semaphore_mem>> -> memref<1x1x!tpu.dma_semaphore, #tpu.memory_space<semaphore_mem>>
        %dma_start3A_193 = tpu.memref_squeeze %dma_start3A_192 : memref<1x1x!tpu.dma_semaphore, #tpu.memory_space<semaphore_mem>> -> memref<!tpu.dma_semaphore, #tpu.memory_space<semaphore_mem>>
        %dma_start3A_194 = arith.constant 0 : i32
        %dma_start3A_195 = arith.constant 0 : i32
        %dma_start3A_196 = tpu.memref_slice %arg8[%sub3A_172, %dma_start3A_194, %dma_start3A_195] : memref<2x16x64xi32, #tpu.memory_space<vmem>> -> memref<1x16x64xi32, #tpu.memory_space<vmem>>
        %dma_start3A_197 = tpu.memref_squeeze %dma_start3A_196 : memref<1x16x64xi32, #tpu.memory_space<vmem>> -> memref<16x64xi32, #tpu.memory_space<vmem>>
        %dma_start3A_198 = arith.constant 0 : i32
        %dma_start3A_199 = tpu.memref_slice %arg3[%add3A, %multiple_of3A, %dma_start3A_198] : memref<32x160x64xi32, #tpu.memory_space<hbm>> -> memref<1x16x64xi32, #tpu.memory_space<hbm>>
        %dma_start3A_200 = tpu.memref_squeeze %dma_start3A_199 : memref<1x16x64xi32, #tpu.memory_space<hbm>> -> memref<16x64xi32, #tpu.memory_space<hbm>>
        tpu.enqueue_dma source(%dma_start3A_200 : memref<16x64xi32, #tpu.memory_space<hbm>>) target(%dma_start3A_197 : memref<16x64xi32, #tpu.memory_space<vmem>>) target_semaphore(%dma_start3A_193 : memref<!tpu.dma_semaphore, #tpu.memory_space<semaphore_mem>>)
        %dma_start3A_201 = arith.constant 1 : i32
        %dma_start3A_202 = arith.constant 0 : i32
        %dma_start3A_203 = arith.constant 0 : i32
        %dma_start3A_204 = tpu.memref_slice %arg9[%sub3A_172, %dma_start3A_202, %dma_start3A_203] : memref<2x16x64xi32, #tpu.memory_space<vmem>> -> memref<1x16x64xi32, #tpu.memory_space<vmem>>
        %dma_start3A_205 = tpu.memref_squeeze %dma_start3A_204 : memref<1x16x64xi32, #tpu.memory_space<vmem>> -> memref<16x64xi32, #tpu.memory_space<vmem>>
        %dma_start3A_206 = arith.constant 0 : i32
        %dma_start3A_207 = tpu.memref_slice %arg4[%add3A, %multiple_of3A, %dma_start3A_206] : memref<32x160x64xi32, #tpu.memory_space<hbm>> -> memref<1x16x64xi32, #tpu.memory_space<hbm>>
        %dma_start3A_208 = tpu.memref_squeeze %dma_start3A_207 : memref<1x16x64xi32, #tpu.memory_space<hbm>> -> memref<16x64xi32, #tpu.memory_space<hbm>>
        %dma_start3A_209 = tpu.memref_slice %arg12[%sub3A_172, %dma_start3A_201] : memref<2x2x!tpu.dma_semaphore, #tpu.memory_space<semaphore_mem>> -> memref<1x1x!tpu.dma_semaphore, #tpu.memory_space<semaphore_mem>>
        %dma_start3A_210 = tpu.memref_squeeze %dma_start3A_209 : memref<1x1x!tpu.dma_semaphore, #tpu.memory_space<semaphore_mem>> -> memref<!tpu.dma_semaphore, #tpu.memory_space<semaphore_mem>>
        %dma_start3A_211 = arith.constant 0 : i32
        %dma_start3A_212 = arith.constant 0 : i32
        %dma_start3A_213 = tpu.memref_slice %arg9[%sub3A_172, %dma_start3A_211, %dma_start3A_212] : memref<2x16x64xi32, #tpu.memory_space<vmem>> -> memref<1x16x64xi32, #tpu.memory_space<vmem>>
        %dma_start3A_214 = tpu.memref_squeeze %dma_start3A_213 : memref<1x16x64xi32, #tpu.memory_space<vmem>> -> memref<16x64xi32, #tpu.memory_space<vmem>>
        %dma_start3A_215 = arith.constant 0 : i32
        %dma_start3A_216 = tpu.memref_slice %arg4[%add3A, %multiple_of3A, %dma_start3A_215] : memref<32x160x64xi32, #tpu.memory_space<hbm>> -> memref<1x16x64xi32, #tpu.memory_space<hbm>>
        %dma_start3A_217 = tpu.memref_squeeze %dma_start3A_216 : memref<1x16x64xi32, #tpu.memory_space<hbm>> -> memref<16x64xi32, #tpu.memory_space<hbm>>
        tpu.enqueue_dma source(%dma_start3A_217 : memref<16x64xi32, #tpu.memory_space<hbm>>) target(%dma_start3A_214 : memref<16x64xi32, #tpu.memory_space<vmem>>) target_semaphore(%dma_start3A_210 : memref<!tpu.dma_semaphore, #tpu.memory_space<semaphore_mem>>)
      } else {
      }
      %scan3A_175 = arith.constant 0 : i32
      %scan3A_176 = arith.constant 4 : i32
      %scan3A_177 = arith.addi %scan3A_175, %scan3A_176 : i32
      %scan3A_178 = arith.constant 1 : i32
      scf.for %scan3A_180 = %scan3A_175 to %scan3A_177 step %scan3A_178  : i32 {
        %mul3A_181 = arith.constant 1 : i32
        %mul3A_182 = arith.muli %scan3A_180, %mul3A_181 : i32
        %add3A_183 = arith.constant 0 : i32
        %add3A_184 = arith.addi %add3A_183, %mul3A_182 : i32
        %mul3A_185 = arith.constant 4 : i32
        %mul3A_186 = arith.muli %add3A_184, %mul3A_185 : i32
        %add3A_187 = arith.constant 0 : i32
        %add3A_188 = arith.addi %mul3A_186, %add3A_187 : i32
        %dma_wait3A_189 = arith.constant 0 : i32
        %dma_wait3A_190 = arith.constant 0 : i32
        %dma_wait3A_191 = arith.constant 0 : i32
        %dma_wait3A_192 = arith.constant 0 : i32
        %dma_wait3A_193 = tpu.memref_slice %arg7[%dma_wait3A_189, %dma_wait3A_191, %dma_wait3A_192] : memref<4x64x128xf32, #tpu.memory_space<vmem>> -> memref<1x64x128xf32, #tpu.memory_space<vmem>>
        %dma_wait3A_194 = tpu.memref_squeeze %dma_wait3A_193 : memref<1x64x128xf32, #tpu.memory_space<vmem>> -> memref<64x128xf32, #tpu.memory_space<vmem>>
        %dma_wait3A_195 = arith.constant 0 : i32
        %dma_wait3A_196 = tpu.memref_slice %arg8[%rem3A_171, %add3A_188, %dma_wait3A_195] : memref<2x16x64xi32, #tpu.memory_space<vmem>> -> memref<1x1x64xi32, #tpu.memory_space<vmem>>
        %dma_wait3A_197 = tpu.memref_squeeze %dma_wait3A_196 : memref<1x1x64xi32, #tpu.memory_space<vmem>> -> memref<64xi32, #tpu.memory_space<vmem>>
        %dma_wait3A_198 = arith.constant 0 : i32
        %dma_wait3A_199 = arith.constant 0 : i32
        %dma_wait3A_200 = tpu.memref_slice %arg2[%dma_wait3A_198, %dma_wait3A_199] : memref<10000x128xf32, #tpu.memory_space<hbm>> -> memref<10000x128xf32, #tpu.memory_space<hbm>>
        %dma_wait3A_201 = tpu.memref_slice %arg10[%dma_wait3A_190] : memref<4x!tpu.dma_semaphore, #tpu.memory_space<semaphore_mem>> -> memref<1x!tpu.dma_semaphore, #tpu.memory_space<semaphore_mem>>
        %dma_wait3A_202 = tpu.memref_squeeze %dma_wait3A_201 : memref<1x!tpu.dma_semaphore, #tpu.memory_space<semaphore_mem>> -> memref<!tpu.dma_semaphore, #tpu.memory_space<semaphore_mem>>
        tpu.wait_indirect_dma semaphore(%dma_wait3A_202 : memref<!tpu.dma_semaphore, #tpu.memory_space<semaphore_mem>>) src(%dma_wait3A_200 : memref<10000x128xf32, #tpu.memory_space<hbm>>) dst(%dma_wait3A_194 : memref<64x128xf32, #tpu.memory_space<vmem>>)
        %dma_start3A_203 = arith.constant 0 : i32
        %dma_start3A_204 = arith.constant 0 : i32
        %dma_start3A_205 = arith.constant 0 : i32
        %dma_start3A_206 = arith.constant 0 : i32
        %dma_start3A_207 = tpu.memref_slice %arg7[%dma_start3A_203, %dma_start3A_205, %dma_start3A_206] : memref<4x64x128xf32, #tpu.memory_space<vmem>> -> memref<1x64x128xf32, #tpu.memory_space<vmem>>
        %dma_start3A_208 = tpu.memref_squeeze %dma_start3A_207 : memref<1x64x128xf32, #tpu.memory_space<vmem>> -> memref<64x128xf32, #tpu.memory_space<vmem>>
        %dma_start3A_209 = arith.constant 0 : i32
        %dma_start3A_210 = tpu.memref_slice %arg9[%rem3A_171, %add3A_188, %dma_start3A_209] : memref<2x16x64xi32, #tpu.memory_space<vmem>> -> memref<1x1x64xi32, #tpu.memory_space<vmem>>
        %dma_start3A_211 = tpu.memref_squeeze %dma_start3A_210 : memref<1x1x64xi32, #tpu.memory_space<vmem>> -> memref<64xi32, #tpu.memory_space<vmem>>
        %dma_start3A_212 = arith.constant 0 : i32
        %dma_start3A_213 = arith.constant 0 : i32
        %dma_start3A_214 = tpu.memref_slice %arg6[%dma_start3A_212, %dma_start3A_213] : memref<10240x128xf32, #tpu.memory_space<vmem_shared>> -> memref<10240x128xf32, #tpu.memory_space<vmem_shared>>
        %dma_start3A_215 = tpu.memref_slice %arg11[%dma_start3A_204] : memref<4x!tpu.dma_semaphore, #tpu.memory_space<semaphore_mem>> -> memref<1x!tpu.dma_semaphore, #tpu.memory_space<semaphore_mem>>
        %dma_start3A_216 = tpu.memref_squeeze %dma_start3A_215 : memref<1x!tpu.dma_semaphore, #tpu.memory_space<semaphore_mem>> -> memref<!tpu.dma_semaphore, #tpu.memory_space<semaphore_mem>>
        tpu.enqueue_indirect_dma source(%dma_start3A_208 : memref<64x128xf32, #tpu.memory_space<vmem>>) target(%dma_start3A_214 : memref<10240x128xf32, #tpu.memory_space<vmem_shared>>) offsets(%dma_start3A_211 : memref<64xi32, #tpu.memory_space<vmem>>) semaphore(%dma_start3A_216 : memref<!tpu.dma_semaphore, #tpu.memory_space<semaphore_mem>>) {add = true}
        %mul3A_217 = arith.constant 4 : i32
        %mul3A_218 = arith.muli %add3A_184, %mul3A_217 : i32
        %add3A_219 = arith.constant 1 : i32
        %add3A_220 = arith.addi %mul3A_218, %add3A_219 : i32
        %dma_wait3A_221 = arith.constant 1 : i32
        %dma_wait3A_222 = arith.constant 1 : i32
        %dma_wait3A_223 = arith.constant 0 : i32
        %dma_wait3A_224 = arith.constant 0 : i32
        %dma_wait3A_225 = tpu.memref_slice %arg7[%dma_wait3A_221, %dma_wait3A_223, %dma_wait3A_224] : memref<4x64x128xf32, #tpu.memory_space<vmem>> -> memref<1x64x128xf32, #tpu.memory_space<vmem>>
        %dma_wait3A_226 = tpu.memref_squeeze %dma_wait3A_225 : memref<1x64x128xf32, #tpu.memory_space<vmem>> -> memref<64x128xf32, #tpu.memory_space<vmem>>
        %dma_wait3A_227 = arith.constant 0 : i32
        %dma_wait3A_228 = tpu.memref_slice %arg8[%rem3A_171, %add3A_220, %dma_wait3A_227] : memref<2x16x64xi32, #tpu.memory_space<vmem>> -> memref<1x1x64xi32, #tpu.memory_space<vmem>>
        %dma_wait3A_229 = tpu.memref_squeeze %dma_wait3A_228 : memref<1x1x64xi32, #tpu.memory_space<vmem>> -> memref<64xi32, #tpu.memory_space<vmem>>
        %dma_wait3A_230 = arith.constant 0 : i32
        %dma_wait3A_231 = arith.constant 0 : i32
        %dma_wait3A_232 = tpu.memref_slice %arg2[%dma_wait3A_230, %dma_wait3A_231] : memref<10000x128xf32, #tpu.memory_space<hbm>> -> memref<10000x128xf32, #tpu.memory_space<hbm>>
        %dma_wait3A_233 = tpu.memref_slice %arg10[%dma_wait3A_222] : memref<4x!tpu.dma_semaphore, #tpu.memory_space<semaphore_mem>> -> memref<1x!tpu.dma_semaphore, #tpu.memory_space<semaphore_mem>>
        %dma_wait3A_234 = tpu.memref_squeeze %dma_wait3A_233 : memref<1x!tpu.dma_semaphore, #tpu.memory_space<semaphore_mem>> -> memref<!tpu.dma_semaphore, #tpu.memory_space<semaphore_mem>>
        tpu.wait_indirect_dma semaphore(%dma_wait3A_234 : memref<!tpu.dma_semaphore, #tpu.memory_space<semaphore_mem>>) src(%dma_wait3A_232 : memref<10000x128xf32, #tpu.memory_space<hbm>>) dst(%dma_wait3A_226 : memref<64x128xf32, #tpu.memory_space<vmem>>)
        %dma_start3A_235 = arith.constant 1 : i32
        %dma_start3A_236 = arith.constant 1 : i32
        %dma_start3A_237 = arith.constant 0 : i32
        %dma_start3A_238 = arith.constant 0 : i32
        %dma_start3A_239 = tpu.memref_slice %arg7[%dma_start3A_235, %dma_start3A_237, %dma_start3A_238] : memref<4x64x128xf32, #tpu.memory_space<vmem>> -> memref<1x64x128xf32, #tpu.memory_space<vmem>>
        %dma_start3A_240 = tpu.memref_squeeze %dma_start3A_239 : memref<1x64x128xf32, #tpu.memory_space<vmem>> -> memref<64x128xf32, #tpu.memory_space<vmem>>
        %dma_start3A_241 = arith.constant 0 : i32
        %dma_start3A_242 = tpu.memref_slice %arg9[%rem3A_171, %add3A_220, %dma_start3A_241] : memref<2x16x64xi32, #tpu.memory_space<vmem>> -> memref<1x1x64xi32, #tpu.memory_space<vmem>>
        %dma_start3A_243 = tpu.memref_squeeze %dma_start3A_242 : memref<1x1x64xi32, #tpu.memory_space<vmem>> -> memref<64xi32, #tpu.memory_space<vmem>>
        %dma_start3A_244 = arith.constant 0 : i32
        %dma_start3A_245 = arith.constant 0 : i32
        %dma_start3A_246 = tpu.memref_slice %arg6[%dma_start3A_244, %dma_start3A_245] : memref<10240x128xf32, #tpu.memory_space<vmem_shared>> -> memref<10240x128xf32, #tpu.memory_space<vmem_shared>>
        %dma_start3A_247 = tpu.memref_slice %arg11[%dma_start3A_236] : memref<4x!tpu.dma_semaphore, #tpu.memory_space<semaphore_mem>> -> memref<1x!tpu.dma_semaphore, #tpu.memory_space<semaphore_mem>>
        %dma_start3A_248 = tpu.memref_squeeze %dma_start3A_247 : memref<1x!tpu.dma_semaphore, #tpu.memory_space<semaphore_mem>> -> memref<!tpu.dma_semaphore, #tpu.memory_space<semaphore_mem>>
        tpu.enqueue_indirect_dma source(%dma_start3A_240 : memref<64x128xf32, #tpu.memory_space<vmem>>) target(%dma_start3A_246 : memref<10240x128xf32, #tpu.memory_space<vmem_shared>>) offsets(%dma_start3A_243 : memref<64xi32, #tpu.memory_space<vmem>>) semaphore(%dma_start3A_248 : memref<!tpu.dma_semaphore, #tpu.memory_space<semaphore_mem>>) {add = true}
        %mul3A_249 = arith.constant 4 : i32
        %mul3A_250 = arith.muli %add3A_184, %mul3A_249 : i32
        %add3A_251 = arith.constant 2 : i32
        %add3A_252 = arith.addi %mul3A_250, %add3A_251 : i32
        %dma_wait3A_253 = arith.constant 2 : i32
        %dma_wait3A_254 = arith.constant 2 : i32
        %dma_wait3A_255 = arith.constant 0 : i32
        %dma_wait3A_256 = arith.constant 0 : i32
        %dma_wait3A_257 = tpu.memref_slice %arg7[%dma_wait3A_253, %dma_wait3A_255, %dma_wait3A_256] : memref<4x64x128xf32, #tpu.memory_space<vmem>> -> memref<1x64x128xf32, #tpu.memory_space<vmem>>
        %dma_wait3A_258 = tpu.memref_squeeze %dma_wait3A_257 : memref<1x64x128xf32, #tpu.memory_space<vmem>> -> memref<64x128xf32, #tpu.memory_space<vmem>>
        %dma_wait3A_259 = arith.constant 0 : i32
        %dma_wait3A_260 = tpu.memref_slice %arg8[%rem3A_171, %add3A_252, %dma_wait3A_259] : memref<2x16x64xi32, #tpu.memory_space<vmem>> -> memref<1x1x64xi32, #tpu.memory_space<vmem>>
        %dma_wait3A_261 = tpu.memref_squeeze %dma_wait3A_260 : memref<1x1x64xi32, #tpu.memory_space<vmem>> -> memref<64xi32, #tpu.memory_space<vmem>>
        %dma_wait3A_262 = arith.constant 0 : i32
        %dma_wait3A_263 = arith.constant 0 : i32
        %dma_wait3A_264 = tpu.memref_slice %arg2[%dma_wait3A_262, %dma_wait3A_263] : memref<10000x128xf32, #tpu.memory_space<hbm>> -> memref<10000x128xf32, #tpu.memory_space<hbm>>
        %dma_wait3A_265 = tpu.memref_slice %arg10[%dma_wait3A_254] : memref<4x!tpu.dma_semaphore, #tpu.memory_space<semaphore_mem>> -> memref<1x!tpu.dma_semaphore, #tpu.memory_space<semaphore_mem>>
        %dma_wait3A_266 = tpu.memref_squeeze %dma_wait3A_265 : memref<1x!tpu.dma_semaphore, #tpu.memory_space<semaphore_mem>> -> memref<!tpu.dma_semaphore, #tpu.memory_space<semaphore_mem>>
        tpu.wait_indirect_dma semaphore(%dma_wait3A_266 : memref<!tpu.dma_semaphore, #tpu.memory_space<semaphore_mem>>) src(%dma_wait3A_264 : memref<10000x128xf32, #tpu.memory_space<hbm>>) dst(%dma_wait3A_258 : memref<64x128xf32, #tpu.memory_space<vmem>>)
        %dma_start3A_267 = arith.constant 2 : i32
        %dma_start3A_268 = arith.constant 2 : i32
        %dma_start3A_269 = arith.constant 0 : i32
        %dma_start3A_270 = arith.constant 0 : i32
        %dma_start3A_271 = tpu.memref_slice %arg7[%dma_start3A_267, %dma_start3A_269, %dma_start3A_270] : memref<4x64x128xf32, #tpu.memory_space<vmem>> -> memref<1x64x128xf32, #tpu.memory_space<vmem>>
        %dma_start3A_272 = tpu.memref_squeeze %dma_start3A_271 : memref<1x64x128xf32, #tpu.memory_space<vmem>> -> memref<64x128xf32, #tpu.memory_space<vmem>>
        %dma_start3A_273 = arith.constant 0 : i32
        %dma_start3A_274 = tpu.memref_slice %arg9[%rem3A_171, %add3A_252, %dma_start3A_273] : memref<2x16x64xi32, #tpu.memory_space<vmem>> -> memref<1x1x64xi32, #tpu.memory_space<vmem>>
        %dma_start3A_275 = tpu.memref_squeeze %dma_start3A_274 : memref<1x1x64xi32, #tpu.memory_space<vmem>> -> memref<64xi32, #tpu.memory_space<vmem>>
        %dma_start3A_276 = arith.constant 0 : i32
        %dma_start3A_277 = arith.constant 0 : i32
        %dma_start3A_278 = tpu.memref_slice %arg6[%dma_start3A_276, %dma_start3A_277] : memref<10240x128xf32, #tpu.memory_space<vmem_shared>> -> memref<10240x128xf32, #tpu.memory_space<vmem_shared>>
        %dma_start3A_279 = tpu.memref_slice %arg11[%dma_start3A_268] : memref<4x!tpu.dma_semaphore, #tpu.memory_space<semaphore_mem>> -> memref<1x!tpu.dma_semaphore, #tpu.memory_space<semaphore_mem>>
        %dma_start3A_280 = tpu.memref_squeeze %dma_start3A_279 : memref<1x!tpu.dma_semaphore, #tpu.memory_space<semaphore_mem>> -> memref<!tpu.dma_semaphore, #tpu.memory_space<semaphore_mem>>
        tpu.enqueue_indirect_dma source(%dma_start3A_272 : memref<64x128xf32, #tpu.memory_space<vmem>>) target(%dma_start3A_278 : memref<10240x128xf32, #tpu.memory_space<vmem_shared>>) offsets(%dma_start3A_275 : memref<64xi32, #tpu.memory_space<vmem>>) semaphore(%dma_start3A_280 : memref<!tpu.dma_semaphore, #tpu.memory_space<semaphore_mem>>) {add = true}
        %mul3A_281 = arith.constant 4 : i32
        %mul3A_282 = arith.muli %add3A_184, %mul3A_281 : i32
        %add3A_283 = arith.constant 3 : i32
        %add3A_284 = arith.addi %mul3A_282, %add3A_283 : i32
        %dma_wait3A_285 = arith.constant 3 : i32
        %dma_wait3A_286 = arith.constant 3 : i32
        %dma_wait3A_287 = arith.constant 0 : i32
        %dma_wait3A_288 = arith.constant 0 : i32
        %dma_wait3A_289 = tpu.memref_slice %arg7[%dma_wait3A_285, %dma_wait3A_287, %dma_wait3A_288] : memref<4x64x128xf32, #tpu.memory_space<vmem>> -> memref<1x64x128xf32, #tpu.memory_space<vmem>>
        %dma_wait3A_290 = tpu.memref_squeeze %dma_wait3A_289 : memref<1x64x128xf32, #tpu.memory_space<vmem>> -> memref<64x128xf32, #tpu.memory_space<vmem>>
        %dma_wait3A_291 = arith.constant 0 : i32
        %dma_wait3A_292 = tpu.memref_slice %arg8[%rem3A_171, %add3A_284, %dma_wait3A_291] : memref<2x16x64xi32, #tpu.memory_space<vmem>> -> memref<1x1x64xi32, #tpu.memory_space<vmem>>
        %dma_wait3A_293 = tpu.memref_squeeze %dma_wait3A_292 : memref<1x1x64xi32, #tpu.memory_space<vmem>> -> memref<64xi32, #tpu.memory_space<vmem>>
        %dma_wait3A_294 = arith.constant 0 : i32
        %dma_wait3A_295 = arith.constant 0 : i32
        %dma_wait3A_296 = tpu.memref_slice %arg2[%dma_wait3A_294, %dma_wait3A_295] : memref<10000x128xf32, #tpu.memory_space<hbm>> -> memref<10000x128xf32, #tpu.memory_space<hbm>>
        %dma_wait3A_297 = tpu.memref_slice %arg10[%dma_wait3A_286] : memref<4x!tpu.dma_semaphore, #tpu.memory_space<semaphore_mem>> -> memref<1x!tpu.dma_semaphore, #tpu.memory_space<semaphore_mem>>
        %dma_wait3A_298 = tpu.memref_squeeze %dma_wait3A_297 : memref<1x!tpu.dma_semaphore, #tpu.memory_space<semaphore_mem>> -> memref<!tpu.dma_semaphore, #tpu.memory_space<semaphore_mem>>
        tpu.wait_indirect_dma semaphore(%dma_wait3A_298 : memref<!tpu.dma_semaphore, #tpu.memory_space<semaphore_mem>>) src(%dma_wait3A_296 : memref<10000x128xf32, #tpu.memory_space<hbm>>) dst(%dma_wait3A_290 : memref<64x128xf32, #tpu.memory_space<vmem>>)
        %dma_start3A_299 = arith.constant 3 : i32
        %dma_start3A_300 = arith.constant 3 : i32
        %dma_start3A_301 = arith.constant 0 : i32
        %dma_start3A_302 = arith.constant 0 : i32
        %dma_start3A_303 = tpu.memref_slice %arg7[%dma_start3A_299, %dma_start3A_301, %dma_start3A_302] : memref<4x64x128xf32, #tpu.memory_space<vmem>> -> memref<1x64x128xf32, #tpu.memory_space<vmem>>
        %dma_start3A_304 = tpu.memref_squeeze %dma_start3A_303 : memref<1x64x128xf32, #tpu.memory_space<vmem>> -> memref<64x128xf32, #tpu.memory_space<vmem>>
        %dma_start3A_305 = arith.constant 0 : i32
        %dma_start3A_306 = tpu.memref_slice %arg9[%rem3A_171, %add3A_284, %dma_start3A_305] : memref<2x16x64xi32, #tpu.memory_space<vmem>> -> memref<1x1x64xi32, #tpu.memory_space<vmem>>
        %dma_start3A_307 = tpu.memref_squeeze %dma_start3A_306 : memref<1x1x64xi32, #tpu.memory_space<vmem>> -> memref<64xi32, #tpu.memory_space<vmem>>
        %dma_start3A_308 = arith.constant 0 : i32
        %dma_start3A_309 = arith.constant 0 : i32
        %dma_start3A_310 = tpu.memref_slice %arg6[%dma_start3A_308, %dma_start3A_309] : memref<10240x128xf32, #tpu.memory_space<vmem_shared>> -> memref<10240x128xf32, #tpu.memory_space<vmem_shared>>
        %dma_start3A_311 = tpu.memref_slice %arg11[%dma_start3A_300] : memref<4x!tpu.dma_semaphore, #tpu.memory_space<semaphore_mem>> -> memref<1x!tpu.dma_semaphore, #tpu.memory_space<semaphore_mem>>
        %dma_start3A_312 = tpu.memref_squeeze %dma_start3A_311 : memref<1x!tpu.dma_semaphore, #tpu.memory_space<semaphore_mem>> -> memref<!tpu.dma_semaphore, #tpu.memory_space<semaphore_mem>>
        tpu.enqueue_indirect_dma source(%dma_start3A_304 : memref<64x128xf32, #tpu.memory_space<vmem>>) target(%dma_start3A_310 : memref<10240x128xf32, #tpu.memory_space<vmem_shared>>) offsets(%dma_start3A_307 : memref<64xi32, #tpu.memory_space<vmem>>) semaphore(%dma_start3A_312 : memref<!tpu.dma_semaphore, #tpu.memory_space<semaphore_mem>>) {add = true}
        %eq3A = arith.constant 3 : i32
        %eq3A_313 = arith.cmpi eq, %add3A_184, %eq3A : i32
        %lt3A_314 = arith.constant 9 : i32
        %lt3A_315 = arith.cmpi slt, %add3A_170, %lt3A_314 : i32
        %and3A = arith.andi %eq3A_313, %lt3A_315 : i1
        %convert_element_type3A_316 = arith.extui %and3A : i1 to i32
        %cond3A_317 = arith.constant 0 : i32
        %cond3A_318 = arith.cmpi ne, %convert_element_type3A_316, %cond3A_317 : i32
        scf.if %cond3A_318 {
          %add3A_443 = arith.constant 1 : i32
          %add3A_444 = arith.addi %add3A_170, %add3A_443 : i32
          %mul3A_445 = arith.constant 16 : i32
          %mul3A_446 = arith.muli %add3A_444, %mul3A_445 : i32
          %multiple_of3A = tpu.assume_multiple %mul3A_446, 8 : i32
          %dma_wait3A_447 = arith.constant 0 : i32
          %dma_wait3A_448 = arith.constant 0 : i32
          %dma_wait3A_449 = arith.constant 0 : i32
          %dma_wait3A_450 = tpu.memref_slice %arg8[%sub3A_172, %dma_wait3A_448, %dma_wait3A_449] : memref<2x16x64xi32, #tpu.memory_space<vmem>> -> memref<1x16x64xi32, #tpu.memory_space<vmem>>
          %dma_wait3A_451 = tpu.memref_squeeze %dma_wait3A_450 : memref<1x16x64xi32, #tpu.memory_space<vmem>> -> memref<16x64xi32, #tpu.memory_space<vmem>>
          %dma_wait3A_452 = arith.constant 0 : i32
          %dma_wait3A_453 = tpu.memref_slice %arg3[%add3A, %multiple_of3A, %dma_wait3A_452] : memref<32x160x64xi32, #tpu.memory_space<hbm>> -> memref<1x16x64xi32, #tpu.memory_space<hbm>>
          %dma_wait3A_454 = tpu.memref_squeeze %dma_wait3A_453 : memref<1x16x64xi32, #tpu.memory_space<hbm>> -> memref<16x64xi32, #tpu.memory_space<hbm>>
          %dma_wait3A_455 = tpu.memref_slice %arg12[%sub3A_172, %dma_wait3A_447] : memref<2x2x!tpu.dma_semaphore, #tpu.memory_space<semaphore_mem>> -> memref<1x1x!tpu.dma_semaphore, #tpu.memory_space<semaphore_mem>>
          %dma_wait3A_456 = tpu.memref_squeeze %dma_wait3A_455 : memref<1x1x!tpu.dma_semaphore, #tpu.memory_space<semaphore_mem>> -> memref<!tpu.dma_semaphore, #tpu.memory_space<semaphore_mem>>
          %dma_wait3A_457 = arith.constant 0 : i32
          %dma_wait3A_458 = arith.constant 0 : i32
          %dma_wait3A_459 = tpu.memref_slice %arg8[%sub3A_172, %dma_wait3A_457, %dma_wait3A_458] : memref<2x16x64xi32, #tpu.memory_space<vmem>> -> memref<1x16x64xi32, #tpu.memory_space<vmem>>
          %dma_wait3A_460 = tpu.memref_squeeze %dma_wait3A_459 : memref<1x16x64xi32, #tpu.memory_space<vmem>> -> memref<16x64xi32, #tpu.memory_space<vmem>>
          %dma_wait3A_461 = arith.constant 0 : i32
          %dma_wait3A_462 = tpu.memref_slice %arg3[%add3A, %multiple_of3A, %dma_wait3A_461] : memref<32x160x64xi32, #tpu.memory_space<hbm>> -> memref<1x16x64xi32, #tpu.memory_space<hbm>>
          %dma_wait3A_463 = tpu.memref_squeeze %dma_wait3A_462 : memref<1x16x64xi32, #tpu.memory_space<hbm>> -> memref<16x64xi32, #tpu.memory_space<hbm>>
          tpu.wait_dma2 semaphore(%dma_wait3A_456 : memref<!tpu.dma_semaphore, #tpu.memory_space<semaphore_mem>>) src(%dma_wait3A_463 : memref<16x64xi32, #tpu.memory_space<hbm>>) dst(%dma_wait3A_460 : memref<16x64xi32, #tpu.memory_space<vmem>>)
          %dma_wait3A_464 = arith.constant 1 : i32
          %dma_wait3A_465 = arith.constant 0 : i32
          %dma_wait3A_466 = arith.constant 0 : i32
          %dma_wait3A_467 = tpu.memref_slice %arg9[%sub3A_172, %dma_wait3A_465, %dma_wait3A_466] : memref<2x16x64xi32, #tpu.memory_space<vmem>> -> memref<1x16x64xi32, #tpu.memory_space<vmem>>
          %dma_wait3A_468 = tpu.memref_squeeze %dma_wait3A_467 : memref<1x16x64xi32, #tpu.memory_space<vmem>> -> memref<16x64xi32, #tpu.memory_space<vmem>>
          %dma_wait3A_469 = arith.constant 0 : i32
          %dma_wait3A_470 = tpu.memref_slice %arg4[%add3A, %multiple_of3A, %dma_wait3A_469] : memref<32x160x64xi32, #tpu.memory_space<hbm>> -> memref<1x16x64xi32, #tpu.memory_space<hbm>>
          %dma_wait3A_471 = tpu.memref_squeeze %dma_wait3A_470 : memref<1x16x64xi32, #tpu.memory_space<hbm>> -> memref<16x64xi32, #tpu.memory_space<hbm>>
          %dma_wait3A_472 = tpu.memref_slice %arg12[%sub3A_172, %dma_wait3A_464] : memref<2x2x!tpu.dma_semaphore, #tpu.memory_space<semaphore_mem>> -> memref<1x1x!tpu.dma_semaphore, #tpu.memory_space<semaphore_mem>>
          %dma_wait3A_473 = tpu.memref_squeeze %dma_wait3A_472 : memref<1x1x!tpu.dma_semaphore, #tpu.memory_space<semaphore_mem>> -> memref<!tpu.dma_semaphore, #tpu.memory_space<semaphore_mem>>
          %dma_wait3A_474 = arith.constant 0 : i32
          %dma_wait3A_475 = arith.constant 0 : i32
          %dma_wait3A_476 = tpu.memref_slice %arg9[%sub3A_172, %dma_wait3A_474, %dma_wait3A_475] : memref<2x16x64xi32, #tpu.memory_space<vmem>> -> memref<1x16x64xi32, #tpu.memory_space<vmem>>
          %dma_wait3A_477 = tpu.memref_squeeze %dma_wait3A_476 : memref<1x16x64xi32, #tpu.memory_space<vmem>> -> memref<16x64xi32, #tpu.memory_space<vmem>>
          %dma_wait3A_478 = arith.constant 0 : i32
          %dma_wait3A_479 = tpu.memref_slice %arg4[%add3A, %multiple_of3A, %dma_wait3A_478] : memref<32x160x64xi32, #tpu.memory_space<hbm>> -> memref<1x16x64xi32, #tpu.memory_space<hbm>>
          %dma_wait3A_480 = tpu.memref_squeeze %dma_wait3A_479 : memref<1x16x64xi32, #tpu.memory_space<hbm>> -> memref<16x64xi32, #tpu.memory_space<hbm>>
          tpu.wait_dma2 semaphore(%dma_wait3A_473 : memref<!tpu.dma_semaphore, #tpu.memory_space<semaphore_mem>>) src(%dma_wait3A_480 : memref<16x64xi32, #tpu.memory_space<hbm>>) dst(%dma_wait3A_477 : memref<16x64xi32, #tpu.memory_space<vmem>>)
        } else {
        }
        %mul3A_319 = arith.constant 4 : i32
        %mul3A_320 = arith.muli %add3A_184, %mul3A_319 : i32
        %add3A_321 = arith.constant 0 : i32
        %add3A_322 = arith.addi %mul3A_320, %add3A_321 : i32
        %dma_wait3A_323 = arith.constant 0 : i32
        %dma_wait3A_324 = arith.constant 0 : i32
        %dma_wait3A_325 = arith.constant 0 : i32
        %dma_wait3A_326 = arith.constant 0 : i32
        %dma_wait3A_327 = tpu.memref_slice %arg7[%dma_wait3A_323, %dma_wait3A_325, %dma_wait3A_326] : memref<4x64x128xf32, #tpu.memory_space<vmem>> -> memref<1x64x128xf32, #tpu.memory_space<vmem>>
        %dma_wait3A_328 = tpu.memref_squeeze %dma_wait3A_327 : memref<1x64x128xf32, #tpu.memory_space<vmem>> -> memref<64x128xf32, #tpu.memory_space<vmem>>
        %dma_wait3A_329 = arith.constant 0 : i32
        %dma_wait3A_330 = tpu.memref_slice %arg9[%rem3A_171, %add3A_322, %dma_wait3A_329] : memref<2x16x64xi32, #tpu.memory_space<vmem>> -> memref<1x1x64xi32, #tpu.memory_space<vmem>>
        %dma_wait3A_331 = tpu.memref_squeeze %dma_wait3A_330 : memref<1x1x64xi32, #tpu.memory_space<vmem>> -> memref<64xi32, #tpu.memory_space<vmem>>
        %dma_wait3A_332 = arith.constant 0 : i32
        %dma_wait3A_333 = arith.constant 0 : i32
        %dma_wait3A_334 = tpu.memref_slice %arg6[%dma_wait3A_332, %dma_wait3A_333] : memref<10240x128xf32, #tpu.memory_space<vmem_shared>> -> memref<10240x128xf32, #tpu.memory_space<vmem_shared>>
        %dma_wait3A_335 = tpu.memref_slice %arg11[%dma_wait3A_324] : memref<4x!tpu.dma_semaphore, #tpu.memory_space<semaphore_mem>> -> memref<1x!tpu.dma_semaphore, #tpu.memory_space<semaphore_mem>>
        %dma_wait3A_336 = tpu.memref_squeeze %dma_wait3A_335 : memref<1x!tpu.dma_semaphore, #tpu.memory_space<semaphore_mem>> -> memref<!tpu.dma_semaphore, #tpu.memory_space<semaphore_mem>>
        tpu.wait_indirect_dma semaphore(%dma_wait3A_336 : memref<!tpu.dma_semaphore, #tpu.memory_space<semaphore_mem>>) src(%dma_wait3A_328 : memref<64x128xf32, #tpu.memory_space<vmem>>) dst(%dma_wait3A_334 : memref<10240x128xf32, #tpu.memory_space<vmem_shared>>)
        %lt3A_337 = arith.constant 3 : i32
        %lt3A_338 = arith.cmpi slt, %add3A_184, %lt3A_337 : i32
        %convert_element_type3A_339 = arith.extui %lt3A_338 : i1 to i32
        %cond3A_340 = arith.constant 0 : i32
        %cond3A_341 = arith.cmpi ne, %convert_element_type3A_339, %cond3A_340 : i32
        scf.if %cond3A_341 {
          %add3A_443 = arith.constant 4 : i32
          %add3A_444 = arith.addi %add3A_322, %add3A_443 : i32
          %dma_start3A_445 = arith.constant 0 : i32
          %dma_start3A_446 = arith.constant 0 : i32
          %dma_start3A_447 = arith.constant 0 : i32
          %dma_start3A_448 = arith.constant 0 : i32
          %dma_start3A_449 = tpu.memref_slice %arg7[%dma_start3A_445, %dma_start3A_447, %dma_start3A_448] : memref<4x64x128xf32, #tpu.memory_space<vmem>> -> memref<1x64x128xf32, #tpu.memory_space<vmem>>
          %dma_start3A_450 = tpu.memref_squeeze %dma_start3A_449 : memref<1x64x128xf32, #tpu.memory_space<vmem>> -> memref<64x128xf32, #tpu.memory_space<vmem>>
          %dma_start3A_451 = arith.constant 0 : i32
          %dma_start3A_452 = tpu.memref_slice %arg8[%rem3A_171, %add3A_444, %dma_start3A_451] : memref<2x16x64xi32, #tpu.memory_space<vmem>> -> memref<1x1x64xi32, #tpu.memory_space<vmem>>
          %dma_start3A_453 = tpu.memref_squeeze %dma_start3A_452 : memref<1x1x64xi32, #tpu.memory_space<vmem>> -> memref<64xi32, #tpu.memory_space<vmem>>
          %dma_start3A_454 = arith.constant 0 : i32
          %dma_start3A_455 = arith.constant 0 : i32
          %dma_start3A_456 = tpu.memref_slice %arg2[%dma_start3A_454, %dma_start3A_455] : memref<10000x128xf32, #tpu.memory_space<hbm>> -> memref<10000x128xf32, #tpu.memory_space<hbm>>
          %dma_start3A_457 = tpu.memref_slice %arg10[%dma_start3A_446] : memref<4x!tpu.dma_semaphore, #tpu.memory_space<semaphore_mem>> -> memref<1x!tpu.dma_semaphore, #tpu.memory_space<semaphore_mem>>
          %dma_start3A_458 = tpu.memref_squeeze %dma_start3A_457 : memref<1x!tpu.dma_semaphore, #tpu.memory_space<semaphore_mem>> -> memref<!tpu.dma_semaphore, #tpu.memory_space<semaphore_mem>>
          tpu.enqueue_indirect_dma source(%dma_start3A_456 : memref<10000x128xf32, #tpu.memory_space<hbm>>) target(%dma_start3A_450 : memref<64x128xf32, #tpu.memory_space<vmem>>) offsets(%dma_start3A_453 : memref<64xi32, #tpu.memory_space<vmem>>) semaphore(%dma_start3A_458 : memref<!tpu.dma_semaphore, #tpu.memory_space<semaphore_mem>>)
        } else {
        }
        %eq3A_342 = arith.constant 3 : i32
        %eq3A_343 = arith.cmpi eq, %add3A_184, %eq3A_342 : i32
        %lt3A_344 = arith.constant 9 : i32
        %lt3A_345 = arith.cmpi slt, %add3A_170, %lt3A_344 : i32
        %and3A_346 = arith.andi %eq3A_343, %lt3A_345 : i1
        %convert_element_type3A_347 = arith.extui %and3A_346 : i1 to i32
        %cond3A_348 = arith.constant 0 : i32
        %cond3A_349 = arith.cmpi ne, %convert_element_type3A_347, %cond3A_348 : i32
        scf.if %cond3A_349 {
          %dma_start3A_443 = arith.constant 0 : i32
          %dma_start3A_444 = arith.constant 0 : i32
          %dma_start3A_445 = arith.constant 0 : i32
          %dma_start3A_446 = arith.constant 0 : i32
          %dma_start3A_447 = arith.constant 0 : i32
          %dma_start3A_448 = tpu.memref_slice %arg7[%dma_start3A_444, %dma_start3A_446, %dma_start3A_447] : memref<4x64x128xf32, #tpu.memory_space<vmem>> -> memref<1x64x128xf32, #tpu.memory_space<vmem>>
          %dma_start3A_449 = tpu.memref_squeeze %dma_start3A_448 : memref<1x64x128xf32, #tpu.memory_space<vmem>> -> memref<64x128xf32, #tpu.memory_space<vmem>>
          %dma_start3A_450 = arith.constant 0 : i32
          %dma_start3A_451 = tpu.memref_slice %arg8[%sub3A_172, %dma_start3A_443, %dma_start3A_450] : memref<2x16x64xi32, #tpu.memory_space<vmem>> -> memref<1x1x64xi32, #tpu.memory_space<vmem>>
          %dma_start3A_452 = tpu.memref_squeeze %dma_start3A_451 : memref<1x1x64xi32, #tpu.memory_space<vmem>> -> memref<64xi32, #tpu.memory_space<vmem>>
          %dma_start3A_453 = arith.constant 0 : i32
          %dma_start3A_454 = arith.constant 0 : i32
          %dma_start3A_455 = tpu.memref_slice %arg2[%dma_start3A_453, %dma_start3A_454] : memref<10000x128xf32, #tpu.memory_space<hbm>> -> memref<10000x128xf32, #tpu.memory_space<hbm>>
          %dma_start3A_456 = tpu.memref_slice %arg10[%dma_start3A_445] : memref<4x!tpu.dma_semaphore, #tpu.memory_space<semaphore_mem>> -> memref<1x!tpu.dma_semaphore, #tpu.memory_space<semaphore_mem>>
          %dma_start3A_457 = tpu.memref_squeeze %dma_start3A_456 : memref<1x!tpu.dma_semaphore, #tpu.memory_space<semaphore_mem>> -> memref<!tpu.dma_semaphore, #tpu.memory_space<semaphore_mem>>
          tpu.enqueue_indirect_dma source(%dma_start3A_455 : memref<10000x128xf32, #tpu.memory_space<hbm>>) target(%dma_start3A_449 : memref<64x128xf32, #tpu.memory_space<vmem>>) offsets(%dma_start3A_452 : memref<64xi32, #tpu.memory_space<vmem>>) semaphore(%dma_start3A_457 : memref<!tpu.dma_semaphore, #tpu.memory_space<semaphore_mem>>)
        } else {
        }
        %mul3A_350 = arith.constant 4 : i32
        %mul3A_351 = arith.muli %add3A_184, %mul3A_350 : i32
        %add3A_352 = arith.constant 1 : i32
        %add3A_353 = arith.addi %mul3A_351, %add3A_352 : i32
        %dma_wait3A_354 = arith.constant 1 : i32
        %dma_wait3A_355 = arith.constant 1 : i32
        %dma_wait3A_356 = arith.constant 0 : i32
        %dma_wait3A_357 = arith.constant 0 : i32
        %dma_wait3A_358 = tpu.memref_slice %arg7[%dma_wait3A_354, %dma_wait3A_356, %dma_wait3A_357] : memref<4x64x128xf32, #tpu.memory_space<vmem>> -> memref<1x64x128xf32, #tpu.memory_space<vmem>>
        %dma_wait3A_359 = tpu.memref_squeeze %dma_wait3A_358 : memref<1x64x128xf32, #tpu.memory_space<vmem>> -> memref<64x128xf32, #tpu.memory_space<vmem>>
        %dma_wait3A_360 = arith.constant 0 : i32
        %dma_wait3A_361 = tpu.memref_slice %arg9[%rem3A_171, %add3A_353, %dma_wait3A_360] : memref<2x16x64xi32, #tpu.memory_space<vmem>> -> memref<1x1x64xi32, #tpu.memory_space<vmem>>
        %dma_wait3A_362 = tpu.memref_squeeze %dma_wait3A_361 : memref<1x1x64xi32, #tpu.memory_space<vmem>> -> memref<64xi32, #tpu.memory_space<vmem>>
        %dma_wait3A_363 = arith.constant 0 : i32
        %dma_wait3A_364 = arith.constant 0 : i32
        %dma_wait3A_365 = tpu.memref_slice %arg6[%dma_wait3A_363, %dma_wait3A_364] : memref<10240x128xf32, #tpu.memory_space<vmem_shared>> -> memref<10240x128xf32, #tpu.memory_space<vmem_shared>>
        %dma_wait3A_366 = tpu.memref_slice %arg11[%dma_wait3A_355] : memref<4x!tpu.dma_semaphore, #tpu.memory_space<semaphore_mem>> -> memref<1x!tpu.dma_semaphore, #tpu.memory_space<semaphore_mem>>
        %dma_wait3A_367 = tpu.memref_squeeze %dma_wait3A_366 : memref<1x!tpu.dma_semaphore, #tpu.memory_space<semaphore_mem>> -> memref<!tpu.dma_semaphore, #tpu.memory_space<semaphore_mem>>
        tpu.wait_indirect_dma semaphore(%dma_wait3A_367 : memref<!tpu.dma_semaphore, #tpu.memory_space<semaphore_mem>>) src(%dma_wait3A_359 : memref<64x128xf32, #tpu.memory_space<vmem>>) dst(%dma_wait3A_365 : memref<10240x128xf32, #tpu.memory_space<vmem_shared>>)
        %lt3A_368 = arith.constant 3 : i32
        %lt3A_369 = arith.cmpi slt, %add3A_184, %lt3A_368 : i32
        %convert_element_type3A_370 = arith.extui %lt3A_369 : i1 to i32
        %cond3A_371 = arith.constant 0 : i32
        %cond3A_372 = arith.cmpi ne, %convert_element_type3A_370, %cond3A_371 : i32
        scf.if %cond3A_372 {
          %add3A_443 = arith.constant 4 : i32
          %add3A_444 = arith.addi %add3A_353, %add3A_443 : i32
          %dma_start3A_445 = arith.constant 1 : i32
          %dma_start3A_446 = arith.constant 1 : i32
          %dma_start3A_447 = arith.constant 0 : i32
          %dma_start3A_448 = arith.constant 0 : i32
          %dma_start3A_449 = tpu.memref_slice %arg7[%dma_start3A_445, %dma_start3A_447, %dma_start3A_448] : memref<4x64x128xf32, #tpu.memory_space<vmem>> -> memref<1x64x128xf32, #tpu.memory_space<vmem>>
          %dma_start3A_450 = tpu.memref_squeeze %dma_start3A_449 : memref<1x64x128xf32, #tpu.memory_space<vmem>> -> memref<64x128xf32, #tpu.memory_space<vmem>>
          %dma_start3A_451 = arith.constant 0 : i32
          %dma_start3A_452 = tpu.memref_slice %arg8[%rem3A_171, %add3A_444, %dma_start3A_451] : memref<2x16x64xi32, #tpu.memory_space<vmem>> -> memref<1x1x64xi32, #tpu.memory_space<vmem>>
          %dma_start3A_453 = tpu.memref_squeeze %dma_start3A_452 : memref<1x1x64xi32, #tpu.memory_space<vmem>> -> memref<64xi32, #tpu.memory_space<vmem>>
          %dma_start3A_454 = arith.constant 0 : i32
          %dma_start3A_455 = arith.constant 0 : i32
          %dma_start3A_456 = tpu.memref_slice %arg2[%dma_start3A_454, %dma_start3A_455] : memref<10000x128xf32, #tpu.memory_space<hbm>> -> memref<10000x128xf32, #tpu.memory_space<hbm>>
          %dma_start3A_457 = tpu.memref_slice %arg10[%dma_start3A_446] : memref<4x!tpu.dma_semaphore, #tpu.memory_space<semaphore_mem>> -> memref<1x!tpu.dma_semaphore, #tpu.memory_space<semaphore_mem>>
          %dma_start3A_458 = tpu.memref_squeeze %dma_start3A_457 : memref<1x!tpu.dma_semaphore, #tpu.memory_space<semaphore_mem>> -> memref<!tpu.dma_semaphore, #tpu.memory_space<semaphore_mem>>
          tpu.enqueue_indirect_dma source(%dma_start3A_456 : memref<10000x128xf32, #tpu.memory_space<hbm>>) target(%dma_start3A_450 : memref<64x128xf32, #tpu.memory_space<vmem>>) offsets(%dma_start3A_453 : memref<64xi32, #tpu.memory_space<vmem>>) semaphore(%dma_start3A_458 : memref<!tpu.dma_semaphore, #tpu.memory_space<semaphore_mem>>)
        } else {
        }
        %eq3A_373 = arith.constant 3 : i32
        %eq3A_374 = arith.cmpi eq, %add3A_184, %eq3A_373 : i32
        %lt3A_375 = arith.constant 9 : i32
        %lt3A_376 = arith.cmpi slt, %add3A_170, %lt3A_375 : i32
        %and3A_377 = arith.andi %eq3A_374, %lt3A_376 : i1
        %convert_element_type3A_378 = arith.extui %and3A_377 : i1 to i32
        %cond3A_379 = arith.constant 0 : i32
        %cond3A_380 = arith.cmpi ne, %convert_element_type3A_378, %cond3A_379 : i32
        scf.if %cond3A_380 {
          %dma_start3A_443 = arith.constant 1 : i32
          %dma_start3A_444 = arith.constant 1 : i32
          %dma_start3A_445 = arith.constant 1 : i32
          %dma_start3A_446 = arith.constant 0 : i32
          %dma_start3A_447 = arith.constant 0 : i32
          %dma_start3A_448 = tpu.memref_slice %arg7[%dma_start3A_444, %dma_start3A_446, %dma_start3A_447] : memref<4x64x128xf32, #tpu.memory_space<vmem>> -> memref<1x64x128xf32, #tpu.memory_space<vmem>>
          %dma_start3A_449 = tpu.memref_squeeze %dma_start3A_448 : memref<1x64x128xf32, #tpu.memory_space<vmem>> -> memref<64x128xf32, #tpu.memory_space<vmem>>
          %dma_start3A_450 = arith.constant 0 : i32
          %dma_start3A_451 = tpu.memref_slice %arg8[%sub3A_172, %dma_start3A_443, %dma_start3A_450] : memref<2x16x64xi32, #tpu.memory_space<vmem>> -> memref<1x1x64xi32, #tpu.memory_space<vmem>>
          %dma_start3A_452 = tpu.memref_squeeze %dma_start3A_451 : memref<1x1x64xi32, #tpu.memory_space<vmem>> -> memref<64xi32, #tpu.memory_space<vmem>>
          %dma_start3A_453 = arith.constant 0 : i32
          %dma_start3A_454 = arith.constant 0 : i32
          %dma_start3A_455 = tpu.memref_slice %arg2[%dma_start3A_453, %dma_start3A_454] : memref<10000x128xf32, #tpu.memory_space<hbm>> -> memref<10000x128xf32, #tpu.memory_space<hbm>>
          %dma_start3A_456 = tpu.memref_slice %arg10[%dma_start3A_445] : memref<4x!tpu.dma_semaphore, #tpu.memory_space<semaphore_mem>> -> memref<1x!tpu.dma_semaphore, #tpu.memory_space<semaphore_mem>>
          %dma_start3A_457 = tpu.memref_squeeze %dma_start3A_456 : memref<1x!tpu.dma_semaphore, #tpu.memory_space<semaphore_mem>> -> memref<!tpu.dma_semaphore, #tpu.memory_space<semaphore_mem>>
          tpu.enqueue_indirect_dma source(%dma_start3A_455 : memref<10000x128xf32, #tpu.memory_space<hbm>>) target(%dma_start3A_449 : memref<64x128xf32, #tpu.memory_space<vmem>>) offsets(%dma_start3A_452 : memref<64xi32, #tpu.memory_space<vmem>>) semaphore(%dma_start3A_457 : memref<!tpu.dma_semaphore, #tpu.memory_space<semaphore_mem>>)
        } else {
        }
        %mul3A_381 = arith.constant 4 : i32
        %mul3A_382 = arith.muli %add3A_184, %mul3A_381 : i32
        %add3A_383 = arith.constant 2 : i32
        %add3A_384 = arith.addi %mul3A_382, %add3A_383 : i32
        %dma_wait3A_385 = arith.constant 2 : i32
        %dma_wait3A_386 = arith.constant 2 : i32
        %dma_wait3A_387 = arith.constant 0 : i32
        %dma_wait3A_388 = arith.constant 0 : i32
        %dma_wait3A_389 = tpu.memref_slice %arg7[%dma_wait3A_385, %dma_wait3A_387, %dma_wait3A_388] : memref<4x64x128xf32, #tpu.memory_space<vmem>> -> memref<1x64x128xf32, #tpu.memory_space<vmem>>
        %dma_wait3A_390 = tpu.memref_squeeze %dma_wait3A_389 : memref<1x64x128xf32, #tpu.memory_space<vmem>> -> memref<64x128xf32, #tpu.memory_space<vmem>>
        %dma_wait3A_391 = arith.constant 0 : i32
        %dma_wait3A_392 = tpu.memref_slice %arg9[%rem3A_171, %add3A_384, %dma_wait3A_391] : memref<2x16x64xi32, #tpu.memory_space<vmem>> -> memref<1x1x64xi32, #tpu.memory_space<vmem>>
        %dma_wait3A_393 = tpu.memref_squeeze %dma_wait3A_392 : memref<1x1x64xi32, #tpu.memory_space<vmem>> -> memref<64xi32, #tpu.memory_space<vmem>>
        %dma_wait3A_394 = arith.constant 0 : i32
        %dma_wait3A_395 = arith.constant 0 : i32
        %dma_wait3A_396 = tpu.memref_slice %arg6[%dma_wait3A_394, %dma_wait3A_395] : memref<10240x128xf32, #tpu.memory_space<vmem_shared>> -> memref<10240x128xf32, #tpu.memory_space<vmem_shared>>
        %dma_wait3A_397 = tpu.memref_slice %arg11[%dma_wait3A_386] : memref<4x!tpu.dma_semaphore, #tpu.memory_space<semaphore_mem>> -> memref<1x!tpu.dma_semaphore, #tpu.memory_space<semaphore_mem>>
        %dma_wait3A_398 = tpu.memref_squeeze %dma_wait3A_397 : memref<1x!tpu.dma_semaphore, #tpu.memory_space<semaphore_mem>> -> memref<!tpu.dma_semaphore, #tpu.memory_space<semaphore_mem>>
        tpu.wait_indirect_dma semaphore(%dma_wait3A_398 : memref<!tpu.dma_semaphore, #tpu.memory_space<semaphore_mem>>) src(%dma_wait3A_390 : memref<64x128xf32, #tpu.memory_space<vmem>>) dst(%dma_wait3A_396 : memref<10240x128xf32, #tpu.memory_space<vmem_shared>>)
        %lt3A_399 = arith.constant 3 : i32
        %lt3A_400 = arith.cmpi slt, %add3A_184, %lt3A_399 : i32
        %convert_element_type3A_401 = arith.extui %lt3A_400 : i1 to i32
        %cond3A_402 = arith.constant 0 : i32
        %cond3A_403 = arith.cmpi ne, %convert_element_type3A_401, %cond3A_402 : i32
        scf.if %cond3A_403 {
          %add3A_443 = arith.constant 4 : i32
          %add3A_444 = arith.addi %add3A_384, %add3A_443 : i32
          %dma_start3A_445 = arith.constant 2 : i32
          %dma_start3A_446 = arith.constant 2 : i32
          %dma_start3A_447 = arith.constant 0 : i32
          %dma_start3A_448 = arith.constant 0 : i32
          %dma_start3A_449 = tpu.memref_slice %arg7[%dma_start3A_445, %dma_start3A_447, %dma_start3A_448] : memref<4x64x128xf32, #tpu.memory_space<vmem>> -> memref<1x64x128xf32, #tpu.memory_space<vmem>>
          %dma_start3A_450 = tpu.memref_squeeze %dma_start3A_449 : memref<1x64x128xf32, #tpu.memory_space<vmem>> -> memref<64x128xf32, #tpu.memory_space<vmem>>
          %dma_start3A_451 = arith.constant 0 : i32
          %dma_start3A_452 = tpu.memref_slice %arg8[%rem3A_171, %add3A_444, %dma_start3A_451] : memref<2x16x64xi32, #tpu.memory_space<vmem>> -> memref<1x1x64xi32, #tpu.memory_space<vmem>>
          %dma_start3A_453 = tpu.memref_squeeze %dma_start3A_452 : memref<1x1x64xi32, #tpu.memory_space<vmem>> -> memref<64xi32, #tpu.memory_space<vmem>>
          %dma_start3A_454 = arith.constant 0 : i32
          %dma_start3A_455 = arith.constant 0 : i32
          %dma_start3A_456 = tpu.memref_slice %arg2[%dma_start3A_454, %dma_start3A_455] : memref<10000x128xf32, #tpu.memory_space<hbm>> -> memref<10000x128xf32, #tpu.memory_space<hbm>>
          %dma_start3A_457 = tpu.memref_slice %arg10[%dma_start3A_446] : memref<4x!tpu.dma_semaphore, #tpu.memory_space<semaphore_mem>> -> memref<1x!tpu.dma_semaphore, #tpu.memory_space<semaphore_mem>>
          %dma_start3A_458 = tpu.memref_squeeze %dma_start3A_457 : memref<1x!tpu.dma_semaphore, #tpu.memory_space<semaphore_mem>> -> memref<!tpu.dma_semaphore, #tpu.memory_space<semaphore_mem>>
          tpu.enqueue_indirect_dma source(%dma_start3A_456 : memref<10000x128xf32, #tpu.memory_space<hbm>>) target(%dma_start3A_450 : memref<64x128xf32, #tpu.memory_space<vmem>>) offsets(%dma_start3A_453 : memref<64xi32, #tpu.memory_space<vmem>>) semaphore(%dma_start3A_458 : memref<!tpu.dma_semaphore, #tpu.memory_space<semaphore_mem>>)
        } else {
        }
        %eq3A_404 = arith.constant 3 : i32
        %eq3A_405 = arith.cmpi eq, %add3A_184, %eq3A_404 : i32
        %lt3A_406 = arith.constant 9 : i32
        %lt3A_407 = arith.cmpi slt, %add3A_170, %lt3A_406 : i32
        %and3A_408 = arith.andi %eq3A_405, %lt3A_407 : i1
        %convert_element_type3A_409 = arith.extui %and3A_408 : i1 to i32
        %cond3A_410 = arith.constant 0 : i32
        %cond3A_411 = arith.cmpi ne, %convert_element_type3A_409, %cond3A_410 : i32
        scf.if %cond3A_411 {
          %dma_start3A_443 = arith.constant 2 : i32
          %dma_start3A_444 = arith.constant 2 : i32
          %dma_start3A_445 = arith.constant 2 : i32
          %dma_start3A_446 = arith.constant 0 : i32
          %dma_start3A_447 = arith.constant 0 : i32
          %dma_start3A_448 = tpu.memref_slice %arg7[%dma_start3A_444, %dma_start3A_446, %dma_start3A_447] : memref<4x64x128xf32, #tpu.memory_space<vmem>> -> memref<1x64x128xf32, #tpu.memory_space<vmem>>
          %dma_start3A_449 = tpu.memref_squeeze %dma_start3A_448 : memref<1x64x128xf32, #tpu.memory_space<vmem>> -> memref<64x128xf32, #tpu.memory_space<vmem>>
          %dma_start3A_450 = arith.constant 0 : i32
          %dma_start3A_451 = tpu.memref_slice %arg8[%sub3A_172, %dma_start3A_443, %dma_start3A_450] : memref<2x16x64xi32, #tpu.memory_space<vmem>> -> memref<1x1x64xi32, #tpu.memory_space<vmem>>
          %dma_start3A_452 = tpu.memref_squeeze %dma_start3A_451 : memref<1x1x64xi32, #tpu.memory_space<vmem>> -> memref<64xi32, #tpu.memory_space<vmem>>
          %dma_start3A_453 = arith.constant 0 : i32
          %dma_start3A_454 = arith.constant 0 : i32
          %dma_start3A_455 = tpu.memref_slice %arg2[%dma_start3A_453, %dma_start3A_454] : memref<10000x128xf32, #tpu.memory_space<hbm>> -> memref<10000x128xf32, #tpu.memory_space<hbm>>
          %dma_start3A_456 = tpu.memref_slice %arg10[%dma_start3A_445] : memref<4x!tpu.dma_semaphore, #tpu.memory_space<semaphore_mem>> -> memref<1x!tpu.dma_semaphore, #tpu.memory_space<semaphore_mem>>
          %dma_start3A_457 = tpu.memref_squeeze %dma_start3A_456 : memref<1x!tpu.dma_semaphore, #tpu.memory_space<semaphore_mem>> -> memref<!tpu.dma_semaphore, #tpu.memory_space<semaphore_mem>>
          tpu.enqueue_indirect_dma source(%dma_start3A_455 : memref<10000x128xf32, #tpu.memory_space<hbm>>) target(%dma_start3A_449 : memref<64x128xf32, #tpu.memory_space<vmem>>) offsets(%dma_start3A_452 : memref<64xi32, #tpu.memory_space<vmem>>) semaphore(%dma_start3A_457 : memref<!tpu.dma_semaphore, #tpu.memory_space<semaphore_mem>>)
        } else {
        }
        %mul3A_412 = arith.constant 4 : i32
        %mul3A_413 = arith.muli %add3A_184, %mul3A_412 : i32
        %add3A_414 = arith.constant 3 : i32
        %add3A_415 = arith.addi %mul3A_413, %add3A_414 : i32
        %dma_wait3A_416 = arith.constant 3 : i32
        %dma_wait3A_417 = arith.constant 3 : i32
        %dma_wait3A_418 = arith.constant 0 : i32
        %dma_wait3A_419 = arith.constant 0 : i32
        %dma_wait3A_420 = tpu.memref_slice %arg7[%dma_wait3A_416, %dma_wait3A_418, %dma_wait3A_419] : memref<4x64x128xf32, #tpu.memory_space<vmem>> -> memref<1x64x128xf32, #tpu.memory_space<vmem>>
        %dma_wait3A_421 = tpu.memref_squeeze %dma_wait3A_420 : memref<1x64x128xf32, #tpu.memory_space<vmem>> -> memref<64x128xf32, #tpu.memory_space<vmem>>
        %dma_wait3A_422 = arith.constant 0 : i32
        %dma_wait3A_423 = tpu.memref_slice %arg9[%rem3A_171, %add3A_415, %dma_wait3A_422] : memref<2x16x64xi32, #tpu.memory_space<vmem>> -> memref<1x1x64xi32, #tpu.memory_space<vmem>>
        %dma_wait3A_424 = tpu.memref_squeeze %dma_wait3A_423 : memref<1x1x64xi32, #tpu.memory_space<vmem>> -> memref<64xi32, #tpu.memory_space<vmem>>
        %dma_wait3A_425 = arith.constant 0 : i32
        %dma_wait3A_426 = arith.constant 0 : i32
        %dma_wait3A_427 = tpu.memref_slice %arg6[%dma_wait3A_425, %dma_wait3A_426] : memref<10240x128xf32, #tpu.memory_space<vmem_shared>> -> memref<10240x128xf32, #tpu.memory_space<vmem_shared>>
        %dma_wait3A_428 = tpu.memref_slice %arg11[%dma_wait3A_417] : memref<4x!tpu.dma_semaphore, #tpu.memory_space<semaphore_mem>> -> memref<1x!tpu.dma_semaphore, #tpu.memory_space<semaphore_mem>>
        %dma_wait3A_429 = tpu.memref_squeeze %dma_wait3A_428 : memref<1x!tpu.dma_semaphore, #tpu.memory_space<semaphore_mem>> -> memref<!tpu.dma_semaphore, #tpu.memory_space<semaphore_mem>>
        tpu.wait_indirect_dma semaphore(%dma_wait3A_429 : memref<!tpu.dma_semaphore, #tpu.memory_space<semaphore_mem>>) src(%dma_wait3A_421 : memref<64x128xf32, #tpu.memory_space<vmem>>) dst(%dma_wait3A_427 : memref<10240x128xf32, #tpu.memory_space<vmem_shared>>)
        %lt3A_430 = arith.constant 3 : i32
        %lt3A_431 = arith.cmpi slt, %add3A_184, %lt3A_430 : i32
        %convert_element_type3A_432 = arith.extui %lt3A_431 : i1 to i32
        %cond3A_433 = arith.constant 0 : i32
        %cond3A_434 = arith.cmpi ne, %convert_element_type3A_432, %cond3A_433 : i32
        scf.if %cond3A_434 {
          %add3A_443 = arith.constant 4 : i32
          %add3A_444 = arith.addi %add3A_415, %add3A_443 : i32
          %dma_start3A_445 = arith.constant 3 : i32
          %dma_start3A_446 = arith.constant 3 : i32
          %dma_start3A_447 = arith.constant 0 : i32
          %dma_start3A_448 = arith.constant 0 : i32
          %dma_start3A_449 = tpu.memref_slice %arg7[%dma_start3A_445, %dma_start3A_447, %dma_start3A_448] : memref<4x64x128xf32, #tpu.memory_space<vmem>> -> memref<1x64x128xf32, #tpu.memory_space<vmem>>
          %dma_start3A_450 = tpu.memref_squeeze %dma_start3A_449 : memref<1x64x128xf32, #tpu.memory_space<vmem>> -> memref<64x128xf32, #tpu.memory_space<vmem>>
          %dma_start3A_451 = arith.constant 0 : i32
          %dma_start3A_452 = tpu.memref_slice %arg8[%rem3A_171, %add3A_444, %dma_start3A_451] : memref<2x16x64xi32, #tpu.memory_space<vmem>> -> memref<1x1x64xi32, #tpu.memory_space<vmem>>
          %dma_start3A_453 = tpu.memref_squeeze %dma_start3A_452 : memref<1x1x64xi32, #tpu.memory_space<vmem>> -> memref<64xi32, #tpu.memory_space<vmem>>
          %dma_start3A_454 = arith.constant 0 : i32
          %dma_start3A_455 = arith.constant 0 : i32
          %dma_start3A_456 = tpu.memref_slice %arg2[%dma_start3A_454, %dma_start3A_455] : memref<10000x128xf32, #tpu.memory_space<hbm>> -> memref<10000x128xf32, #tpu.memory_space<hbm>>
          %dma_start3A_457 = tpu.memref_slice %arg10[%dma_start3A_446] : memref<4x!tpu.dma_semaphore, #tpu.memory_space<semaphore_mem>> -> memref<1x!tpu.dma_semaphore, #tpu.memory_space<semaphore_mem>>
          %dma_start3A_458 = tpu.memref_squeeze %dma_start3A_457 : memref<1x!tpu.dma_semaphore, #tpu.memory_space<semaphore_mem>> -> memref<!tpu.dma_semaphore, #tpu.memory_space<semaphore_mem>>
          tpu.enqueue_indirect_dma source(%dma_start3A_456 : memref<10000x128xf32, #tpu.memory_space<hbm>>) target(%dma_start3A_450 : memref<64x128xf32, #tpu.memory_space<vmem>>) offsets(%dma_start3A_453 : memref<64xi32, #tpu.memory_space<vmem>>) semaphore(%dma_start3A_458 : memref<!tpu.dma_semaphore, #tpu.memory_space<semaphore_mem>>)
        } else {
        }
        %eq3A_435 = arith.constant 3 : i32
        %eq3A_436 = arith.cmpi eq, %add3A_184, %eq3A_435 : i32
        %lt3A_437 = arith.constant 9 : i32
        %lt3A_438 = arith.cmpi slt, %add3A_170, %lt3A_437 : i32
        %and3A_439 = arith.andi %eq3A_436, %lt3A_438 : i1
        %convert_element_type3A_440 = arith.extui %and3A_439 : i1 to i32
        %cond3A_441 = arith.constant 0 : i32
        %cond3A_442 = arith.cmpi ne, %convert_element_type3A_440, %cond3A_441 : i32
        scf.if %cond3A_442 {
          %dma_start3A_443 = arith.constant 3 : i32
          %dma_start3A_444 = arith.constant 3 : i32
          %dma_start3A_445 = arith.constant 3 : i32
          %dma_start3A_446 = arith.constant 0 : i32
          %dma_start3A_447 = arith.constant 0 : i32
          %dma_start3A_448 = tpu.memref_slice %arg7[%dma_start3A_444, %dma_start3A_446, %dma_start3A_447] : memref<4x64x128xf32, #tpu.memory_space<vmem>> -> memref<1x64x128xf32, #tpu.memory_space<vmem>>
          %dma_start3A_449 = tpu.memref_squeeze %dma_start3A_448 : memref<1x64x128xf32, #tpu.memory_space<vmem>> -> memref<64x128xf32, #tpu.memory_space<vmem>>
          %dma_start3A_450 = arith.constant 0 : i32
          %dma_start3A_451 = tpu.memref_slice %arg8[%sub3A_172, %dma_start3A_443, %dma_start3A_450] : memref<2x16x64xi32, #tpu.memory_space<vmem>> -> memref<1x1x64xi32, #tpu.memory_space<vmem>>
          %dma_start3A_452 = tpu.memref_squeeze %dma_start3A_451 : memref<1x1x64xi32, #tpu.memory_space<vmem>> -> memref<64xi32, #tpu.memory_space<vmem>>
          %dma_start3A_453 = arith.constant 0 : i32
          %dma_start3A_454 = arith.constant 0 : i32
          %dma_start3A_455 = tpu.memref_slice %arg2[%dma_start3A_453, %dma_start3A_454] : memref<10000x128xf32, #tpu.memory_space<hbm>> -> memref<10000x128xf32, #tpu.memory_space<hbm>>
          %dma_start3A_456 = tpu.memref_slice %arg10[%dma_start3A_445] : memref<4x!tpu.dma_semaphore, #tpu.memory_space<semaphore_mem>> -> memref<1x!tpu.dma_semaphore, #tpu.memory_space<semaphore_mem>>
          %dma_start3A_457 = tpu.memref_squeeze %dma_start3A_456 : memref<1x!tpu.dma_semaphore, #tpu.memory_space<semaphore_mem>> -> memref<!tpu.dma_semaphore, #tpu.memory_space<semaphore_mem>>
          tpu.enqueue_indirect_dma source(%dma_start3A_455 : memref<10000x128xf32, #tpu.memory_space<hbm>>) target(%dma_start3A_449 : memref<64x128xf32, #tpu.memory_space<vmem>>) offsets(%dma_start3A_452 : memref<64xi32, #tpu.memory_space<vmem>>) semaphore(%dma_start3A_457 : memref<!tpu.dma_semaphore, #tpu.memory_space<semaphore_mem>>)
        } else {
        }
      }
      %scan3A_179 = arith.constant 4 : i32
    }
    %scan3A_160 = arith.constant 10 : i32
    %barrier3A_161 = arith.constant 0 : index
    tpu.barrier barrier_id(%barrier3A_161)
    %mul3A_162 = arith.constant 640 : i32
    %mul3A_163 = arith.muli %arg1, %mul3A_162 : i32
    %mul3A_164 = arith.constant 640 : i32
    %mul3A_165 = arith.muli %arg1, %mul3A_164 : i32
    "tpu.region"() ({
      %run_scoped3A = tpu.sem_alloc : memref<!tpu.dma_semaphore, #tpu.memory_space<semaphore_mem>>
      %dma_start3A_166 = arith.constant 0 : i32
      %dma_start3A_167 = tpu.memref_slice %arg5[%arg0, %mul3A_165, %dma_start3A_166] : memref<2x10240x128xf32, #tpu.memory_space<hbm>> -> memref<1x640x128xf32, #tpu.memory_space<hbm>>
      %dma_start3A_168 = tpu.memref_squeeze %dma_start3A_167 : memref<1x640x128xf32, #tpu.memory_space<hbm>> -> memref<640x128xf32, #tpu.memory_space<hbm>>
      %dma_start3A_169 = arith.constant 0 : i32
      %dma_start3A_170 = tpu.memref_slice %arg6[%mul3A_163, %dma_start3A_169] : memref<10240x128xf32, #tpu.memory_space<vmem_shared>> -> memref<640x128xf32, #tpu.memory_space<vmem_shared>>
      tpu.enqueue_dma source(%dma_start3A_170 : memref<640x128xf32, #tpu.memory_space<vmem_shared>>) target(%dma_start3A_168 : memref<640x128xf32, #tpu.memory_space<hbm>>) target_semaphore(%run_scoped3A : memref<!tpu.dma_semaphore, #tpu.memory_space<semaphore_mem>>)
      %dma_wait3A_171 = arith.constant 0 : i32
      %dma_wait3A_172 = tpu.memref_slice %arg5[%arg0, %mul3A_165, %dma_wait3A_171] : memref<2x10240x128xf32, #tpu.memory_space<hbm>> -> memref<1x640x128xf32, #tpu.memory_space<hbm>>
      %dma_wait3A_173 = tpu.memref_squeeze %dma_wait3A_172 : memref<1x640x128xf32, #tpu.memory_space<hbm>> -> memref<640x128xf32, #tpu.memory_space<hbm>>
      %dma_wait3A_174 = arith.constant 0 : i32
      %dma_wait3A_175 = tpu.memref_slice %arg6[%mul3A_163, %dma_wait3A_174] : memref<10240x128xf32, #tpu.memory_space<vmem_shared>> -> memref<640x128xf32, #tpu.memory_space<vmem_shared>>
      tpu.wait_dma2 semaphore(%run_scoped3A : memref<!tpu.dma_semaphore, #tpu.memory_space<semaphore_mem>>) src(%dma_wait3A_175 : memref<640x128xf32, #tpu.memory_space<vmem_shared>>) dst(%dma_wait3A_173 : memref<640x128xf32, #tpu.memory_space<hbm>>)
      tpu.yield
    }) : () -> ()
    return
  }
}

module attributes {stable_mosaic.version = 14 : i64} {
  func.func @_dense1_body(%arg0: memref<10000x1xf32, #tpu.memory_space<vmem>>, %arg1: memref<10000x1xf32, #tpu.memory_space<vmem>>, %arg2: memref<10000x128xf32, #tpu.memory_space<vmem>>, %arg3: memref<128x128xf32, #tpu.memory_space<vmem>>, %arg4: memref<10000x128xf32, #tpu.memory_space<vmem>>, %arg5: memref<10000x128xf32, #tpu.memory_space<vmem>>) attributes {dimension_semantics = [], scalar_prefetch = 0 : i64, scratch_operands = 0 : i64, tpu.core_type = #tpu.core_type<tc>} {
    %get3A = arith.constant 0 : index
    %get3A_0 = arith.constant 0 : index
    %get3A_1 = vector.load %arg0[%get3A, %get3A_0] : memref<10000x1xf32, #tpu.memory_space<vmem>>, vector<10000x1xf32>
    %get3A_2 = arith.constant 0 : index
    %get3A_3 = arith.constant 0 : index
    %get3A_4 = vector.load %arg1[%get3A_2, %get3A_3] : memref<10000x1xf32, #tpu.memory_space<vmem>>, vector<10000x1xf32>
    %add3A = arith.addf %get3A_1, %get3A_4 : vector<10000x1xf32>
    %add3A_5 = arith.constant 1.000000e+00 : f32
    %add3A_6 = vector.broadcast %add3A_5 : f32 to vector<10000x1xf32>
    %add3A_7 = arith.addf %add3A, %add3A_6 : vector<10000x1xf32>
    %rsqrt3A = math.rsqrt %add3A_7 : vector<10000x1xf32>
    %get3A_8 = arith.constant 0 : index
    %get3A_9 = arith.constant 0 : index
    %get3A_10 = vector.load %arg2[%get3A_8, %get3A_9] : memref<10000x128xf32, #tpu.memory_space<vmem>>, vector<10000x128xf32>
    %get3A_11 = arith.constant 0 : index
    %get3A_12 = arith.constant 0 : index
    %get3A_13 = vector.load %arg3[%get3A_11, %get3A_12] : memref<128x128xf32, #tpu.memory_space<vmem>>, vector<128x128xf32>
    %dot_general3A = arith.constant dense<0.000000e+00> : vector<10000x128xf32>
    %dot_general3A_14 = tpu.matmul %get3A_10, %get3A_13, %dot_general3A {dimension_numbers = #tpu.dot_dimension_numbers<[1], [0], [0], [1], [0, 0, 1, 1], [], []>, transpose_lhs_hint = false} : vector<10000x128xf32>, vector<128x128xf32>, vector<10000x128xf32> -> vector<10000x128xf32>
    %swap3A = arith.constant 0 : index
    %swap3A_15 = arith.constant 0 : index
    %swap3A_16 = vector.load %arg5[%swap3A, %swap3A_15] : memref<10000x128xf32, #tpu.memory_space<vmem>>, vector<10000x128xf32>
    tpu.vector_store %arg5[%swap3A, %swap3A_15], %dot_general3A_14 {strides = array<i32>} : memref<10000x128xf32, #tpu.memory_space<vmem>>, vector<10000x128xf32>,
    %mul3A = vector.broadcast %rsqrt3A : vector<10000x1xf32> to vector<10000x128xf32>
    %mul3A_17 = arith.mulf %mul3A, %dot_general3A_14 : vector<10000x128xf32>
    %swap3A_18 = arith.constant 0 : index
    %swap3A_19 = arith.constant 0 : index
    %swap3A_20 = vector.load %arg4[%swap3A_18, %swap3A_19] : memref<10000x128xf32, #tpu.memory_space<vmem>>, vector<10000x128xf32>
    tpu.vector_store %arg4[%swap3A_18, %swap3A_19], %mul3A_17 {strides = array<i32>} : memref<10000x128xf32, #tpu.memory_space<vmem>>, vector<10000x128xf32>,
    return
  }
}

module attributes {stable_mosaic.version = 14 : i64} {
  func.func @_mid_body(%arg0: memref<10000x1xf32, #tpu.memory_space<vmem>>, %arg1: memref<10000x1xf32, #tpu.memory_space<vmem>>, %arg2: memref<10000x128xf32, #tpu.memory_space<vmem>>, %arg3: memref<10000x128xf32, #tpu.memory_space<vmem>>, %arg4: memref<10000x128xf32, #tpu.memory_space<vmem>>, %arg5: memref<1x128xf32, #tpu.memory_space<vmem>>, %arg6: memref<1x128xf32, #tpu.memory_space<vmem>>, %arg7: memref<1x128xf32, #tpu.memory_space<vmem>>, %arg8: memref<128x128xf32, #tpu.memory_space<vmem>>, %arg9: memref<10000x128xf32, #tpu.memory_space<vmem>>, %arg10: memref<10000x128xf32, #tpu.memory_space<vmem>>) attributes {dimension_semantics = [], scalar_prefetch = 0 : i64, scratch_operands = 0 : i64, tpu.core_type = #tpu.core_type<tc>} {
    %get3A = arith.constant 0 : index
    %get3A_0 = arith.constant 0 : index
    %get3A_1 = vector.load %arg0[%get3A, %get3A_0] : memref<10000x1xf32, #tpu.memory_space<vmem>>, vector<10000x1xf32>
    %get3A_2 = arith.constant 0 : index
    %get3A_3 = arith.constant 0 : index
    %get3A_4 = vector.load %arg1[%get3A_2, %get3A_3] : memref<10000x1xf32, #tpu.memory_space<vmem>>, vector<10000x1xf32>
    %add3A = arith.addf %get3A_1, %get3A_4 : vector<10000x1xf32>
    %add3A_5 = arith.constant 1.000000e+00 : f32
    %add3A_6 = vector.broadcast %add3A_5 : f32 to vector<10000x1xf32>
    %add3A_7 = arith.addf %add3A, %add3A_6 : vector<10000x1xf32>
    %rsqrt3A = math.rsqrt %add3A_7 : vector<10000x1xf32>
    %get3A_8 = arith.constant 0 : index
    %get3A_9 = arith.constant 0 : index
    %get3A_10 = vector.load %arg2[%get3A_8, %get3A_9] : memref<10000x128xf32, #tpu.memory_space<vmem>>, vector<10000x128xf32>
    %get3A_11 = arith.constant 0 : index
    %get3A_12 = arith.constant 0 : index
    %get3A_13 = vector.load %arg3[%get3A_11, %get3A_12] : memref<10000x128xf32, #tpu.memory_space<vmem>>, vector<10000x128xf32>
    %add3A_14 = arith.addf %get3A_10, %get3A_13 : vector<10000x128xf32>
    %mul3A = vector.broadcast %rsqrt3A : vector<10000x1xf32> to vector<10000x128xf32>
    %mul3A_15 = arith.mulf %mul3A, %add3A_14 : vector<10000x128xf32>
    %mul3A_16 = arith.mulf %rsqrt3A, %rsqrt3A : vector<10000x1xf32>
    %get3A_17 = arith.constant 0 : index
    %get3A_18 = arith.constant 0 : index
    %get3A_19 = vector.load %arg4[%get3A_17, %get3A_18] : memref<10000x128xf32, #tpu.memory_space<vmem>>, vector<10000x128xf32>
    %mul3A_20 = vector.broadcast %mul3A_16 : vector<10000x1xf32> to vector<10000x128xf32>
    %mul3A_21 = arith.mulf %mul3A_20, %get3A_19 : vector<10000x128xf32>
    %add3A_22 = arith.addf %mul3A_15, %mul3A_21 : vector<10000x128xf32>
    %get3A_23 = arith.constant 0 : index
    %get3A_24 = arith.constant 0 : index
    %get3A_25 = vector.load %arg5[%get3A_23, %get3A_24] : memref<1x128xf32, #tpu.memory_space<vmem>>, vector<1x128xf32>
    %add3A_26 = vector.broadcast %get3A_25 : vector<1x128xf32> to vector<10000x128xf32>
    %add3A_27 = arith.addf %add3A_22, %add3A_26 : vector<10000x128xf32>
    %reduce_sum3A = arith.constant dense<0.000000e+00> : vector<128xf32>
    %reduce_sum3A_28 = vector.multi_reduction <add>, %add3A_27, %reduce_sum3A [0] : vector<10000x128xf32> to vector<128xf32>
    %broadcast_in_dim3A = vector.shape_cast %reduce_sum3A_28 : vector<128xf32> to vector<1x128xf32>
    %div3A = arith.constant 1.000000e+04 : f32
    %div3A_29 = vector.broadcast %div3A : f32 to vector<1x128xf32>
    %div3A_30 = arith.divf %broadcast_in_dim3A, %div3A_29 : vector<1x128xf32>
    %sub3A = vector.broadcast %div3A_30 : vector<1x128xf32> to vector<10000x128xf32>
    %sub3A_31 = arith.subf %add3A_27, %sub3A : vector<10000x128xf32>
    %integer_pow3A = arith.mulf %sub3A_31, %sub3A_31 : vector<10000x128xf32>
    %reduce_sum3A_32 = arith.constant dense<0.000000e+00> : vector<128xf32>
    %reduce_sum3A_33 = vector.multi_reduction <add>, %integer_pow3A, %reduce_sum3A_32 [0] : vector<10000x128xf32> to vector<128xf32>
    %broadcast_in_dim3A_34 = vector.shape_cast %reduce_sum3A_33 : vector<128xf32> to vector<1x128xf32>
    %div3A_35 = arith.constant 1.000000e+04 : f32
    %div3A_36 = vector.broadcast %div3A_35 : f32 to vector<1x128xf32>
    %div3A_37 = arith.divf %broadcast_in_dim3A_34, %div3A_36 : vector<1x128xf32>
    %sub3A_38 = vector.broadcast %div3A_30 : vector<1x128xf32> to vector<10000x128xf32>
    %sub3A_39 = arith.subf %add3A_27, %sub3A_38 : vector<10000x128xf32>
    %add3A_40 = arith.constant 9.99999974E-6 : f32
    %add3A_41 = vector.broadcast %add3A_40 : f32 to vector<1x128xf32>
    %add3A_42 = arith.addf %div3A_37, %add3A_41 : vector<1x128xf32>
    %rsqrt3A_43 = math.rsqrt %add3A_42 : vector<1x128xf32>
    %mul3A_44 = vector.broadcast %rsqrt3A_43 : vector<1x128xf32> to vector<10000x128xf32>
    %mul3A_45 = arith.mulf %sub3A_39, %mul3A_44 : vector<10000x128xf32>
    %get3A_46 = arith.constant 0 : index
    %get3A_47 = arith.constant 0 : index
    %get3A_48 = vector.load %arg6[%get3A_46, %get3A_47] : memref<1x128xf32, #tpu.memory_space<vmem>>, vector<1x128xf32>
    %mul3A_49 = vector.broadcast %get3A_48 : vector<1x128xf32> to vector<10000x128xf32>
    %mul3A_50 = arith.mulf %mul3A_45, %mul3A_49 : vector<10000x128xf32>
    %get3A_51 = arith.constant 0 : index
    %get3A_52 = arith.constant 0 : index
    %get3A_53 = vector.load %arg7[%get3A_51, %get3A_52] : memref<1x128xf32, #tpu.memory_space<vmem>>, vector<1x128xf32>
    %add3A_54 = vector.broadcast %get3A_53 : vector<1x128xf32> to vector<10000x128xf32>
    %add3A_55 = arith.addf %mul3A_50, %add3A_54 : vector<10000x128xf32>
    %max3A = arith.constant 0.000000e+00 : f32
    %max3A_56 = vector.broadcast %max3A : f32 to vector<10000x128xf32>
    %max3A_57 = arith.maximumf %add3A_55, %max3A_56 : vector<10000x128xf32>
    %get3A_58 = arith.constant 0 : index
    %get3A_59 = arith.constant 0 : index
    %get3A_60 = vector.load %arg8[%get3A_58, %get3A_59] : memref<128x128xf32, #tpu.memory_space<vmem>>, vector<128x128xf32>
    %dot_general3A = arith.constant dense<0.000000e+00> : vector<10000x128xf32>
    %dot_general3A_61 = tpu.matmul %max3A_57, %get3A_60, %dot_general3A {dimension_numbers = #tpu.dot_dimension_numbers<[1], [0], [0], [1], [0, 0, 1, 1], [], []>, transpose_lhs_hint = false} : vector<10000x128xf32>, vector<128x128xf32>, vector<10000x128xf32> -> vector<10000x128xf32>
    %swap3A = arith.constant 0 : index
    %swap3A_62 = arith.constant 0 : index
    %swap3A_63 = vector.load %arg10[%swap3A, %swap3A_62] : memref<10000x128xf32, #tpu.memory_space<vmem>>, vector<10000x128xf32>
    tpu.vector_store %arg10[%swap3A, %swap3A_62], %dot_general3A_61 {strides = array<i32>} : memref<10000x128xf32, #tpu.memory_space<vmem>>, vector<10000x128xf32>,
    %mul3A_64 = vector.broadcast %rsqrt3A : vector<10000x1xf32> to vector<10000x128xf32>
    %mul3A_65 = arith.mulf %mul3A_64, %dot_general3A_61 : vector<10000x128xf32>
    %swap3A_66 = arith.constant 0 : index
    %swap3A_67 = arith.constant 0 : index
    %swap3A_68 = vector.load %arg9[%swap3A_66, %swap3A_67] : memref<10000x128xf32, #tpu.memory_space<vmem>>, vector<10000x128xf32>
    tpu.vector_store %arg9[%swap3A_66, %swap3A_67], %mul3A_65 {strides = array<i32>} : memref<10000x128xf32, #tpu.memory_space<vmem>>, vector<10000x128xf32>,
    return
  }
}

module attributes {stable_mosaic.version = 14 : i64} {
  func.func @_final_body(%arg0: memref<10000x1xf32, #tpu.memory_space<vmem>>, %arg1: memref<10000x1xf32, #tpu.memory_space<vmem>>, %arg2: memref<10000x128xf32, #tpu.memory_space<vmem>>, %arg3: memref<10000x128xf32, #tpu.memory_space<vmem>>, %arg4: memref<10000x128xf32, #tpu.memory_space<vmem>>, %arg5: memref<1x128xf32, #tpu.memory_space<vmem>>, %arg6: memref<10000x128xf32, #tpu.memory_space<vmem>>) attributes {dimension_semantics = [], scalar_prefetch = 0 : i64, scratch_operands = 0 : i64, tpu.core_type = #tpu.core_type<tc>} {
    %get3A = arith.constant 0 : index
    %get3A_0 = arith.constant 0 : index
    %get3A_1 = vector.load %arg0[%get3A, %get3A_0] : memref<10000x1xf32, #tpu.memory_space<vmem>>, vector<10000x1xf32>
    %get3A_2 = arith.constant 0 : index
    %get3A_3 = arith.constant 0 : index
    %get3A_4 = vector.load %arg1[%get3A_2, %get3A_3] : memref<10000x1xf32, #tpu.memory_space<vmem>>, vector<10000x1xf32>
    %add3A = arith.addf %get3A_1, %get3A_4 : vector<10000x1xf32>
    %add3A_5 = arith.constant 1.000000e+00 : f32
    %add3A_6 = vector.broadcast %add3A_5 : f32 to vector<10000x1xf32>
    %add3A_7 = arith.addf %add3A, %add3A_6 : vector<10000x1xf32>
    %rsqrt3A = math.rsqrt %add3A_7 : vector<10000x1xf32>
    %get3A_8 = arith.constant 0 : index
    %get3A_9 = arith.constant 0 : index
    %get3A_10 = vector.load %arg2[%get3A_8, %get3A_9] : memref<10000x128xf32, #tpu.memory_space<vmem>>, vector<10000x128xf32>
    %get3A_11 = arith.constant 0 : index
    %get3A_12 = arith.constant 0 : index
    %get3A_13 = vector.load %arg3[%get3A_11, %get3A_12] : memref<10000x128xf32, #tpu.memory_space<vmem>>, vector<10000x128xf32>
    %add3A_14 = arith.addf %get3A_10, %get3A_13 : vector<10000x128xf32>
    %mul3A = vector.broadcast %rsqrt3A : vector<10000x1xf32> to vector<10000x128xf32>
    %mul3A_15 = arith.mulf %mul3A, %add3A_14 : vector<10000x128xf32>
    %mul3A_16 = arith.mulf %rsqrt3A, %rsqrt3A : vector<10000x1xf32>
    %get3A_17 = arith.constant 0 : index
    %get3A_18 = arith.constant 0 : index
    %get3A_19 = vector.load %arg4[%get3A_17, %get3A_18] : memref<10000x128xf32, #tpu.memory_space<vmem>>, vector<10000x128xf32>
    %mul3A_20 = vector.broadcast %mul3A_16 : vector<10000x1xf32> to vector<10000x128xf32>
    %mul3A_21 = arith.mulf %mul3A_20, %get3A_19 : vector<10000x128xf32>
    %add3A_22 = arith.addf %mul3A_15, %mul3A_21 : vector<10000x128xf32>
    %get3A_23 = arith.constant 0 : index
    %get3A_24 = arith.constant 0 : index
    %get3A_25 = vector.load %arg5[%get3A_23, %get3A_24] : memref<1x128xf32, #tpu.memory_space<vmem>>, vector<1x128xf32>
    %add3A_26 = vector.broadcast %get3A_25 : vector<1x128xf32> to vector<10000x128xf32>
    %add3A_27 = arith.addf %add3A_22, %add3A_26 : vector<10000x128xf32>
    %reduce_max3A = arith.constant dense<0xFF800000> : vector<10000xf32>
    %reduce_max3A_28 = vector.multi_reduction <maximumf>, %add3A_27, %reduce_max3A [1] : vector<10000x128xf32> to vector<10000xf32>
    %broadcast_in_dim3A = vector.shape_cast %reduce_max3A_28 : vector<10000xf32> to vector<10000x1xf32>
    %sub3A = vector.broadcast %broadcast_in_dim3A : vector<10000x1xf32> to vector<10000x128xf32>
    %sub3A_29 = arith.subf %add3A_27, %sub3A : vector<10000x128xf32>
    %exp3A = math.exp %sub3A_29 : vector<10000x128xf32>
    %reduce_sum3A = arith.constant dense<0.000000e+00> : vector<10000xf32>
    %reduce_sum3A_30 = vector.multi_reduction <add>, %exp3A, %reduce_sum3A [1] : vector<10000x128xf32> to vector<10000xf32>
    %broadcast_in_dim3A_31 = vector.shape_cast %reduce_sum3A_30 : vector<10000xf32> to vector<10000x1xf32>
    %log3A = math.log %broadcast_in_dim3A_31 : vector<10000x1xf32>
    %add3A_32 = arith.addf %log3A, %broadcast_in_dim3A : vector<10000x1xf32>
    %sub3A_33 = vector.broadcast %add3A_32 : vector<10000x1xf32> to vector<10000x128xf32>
    %sub3A_34 = arith.subf %add3A_27, %sub3A_33 : vector<10000x128xf32>
    %swap3A = arith.constant 0 : index
    %swap3A_35 = arith.constant 0 : index
    %swap3A_36 = vector.load %arg6[%swap3A, %swap3A_35] : memref<10000x128xf32, #tpu.memory_space<vmem>>, vector<10000x128xf32>
    tpu.vector_store %arg6[%swap3A, %swap3A_35], %sub3A_34 {strides = array<i32>} : memref<10000x128xf32, #tpu.memory_space<vmem>>, vector<10000x128xf32>,
    return
  }
}

</mosaic_0001>

<sc_bundles>
// kernel: kernel.10.cloned.1.call-start
scs
__scs_entry_jumppad:
0x0: {  	(pc) =	sbr.rel $0x88, $3  }
0x1: {  	(tag) =	ssettag $0x0;
	lr =	simm.s32 $0x1  }
0x2: {  	[smem:$0x3F95] =	sst lr;
	_ =	strace $0xD0000000  }
0x3: {  	_ = 	snop  }
0x4: {  	_ = 	snop  }
0x5: {  	_ = 	snop  }
0x6: {  	_ = 	snop  }
0x7: {  	_ = 	snop  }
__scs_overlays_trampoline_lowered:
0x8: {  	[smem:$0x3FA4] =	sst s0  }
0x9: {  	[smem:$0x3FA5] =	sst s1  }
0xa: {  	[smem:$0x3FA6] =	sst s2  }
0xb: {  	[smem:$0x3FA7] =	sst s3  }
0xc: {  	[smem:$0x3FA8] =	sst s4  }
0xd: {  	[smem:$0x3FA9] =	sst s5  }
0xe: {  	[smem:$0x3FAA] =	sst s6  }
0xf: {  	[smem:$0x3FAB] =	sst s7  }
0x10: {  	[smem:$0x3FAC] =	sst s8  }
0x11: {  	[smem:$0x3FAD] =	sst s9;
	s0 =	simm.s32 @!p0 $0x0  }
0x12: {  	s1 =	sld [smem:$0x3F93];
	s0 =	simm.s32 @p0 $0x1  }
0x13: {  	[smem:$0x3FAE] =	sst s0;
	s0 =	simm.s32 @!p1 $0x0  }
0x14: {  	s2 =	sld [smem:$0x3F92];
	s0 =	simm.s32 @p1 $0x1  }
0x15: {  	[smem:$0x3FAF] =	sst s0;
	s0 =	simm.s32 @!p2 $0x0  }
0x16: {  	s3 =	sld [smem:$0x3FDB];
	s0 =	simm.s32 @p2 $0x1  }
0x17: {  	s4 =	simm.s32 $0x1BF5;
	[smem:$0x3FB1] =	sst s0  }
0x18: {  	s0 =	sld [smem:$0x3F94];
	_ =	swait.ge [sflag:s4], $0x0  }
0x19: {  	s7 =	sld [smem:$0x3F95]  }
0x1a: {  	s8 =	sadd.s32 $0xFFFFE003, lr  }
0x1b: {  	s9 =	sadd.s32 $0xFFFFFEF7, lr;
	s5 =	simm.s32 $0xFFFFFFFF;
	p2 =	slt.u32 s8, $0xFFFFF086  }
0x1c: {  	p1 =	slt.u32 s9, $0xF7A;
	s5 =	simm.s32 @!p2 $0x0  }
0x1d: {  	s5 =	simm.s32 @p1 $0x1;
	p0 =	seq.s32 s7, s2  }
0x1e: {  	s7 =	smul.u32 @!p0 $0xF7A, s2;
	p2 =	seq.s32 @!p0 s5, $0x0  }
0x1f: {  	s9 =	smul.u32 $0xF7A, s1;
	s8 =	simm.s32 @!p0 $0x1BF5;
	p2 =	por !p2, p0  }
0x20: {  	[sflag:s8] =	ssyncset.s32 @!p0 $0xFFFFF086;
	s6 =	sadd.s32 @!p0 s3, s7;
	s7 =	simm.s32 @!p0 $0x108  }
0x21: {  	s3 =	sadd.s32 s3, s9;
	s6 =	sadd.s32 @!p0 $0x88, s6;
	s7 =	simm.s32 @p2 $0x1082  }
0x22: {  	[simem:s7], [sflag:s8] =	dma.local @!p0 [hbm:s6], $0xF7A  }
0x23: {  	s9 =	sor.u32 $0xD0000000, s2;
	s6 =	simm.s32 $0x108;
	_ =	swait.ge @!p0 [sflag:s8], $0x0  }
0x24: {  	s3 =	sadd.s32 $0x88, s3;
	s6 =	simm.s32 @!p1 $0x1082;
	[sflag:s4] =	ssyncset.s32 $0xFFFFF086  }
0x25: {  	[simem:s6], [sflag:s4] =	dma.local [hbm:s3], $0xF7A  }
0x26: {  	[smem:$0x3F95] =	sst s1;
	(tag) =	ssettag s2;
	_ =	strace s9  }
0x27: {  	s1 =	sld [smem:$0x3FA5]  }
0x28: {  	s2 =	sld [smem:$0x3FA6]  }
0x29: {  	s4 =	sld [smem:$0x3FA8]  }
0x2a: {  	p0 =	seq.s32 s5, $0x0;
	s5 =	sld [smem:$0x3FA9]  }
0x2b: {  	s6 =	sld [smem:$0x3FAA]  }
0x2c: {  	s7 =	sld [smem:$0x3FAB]  }
0x2d: {  	s3 =	simm.s32 $0x108;
	s8 =	sld [smem:$0x3FAC]  }
0x2e: {  	s3 =	simm.s32 @!p0 $0x1082;
	s9 =	sld [smem:$0x3FAD]  }
0x2f: {  	lr =	sadd.s32 s0, s3;
	s0 =	sld [smem:$0x3FA4]  }
0x30: {  	s3 =	sld [smem:$0x3FA7]  }
0x31: {  	[smem:$0x3FB0] =	sst s10  }
0x32: {  	s10 =	sld [smem:$0x3FAE];
	_ =	sdelay $0x3  }
0x33: {  	p0 =	seq.s32 s10, $0x1;
	s10 =	sld [smem:$0x3FB0];
	_ =	sdelay $0x3  }
0x34: {  	[smem:$0x3FB0] =	sst s10  }
0x35: {  	s10 =	sld [smem:$0x3FAF];
	_ =	sdelay $0x3  }
0x36: {  	p1 =	seq.s32 s10, $0x1;
	s10 =	sld [smem:$0x3FB0];
	_ =	sdelay $0x3  }
0x37: {  	[smem:$0x3FB0] =	sst s10  }
0x38: {  	s10 =	sld [smem:$0x3FB1]  }
0x39: {  	_ = 	snop;
	(pc) =	sbr.ind lr, $3  }
0x3a: {  	_ = 	snop  }
0x3b: {  	_ = 	snop  }
0x3c: {  	p2 =	seq.s32 s10, $0x1;
	s10 =	sld [smem:$0x3FB0]  }
0x3d: {  	_ =	shalt  }
0x3e: {  	_ =	shalt  }
0x3f: {  	_ =	shalt  }
0x40: {  	_ =	shalt  }
0x41: {  	_ =	shalt  }
0x42: {  	_ =	shalt  }
0x43: {  	_ =	shalt  }
0x44: {  	_ =	shalt  }
0x45: {  	_ =	shalt  }
0x46: {  	_ =	shalt  }
0x47: {  	_ =	shalt  }
0x48: {  	_ =	shalt  }
0x49: {  	_ =	shalt  }
0x4a: {  	_ =	shalt  }
0x4b: {  	_ =	shalt  }
0x4c: {  	_ =	shalt  }
0x4d: {  	_ =	shalt  }
0x4e: {  	_ =	shalt  }
0x4f: {  	_ =	shalt  }
0x50: {  	_ =	shalt  }
0x51: {  	_ =	shalt  }
0x52: {  	_ =	shalt  }
0x53: {  	_ =	shalt  }
0x54: {  	_ =	shalt  }
0x55: {  	_ =	shalt  }
0x56: {  	_ =	shalt  }
0x57: {  	_ =	shalt  }
0x58: {  	_ =	shalt  }
0x59: {  	_ =	shalt  }
0x5a: {  	_ =	shalt  }
0x5b: {  	_ =	shalt  }
0x5c: {  	_ =	shalt  }
0x5d: {  	_ =	shalt  }
0x5e: {  	_ =	shalt  }
0x5f: {  	_ =	shalt  }
0x60: {  	_ =	shalt  }
0x61: {  	_ =	shalt  }
0x62: {  	_ =	shalt  }
0x63: {  	_ =	shalt  }
0x64: {  	_ =	shalt  }
0x65: {  	_ =	shalt  }
0x66: {  	_ =	shalt  }
0x67: {  	_ =	shalt  }
0x68: {  	_ =	shalt  }
0x69: {  	_ =	shalt  }
0x6a: {  	_ =	shalt  }
0x6b: {  	_ =	shalt  }
0x6c: {  	_ =	shalt  }
0x6d: {  	_ =	shalt  }
0x6e: {  	_ =	shalt  }
0x6f: {  	_ =	shalt  }
0x70: {  	_ =	shalt  }
0x71: {  	_ =	shalt  }
0x72: {  	_ =	shalt  }
0x73: {  	_ =	shalt  }
0x74: {  	_ =	shalt  }
0x75: {  	_ =	shalt  }
0x76: {  	_ =	shalt  }
0x77: {  	_ =	shalt  }
0x78: {  	_ =	shalt  }
0x79: {  	_ =	shalt  }
0x7a: {  	_ =	shalt  }
0x7b: {  	_ =	shalt  }
0x7c: {  	_ =	shalt  }
0x7d: {  	_ =	shalt  }
0x7e: {  	_ =	shalt  }
0x7f: {  	_ =	shalt  }
0x80: {  	_ =	shalt  }
0x81: {  	_ =	shalt  }
0x82: {  	_ =	shalt  }
0x83: {  	_ =	shalt  }
0x84: {  	_ =	shalt  }
0x85: {  	_ =	shalt  }
0x86: {  	_ =	shalt  }
0x87: {  	_ =	shalt  }
.Lfunc_end0:
.L_simem_size_0:
called_computation_lowered:
.L_overlay_start_0:
0x88: {  	s2 =	sld [smem:$0x3FD9]  }
0x89: {  	s3 =	sld [smem:$0x3FFE];
	_ =	sdelay $0x1  }
0x8a: {  	s1 =	srdreg.scid  }
0x8b: {  	s0 =	sand.u32 $0x1, s1  }
0x8c: {  	s17 =	sshll.u32 s0, $0xA;
	s2 =	sadd.s32 s3, s2  }
0x8d: {  	s2 =	sadd.s32 s2, s17  }
0x8e: {  	[smem:$0x3FBC] =	sst s2  }
0x8f: {  	_ = 	snop  }
0x90: {  	s2 =	sld [smem:$0x3FD0];
	(tm) =	ssettm $0x1  }
0x91: {  	s18 =	sld [smem:$0x3FFB];
	_ =	sdelay $0x3  }
0x92: {  	_ =	strace s18  }
0x93: {  	s3 =	sld [smem:$0x3FFC];
	_ =	sdelay $0x3  }
0x94: {  	_ =	strace s3  }
0x95: {  	s3 =	sld [smem:$0x3FFD];
	_ =	sdelay $0x3  }
0x96: {  	_ =	strace s3  }
0x97: {  	_ =	strace $0x8FFFFFFF  }
0x98: {  	s19 =	sld [smem:$0x3FDB];
	_ =	sdelay $0x1  }
0x99: {  	s4 =	simm.s32 $_scs_section_size  }
0x9a: {  	s5 =	simm.s32 $_size__tile_overlayer_lowered;
	s6 =	simm.s32 $_tile_overlayer_lowered  }
0x9b: {  	s22 =	simm.s32 $0x1BFF;
	s21 =	sshll.u32 s6, $0x1;
	s3 =	sadd.s32 s4, s19  }
0x9c: {  	s7 =	simm.s32 $0x0;
	s20 =	sshll.u32 s5, $0x1;
	s5 =	sadd.s32 s21, s3  }
0x9d: {  	[timem:s7], [sflag:s22] =	dma.local [hbm:s5], s20  }
0x9e: {  	_ =	swait.ge [sflag:s22], s20  }
0x9f: {  	s4 =	ssub.s32 $0x0, s20;
	[sflag:s22] =	ssyncset.done $0x0  }
0xa0: {  	[sflag:s22] =	ssyncadd.s32 s4;
	_ =	sdelay $0x1  }
0xa1: {  	s23 =	simm.s32 $0x1B8B  }
0xa2: {  	_ =	swait.ge [sflag:s23], $0x1  }
0xa3: {  	[sflag:s23] =	ssyncset.done $0x0  }
0xa4: {  	s25 =	simm.s32 $0x1B8E;
	s24 =	sld [smem:$0x3FFE];
	[sflag:s23] =	ssyncadd.s32 $0xFFFFFFFF  }
0xa5: {  	s26 =	simm.s32 $execute0_lowered;
	[smem:$0x3FD2] =	sst s25  }
0xa6: {  	s5 =	sshll.u32 s26, $0x1;
	_ =	strace $0x80000046;
	[dreg:$0x1] =	wrdreg $0xFFFFFFFF  }
0xa7: {  	s28 =	simm.s32 $_size_execute0_lowered;
	s3 =	sadd.s32 s3, s5;
	[dreg:$0x0] =	wrdreg $0x0  }
0xa8: {  	s5 =	sshll.u32 s28, $0x1;
	[dreg:$0x2] =	wrdreg s3  }
0xa9: {  	[dreg:$0x3] =	wrdreg s5  }
0xaa: {  	[dreg:$0x4] =	wrdreg $0xC0  }
0xab: {  	_ =	task [dreg:s7], $0x5FFFF  }
0xac: {  	[dreg:$0x1] =	wrdreg $0xFFFFFFFF  }
0xad: {  	[dreg:$0x0] =	wrdreg $0x60  }
0xae: {  	[dreg:$0x2] =	wrdreg s24  }
0xaf: {  	[dreg:$0x3] =	wrdreg s2  }
0xb0: {  	[dreg:$0x4] =	wrdreg $0x0  }
0xb1: {  	[dreg:$0x5] =	wrdreg $0x9  }
0xb2: {  	_ =	task.clear_ibuf [dreg:s7], $0x6FFFF;
	_ =	strace $0x90000046  }
0xb3: {  	s29 =	simm.s32 $0x9;
	_ =	strace $0x80000048  }
0xb4: {  	_ =	swait.ge [sflag:s29], $0x1  }
0xb5: {  	[sflag:s29] =	ssyncadd.s32 $0xFFFFFFFF  }
0xb6: {  	_ =	strace $0x90000048  }
0xb7: {  	_ =	sfence  }
0xb8: {  	s30 =	sld [smem:$0x0];
	_ =	sdelay $0x2  }
0xb9: {  	s31 =	sshll.u32 s1, $0xD;
	s1 =	sshrl.u32 s1, $0x2  }
0xba: {  	s3 =	sand.u32 $0x4000, s31;
	s1 =	sadd.s32 s1, s30  }
0xbb: {  	s0 =	sor.u32 s3, s0;
	s1 =	sshll.u32 s1, $0x11  }
0xbc: {  	s0 =	sor.u32 s1, s0  }
0xbd: {  	s0 =	sadd.s32 $0x8F2B, s0  }
0xbe: {  	[sflag:s0] =	ssyncadd.remote.s32 $0x1  }
0xbf: {  	_ =	sfence.sel $0xFFFF  }
0xc0: {  	[dreg:$0x0] =	wrdreg $0xFFFFFFFF;
	(pc) =	sbr.abs _section_cstart, $3  }
0xc1: {  	[dreg:$0x1] =	wrdreg $0xFFFFFFFF  }
0xc2: {  	_ =	task.clear_ibuf [dreg:s7], $0x2FFFF;
	_ =	strace $0x9FFFFFFF  }
0xc3: {  	(tm) =	ssettm $0x7FFFFFFF  }
tec
execute0_lowered:
.L_overlay_start_1:
0x0: {  	(tag) =	ssettag $0x1  }
0x1: {  	s4 =	rddreg [dreg:$0x0]  }
0x2: {  	s5 =	rddreg [dreg:$0x1]  }
0x3: {  	s0 =	srdreg.scid;
	s2 =	rddreg [dreg:$0x2];
	s21 =	simm.s32 $0x0  }
0x4: {  	s8 =	stileid.u32;
	s22 =	simm.s32 $0x600;
	[smem:$0x7FF] =	sst s21  }
0x5: {  	s23 =	simm.s32 $0x680;
	_ =	strace $0x80000047;
	[dreg:$0x5] =	wrdreg s22  }
0x6: {  	s25 =	simm.s32 $0x700;
	s26 =	simm.s32 $0x780;
	[dreg:$0x6] =	wrdreg s23  }
0x7: {  	s9 =	simm.s32 $0x900;
	s11 =	simm.s32 $0x980;
	[dreg:$0x7] =	wrdreg s25  }
0x8: {  	s13 =	simm.s32 $0xA00;
	s14 =	simm.s32 $0xA80;
	[dreg:$0x8] =	wrdreg s26  }
0x9: {  	s15 =	simm.s32 $0xB00;
	s16 =	simm.s32 $0xB80;
	[dreg:$0xb] =	wrdreg s9  }
0xa: {  	s17 =	simm.s32 $0xC00;
	s19 =	simm.s32 $0xC80;
	[dreg:$0xc] =	wrdreg s11  }
0xb: {  	s20 =	simm.s32 $0xD00;
	s28 =	simm.s32 $0x1600;
	[dreg:$0xd] =	wrdreg s13  }
0xc: {  	s29 =	simm.s32 $0x1680;
	s30 =	simm.s32 $0x1700;
	[dreg:$0xe] =	wrdreg s14  }
0xd: {  	s31 =	simm.s32 $0x1780;
	s3 =	smul.u32 $0x5000, s8;
	[dreg:$0xf] =	wrdreg s15  }
0xe: {  	s0 =	sand.u32 $0x1, s0;
	s7 =	smul.u32 $0xA00, s8;
	[dreg:$0x10] =	wrdreg s16  }
0xf: {  	s12 =	smul.u32 $0x500, s8;
	s8 =	simm.s32 $0x5;
	[dreg:$0x11] =	wrdreg s17  }
0x10: {  	s21 =	simm.s32 $0xD80;
	s1 =	smul.u32 $0x50000, s0;
	[dreg:$0x12] =	wrdreg s19  }
0x11: {  	s24 =	ssub.s32 $0x2, s0;
	s0 =	sshll.u32 s0, $0x7;
	[dreg:$0x13] =	wrdreg s20  }
0x12: {  	s9 =	simm.s32 $0x580;
	[dreg:$0x14] =	wrdreg s21;
	s22 =	simm.s32 $0xE00  }
0x13: {  	s23 =	simm.s32 $0xE80;
	s11 =	simm.s32 $0x500;
	s25 =	simm.s32 $0xF80  }
0x14: {  	s13 =	simm.s32 $0x2;
	s26 =	simm.s32 $0x1000;
	s14 =	simm.s32 $0x3  }
0x15: {  	s15 =	simm.s32 $0x4;
	s16 =	simm.s32 $0x1080;
	s17 =	simm.s32 $0x1100  }
0x16: {  	s19 =	simm.s32 $0x1200;
	s20 =	simm.s32 $0x1280;
	[dreg:$0x15] =	wrdreg s22  }
0x17: {  	s21 =	simm.s32 $0x1300;
	s6 =	sshrl.u32 s24, $0x1;
	[dreg:$0x16] =	wrdreg s23  }
0x18: {  	s7 =	sshrl.u32 s7, $0x2;
	s0 =	sor.u32 s0, s12;
	[dreg:$0x18] =	wrdreg s25  }
0x19: {  	s12 =	simm.s32 $0x1;
	[dreg:$0x19] =	wrdreg s26;
	s22 =	simm.s32 $0x1380  }
0x1a: {  	s23 =	simm.s32 $0x1400;
	s25 =	simm.s32 $0x1500;
	s26 =	simm.s32 $0x1580  }
0x1b: {  	s1 =	sadd.s32 s3, s1;
	s3 =	simm.s32 $0x800;
	s10 =	sadd.s32 s7, s2  }
0x1c: {  	s0 =	sshrl.u32 s0, $0x3;
	s7 =	simm.s32 $0x1880;
	s1 =	sshrl.u32 s1, $0x3  }
0x1d: {  	[dreg:$0x9] =	wrdreg s3;
	s0 =	sadd.s32 s5, s0;
	s5 =	smov.u32 s10  }
0x1e: {  	s10 =	simm.s32 $0x40;
	s1 =	sadd.s32 s1, s4;
	[dreg:$0x1b] =	wrdreg s0  }
0x1f: {  	s4 =	ssub.s32 s24, s6;
	s6 =	simm.s32 $0x880;
	[dreg:$0x1a] =	wrdreg s5  }
0x20: {  	s24 =	simm.s32 $0xF00;
	s0 =	simm.s32 $0x1900;
	[dreg:$0xa] =	wrdreg s6  }
0x21: {  	s1 =	sadd.s32 $0x3800, s1;
	s18 =	smax.u32 s4, $0x1;
	[dreg:$0x17] =	wrdreg s24  }
0x22: {  	s24 =	simm.s32 $0x1480;
	s4 =	simm.s32 $0x0;
	[dreg:$0x4] =	wrdreg s1  }
0x23: {  	v0 =	vimm.f32 $0.0e+00;
	v1 =	vimm.f32 $1.000000000e+00;
	[dreg:$0x1c] =	wrdreg s18;
	s18 =	simm.s32 $0x1180;
	s1 =	simm.s32 $0x1800  }
.LBB2_1:
0x24: {  	[tilespmem:$0x280] =	vst v0  }
0x25: {  	[tilespmem:$0x290] =	vst v0  }
0x26: {  	[tilespmem:$0x2A0] =	vst v0  }
0x27: {  	[tilespmem:$0x2B0] =	vst v0  }
0x28: {  	[tilespmem:$0x2C0] =	vst v0  }
0x29: {  	[tilespmem:$0x2D0] =	vst v0  }
0x2a: {  	[tilespmem:$0x2E0] =	vst v0  }
0x2b: {  	[tilespmem:$0x2F0] =	vst v0  }
0x2c: {  	[tilespmem:$0x300] =	vst v0  }
0x2d: {  	[tilespmem:$0x310] =	vst v0  }
0x2e: {  	[tilespmem:$0x320] =	vst v0  }
0x2f: {  	[tilespmem:$0x330] =	vst v0  }
0x30: {  	[tilespmem:$0x340] =	vst v0  }
0x31: {  	[tilespmem:$0x350] =	vst v0  }
0x32: {  	[tilespmem:$0x360] =	vst v0  }
0x33: {  	[tilespmem:$0x370] =	vst v0  }
0x34: {  	[tilespmem:$0x380] =	vst v0  }
0x35: {  	[tilespmem:$0x390] =	vst v0  }
0x36: {  	[tilespmem:$0x3A0] =	vst v0  }
0x37: {  	[tilespmem:$0x3B0] =	vst v0  }
0x38: {  	[tilespmem:$0x3C0] =	vst v0  }
0x39: {  	[tilespmem:$0x3D0] =	vst v0  }
0x3a: {  	[tilespmem:$0x3E0] =	vst v0  }
0x3b: {  	[tilespmem:$0x3F0] =	vst v0  }
0x3c: {  	[tilespmem:$0x400] =	vst v0  }
0x3d: {  	[tilespmem:$0x410] =	vst v0  }
0x3e: {  	[tilespmem:$0x420] =	vst v0  }
0x3f: {  	[tilespmem:$0x430] =	vst v0  }
0x40: {  	[tilespmem:$0x440] =	vst v0  }
0x41: {  	[tilespmem:$0x450] =	vst v0  }
0x42: {  	[tilespmem:$0x460] =	vst v0  }
0x43: {  	[tilespmem:$0x470] =	vst v0  }
0x44: {  	[tilespmem:$0x480] =	vst v0  }
0x45: {  	[tilespmem:$0x490] =	vst v0  }
0x46: {  	[tilespmem:$0x4A0] =	vst v0  }
0x47: {  	[tilespmem:$0x4B0] =	vst v0  }
0x48: {  	[tilespmem:$0x4C0] =	vst v0  }
0x49: {  	[tilespmem:$0x4D0] =	vst v0  }
0x4a: {  	[tilespmem:$0x4E0] =	vst v0  }
0x4b: {  	[tilespmem:$0x4F0] =	vst v0  }
0x4c: {  	[tilespmem:$0x500] =	vst v1  }
0x4d: {  	[tilespmem:$0x510] =	vst v1  }
0x4e: {  	[tilespmem:$0x520] =	vst v1  }
0x4f: {  	[dreg:$0x1d] =	wrdreg s4;
	[tilespmem:$0x530] =	vst v1;
	s3 =	simm.s32 $0x280  }
0x50: {  	[spmem:s5] =	stream.linear.scatter [tilespmem:s3], [sflag:$0x5], $0x280, $0x38;
	[tilespmem:$0x1980] =	vst v63  }
0x51: {  	_ =	swait.ge [sflag:s8], $0x280  }
0x52: {  	[sflag:s8] =	ssyncset.done $0x0  }
0x53: {  	[sflag:s8] =	ssyncadd.s32 $0xFFFFFD80  }
0x54: {  	[bflag:$0x0] =	sbarrier.arrive $0xFFFF  }
0x55: {  	s3 =	rddreg [dreg:$0x4]  }
0x56: {  	s5 =	simm.s32 $0x0;
	s4 =	sadd.s32 $0x0, s3  }
0x57: {  	[tilespmem:s9], [sflag:$0x5] =	stream.linear.gather [hbm4b:s4+s5], $0x1400, $0x38;
	[tilespmem:$0x1980] =	vst v63  }
0x58: {  	_ =	swait.ge [sflag:s8], $0x1400  }
0x59: {  	[sflag:s8] =	ssyncset.done $0x0  }
0x5a: {  	[sflag:s8] =	ssyncadd.s32 $0xFFFFEC00  }
0x5b: {  	[spmem:s2] =	stream.indirect.scatter.add.f32 [tilespmem:s11], [sflag:$0x1], $0x1, s9, s10, $0xb8;
	[tilespmem:$0x1980] =	vst v63  }
0x5c: {  	s6 =	rddreg [dreg:$0x5]  }
0x5d: {  	[spmem:s2] =	stream.indirect.scatter.add.f32 [tilespmem:s11], [sflag:$0x2], $0x1, s6, s10, $0xb8;
	[tilespmem:$0x1980] =	vst v63  }
0x5e: {  	s3 =	rddreg [dreg:$0x6]  }
0x5f: {  	[spmem:s2] =	stream.indirect.scatter.add.f32 [tilespmem:s11], [sflag:$0x3], $0x1, s3, s10, $0xb8;
	[tilespmem:$0x1980] =	vst v63  }
0x60: {  	s6 =	rddreg [dreg:$0x7]  }
0x61: {  	[spmem:s2] =	stream.indirect.scatter.add.f32 [tilespmem:s11], [sflag:$0x4], $0x1, s6, s10, $0xb8;
	[tilespmem:$0x1980] =	vst v63  }
0x62: {  	_ =	swait.ge [sflag:s12], $0x40  }
0x63: {  	[sflag:s12] =	ssyncset.done $0x0  }
0x64: {  	s3 =	rddreg [dreg:$0x8];
	[sflag:s12] =	ssyncadd.s32 $0xFFFFFFC0  }
0x65: {  	[spmem:s2] =	stream.indirect.scatter.add.f32 [tilespmem:s11], [sflag:$0x1], $0x1, s3, s10, $0xb8;
	[tilespmem:$0x1980] =	vst v63  }
0x66: {  	_ =	swait.ge [sflag:s13], $0x40  }
0x67: {  	[sflag:s13] =	ssyncset.done $0x0  }
0x68: {  	s5 =	rddreg [dreg:$0x9];
	[sflag:s13] =	ssyncadd.s32 $0xFFFFFFC0  }
0x69: {  	[spmem:s2] =	stream.indirect.scatter.add.f32 [tilespmem:s11], [sflag:$0x2], $0x1, s5, s10, $0xb8;
	[tilespmem:$0x1980] =	vst v63  }
0x6a: {  	_ =	swait.ge [sflag:s14], $0x40  }
0x6b: {  	[sflag:s14] =	ssyncset.done $0x0  }
0x6c: {  	s6 =	rddreg [dreg:$0xa];
	[sflag:s14] =	ssyncadd.s32 $0xFFFFFFC0  }
0x6d: {  	[spmem:s2] =	stream.indirect.scatter.add.f32 [tilespmem:s11], [sflag:$0x3], $0x1, s6, s10, $0xb8;
	[tilespmem:$0x1980] =	vst v63  }
0x6e: {  	_ =	swait.ge [sflag:s15], $0x40  }
0x6f: {  	[sflag:s15] =	ssyncset.done $0x0  }
0x70: {  	s3 =	rddreg [dreg:$0xb];
	[sflag:s15] =	ssyncadd.s32 $0xFFFFFFC0  }
0x71: {  	[spmem:s2] =	stream.indirect.scatter.add.f32 [tilespmem:s11], [sflag:$0x4], $0x1, s3, s10, $0xb8;
	[tilespmem:$0x1980] =	vst v63  }
0x72: {  	_ =	swait.ge [sflag:s12], $0x40  }
0x73: {  	[sflag:s12] =	ssyncset.done $0x0  }
0x74: {  	s5 =	rddreg [dreg:$0xc];
	[sflag:s12] =	ssyncadd.s32 $0xFFFFFFC0  }
0x75: {  	[spmem:s2] =	stream.indirect.scatter.add.f32 [tilespmem:s11], [sflag:$0x1], $0x1, s5, s10, $0xb8;
	[tilespmem:$0x1980] =	vst v63  }
0x76: {  	_ =	swait.ge [sflag:s13], $0x40  }
0x77: {  	[sflag:s13] =	ssyncset.done $0x0  }
0x78: {  	s6 =	rddreg [dreg:$0xd];
	[sflag:s13] =	ssyncadd.s32 $0xFFFFFFC0  }
0x79: {  	[spmem:s2] =	stream.indirect.scatter.add.f32 [tilespmem:s11], [sflag:$0x2], $0x1, s6, s10, $0xb8;
	[tilespmem:$0x1980] =	vst v63  }
0x7a: {  	_ =	swait.ge [sflag:s14], $0x40  }
0x7b: {  	[sflag:s14] =	ssyncset.done $0x0  }
0x7c: {  	s3 =	rddreg [dreg:$0xe];
	[sflag:s14] =	ssyncadd.s32 $0xFFFFFFC0  }
0x7d: {  	[spmem:s2] =	stream.indirect.scatter.add.f32 [tilespmem:s11], [sflag:$0x3], $0x1, s3, s10, $0xb8;
	[tilespmem:$0x1980] =	vst v63  }
0x7e: {  	_ =	swait.ge [sflag:s15], $0x40  }
0x7f: {  	[sflag:s15] =	ssyncset.done $0x0  }
0x80: {  	s5 =	rddreg [dreg:$0xf];
	[sflag:s15] =	ssyncadd.s32 $0xFFFFFFC0  }
0x81: {  	[spmem:s2] =	stream.indirect.scatter.add.f32 [tilespmem:s11], [sflag:$0x4], $0x1, s5, s10, $0xb8;
	[tilespmem:$0x1980] =	vst v63  }
0x82: {  	_ =	swait.ge [sflag:s12], $0x40  }
0x83: {  	[sflag:s12] =	ssyncset.done $0x0  }
0x84: {  	s6 =	rddreg [dreg:$0x10];
	[sflag:s12] =	ssyncadd.s32 $0xFFFFFFC0  }
0x85: {  	[spmem:s2] =	stream.indirect.scatter.add.f32 [tilespmem:s11], [sflag:$0x1], $0x1, s6, s10, $0xb8;
	[tilespmem:$0x1980] =	vst v63  }
0x86: {  	_ =	swait.ge [sflag:s13], $0x40  }
0x87: {  	[sflag:s13] =	ssyncset.done $0x0  }
0x88: {  	s3 =	rddreg [dreg:$0x11];
	[sflag:s13] =	ssyncadd.s32 $0xFFFFFFC0  }
0x89: {  	[spmem:s2] =	stream.indirect.scatter.add.f32 [tilespmem:s11], [sflag:$0x2], $0x1, s3, s10, $0xb8;
	[tilespmem:$0x1980] =	vst v63  }
0x8a: {  	_ =	swait.ge [sflag:s14], $0x40  }
0x8b: {  	[sflag:s14] =	ssyncset.done $0x0  }
0x8c: {  	s5 =	rddreg [dreg:$0x12];
	[sflag:s14] =	ssyncadd.s32 $0xFFFFFFC0  }
0x8d: {  	[spmem:s2] =	stream.indirect.scatter.add.f32 [tilespmem:s11], [sflag:$0x3], $0x1, s5, s10, $0xb8;
	[tilespmem:$0x1980] =	vst v63  }
0x8e: {  	_ =	swait.ge [sflag:s15], $0x40  }
0x8f: {  	[sflag:s15] =	ssyncset.done $0x0  }
0x90: {  	s6 =	rddreg [dreg:$0x13];
	[sflag:s15] =	ssyncadd.s32 $0xFFFFFFC0  }
0x91: {  	[spmem:s2] =	stream.indirect.scatter.add.f32 [tilespmem:s11], [sflag:$0x4], $0x1, s6, s10, $0xb8;
	[tilespmem:$0x1980] =	vst v63  }
0x92: {  	_ =	swait.ge [sflag:s12], $0x40  }
0x93: {  	[sflag:s12] =	ssyncset.done $0x0  }
0x94: {  	s3 =	rddreg [dreg:$0x14];
	[sflag:s12] =	ssyncadd.s32 $0xFFFFFFC0  }
0x95: {  	[spmem:s2] =	stream.indirect.scatter.add.f32 [tilespmem:s11], [sflag:$0x1], $0x1, s3, s10, $0xb8;
	[tilespmem:$0x1980] =	vst v63  }
0x96: {  	_ =	swait.ge [sflag:s13], $0x40  }
0x97: {  	[sflag:s13] =	ssyncset.done $0x0  }
0x98: {  	s5 =	rddreg [dreg:$0x15];
	[sflag:s13] =	ssyncadd.s32 $0xFFFFFFC0  }
0x99: {  	[spmem:s2] =	stream.indirect.scatter.add.f32 [tilespmem:s11], [sflag:$0x2], $0x1, s5, s10, $0xb8;
	[tilespmem:$0x1980] =	vst v63  }
0x9a: {  	_ =	swait.ge [sflag:s14], $0x40  }
0x9b: {  	[sflag:s14] =	ssyncset.done $0x0  }
0x9c: {  	s6 =	rddreg [dreg:$0x16];
	[sflag:s14] =	ssyncadd.s32 $0xFFFFFFC0  }
0x9d: {  	[spmem:s2] =	stream.indirect.scatter.add.f32 [tilespmem:s11], [sflag:$0x3], $0x1, s6, s10, $0xb8;
	[tilespmem:$0x1980] =	vst v63  }
0x9e: {  	_ =	swait.ge [sflag:s15], $0x40  }
0x9f: {  	[sflag:s15] =	ssyncset.done $0x0  }
0xa0: {  	s3 =	rddreg [dreg:$0x17];
	[sflag:s15] =	ssyncadd.s32 $0xFFFFFFC0  }
0xa1: {  	[spmem:s2] =	stream.indirect.scatter.add.f32 [tilespmem:s11], [sflag:$0x4], $0x1, s3, s10, $0xb8;
	[tilespmem:$0x1980] =	vst v63  }
0xa2: {  	_ =	swait.ge [sflag:s12], $0x40  }
0xa3: {  	[sflag:s12] =	ssyncset.done $0x0  }
0xa4: {  	s5 =	rddreg [dreg:$0x18];
	[sflag:s12] =	ssyncadd.s32 $0xFFFFFFC0  }
0xa5: {  	[spmem:s2] =	stream.indirect.scatter.add.f32 [tilespmem:s11], [sflag:$0x1], $0x1, s5, s10, $0xb8;
	[tilespmem:$0x1980] =	vst v63  }
0xa6: {  	_ =	swait.ge [sflag:s13], $0x40  }
0xa7: {  	[sflag:s13] =	ssyncset.done $0x0  }
0xa8: {  	s6 =	rddreg [dreg:$0x19];
	[sflag:s13] =	ssyncadd.s32 $0xFFFFFFC0  }
0xa9: {  	[spmem:s2] =	stream.indirect.scatter.add.f32 [tilespmem:s11], [sflag:$0x2], $0x1, s6, s10, $0xb8;
	[tilespmem:$0x1980] =	vst v63  }
0xaa: {  	_ =	swait.ge [sflag:s14], $0x40  }
0xab: {  	[sflag:s14] =	ssyncset.done $0x0  }
0xac: {  	[sflag:s14] =	ssyncadd.s32 $0xFFFFFFC0  }
0xad: {  	[spmem:s2] =	stream.indirect.scatter.add.f32 [tilespmem:s11], [sflag:$0x3], $0x1, s16, s10, $0xb8;
	[tilespmem:$0x1980] =	vst v63  }
0xae: {  	_ =	swait.ge [sflag:s15], $0x40  }
0xaf: {  	[sflag:s15] =	ssyncset.done $0x0  }
0xb0: {  	[sflag:s15] =	ssyncadd.s32 $0xFFFFFFC0  }
0xb1: {  	[spmem:s2] =	stream.indirect.scatter.add.f32 [tilespmem:s11], [sflag:$0x4], $0x1, s17, s10, $0xb8;
	[tilespmem:$0x1980] =	vst v63  }
0xb2: {  	_ =	swait.ge [sflag:s12], $0x40  }
0xb3: {  	[sflag:s12] =	ssyncset.done $0x0  }
0xb4: {  	[sflag:s12] =	ssyncadd.s32 $0xFFFFFFC0  }
0xb5: {  	[spmem:s2] =	stream.indirect.scatter.add.f32 [tilespmem:s11], [sflag:$0x1], $0x1, s18, s10, $0xb8;
	[tilespmem:$0x1980] =	vst v63  }
0xb6: {  	_ =	swait.ge [sflag:s13], $0x40  }
0xb7: {  	[sflag:s13] =	ssyncset.done $0x0  }
0xb8: {  	[sflag:s13] =	ssyncadd.s32 $0xFFFFFFC0  }
0xb9: {  	[spmem:s2] =	stream.indirect.scatter.add.f32 [tilespmem:s11], [sflag:$0x2], $0x1, s19, s10, $0xb8;
	[tilespmem:$0x1980] =	vst v63  }
0xba: {  	_ =	swait.ge [sflag:s14], $0x40  }
0xbb: {  	[sflag:s14] =	ssyncset.done $0x0  }
0xbc: {  	[sflag:s14] =	ssyncadd.s32 $0xFFFFFFC0  }
0xbd: {  	[spmem:s2] =	stream.indirect.scatter.add.f32 [tilespmem:s11], [sflag:$0x3], $0x1, s20, s10, $0xb8;
	[tilespmem:$0x1980] =	vst v63  }
0xbe: {  	_ =	swait.ge [sflag:s15], $0x40  }
0xbf: {  	[sflag:s15] =	ssyncset.done $0x0  }
0xc0: {  	[sflag:s15] =	ssyncadd.s32 $0xFFFFFFC0  }
0xc1: {  	[spmem:s2] =	stream.indirect.scatter.add.f32 [tilespmem:s11], [sflag:$0x4], $0x1, s21, s10, $0xb8;
	[tilespmem:$0x1980] =	vst v63  }
0xc2: {  	_ =	swait.ge [sflag:s12], $0x40  }
0xc3: {  	[sflag:s12] =	ssyncset.done $0x0  }
0xc4: {  	[sflag:s12] =	ssyncadd.s32 $0xFFFFFFC0  }
0xc5: {  	[spmem:s2] =	stream.indirect.scatter.add.f32 [tilespmem:s11], [sflag:$0x1], $0x1, s22, s10, $0xb8;
	[tilespmem:$0x1980] =	vst v63  }
0xc6: {  	_ =	swait.ge [sflag:s13], $0x40  }
0xc7: {  	[sflag:s13] =	ssyncset.done $0x0  }
0xc8: {  	[sflag:s13] =	ssyncadd.s32 $0xFFFFFFC0  }
0xc9: {  	[spmem:s2] =	stream.indirect.scatter.add.f32 [tilespmem:s11], [sflag:$0x2], $0x1, s23, s10, $0xb8;
	[tilespmem:$0x1980] =	vst v63  }
0xca: {  	_ =	swait.ge [sflag:s14], $0x40  }
0xcb: {  	[sflag:s14] =	ssyncset.done $0x0  }
0xcc: {  	[sflag:s14] =	ssyncadd.s32 $0xFFFFFFC0  }
0xcd: {  	[spmem:s2] =	stream.indirect.scatter.add.f32 [tilespmem:s11], [sflag:$0x3], $0x1, s24, s10, $0xb8;
	[tilespmem:$0x1980] =	vst v63  }
0xce: {  	_ =	swait.ge [sflag:s15], $0x40  }
0xcf: {  	[sflag:s15] =	ssyncset.done $0x0  }
0xd0: {  	[sflag:s15] =	ssyncadd.s32 $0xFFFFFFC0  }
0xd1: {  	[spmem:s2] =	stream.indirect.scatter.add.f32 [tilespmem:s11], [sflag:$0x4], $0x1, s25, s10, $0xb8;
	[tilespmem:$0x1980] =	vst v63  }
0xd2: {  	_ =	swait.ge [sflag:s12], $0x40  }
0xd3: {  	[sflag:s12] =	ssyncset.done $0x0  }
0xd4: {  	[sflag:s12] =	ssyncadd.s32 $0xFFFFFFC0  }
0xd5: {  	[spmem:s2] =	stream.indirect.scatter.add.f32 [tilespmem:s11], [sflag:$0x1], $0x1, s26, s10, $0xb8;
	[tilespmem:$0x1980] =	vst v63  }
0xd6: {  	_ =	swait.ge [sflag:s13], $0x40  }
0xd7: {  	[sflag:s13] =	ssyncset.done $0x0  }
0xd8: {  	[sflag:s13] =	ssyncadd.s32 $0xFFFFFFC0  }
0xd9: {  	[spmem:s2] =	stream.indirect.scatter.add.f32 [tilespmem:s11], [sflag:$0x2], $0x1, s28, s10, $0xb8;
	[tilespmem:$0x1980] =	vst v63  }
0xda: {  	_ =	swait.ge [sflag:s14], $0x40  }
0xdb: {  	[sflag:s14] =	ssyncset.done $0x0  }
0xdc: {  	[sflag:s14] =	ssyncadd.s32 $0xFFFFFFC0  }
0xdd: {  	[spmem:s2] =	stream.indirect.scatter.add.f32 [tilespmem:s11], [sflag:$0x3], $0x1, s29, s10, $0xb8;
	[tilespmem:$0x1980] =	vst v63  }
0xde: {  	_ =	swait.ge [sflag:s15], $0x40  }
0xdf: {  	[sflag:s15] =	ssyncset.done $0x0  }
0xe0: {  	[sflag:s15] =	ssyncadd.s32 $0xFFFFFFC0  }
0xe1: {  	[spmem:s2] =	stream.indirect.scatter.add.f32 [tilespmem:s11], [sflag:$0x4], $0x1, s30, s10, $0xb8;
	[tilespmem:$0x1980] =	vst v63  }
0xe2: {  	_ =	swait.ge [sflag:s12], $0x40  }
0xe3: {  	[sflag:s12] =	ssyncset.done $0x0  }
0xe4: {  	[sflag:s12] =	ssyncadd.s32 $0xFFFFFFC0  }
0xe5: {  	[spmem:s2] =	stream.indirect.scatter.add.f32 [tilespmem:s11], [sflag:$0x1], $0x1, s31, s10, $0xb8;
	[tilespmem:$0x1980] =	vst v63  }
0xe6: {  	_ =	swait.ge [sflag:s13], $0x40  }
0xe7: {  	[sflag:s13] =	ssyncset.done $0x0  }
0xe8: {  	[sflag:s13] =	ssyncadd.s32 $0xFFFFFFC0  }
0xe9: {  	[spmem:s2] =	stream.indirect.scatter.add.f32 [tilespmem:s11], [sflag:$0x2], $0x1, s1, s10, $0xb8;
	[tilespmem:$0x1980] =	vst v63  }
0xea: {  	_ =	swait.ge [sflag:s14], $0x40  }
0xeb: {  	[sflag:s14] =	ssyncset.done $0x0  }
0xec: {  	[sflag:s14] =	ssyncadd.s32 $0xFFFFFFC0  }
0xed: {  	[spmem:s2] =	stream.indirect.scatter.add.f32 [tilespmem:s11], [sflag:$0x3], $0x1, s7, s10, $0xb8;
	[tilespmem:$0x1980] =	vst v63  }
0xee: {  	_ =	swait.ge [sflag:s15], $0x40  }
0xef: {  	[sflag:s15] =	ssyncset.done $0x0  }
0xf0: {  	[sflag:s15] =	ssyncadd.s32 $0xFFFFFFC0  }
0xf1: {  	[spmem:s2] =	stream.indirect.scatter.add.f32 [tilespmem:s11], [sflag:$0x4], $0x1, s0, s10, $0xb8;
	[tilespmem:$0x1980] =	vst v63  }
0xf2: {  	_ =	swait.ge [sflag:s12], $0x40  }
0xf3: {  	[sflag:s12] =	ssyncset.done $0x0  }
0xf4: {  	[sflag:s12] =	ssyncadd.s32 $0xFFFFFFC0  }
0xf5: {  	_ =	swait.ge [sflag:s13], $0x40  }
0xf6: {  	[sflag:s13] =	ssyncset.done $0x0  }
0xf7: {  	[sflag:s13] =	ssyncadd.s32 $0xFFFFFFC0  }
0xf8: {  	_ =	swait.ge [sflag:s14], $0x40  }
0xf9: {  	[sflag:s14] =	ssyncset.done $0x0  }
0xfa: {  	[sflag:s14] =	ssyncadd.s32 $0xFFFFFFC0  }
0xfb: {  	s4 =	simm.s32 $0x500;
	_ =	swait.ge [sflag:s15], $0x40  }
0xfc: {  	s6 =	simm.s32 $0x280;
	s5 =	rddreg [dreg:$0x4];
	[sflag:s15] =	ssyncset.done $0x0  }
.LBB2_2:
0xfd: {  	[sflag:s15] =	ssyncadd.s32 $0xFFFFFFC0;
	s3 =	smov.u32 s4  }
0xfe: {  	s5 =	sadd.s32 s6, s5;
	s6 =	smov.u32 s3;
	s3 =	simm.s32 $0x0  }
0xff: {  	[tilespmem:s9], [sflag:$0x5] =	stream.linear.gather [hbm4b:s5+s3], $0x1400, $0x38;
	[tilespmem:$0x1980] =	vst v63  }
0x100: {  	_ =	swait.ge [sflag:s8], $0x1400  }
0x101: {  	[sflag:s8] =	ssyncset.done $0x0  }
0x102: {  	[sflag:s8] =	ssyncadd.s32 $0xFFFFEC00  }
0x103: {  	[spmem:s2] =	stream.indirect.scatter.add.f32 [tilespmem:s11], [sflag:$0x1], $0x1, s9, s10, $0xb8;
	[tilespmem:$0x1980] =	vst v63  }
0x104: {  	s3 =	rddreg [dreg:$0x5]  }
0x105: {  	[spmem:s2] =	stream.indirect.scatter.add.f32 [tilespmem:s11], [sflag:$0x2], $0x1, s3, s10, $0xb8;
	[tilespmem:$0x1980] =	vst v63  }
0x106: {  	s5 =	rddreg [dreg:$0x6]  }
0x107: {  	[spmem:s2] =	stream.indirect.scatter.add.f32 [tilespmem:s11], [sflag:$0x3], $0x1, s5, s10, $0xb8;
	[tilespmem:$0x1980] =	vst v63  }
0x108: {  	s3 =	rddreg [dreg:$0x7]  }
0x109: {  	[spmem:s2] =	stream.indirect.scatter.add.f32 [tilespmem:s11], [sflag:$0x4], $0x1, s3, s10, $0xb8;
	[tilespmem:$0x1980] =	vst v63  }
0x10a: {  	_ =	swait.ge [sflag:s12], $0x40  }
0x10b: {  	[sflag:s12] =	ssyncset.done $0x0  }
0x10c: {  	s5 =	rddreg [dreg:$0x8];
	[sflag:s12] =	ssyncadd.s32 $0xFFFFFFC0  }
0x10d: {  	[spmem:s2] =	stream.indirect.scatter.add.f32 [tilespmem:s11], [sflag:$0x1], $0x1, s5, s10, $0xb8;
	[tilespmem:$0x1980] =	vst v63  }
0x10e: {  	_ =	swait.ge [sflag:s13], $0x40  }
0x10f: {  	[sflag:s13] =	ssyncset.done $0x0  }
0x110: {  	s5 =	rddreg [dreg:$0x9];
	[sflag:s13] =	ssyncadd.s32 $0xFFFFFFC0  }
0x111: {  	[spmem:s2] =	stream.indirect.scatter.add.f32 [tilespmem:s11], [sflag:$0x2], $0x1, s5, s10, $0xb8;
	[tilespmem:$0x1980] =	vst v63  }
0x112: {  	_ =	swait.ge [sflag:s14], $0x40  }
0x113: {  	[sflag:s14] =	ssyncset.done $0x0  }
0x114: {  	s5 =	rddreg [dreg:$0xa];
	[sflag:s14] =	ssyncadd.s32 $0xFFFFFFC0  }
0x115: {  	[spmem:s2] =	stream.indirect.scatter.add.f32 [tilespmem:s11], [sflag:$0x3], $0x1, s5, s10, $0xb8;
	[tilespmem:$0x1980] =	vst v63  }
0x116: {  	_ =	swait.ge [sflag:s15], $0x40  }
0x117: {  	[sflag:s15] =	ssyncset.done $0x0  }
0x118: {  	s5 =	rddreg [dreg:$0xb];
	[sflag:s15] =	ssyncadd.s32 $0xFFFFFFC0  }
0x119: {  	[spmem:s2] =	stream.indirect.scatter.add.f32 [tilespmem:s11], [sflag:$0x4], $0x1, s5, s10, $0xb8;
	[tilespmem:$0x1980] =	vst v63  }
0x11a: {  	_ =	swait.ge [sflag:s12], $0x40  }
0x11b: {  	[sflag:s12] =	ssyncset.done $0x0  }
0x11c: {  	s5 =	rddreg [dreg:$0xc];
	[sflag:s12] =	ssyncadd.s32 $0xFFFFFFC0  }
0x11d: {  	[spmem:s2] =	stream.indirect.scatter.add.f32 [tilespmem:s11], [sflag:$0x1], $0x1, s5, s10, $0xb8;
	[tilespmem:$0x1980] =	vst v63  }
0x11e: {  	_ =	swait.ge [sflag:s13], $0x40  }
0x11f: {  	[sflag:s13] =	ssyncset.done $0x0  }
0x120: {  	s5 =	rddreg [dreg:$0xd];
	[sflag:s13] =	ssyncadd.s32 $0xFFFFFFC0  }
0x121: {  	[spmem:s2] =	stream.indirect.scatter.add.f32 [tilespmem:s11], [sflag:$0x2], $0x1, s5, s10, $0xb8;
	[tilespmem:$0x1980] =	vst v63  }
0x122: {  	_ =	swait.ge [sflag:s14], $0x40  }
0x123: {  	[sflag:s14] =	ssyncset.done $0x0  }
0x124: {  	s5 =	rddreg [dreg:$0xe];
	[sflag:s14] =	ssyncadd.s32 $0xFFFFFFC0  }
0x125: {  	[spmem:s2] =	stream.indirect.scatter.add.f32 [tilespmem:s11], [sflag:$0x3], $0x1, s5, s10, $0xb8;
	[tilespmem:$0x1980] =	vst v63  }
0x126: {  	_ =	swait.ge [sflag:s15], $0x40  }
0x127: {  	[sflag:s15] =	ssyncset.done $0x0  }
0x128: {  	s5 =	rddreg [dreg:$0xf];
	[sflag:s15] =	ssyncadd.s32 $0xFFFFFFC0  }
0x129: {  	[spmem:s2] =	stream.indirect.scatter.add.f32 [tilespmem:s11], [sflag:$0x4], $0x1, s5, s10, $0xb8;
	[tilespmem:$0x1980] =	vst v63  }
0x12a: {  	_ =	swait.ge [sflag:s12], $0x40  }
0x12b: {  	[sflag:s12] =	ssyncset.done $0x0  }
0x12c: {  	s5 =	rddreg [dreg:$0x10];
	[sflag:s12] =	ssyncadd.s32 $0xFFFFFFC0  }
0x12d: {  	[spmem:s2] =	stream.indirect.scatter.add.f32 [tilespmem:s11], [sflag:$0x1], $0x1, s5, s10, $0xb8;
	[tilespmem:$0x1980] =	vst v63  }
0x12e: {  	_ =	swait.ge [sflag:s13], $0x40  }
0x12f: {  	[sflag:s13] =	ssyncset.done $0x0  }
0x130: {  	s5 =	rddreg [dreg:$0x11];
	[sflag:s13] =	ssyncadd.s32 $0xFFFFFFC0  }
0x131: {  	[spmem:s2] =	stream.indirect.scatter.add.f32 [tilespmem:s11], [sflag:$0x2], $0x1, s5, s10, $0xb8;
	[tilespmem:$0x1980] =	vst v63  }
0x132: {  	_ =	swait.ge [sflag:s14], $0x40  }
0x133: {  	[sflag:s14] =	ssyncset.done $0x0  }
0x134: {  	s5 =	rddreg [dreg:$0x12];
	[sflag:s14] =	ssyncadd.s32 $0xFFFFFFC0  }
0x135: {  	[spmem:s2] =	stream.indirect.scatter.add.f32 [tilespmem:s11], [sflag:$0x3], $0x1, s5, s10, $0xb8;
	[tilespmem:$0x1980] =	vst v63  }
0x136: {  	_ =	swait.ge [sflag:s15], $0x40  }
0x137: {  	[sflag:s15] =	ssyncset.done $0x0  }
0x138: {  	s5 =	rddreg [dreg:$0x13];
	[sflag:s15] =	ssyncadd.s32 $0xFFFFFFC0  }
0x139: {  	[spmem:s2] =	stream.indirect.scatter.add.f32 [tilespmem:s11], [sflag:$0x4], $0x1, s5, s10, $0xb8;
	[tilespmem:$0x1980] =	vst v63  }
0x13a: {  	_ =	swait.ge [sflag:s12], $0x40  }
0x13b: {  	[sflag:s12] =	ssyncset.done $0x0  }
0x13c: {  	s5 =	rddreg [dreg:$0x14];
	[sflag:s12] =	ssyncadd.s32 $0xFFFFFFC0  }
0x13d: {  	[spmem:s2] =	stream.indirect.scatter.add.f32 [tilespmem:s11], [sflag:$0x1], $0x1, s5, s10, $0xb8;
	[tilespmem:$0x1980] =	vst v63  }
0x13e: {  	_ =	swait.ge [sflag:s13], $0x40  }
0x13f: {  	[sflag:s13] =	ssyncset.done $0x0  }
0x140: {  	s5 =	rddreg [dreg:$0x15];
	[sflag:s13] =	ssyncadd.s32 $0xFFFFFFC0  }
0x141: {  	[spmem:s2] =	stream.indirect.scatter.add.f32 [tilespmem:s11], [sflag:$0x2], $0x1, s5, s10, $0xb8;
	[tilespmem:$0x1980] =	vst v63  }
0x142: {  	_ =	swait.ge [sflag:s14], $0x40  }
0x143: {  	[sflag:s14] =	ssyncset.done $0x0  }
0x144: {  	s5 =	rddreg [dreg:$0x16];
	[sflag:s14] =	ssyncadd.s32 $0xFFFFFFC0  }
0x145: {  	[spmem:s2] =	stream.indirect.scatter.add.f32 [tilespmem:s11], [sflag:$0x3], $0x1, s5, s10, $0xb8;
	[tilespmem:$0x1980] =	vst v63  }
0x146: {  	_ =	swait.ge [sflag:s15], $0x40  }
0x147: {  	[sflag:s15] =	ssyncset.done $0x0  }
0x148: {  	s5 =	rddreg [dreg:$0x17];
	[sflag:s15] =	ssyncadd.s32 $0xFFFFFFC0  }
0x149: {  	[spmem:s2] =	stream.indirect.scatter.add.f32 [tilespmem:s11], [sflag:$0x4], $0x1, s5, s10, $0xb8;
	[tilespmem:$0x1980] =	vst v63  }
0x14a: {  	_ =	swait.ge [sflag:s12], $0x40  }
0x14b: {  	[sflag:s12] =	ssyncset.done $0x0  }
0x14c: {  	s5 =	rddreg [dreg:$0x18];
	[sflag:s12] =	ssyncadd.s32 $0xFFFFFFC0  }
0x14d: {  	[spmem:s2] =	stream.indirect.scatter.add.f32 [tilespmem:s11], [sflag:$0x1], $0x1, s5, s10, $0xb8;
	[tilespmem:$0x1980] =	vst v63  }
0x14e: {  	_ =	swait.ge [sflag:s13], $0x40  }
0x14f: {  	[sflag:s13] =	ssyncset.done $0x0  }
0x150: {  	s5 =	rddreg [dreg:$0x19];
	[sflag:s13] =	ssyncadd.s32 $0xFFFFFFC0  }
0x151: {  	[spmem:s2] =	stream.indirect.scatter.add.f32 [tilespmem:s11], [sflag:$0x2], $0x1, s5, s10, $0xb8;
	[tilespmem:$0x1980] =	vst v63  }
0x152: {  	_ =	swait.ge [sflag:s14], $0x40  }
0x153: {  	[sflag:s14] =	ssyncset.done $0x0  }
0x154: {  	[sflag:s14] =	ssyncadd.s32 $0xFFFFFFC0  }
0x155: {  	[spmem:s2] =	stream.indirect.scatter.add.f32 [tilespmem:s11], [sflag:$0x3], $0x1, s16, s10, $0xb8;
	[tilespmem:$0x1980] =	vst v63  }
0x156: {  	_ =	swait.ge [sflag:s15], $0x40  }
0x157: {  	[sflag:s15] =	ssyncset.done $0x0  }
0x158: {  	[sflag:s15] =	ssyncadd.s32 $0xFFFFFFC0  }
0x159: {  	[spmem:s2] =	stream.indirect.scatter.add.f32 [tilespmem:s11], [sflag:$0x4], $0x1, s17, s10, $0xb8;
	[tilespmem:$0x1980] =	vst v63  }
0x15a: {  	_ =	swait.ge [sflag:s12], $0x40  }
0x15b: {  	[sflag:s12] =	ssyncset.done $0x0  }
0x15c: {  	[sflag:s12] =	ssyncadd.s32 $0xFFFFFFC0  }
0x15d: {  	[spmem:s2] =	stream.indirect.scatter.add.f32 [tilespmem:s11], [sflag:$0x1], $0x1, s18, s10, $0xb8;
	[tilespmem:$0x1980] =	vst v63  }
0x15e: {  	_ =	swait.ge [sflag:s13], $0x40  }
0x15f: {  	[sflag:s13] =	ssyncset.done $0x0  }
0x160: {  	[sflag:s13] =	ssyncadd.s32 $0xFFFFFFC0  }
0x161: {  	[spmem:s2] =	stream.indirect.scatter.add.f32 [tilespmem:s11], [sflag:$0x2], $0x1, s19, s10, $0xb8;
	[tilespmem:$0x1980] =	vst v63  }
0x162: {  	_ =	swait.ge [sflag:s14], $0x40  }
0x163: {  	[sflag:s14] =	ssyncset.done $0x0  }
0x164: {  	[sflag:s14] =	ssyncadd.s32 $0xFFFFFFC0  }
0x165: {  	[spmem:s2] =	stream.indirect.scatter.add.f32 [tilespmem:s11], [sflag:$0x3], $0x1, s20, s10, $0xb8;
	[tilespmem:$0x1980] =	vst v63  }
0x166: {  	_ =	swait.ge [sflag:s15], $0x40  }
0x167: {  	[sflag:s15] =	ssyncset.done $0x0  }
0x168: {  	[sflag:s15] =	ssyncadd.s32 $0xFFFFFFC0  }
0x169: {  	[spmem:s2] =	stream.indirect.scatter.add.f32 [tilespmem:s11], [sflag:$0x4], $0x1, s21, s10, $0xb8;
	[tilespmem:$0x1980] =	vst v63  }
0x16a: {  	_ =	swait.ge [sflag:s12], $0x40  }
0x16b: {  	[sflag:s12] =	ssyncset.done $0x0  }
0x16c: {  	[sflag:s12] =	ssyncadd.s32 $0xFFFFFFC0  }
0x16d: {  	[spmem:s2] =	stream.indirect.scatter.add.f32 [tilespmem:s11], [sflag:$0x1], $0x1, s22, s10, $0xb8;
	[tilespmem:$0x1980] =	vst v63  }
0x16e: {  	_ =	swait.ge [sflag:s13], $0x40  }
0x16f: {  	[sflag:s13] =	ssyncset.done $0x0  }
0x170: {  	[sflag:s13] =	ssyncadd.s32 $0xFFFFFFC0  }
0x171: {  	[spmem:s2] =	stream.indirect.scatter.add.f32 [tilespmem:s11], [sflag:$0x2], $0x1, s23, s10, $0xb8;
	[tilespmem:$0x1980] =	vst v63  }
0x172: {  	_ =	swait.ge [sflag:s14], $0x40  }
0x173: {  	[sflag:s14] =	ssyncset.done $0x0  }
0x174: {  	[sflag:s14] =	ssyncadd.s32 $0xFFFFFFC0  }
0x175: {  	[spmem:s2] =	stream.indirect.scatter.add.f32 [tilespmem:s11], [sflag:$0x3], $0x1, s24, s10, $0xb8;
	[tilespmem:$0x1980] =	vst v63  }
0x176: {  	_ =	swait.ge [sflag:s15], $0x40  }
0x177: {  	[sflag:s15] =	ssyncset.done $0x0  }
0x178: {  	[sflag:s15] =	ssyncadd.s32 $0xFFFFFFC0  }
0x179: {  	[spmem:s2] =	stream.indirect.scatter.add.f32 [tilespmem:s11], [sflag:$0x4], $0x1, s25, s10, $0xb8;
	[tilespmem:$0x1980] =	vst v63  }
0x17a: {  	_ =	swait.ge [sflag:s12], $0x40  }
0x17b: {  	[sflag:s12] =	ssyncset.done $0x0  }
0x17c: {  	[sflag:s12] =	ssyncadd.s32 $0xFFFFFFC0  }
0x17d: {  	[spmem:s2] =	stream.indirect.scatter.add.f32 [tilespmem:s11], [sflag:$0x1], $0x1, s26, s10, $0xb8;
	[tilespmem:$0x1980] =	vst v63  }
0x17e: {  	_ =	swait.ge [sflag:s13], $0x40  }
0x17f: {  	[sflag:s13] =	ssyncset.done $0x0  }
0x180: {  	[sflag:s13] =	ssyncadd.s32 $0xFFFFFFC0  }
0x181: {  	[spmem:s2] =	stream.indirect.scatter.add.f32 [tilespmem:s11], [sflag:$0x2], $0x1, s28, s10, $0xb8;
	[tilespmem:$0x1980] =	vst v63  }
0x182: {  	_ =	swait.ge [sflag:s14], $0x40  }
0x183: {  	[sflag:s14] =	ssyncset.done $0x0  }
0x184: {  	[sflag:s14] =	ssyncadd.s32 $0xFFFFFFC0  }
0x185: {  	[spmem:s2] =	stream.indirect.scatter.add.f32 [tilespmem:s11], [sflag:$0x3], $0x1, s29, s10, $0xb8;
	[tilespmem:$0x1980] =	vst v63  }
0x186: {  	_ =	swait.ge [sflag:s15], $0x40  }
0x187: {  	[sflag:s15] =	ssyncset.done $0x0  }
0x188: {  	[sflag:s15] =	ssyncadd.s32 $0xFFFFFFC0  }
0x189: {  	[spmem:s2] =	stream.indirect.scatter.add.f32 [tilespmem:s11], [sflag:$0x4], $0x1, s30, s10, $0xb8;
	[tilespmem:$0x1980] =	vst v63  }
0x18a: {  	_ =	swait.ge [sflag:s12], $0x40  }
0x18b: {  	[sflag:s12] =	ssyncset.done $0x0  }
0x18c: {  	[sflag:s12] =	ssyncadd.s32 $0xFFFFFFC0  }
0x18d: {  	[spmem:s2] =	stream.indirect.scatter.add.f32 [tilespmem:s11], [sflag:$0x1], $0x1, s31, s10, $0xb8;
	[tilespmem:$0x1980] =	vst v63  }
0x18e: {  	_ =	swait.ge [sflag:s13], $0x40  }
0x18f: {  	[sflag:s13] =	ssyncset.done $0x0  }
0x190: {  	[sflag:s13] =	ssyncadd.s32 $0xFFFFFFC0  }
0x191: {  	[spmem:s2] =	stream.indirect.scatter.add.f32 [tilespmem:s11], [sflag:$0x2], $0x1, s1, s10, $0xb8;
	[tilespmem:$0x1980] =	vst v63  }
0x192: {  	_ =	swait.ge [sflag:s14], $0x40  }
0x193: {  	[sflag:s14] =	ssyncset.done $0x0  }
0x194: {  	[sflag:s14] =	ssyncadd.s32 $0xFFFFFFC0  }
0x195: {  	[spmem:s2] =	stream.indirect.scatter.add.f32 [tilespmem:s11], [sflag:$0x3], $0x1, s7, s10, $0xb8;
	[tilespmem:$0x1980] =	vst v63  }
0x196: {  	_ =	swait.ge [sflag:s15], $0x40  }
0x197: {  	[sflag:s15] =	ssyncset.done $0x0  }
0x198: {  	[sflag:s15] =	ssyncadd.s32 $0xFFFFFFC0  }
0x199: {  	[spmem:s2] =	stream.indirect.scatter.add.f32 [tilespmem:s11], [sflag:$0x4], $0x1, s0, s10, $0xb8;
	[tilespmem:$0x1980] =	vst v63  }
0x19a: {  	_ =	swait.ge [sflag:s12], $0x40  }
0x19b: {  	[sflag:s12] =	ssyncset.done $0x0  }
0x19c: {  	[sflag:s12] =	ssyncadd.s32 $0xFFFFFFC0  }
0x19d: {  	_ =	swait.ge [sflag:s13], $0x40  }
0x19e: {  	[sflag:s13] =	ssyncset.done $0x0  }
0x19f: {  	p0 =	sne.s32 s4, $0x780;
	[sflag:s13] =	ssyncadd.s32 $0xFFFFFFC0  }
.Ltmp0:
0x1a0: {  	_ =	swait.ge [sflag:s14], $0x40;
	(pc) =	sbr.rel @p0 .LBB2_2-.Ltmp0, $4  }
0x1a1: {  	[sflag:s14] =	ssyncset.done $0x0  }
0x1a2: {  	[sflag:s14] =	ssyncadd.s32 $0xFFFFFFC0  }
0x1a3: {  	_ =	swait.ge [sflag:s15], $0x40  }
0x1a4: {  	s4 =	sadd.s32 $0x280, s4;
	s5 =	rddreg [dreg:$0x4];
	[sflag:s15] =	ssyncset.done $0x0  }
0x1a5: {  	[sflag:s15] =	ssyncadd.s32 $0xFFFFFFC0;
	s3 =	sadd.s32 s6, s5;
	s4 =	simm.s32 $0x0  }
0x1a6: {  	[tilespmem:s9], [sflag:$0x5] =	stream.linear.gather [hbm4b:s3+s4], $0x1400, $0x38;
	[tilespmem:$0x1980] =	vst v63  }
0x1a7: {  	_ =	swait.ge [sflag:s8], $0x1400  }
0x1a8: {  	[sflag:s8] =	ssyncset.done $0x0  }
0x1a9: {  	[sflag:s8] =	ssyncadd.s32 $0xFFFFEC00  }
0x1aa: {  	[spmem:s2] =	stream.indirect.scatter.add.f32 [tilespmem:s11], [sflag:$0x1], $0x1, s9, s10, $0xb8;
	[tilespmem:$0x1980] =	vst v63  }
0x1ab: {  	s5 =	rddreg [dreg:$0x5]  }
0x1ac: {  	[spmem:s2] =	stream.indirect.scatter.add.f32 [tilespmem:s11], [sflag:$0x2], $0x1, s5, s10, $0xb8;
	[tilespmem:$0x1980] =	vst v63  }
0x1ad: {  	s6 =	rddreg [dreg:$0x6]  }
0x1ae: {  	[spmem:s2] =	stream.indirect.scatter.add.f32 [tilespmem:s11], [sflag:$0x3], $0x1, s6, s10, $0xb8;
	[tilespmem:$0x1980] =	vst v63  }
0x1af: {  	s5 =	rddreg [dreg:$0x7]  }
0x1b0: {  	[spmem:s2] =	stream.indirect.scatter.add.f32 [tilespmem:s11], [sflag:$0x4], $0x1, s5, s10, $0xb8;
	[tilespmem:$0x1980] =	vst v63  }
0x1b1: {  	_ =	swait.ge [sflag:s12], $0x40  }
0x1b2: {  	[sflag:s12] =	ssyncset.done $0x0  }
0x1b3: {  	s6 =	rddreg [dreg:$0x8];
	[sflag:s12] =	ssyncadd.s32 $0xFFFFFFC0  }
0x1b4: {  	[spmem:s2] =	stream.indirect.scatter.add.f32 [tilespmem:s11], [sflag:$0x1], $0x1, s6, s10, $0xb8;
	[tilespmem:$0x1980] =	vst v63  }
0x1b5: {  	_ =	swait.ge [sflag:s13], $0x40  }
0x1b6: {  	[sflag:s13] =	ssyncset.done $0x0  }
0x1b7: {  	s4 =	rddreg [dreg:$0x9];
	[sflag:s13] =	ssyncadd.s32 $0xFFFFFFC0  }
0x1b8: {  	[spmem:s2] =	stream.indirect.scatter.add.f32 [tilespmem:s11], [sflag:$0x2], $0x1, s4, s10, $0xb8;
	[tilespmem:$0x1980] =	vst v63  }
0x1b9: {  	_ =	swait.ge [sflag:s14], $0x40  }
0x1ba: {  	[sflag:s14] =	ssyncset.done $0x0  }
0x1bb: {  	s5 =	rddreg [dreg:$0xa];
	[sflag:s14] =	ssyncadd.s32 $0xFFFFFFC0  }
0x1bc: {  	[spmem:s2] =	stream.indirect.scatter.add.f32 [tilespmem:s11], [sflag:$0x3], $0x1, s5, s10, $0xb8;
	[tilespmem:$0x1980] =	vst v63  }
0x1bd: {  	_ =	swait.ge [sflag:s15], $0x40  }
0x1be: {  	[sflag:s15] =	ssyncset.done $0x0  }
0x1bf: {  	s6 =	rddreg [dreg:$0xb];
	[sflag:s15] =	ssyncadd.s32 $0xFFFFFFC0  }
0x1c0: {  	[spmem:s2] =	stream.indirect.scatter.add.f32 [tilespmem:s11], [sflag:$0x4], $0x1, s6, s10, $0xb8;
	[tilespmem:$0x1980] =	vst v63  }
0x1c1: {  	_ =	swait.ge [sflag:s12], $0x40  }
0x1c2: {  	[sflag:s12] =	ssyncset.done $0x0  }
0x1c3: {  	s4 =	rddreg [dreg:$0xc];
	[sflag:s12] =	ssyncadd.s32 $0xFFFFFFC0  }
0x1c4: {  	[spmem:s2] =	stream.indirect.scatter.add.f32 [tilespmem:s11], [sflag:$0x1], $0x1, s4, s10, $0xb8;
	[tilespmem:$0x1980] =	vst v63  }
0x1c5: {  	_ =	swait.ge [sflag:s13], $0x40  }
0x1c6: {  	[sflag:s13] =	ssyncset.done $0x0  }
0x1c7: {  	s5 =	rddreg [dreg:$0xd];
	[sflag:s13] =	ssyncadd.s32 $0xFFFFFFC0  }
0x1c8: {  	[spmem:s2] =	stream.indirect.scatter.add.f32 [tilespmem:s11], [sflag:$0x2], $0x1, s5, s10, $0xb8;
	[tilespmem:$0x1980] =	vst v63  }
0x1c9: {  	_ =	swait.ge [sflag:s14], $0x40  }
0x1ca: {  	[sflag:s14] =	ssyncset.done $0x0  }
0x1cb: {  	s6 =	rddreg [dreg:$0xe];
	[sflag:s14] =	ssyncadd.s32 $0xFFFFFFC0  }
0x1cc: {  	[spmem:s2] =	stream.indirect.scatter.add.f32 [tilespmem:s11], [sflag:$0x3], $0x1, s6, s10, $0xb8;
	[tilespmem:$0x1980] =	vst v63  }
0x1cd: {  	_ =	swait.ge [sflag:s15], $0x40  }
0x1ce: {  	[sflag:s15] =	ssyncset.done $0x0  }
0x1cf: {  	s4 =	rddreg [dreg:$0xf];
	[sflag:s15] =	ssyncadd.s32 $0xFFFFFFC0  }
0x1d0: {  	[spmem:s2] =	stream.indirect.scatter.add.f32 [tilespmem:s11], [sflag:$0x4], $0x1, s4, s10, $0xb8;
	[tilespmem:$0x1980] =	vst v63  }
0x1d1: {  	_ =	swait.ge [sflag:s12], $0x40  }
0x1d2: {  	[sflag:s12] =	ssyncset.done $0x0  }
0x1d3: {  	s5 =	rddreg [dreg:$0x10];
	[sflag:s12] =	ssyncadd.s32 $0xFFFFFFC0  }
0x1d4: {  	[spmem:s2] =	stream.indirect.scatter.add.f32 [tilespmem:s11], [sflag:$0x1], $0x1, s5, s10, $0xb8;
	[tilespmem:$0x1980] =	vst v63  }
0x1d5: {  	_ =	swait.ge [sflag:s13], $0x40  }
0x1d6: {  	[sflag:s13] =	ssyncset.done $0x0  }
0x1d7: {  	s6 =	rddreg [dreg:$0x11];
	[sflag:s13] =	ssyncadd.s32 $0xFFFFFFC0  }
0x1d8: {  	[spmem:s2] =	stream.indirect.scatter.add.f32 [tilespmem:s11], [sflag:$0x2], $0x1, s6, s10, $0xb8;
	[tilespmem:$0x1980] =	vst v63  }
0x1d9: {  	_ =	swait.ge [sflag:s14], $0x40  }
0x1da: {  	[sflag:s14] =	ssyncset.done $0x0  }
0x1db: {  	s4 =	rddreg [dreg:$0x12];
	[sflag:s14] =	ssyncadd.s32 $0xFFFFFFC0  }
0x1dc: {  	[spmem:s2] =	stream.indirect.scatter.add.f32 [tilespmem:s11], [sflag:$0x3], $0x1, s4, s10, $0xb8;
	[tilespmem:$0x1980] =	vst v63  }
0x1dd: {  	_ =	swait.ge [sflag:s15], $0x40  }
0x1de: {  	[sflag:s15] =	ssyncset.done $0x0  }
0x1df: {  	s5 =	rddreg [dreg:$0x13];
	[sflag:s15] =	ssyncadd.s32 $0xFFFFFFC0  }
0x1e0: {  	[spmem:s2] =	stream.indirect.scatter.add.f32 [tilespmem:s11], [sflag:$0x4], $0x1, s5, s10, $0xb8;
	[tilespmem:$0x1980] =	vst v63  }
0x1e1: {  	_ =	swait.ge [sflag:s12], $0x40  }
0x1e2: {  	[sflag:s12] =	ssyncset.done $0x0  }
0x1e3: {  	s6 =	rddreg [dreg:$0x14];
	[sflag:s12] =	ssyncadd.s32 $0xFFFFFFC0  }
0x1e4: {  	[spmem:s2] =	stream.indirect.scatter.add.f32 [tilespmem:s11], [sflag:$0x1], $0x1, s6, s10, $0xb8;
	[tilespmem:$0x1980] =	vst v63  }
0x1e5: {  	_ =	swait.ge [sflag:s13], $0x40  }
0x1e6: {  	[sflag:s13] =	ssyncset.done $0x0  }
0x1e7: {  	s4 =	rddreg [dreg:$0x15];
	[sflag:s13] =	ssyncadd.s32 $0xFFFFFFC0  }
0x1e8: {  	[spmem:s2] =	stream.indirect.scatter.add.f32 [tilespmem:s11], [sflag:$0x2], $0x1, s4, s10, $0xb8;
	[tilespmem:$0x1980] =	vst v63  }
0x1e9: {  	_ =	swait.ge [sflag:s14], $0x40  }
0x1ea: {  	[sflag:s14] =	ssyncset.done $0x0  }
0x1eb: {  	s5 =	rddreg [dreg:$0x16];
	[sflag:s14] =	ssyncadd.s32 $0xFFFFFFC0  }
0x1ec: {  	[spmem:s2] =	stream.indirect.scatter.add.f32 [tilespmem:s11], [sflag:$0x3], $0x1, s5, s10, $0xb8;
	[tilespmem:$0x1980] =	vst v63  }
0x1ed: {  	_ =	swait.ge [sflag:s15], $0x40  }
0x1ee: {  	[sflag:s15] =	ssyncset.done $0x0  }
0x1ef: {  	s6 =	rddreg [dreg:$0x17];
	[sflag:s15] =	ssyncadd.s32 $0xFFFFFFC0  }
0x1f0: {  	[spmem:s2] =	stream.indirect.scatter.add.f32 [tilespmem:s11], [sflag:$0x4], $0x1, s6, s10, $0xb8;
	[tilespmem:$0x1980] =	vst v63  }
0x1f1: {  	_ =	swait.ge [sflag:s12], $0x40  }
0x1f2: {  	[sflag:s12] =	ssyncset.done $0x0  }
0x1f3: {  	s4 =	rddreg [dreg:$0x18];
	[sflag:s12] =	ssyncadd.s32 $0xFFFFFFC0  }
0x1f4: {  	[spmem:s2] =	stream.indirect.scatter.add.f32 [tilespmem:s11], [sflag:$0x1], $0x1, s4, s10, $0xb8;
	[tilespmem:$0x1980] =	vst v63  }
0x1f5: {  	_ =	swait.ge [sflag:s13], $0x40  }
0x1f6: {  	[sflag:s13] =	ssyncset.done $0x0  }
0x1f7: {  	s5 =	rddreg [dreg:$0x19];
	[sflag:s13] =	ssyncadd.s32 $0xFFFFFFC0  }
0x1f8: {  	[spmem:s2] =	stream.indirect.scatter.add.f32 [tilespmem:s11], [sflag:$0x2], $0x1, s5, s10, $0xb8;
	[tilespmem:$0x1980] =	vst v63  }
0x1f9: {  	_ =	swait.ge [sflag:s14], $0x40  }
0x1fa: {  	[sflag:s14] =	ssyncset.done $0x0  }
0x1fb: {  	[sflag:s14] =	ssyncadd.s32 $0xFFFFFFC0  }
0x1fc: {  	[spmem:s2] =	stream.indirect.scatter.add.f32 [tilespmem:s11], [sflag:$0x3], $0x1, s16, s10, $0xb8;
	[tilespmem:$0x1980] =	vst v63  }
0x1fd: {  	_ =	swait.ge [sflag:s15], $0x40  }
0x1fe: {  	[sflag:s15] =	ssyncset.done $0x0  }
0x1ff: {  	[sflag:s15] =	ssyncadd.s32 $0xFFFFFFC0  }
0x200: {  	[spmem:s2] =	stream.indirect.scatter.add.f32 [tilespmem:s11], [sflag:$0x4], $0x1, s17, s10, $0xb8;
	[tilespmem:$0x1980] =	vst v63  }
0x201: {  	_ =	swait.ge [sflag:s12], $0x40  }
0x202: {  	[sflag:s12] =	ssyncset.done $0x0  }
0x203: {  	[sflag:s12] =	ssyncadd.s32 $0xFFFFFFC0  }
0x204: {  	[spmem:s2] =	stream.indirect.scatter.add.f32 [tilespmem:s11], [sflag:$0x1], $0x1, s18, s10, $0xb8;
	[tilespmem:$0x1980] =	vst v63  }
0x205: {  	_ =	swait.ge [sflag:s13], $0x40  }
0x206: {  	[sflag:s13] =	ssyncset.done $0x0  }
0x207: {  	[sflag:s13] =	ssyncadd.s32 $0xFFFFFFC0  }
0x208: {  	[spmem:s2] =	stream.indirect.scatter.add.f32 [tilespmem:s11], [sflag:$0x2], $0x1, s19, s10, $0xb8;
	[tilespmem:$0x1980] =	vst v63  }
0x209: {  	_ =	swait.ge [sflag:s14], $0x40  }
0x20a: {  	[sflag:s14] =	ssyncset.done $0x0  }
0x20b: {  	[sflag:s14] =	ssyncadd.s32 $0xFFFFFFC0  }
0x20c: {  	[spmem:s2] =	stream.indirect.scatter.add.f32 [tilespmem:s11], [sflag:$0x3], $0x1, s20, s10, $0xb8;
	[tilespmem:$0x1980] =	vst v63  }
0x20d: {  	_ =	swait.ge [sflag:s15], $0x40  }
0x20e: {  	[sflag:s15] =	ssyncset.done $0x0  }
0x20f: {  	[sflag:s15] =	ssyncadd.s32 $0xFFFFFFC0  }
0x210: {  	[spmem:s2] =	stream.indirect.scatter.add.f32 [tilespmem:s11], [sflag:$0x4], $0x1, s21, s10, $0xb8;
	[tilespmem:$0x1980] =	vst v63  }
0x211: {  	_ =	swait.ge [sflag:s12], $0x40  }
0x212: {  	[sflag:s12] =	ssyncset.done $0x0  }
0x213: {  	[sflag:s12] =	ssyncadd.s32 $0xFFFFFFC0  }
0x214: {  	[spmem:s2] =	stream.indirect.scatter.add.f32 [tilespmem:s11], [sflag:$0x1], $0x1, s22, s10, $0xb8;
	[tilespmem:$0x1980] =	vst v63  }
0x215: {  	_ =	swait.ge [sflag:s13], $0x40  }
0x216: {  	[sflag:s13] =	ssyncset.done $0x0  }
0x217: {  	[sflag:s13] =	ssyncadd.s32 $0xFFFFFFC0  }
0x218: {  	[spmem:s2] =	stream.indirect.scatter.add.f32 [tilespmem:s11], [sflag:$0x2], $0x1, s23, s10, $0xb8;
	[tilespmem:$0x1980] =	vst v63  }
0x219: {  	_ =	swait.ge [sflag:s14], $0x40  }
0x21a: {  	[sflag:s14] =	ssyncset.done $0x0  }
0x21b: {  	[sflag:s14] =	ssyncadd.s32 $0xFFFFFFC0  }
0x21c: {  	[spmem:s2] =	stream.indirect.scatter.add.f32 [tilespmem:s11], [sflag:$0x3], $0x1, s24, s10, $0xb8;
	[tilespmem:$0x1980] =	vst v63  }
0x21d: {  	_ =	swait.ge [sflag:s15], $0x40  }
0x21e: {  	[sflag:s15] =	ssyncset.done $0x0  }
0x21f: {  	[sflag:s15] =	ssyncadd.s32 $0xFFFFFFC0  }
0x220: {  	[spmem:s2] =	stream.indirect.scatter.add.f32 [tilespmem:s11], [sflag:$0x4], $0x1, s25, s10, $0xb8;
	[tilespmem:$0x1980] =	vst v63  }
0x221: {  	_ =	swait.ge [sflag:s12], $0x40  }
0x222: {  	[sflag:s12] =	ssyncset.done $0x0  }
0x223: {  	[sflag:s12] =	ssyncadd.s32 $0xFFFFFFC0  }
0x224: {  	[spmem:s2] =	stream.indirect.scatter.add.f32 [tilespmem:s11], [sflag:$0x1], $0x1, s26, s10, $0xb8;
	[tilespmem:$0x1980] =	vst v63  }
0x225: {  	_ =	swait.ge [sflag:s13], $0x40  }
0x226: {  	[sflag:s13] =	ssyncset.done $0x0  }
0x227: {  	[sflag:s13] =	ssyncadd.s32 $0xFFFFFFC0  }
0x228: {  	[spmem:s2] =	stream.indirect.scatter.add.f32 [tilespmem:s11], [sflag:$0x2], $0x1, s28, s10, $0xb8;
	[tilespmem:$0x1980] =	vst v63  }
0x229: {  	_ =	swait.ge [sflag:s14], $0x40  }
0x22a: {  	[sflag:s14] =	ssyncset.done $0x0  }
0x22b: {  	[sflag:s14] =	ssyncadd.s32 $0xFFFFFFC0  }
0x22c: {  	[spmem:s2] =	stream.indirect.scatter.add.f32 [tilespmem:s11], [sflag:$0x3], $0x1, s29, s10, $0xb8;
	[tilespmem:$0x1980] =	vst v63  }
0x22d: {  	_ =	swait.ge [sflag:s15], $0x40  }
0x22e: {  	[sflag:s15] =	ssyncset.done $0x0  }
0x22f: {  	[sflag:s15] =	ssyncadd.s32 $0xFFFFFFC0  }
0x230: {  	[spmem:s2] =	stream.indirect.scatter.add.f32 [tilespmem:s11], [sflag:$0x4], $0x1, s30, s10, $0xb8;
	[tilespmem:$0x1980] =	vst v63  }
0x231: {  	_ =	swait.ge [sflag:s12], $0x40  }
0x232: {  	[sflag:s12] =	ssyncset.done $0x0  }
0x233: {  	[sflag:s12] =	ssyncadd.s32 $0xFFFFFFC0  }
0x234: {  	[spmem:s2] =	stream.indirect.scatter.add.f32 [tilespmem:s11], [sflag:$0x1], $0x1, s31, s10, $0xb8;
	[tilespmem:$0x1980] =	vst v63  }
0x235: {  	_ =	swait.ge [sflag:s13], $0x40  }
0x236: {  	[sflag:s13] =	ssyncset.done $0x0  }
0x237: {  	[sflag:s13] =	ssyncadd.s32 $0xFFFFFFC0  }
0x238: {  	[spmem:s2] =	stream.indirect.scatter.add.f32 [tilespmem:s11], [sflag:$0x2], $0x1, s1, s10, $0xb8;
	[tilespmem:$0x1980] =	vst v63  }
0x239: {  	_ =	swait.ge [sflag:s14], $0x40  }
0x23a: {  	[sflag:s14] =	ssyncset.done $0x0  }
0x23b: {  	[sflag:s14] =	ssyncadd.s32 $0xFFFFFFC0  }
0x23c: {  	[spmem:s2] =	stream.indirect.scatter.add.f32 [tilespmem:s11], [sflag:$0x3], $0x1, s7, s10, $0xb8;
	[tilespmem:$0x1980] =	vst v63  }
0x23d: {  	_ =	swait.ge [sflag:s15], $0x40  }
0x23e: {  	[sflag:s15] =	ssyncset.done $0x0  }
0x23f: {  	[sflag:s15] =	ssyncadd.s32 $0xFFFFFFC0  }
0x240: {  	[spmem:s2] =	stream.indirect.scatter.add.f32 [tilespmem:s11], [sflag:$0x4], $0x1, s0, s10, $0xb8;
	[tilespmem:$0x1980] =	vst v63  }
0x241: {  	_ =	swait.ge [sflag:s12], $0x40  }
0x242: {  	[sflag:s12] =	ssyncset.done $0x0  }
0x243: {  	[sflag:s12] =	ssyncadd.s32 $0xFFFFFFC0  }
0x244: {  	_ =	swait.ge [sflag:s13], $0x40  }
0x245: {  	[sflag:s13] =	ssyncset.done $0x0  }
0x246: {  	[sflag:s13] =	ssyncadd.s32 $0xFFFFFFC0  }
0x247: {  	_ =	swait.ge [sflag:s14], $0x40  }
0x248: {  	[sflag:s14] =	ssyncset.done $0x0  }
0x249: {  	[sflag:s14] =	ssyncadd.s32 $0xFFFFFFC0  }
0x24a: {  	_ =	swait.ge [sflag:s15], $0x40  }
0x24b: {  	s6 =	stileid.u32;
	[sflag:s15] =	ssyncset.done $0x0  }
0x24c: {  	s3 =	sshll.u32 s6, $0x6;
	[sflag:s15] =	ssyncadd.s32 $0xFFFFFFC0  }
0x24d: {  	s3 =	sor.u32 $0x1C05, s3;
	[bflag:$0x0] =	sbarrier.arrive $0xFFFF  }
0x24e: {  	[dreg:$0x1e] =	wrdreg s3  }
0x24f: {  	s16 =	rddreg [dreg:$0x1a]  }
0x250: {  	s5 =	simm.s32 $0x20;
	s6 =	rddreg [dreg:$0x1b]  }
0x251: {  	s3 =	simm.s32 $0x10;
	s4 =	sshrl.u32 s16, $0x3;
	s16 =	rddreg [dreg:$0x1e]  }
0x252: {  	[hbm:s6@s5], [sflag:s16] =	dma.strided [spmem:s4@s3], $0x50, s12, $0x10   }
0x253: {  	s5 =	rddreg [dreg:$0x1a];
	_ =	swait.ge [sflag:s8], $0x50  }
0x254: {  	s3 =	rddreg [dreg:$0x1d]  }
0x255: {  	s6 =	rddreg [dreg:$0x1c];
	s4 =	sadd.s32 $0x1, s3  }
0x256: {  	p0 =	sne.s32 s4, s6  }
.Ltmp1:
0x257: {  	_ = 	snop;
	(pc) =	sbr.rel @p0 .LBB2_1-.Ltmp1, $3  }
0x258: {  	_ =	sdelay $0x1  }
0x259: {  	[sflag:s8] =	ssyncset.done $0x0  }
0x25a: {  	s16 =	simm.s32 $0x1080;
	[sflag:s8] =	ssyncadd.s32 $0xFFFFFFB0  }
0x25b: {  	_ =	sfence.sel $0x180000  }
0x25c: {  	[bflag:$0x0] =	sbarrier.arrive $0xFFFF  }
0x25d: {  	_ =	strace $0x90000047  }
0x25e: {  	s0 =	stileid.u32;
	[bflag:$0x2] =	sbarrier.arrive $0xFFFF  }
0x25f: {  	p0 =	sne.s32 s0, $0x0;
	s0 =	rddreg [dreg:$0x3]  }
0x260: {  	s0 =	sadd.s32 @!p0 $0x100000, s0  }
0x261: {  	[sflag:s0] =	ssyncadd.tile.s32 @!p0 $0x1;
	_ =	shalt  }
.Lfunc_end2:
_tile_overlayer_lowered:
.L_overlay_start_2:
0x262: {  	(tag) =	ssettag $0x2  }
0x263: {  	s0 =	rddreg [dreg:$0x0];
	s2 =	stileid.u32  }
0x264: {  	s1 =	rddreg [dreg:$0x1];
	p0 =	sne.s32 s2, $0x0  }
0x265: {  	s3 =	rddreg [dreg:$0x2];
	[bflag:$0x3] =	sbarrier.arrive $0xFFFF;
	s2 =	simm.s32 @!p0 $0x1C05  }
0x266: {  	[timem:s3], [sflag:s2] =	dma.local @!p0 [hbm:s0], s1  }
0x267: {  	s0 =	simm.s32 @!p0 $0x5  }
0x268: {  	_ =	swait.ge @!p0 [sflag:s0], s1  }
0x269: {  	s1 =	ssub.s32 @!p0 $0x0, s1;
	[sflag:s0] =	ssyncset.done @!p0 $0x0  }
0x26a: {  	[sflag:s0] =	ssyncadd.s32 @!p0 s1  }
0x26b: {  	[bflag:$0x3] =	sbarrier.arrive $0xFFFF  }
0x26c: {  	_ =	shalt  }

// kernel: kernel.13.cloned.1.call-start
scs
__scs_entry_jumppad:
0x0: {  	(pc) =	sbr.rel $0x88, $3  }
0x1: {  	(tag) =	ssettag $0x0;
	lr =	simm.s32 $0x1  }
0x2: {  	[smem:$0x3F95] =	sst lr;
	_ =	strace $0xD0000000  }
0x3: {  	_ = 	snop  }
0x4: {  	_ = 	snop  }
0x5: {  	_ = 	snop  }
0x6: {  	_ = 	snop  }
0x7: {  	_ = 	snop  }
__scs_overlays_trampoline_lowered:
0x8: {  	[smem:$0x3FA4] =	sst s0  }
0x9: {  	[smem:$0x3FA5] =	sst s1  }
0xa: {  	[smem:$0x3FA6] =	sst s2  }
0xb: {  	[smem:$0x3FA7] =	sst s3  }
0xc: {  	[smem:$0x3FA8] =	sst s4  }
0xd: {  	[smem:$0x3FA9] =	sst s5  }
0xe: {  	[smem:$0x3FAA] =	sst s6  }
0xf: {  	[smem:$0x3FAB] =	sst s7  }
0x10: {  	[smem:$0x3FAC] =	sst s8  }
0x11: {  	[smem:$0x3FAD] =	sst s9;
	s0 =	simm.s32 @!p0 $0x0  }
0x12: {  	s1 =	sld [smem:$0x3F93];
	s0 =	simm.s32 @p0 $0x1  }
0x13: {  	[smem:$0x3FAE] =	sst s0;
	s0 =	simm.s32 @!p1 $0x0  }
0x14: {  	s2 =	sld [smem:$0x3F92];
	s0 =	simm.s32 @p1 $0x1  }
0x15: {  	[smem:$0x3FAF] =	sst s0;
	s0 =	simm.s32 @!p2 $0x0  }
0x16: {  	s3 =	sld [smem:$0x3FDB];
	s0 =	simm.s32 @p2 $0x1  }
0x17: {  	s4 =	simm.s32 $0x1BF5;
	[smem:$0x3FB1] =	sst s0  }
0x18: {  	s0 =	sld [smem:$0x3F94];
	_ =	swait.ge [sflag:s4], $0x0  }
0x19: {  	s7 =	sld [smem:$0x3F95]  }
0x1a: {  	s8 =	sadd.s32 $0xFFFFE003, lr  }
0x1b: {  	s9 =	sadd.s32 $0xFFFFFEF7, lr;
	s5 =	simm.s32 $0xFFFFFFFF;
	p2 =	slt.u32 s8, $0xFFFFF086  }
0x1c: {  	p1 =	slt.u32 s9, $0xF7A;
	s5 =	simm.s32 @!p2 $0x0  }
0x1d: {  	s5 =	simm.s32 @p1 $0x1;
	p0 =	seq.s32 s7, s2  }
0x1e: {  	s7 =	smul.u32 @!p0 $0xF7A, s2;
	p2 =	seq.s32 @!p0 s5, $0x0  }
0x1f: {  	s9 =	smul.u32 $0xF7A, s1;
	s8 =	simm.s32 @!p0 $0x1BF5;
	p2 =	por !p2, p0  }
0x20: {  	[sflag:s8] =	ssyncset.s32 @!p0 $0xFFFFF086;
	s6 =	sadd.s32 @!p0 s3, s7;
	s7 =	simm.s32 @!p0 $0x108  }
0x21: {  	s3 =	sadd.s32 s3, s9;
	s6 =	sadd.s32 @!p0 $0x88, s6;
	s7 =	simm.s32 @p2 $0x1082  }
0x22: {  	[simem:s7], [sflag:s8] =	dma.local @!p0 [hbm:s6], $0xF7A  }
0x23: {  	s9 =	sor.u32 $0xD0000000, s2;
	s6 =	simm.s32 $0x108;
	_ =	swait.ge @!p0 [sflag:s8], $0x0  }
0x24: {  	s3 =	sadd.s32 $0x88, s3;
	s6 =	simm.s32 @!p1 $0x1082;
	[sflag:s4] =	ssyncset.s32 $0xFFFFF086  }
0x25: {  	[simem:s6], [sflag:s4] =	dma.local [hbm:s3], $0xF7A  }
0x26: {  	[smem:$0x3F95] =	sst s1;
	(tag) =	ssettag s2;
	_ =	strace s9  }
0x27: {  	s1 =	sld [smem:$0x3FA5]  }
0x28: {  	s2 =	sld [smem:$0x3FA6]  }
0x29: {  	s4 =	sld [smem:$0x3FA8]  }
0x2a: {  	p0 =	seq.s32 s5, $0x0;
	s5 =	sld [smem:$0x3FA9]  }
0x2b: {  	s6 =	sld [smem:$0x3FAA]  }
0x2c: {  	s7 =	sld [smem:$0x3FAB]  }
0x2d: {  	s3 =	simm.s32 $0x108;
	s8 =	sld [smem:$0x3FAC]  }
0x2e: {  	s3 =	simm.s32 @!p0 $0x1082;
	s9 =	sld [smem:$0x3FAD]  }
0x2f: {  	lr =	sadd.s32 s0, s3;
	s0 =	sld [smem:$0x3FA4]  }
0x30: {  	s3 =	sld [smem:$0x3FA7]  }
0x31: {  	[smem:$0x3FB0] =	sst s10  }
0x32: {  	s10 =	sld [smem:$0x3FAE];
	_ =	sdelay $0x3  }
0x33: {  	p0 =	seq.s32 s10, $0x1;
	s10 =	sld [smem:$0x3FB0];
	_ =	sdelay $0x3  }
0x34: {  	[smem:$0x3FB0] =	sst s10  }
0x35: {  	s10 =	sld [smem:$0x3FAF];
	_ =	sdelay $0x3  }
0x36: {  	p1 =	seq.s32 s10, $0x1;
	s10 =	sld [smem:$0x3FB0];
	_ =	sdelay $0x3  }
0x37: {  	[smem:$0x3FB0] =	sst s10  }
0x38: {  	s10 =	sld [smem:$0x3FB1]  }
0x39: {  	_ = 	snop;
	(pc) =	sbr.ind lr, $3  }
0x3a: {  	_ = 	snop  }
0x3b: {  	_ = 	snop  }
0x3c: {  	p2 =	seq.s32 s10, $0x1;
	s10 =	sld [smem:$0x3FB0]  }
0x3d: {  	_ =	shalt  }
0x3e: {  	_ =	shalt  }
0x3f: {  	_ =	shalt  }
0x40: {  	_ =	shalt  }
0x41: {  	_ =	shalt  }
0x42: {  	_ =	shalt  }
0x43: {  	_ =	shalt  }
0x44: {  	_ =	shalt  }
0x45: {  	_ =	shalt  }
0x46: {  	_ =	shalt  }
0x47: {  	_ =	shalt  }
0x48: {  	_ =	shalt  }
0x49: {  	_ =	shalt  }
0x4a: {  	_ =	shalt  }
0x4b: {  	_ =	shalt  }
0x4c: {  	_ =	shalt  }
0x4d: {  	_ =	shalt  }
0x4e: {  	_ =	shalt  }
0x4f: {  	_ =	shalt  }
0x50: {  	_ =	shalt  }
0x51: {  	_ =	shalt  }
0x52: {  	_ =	shalt  }
0x53: {  	_ =	shalt  }
0x54: {  	_ =	shalt  }
0x55: {  	_ =	shalt  }
0x56: {  	_ =	shalt  }
0x57: {  	_ =	shalt  }
0x58: {  	_ =	shalt  }
0x59: {  	_ =	shalt  }
0x5a: {  	_ =	shalt  }
0x5b: {  	_ =	shalt  }
0x5c: {  	_ =	shalt  }
0x5d: {  	_ =	shalt  }
0x5e: {  	_ =	shalt  }
0x5f: {  	_ =	shalt  }
0x60: {  	_ =	shalt  }
0x61: {  	_ =	shalt  }
0x62: {  	_ =	shalt  }
0x63: {  	_ =	shalt  }
0x64: {  	_ =	shalt  }
0x65: {  	_ =	shalt  }
0x66: {  	_ =	shalt  }
0x67: {  	_ =	shalt  }
0x68: {  	_ =	shalt  }
0x69: {  	_ =	shalt  }
0x6a: {  	_ =	shalt  }
0x6b: {  	_ =	shalt  }
0x6c: {  	_ =	shalt  }
0x6d: {  	_ =	shalt  }
0x6e: {  	_ =	shalt  }
0x6f: {  	_ =	shalt  }
0x70: {  	_ =	shalt  }
0x71: {  	_ =	shalt  }
0x72: {  	_ =	shalt  }
0x73: {  	_ =	shalt  }
0x74: {  	_ =	shalt  }
0x75: {  	_ =	shalt  }
0x76: {  	_ =	shalt  }
0x77: {  	_ =	shalt  }
0x78: {  	_ =	shalt  }
0x79: {  	_ =	shalt  }
0x7a: {  	_ =	shalt  }
0x7b: {  	_ =	shalt  }
0x7c: {  	_ =	shalt  }
0x7d: {  	_ =	shalt  }
0x7e: {  	_ =	shalt  }
0x7f: {  	_ =	shalt  }
0x80: {  	_ =	shalt  }
0x81: {  	_ =	shalt  }
0x82: {  	_ =	shalt  }
0x83: {  	_ =	shalt  }
0x84: {  	_ =	shalt  }
0x85: {  	_ =	shalt  }
0x86: {  	_ =	shalt  }
0x87: {  	_ =	shalt  }
.Lfunc_end0:
.L_simem_size_0:
called_computation.1_lowered:
.L_overlay_start_0:
0x88: {  	s2 =	sld [smem:$0x3FD9]  }
0x89: {  	s3 =	sld [smem:$0x3FFE];
	_ =	sdelay $0x1  }
0x8a: {  	s1 =	srdreg.scid  }
0x8b: {  	s0 =	sand.u32 $0x1, s1  }
0x8c: {  	s17 =	sshll.u32 s0, $0xA;
	s2 =	sadd.s32 s3, s2  }
0x8d: {  	s2 =	sadd.s32 s2, s17  }
0x8e: {  	[smem:$0x3FBC] =	sst s2  }
0x8f: {  	_ = 	snop  }
0x90: {  	s2 =	sld [smem:$0x3FD0];
	(tm) =	ssettm $0x1  }
0x91: {  	s18 =	sld [smem:$0x3FFB];
	_ =	sdelay $0x3  }
0x92: {  	_ =	strace s18  }
0x93: {  	s3 =	sld [smem:$0x3FFC];
	_ =	sdelay $0x3  }
0x94: {  	_ =	strace s3  }
0x95: {  	s3 =	sld [smem:$0x3FFD];
	_ =	sdelay $0x3  }
0x96: {  	_ =	strace s3  }
0x97: {  	_ =	strace $0x8FFFFFFF  }
0x98: {  	s19 =	sld [smem:$0x3FDB];
	_ =	sdelay $0x1  }
0x99: {  	s4 =	simm.s32 $_scs_section_size  }
0x9a: {  	s5 =	simm.s32 $_size__tile_overlayer_lowered;
	s6 =	simm.s32 $_tile_overlayer_lowered  }
0x9b: {  	s22 =	simm.s32 $0x1BFF;
	s21 =	sshll.u32 s6, $0x1;
	s3 =	sadd.s32 s4, s19  }
0x9c: {  	s7 =	simm.s32 $0x0;
	s20 =	sshll.u32 s5, $0x1;
	s5 =	sadd.s32 s21, s3  }
0x9d: {  	[timem:s7], [sflag:s22] =	dma.local [hbm:s5], s20  }
0x9e: {  	_ =	swait.ge [sflag:s22], s20  }
0x9f: {  	s4 =	ssub.s32 $0x0, s20;
	[sflag:s22] =	ssyncset.done $0x0  }
0xa0: {  	[sflag:s22] =	ssyncadd.s32 s4;
	_ =	sdelay $0x1  }
0xa1: {  	s23 =	simm.s32 $0x1B8B  }
0xa2: {  	_ =	swait.ge [sflag:s23], $0x1  }
0xa3: {  	[sflag:s23] =	ssyncset.done $0x0  }
0xa4: {  	s25 =	simm.s32 $0x1B8E;
	s24 =	sld [smem:$0x3FFE];
	[sflag:s23] =	ssyncadd.s32 $0xFFFFFFFF  }
0xa5: {  	s26 =	simm.s32 $execute0_lowered;
	[smem:$0x3FD2] =	sst s25  }
0xa6: {  	s5 =	sshll.u32 s26, $0x1;
	_ =	strace $0x80000049;
	[dreg:$0x1] =	wrdreg $0xFFFFFFFF  }
0xa7: {  	s28 =	simm.s32 $_size_execute0_lowered;
	s3 =	sadd.s32 s3, s5;
	[dreg:$0x0] =	wrdreg $0x0  }
0xa8: {  	s5 =	sshll.u32 s28, $0x1;
	[dreg:$0x2] =	wrdreg s3  }
0xa9: {  	[dreg:$0x3] =	wrdreg s5  }
0xaa: {  	[dreg:$0x4] =	wrdreg $0xC0  }
0xab: {  	_ =	task [dreg:s7], $0x5FFFF  }
0xac: {  	[dreg:$0x1] =	wrdreg $0xFFFFFFFF  }
0xad: {  	[dreg:$0x0] =	wrdreg $0x60  }
0xae: {  	[dreg:$0x2] =	wrdreg s2  }
0xaf: {  	[dreg:$0x3] =	wrdreg s24  }
0xb0: {  	[dreg:$0x4] =	wrdreg $0x0  }
0xb1: {  	[dreg:$0x5] =	wrdreg $0x9  }
0xb2: {  	_ =	task.clear_ibuf [dreg:s7], $0x6FFFF;
	_ =	strace $0x90000049  }
0xb3: {  	s29 =	simm.s32 $0x9;
	_ =	strace $0x8000004B  }
0xb4: {  	_ =	swait.ge [sflag:s29], $0x1  }
0xb5: {  	[sflag:s29] =	ssyncadd.s32 $0xFFFFFFFF  }
0xb6: {  	_ =	strace $0x9000004B  }
0xb7: {  	_ =	sfence  }
0xb8: {  	s30 =	sld [smem:$0x0];
	_ =	sdelay $0x2  }
0xb9: {  	s31 =	sshll.u32 s1, $0xD;
	s1 =	sshrl.u32 s1, $0x2  }
0xba: {  	s3 =	sand.u32 $0x4000, s31;
	s1 =	sadd.s32 s1, s30  }
0xbb: {  	s0 =	sor.u32 s3, s0;
	s1 =	sshll.u32 s1, $0x11  }
0xbc: {  	s0 =	sor.u32 s1, s0  }
0xbd: {  	s0 =	sadd.s32 $0x8F2B, s0  }
0xbe: {  	[sflag:s0] =	ssyncadd.remote.s32 $0x1  }
0xbf: {  	_ =	sfence.sel $0xFFFF  }
0xc0: {  	[dreg:$0x0] =	wrdreg $0xFFFFFFFF;
	(pc) =	sbr.abs _section_cstart, $3  }
0xc1: {  	[dreg:$0x1] =	wrdreg $0xFFFFFFFF  }
0xc2: {  	_ =	task.clear_ibuf [dreg:s7], $0x2FFFF;
	_ =	strace $0x9FFFFFFF  }
0xc3: {  	(tm) =	ssettm $0x7FFFFFFF  }
tec
execute0_lowered:
.L_overlay_start_1:
0x0: {  	(tag) =	ssettag $0x1  }
0x1: {  	s1 =	rddreg [dreg:$0x0]  }
0x2: {  	s0 =	rddreg [dreg:$0x1]  }
0x3: {  	s2 =	rddreg [dreg:$0x2]  }
0x4: {  	s3 =	srdreg.scid;
	s4 =	simm.s32 $0x0;
	s11 =	stileid.u32  }
0x5: {  	s3 =	sand.u32 $0x1, s3;
	[smem:$0x7FF] =	sst s4;
	s6 =	smul.u32 $0x14000, s11  }
0x6: {  	s7 =	sadd.s32 $0x17800, s0;
	s5 =	smul.u32 $0x140000, s3;
	s8 =	sshll.u32 s3, $0x4  }
0x7: {  	s26 =	smul.u32 $0x50000, s11;
	s9 =	ssub.s32 $0x2, s3;
	s25 =	sor.u32 s11, s8  }
0x8: {  	s12 =	sshrl.u32 s9, $0x1;
	s5 =	sadd.s32 s6, s5;
	s6 =	smul.u32 $0x5000, s25  }
0x9: {  	s10 =	sadd.s32 $0x3800, s0;
	_ =	strace $0x8000004A;
	s9 =	ssub.s32 s9, s12  }
0xa: {  	s13 =	sshrl.u32 s26, $0x2;
	s16 =	smax.u32 s9, $0x1;
	s6 =	sshrl.u32 s6, $0x3  }
0xb: {  	s5 =	sshrl.u32 s5, $0x3;
	[dreg:$0x7] =	wrdreg s16;
	s14 =	sadd.s32 s7, s6  }
0xc: {  	s0 =	sadd.s32 s5, s0;
	s6 =	sadd.s32 s10, s6;
	[dreg:$0x4] =	wrdreg s14  }
0xd: {  	s5 =	sadd.s32 s13, s2;
	s0 =	sadd.s32 $0x52A00, s0;
	[dreg:$0x5] =	wrdreg s6  }
0xe: {  	s28 =	simm.s32 $0x40;
	s17 =	sadd.s32 $0x2000, s5;
	[dreg:$0x6] =	wrdreg s0  }
0xf: {  	s30 =	simm.s32 $0x16000;
	s18 =	sadd.s32 $0x4000, s5;
	[dreg:$0x8] =	wrdreg s17  }
0x10: {  	s29 =	simm.s32 $0x1A000;
	s19 =	sadd.s32 $0x6000, s5;
	[dreg:$0x9] =	wrdreg s18  }
0x11: {  	s31 =	simm.s32 $0x2;
	s20 =	sadd.s32 $0x8000, s5;
	[dreg:$0xa] =	wrdreg s19  }
0x12: {  	s15 =	smul.u32 $0x5000, s11;
	s21 =	sadd.s32 $0xA000, s5;
	[dreg:$0xb] =	wrdreg s20  }
0x13: {  	s3 =	smul.u32 $0x50000, s3;
	s22 =	sadd.s32 $0xC000, s5;
	[dreg:$0xc] =	wrdreg s21  }
0x14: {  	s8 =	simm.s32 $0x6;
	s23 =	sadd.s32 $0xE000, s5;
	[dreg:$0xd] =	wrdreg s22  }
0x15: {  	s9 =	simm.s32 $0x7;
	s24 =	sadd.s32 $0x10000, s5;
	[dreg:$0xe] =	wrdreg s23  }
0x16: {  	s25 =	sadd.s32 $0x12000, s5;
	s0 =	sadd.s32 s15, s3;
	[dreg:$0xf] =	wrdreg s24  }
0x17: {  	[dreg:$0x10] =	wrdreg s25;
	s21 =	simm.s32 $0x14000;
	s22 =	simm.s32 $0xD  }
.Ltmp0:
0x18: {  	s25 =	simm.s32 $0x9;
	s0 =	sor.u32 $0x800, s0;
	(pc) =	sbr.rel .LBB2_1-.Ltmp0, $4  }
0x19: {  	s3 =	simm.s32 $0x1;
	s24 =	simm.s32 $0x3;
	s0 =	sshrl.u32 s0, $0x3  }
0x1a: {  	s6 =	simm.s32 $0x4;
	s26 =	sadd.s32 s0, s10;
	s0 =	sadd.s32 s0, s7  }
0x1b: {  	s7 =	simm.s32 $0x5;
	s10 =	simm.s32 $0x8;
	[dreg:$0x11] =	wrdreg s26  }
0x1c: {  	v0 =	vimm.f32 $0.0e+00;
	[dreg:$0x12] =	wrdreg s0;
	s26 =	simm.s32 $0xA;
	s0 =	simm.s32 $0x18000  }
.LBB2_6:
0x1d: {  	_ =	swait.ge [sflag:s7], $0x2000  }
0x1e: {  	[sflag:s7] =	ssyncset.done $0x0  }
0x1f: {  	[sflag:s7] =	ssyncadd.s32 $0xFFFFE000  }
0x20: {  	_ =	swait.ge [sflag:s8], $0x2000  }
0x21: {  	[sflag:s8] =	ssyncset.done $0x0  }
0x22: {  	[sflag:s8] =	ssyncadd.s32 $0xFFFFE000  }
0x23: {  	_ =	swait.ge [sflag:s9], $0x2000  }
0x24: {  	[sflag:s9] =	ssyncset.done $0x0  }
0x25: {  	[sflag:s9] =	ssyncadd.s32 $0xFFFFE000  }
0x26: {  	_ =	swait.ge [sflag:s10], $0x2000  }
0x27: {  	[sflag:s10] =	ssyncset.done $0x0  }
0x28: {  	s11 =	stileid.u32;
	[sflag:s10] =	ssyncadd.s32 $0xFFFFE000  }
0x29: {  	s11 =	sshll.u32 s11, $0x6;
	[bflag:$0x0] =	sbarrier.arrive $0xFFFF  }
0x2a: {  	s12 =	sshrl.u32 s5, $0x3;
	s11 =	sor.u32 $0x1C0D, s11;
	s13 =	rddreg [dreg:$0x6]  }
0x2b: {  	[hbm:s13], [sflag:s11] =	dma.local [spmem:s12], $0x2800  }
0x2c: {  	_ =	swait.ge [sflag:s22], $0x2800  }
0x2d: {  	s4 =	sadd.s32 $0x1, s4;
	s23 =	rddreg [dreg:$0x7]  }
0x2e: {  	p0 =	sne.s32 s4, s23  }
.Ltmp1:
0x2f: {  	_ = 	snop;
	(pc) =	sbr.rel @!p0 .LBB2_7-.Ltmp1, $3  }
0x30: {  	_ =	sdelay $0x1  }
0x31: {  	[sflag:s22] =	ssyncset.done $0x0  }
0x32: {  	[sflag:s22] =	ssyncadd.s32 $0xFFFFD800  }
.LBB2_1:
0x33: {  	s11 =	simm.s32 $0x0;
	s14 =	simm.s32 $0x200  }
.LBB2_2:
0x34: {  	p0 =	sne.s32 s14, $0x7E00;
	[tilespmem:s11+$0x14070] =	vst v0  }
0x35: {  	[tilespmem:s11+$0x14000] =	vst v0  }
0x36: {  	[tilespmem:s11+$0x14010] =	vst v0  }
.Ltmp2:
0x37: {  	[tilespmem:s11+$0x14020] =	vst v0;
	(pc) =	sbr.rel @p0 .LBB2_2-.Ltmp2, $4  }
0x38: {  	[tilespmem:s11+$0x14030] =	vst v0  }
0x39: {  	[tilespmem:s11+$0x14040] =	vst v0  }
0x3a: {  	[tilespmem:s11+$0x14050] =	vst v0  }
0x3b: {  	[tilespmem:s11+$0x14060] =	vst v0;
	s11 =	sshra.s32 s14, $0x2;
	s14 =	sadd.s32 $0x200, s14  }
0x3c: {  	[tilespmem:s11+$0x14070] =	vst v0  }
0x3d: {  	[tilespmem:s11+$0x14000] =	vst v0  }
0x3e: {  	[tilespmem:s11+$0x14010] =	vst v0  }
0x3f: {  	[tilespmem:s11+$0x14020] =	vst v0  }
0x40: {  	[tilespmem:s11+$0x14030] =	vst v0  }
0x41: {  	[tilespmem:s11+$0x14040] =	vst v0  }
0x42: {  	[tilespmem:s11+$0x14050] =	vst v0  }
0x43: {  	[tilespmem:s11+$0x14060] =	vst v0  }
0x44: {  	[spmem:s5] =	stream.linear.scatter [tilespmem:s21], [sflag:$0xD], $0x2000, $0x38;
	[tilespmem:$0x1E000] =	vst v63  }
0x45: {  	_ =	swait.ge [sflag:s22], $0x2000  }
0x46: {  	[sflag:s22] =	ssyncset.done $0x0  }
0x47: {  	s19 =	rddreg [dreg:$0x8];
	[sflag:s22] =	ssyncadd.s32 $0xFFFFE000  }
0x48: {  	[spmem:s19] =	stream.linear.scatter [tilespmem:s21], [sflag:$0xD], $0x2000, $0x38;
	[tilespmem:$0x1E000] =	vst v63  }
0x49: {  	_ =	swait.ge [sflag:s22], $0x2000  }
0x4a: {  	[sflag:s22] =	ssyncset.done $0x0  }
0x4b: {  	s20 =	rddreg [dreg:$0x9];
	[sflag:s22] =	ssyncadd.s32 $0xFFFFE000  }
0x4c: {  	[spmem:s20] =	stream.linear.scatter [tilespmem:s21], [sflag:$0xD], $0x2000, $0x38;
	[tilespmem:$0x1E000] =	vst v63  }
0x4d: {  	_ =	swait.ge [sflag:s22], $0x2000  }
0x4e: {  	[sflag:s22] =	ssyncset.done $0x0  }
0x4f: {  	s23 =	rddreg [dreg:$0xa];
	[sflag:s22] =	ssyncadd.s32 $0xFFFFE000  }
0x50: {  	[spmem:s23] =	stream.linear.scatter [tilespmem:s21], [sflag:$0xD], $0x2000, $0x38;
	[tilespmem:$0x1E000] =	vst v63  }
0x51: {  	_ =	swait.ge [sflag:s22], $0x2000  }
0x52: {  	[sflag:s22] =	ssyncset.done $0x0  }
0x53: {  	s12 =	rddreg [dreg:$0xb];
	[sflag:s22] =	ssyncadd.s32 $0xFFFFE000  }
0x54: {  	[spmem:s12] =	stream.linear.scatter [tilespmem:s21], [sflag:$0xD], $0x2000, $0x38;
	[tilespmem:$0x1E000] =	vst v63  }
0x55: {  	_ =	swait.ge [sflag:s22], $0x2000  }
0x56: {  	[sflag:s22] =	ssyncset.done $0x0  }
0x57: {  	s13 =	rddreg [dreg:$0xc];
	[sflag:s22] =	ssyncadd.s32 $0xFFFFE000  }
0x58: {  	[spmem:s13] =	stream.linear.scatter [tilespmem:s21], [sflag:$0xD], $0x2000, $0x38;
	[tilespmem:$0x1E000] =	vst v63  }
0x59: {  	_ =	swait.ge [sflag:s22], $0x2000  }
0x5a: {  	[sflag:s22] =	ssyncset.done $0x0  }
0x5b: {  	s14 =	rddreg [dreg:$0xd];
	[sflag:s22] =	ssyncadd.s32 $0xFFFFE000  }
0x5c: {  	[spmem:s14] =	stream.linear.scatter [tilespmem:s21], [sflag:$0xD], $0x2000, $0x38;
	[tilespmem:$0x1E000] =	vst v63  }
0x5d: {  	_ =	swait.ge [sflag:s22], $0x2000  }
0x5e: {  	[sflag:s22] =	ssyncset.done $0x0  }
0x5f: {  	s15 =	rddreg [dreg:$0xe];
	[sflag:s22] =	ssyncadd.s32 $0xFFFFE000  }
0x60: {  	[spmem:s15] =	stream.linear.scatter [tilespmem:s21], [sflag:$0xD], $0x2000, $0x38;
	[tilespmem:$0x1E000] =	vst v63  }
0x61: {  	_ =	swait.ge [sflag:s22], $0x2000  }
0x62: {  	[sflag:s22] =	ssyncset.done $0x0  }
0x63: {  	s16 =	rddreg [dreg:$0xf];
	[sflag:s22] =	ssyncadd.s32 $0xFFFFE000  }
0x64: {  	[spmem:s16] =	stream.linear.scatter [tilespmem:s21], [sflag:$0xD], $0x2000, $0x38;
	[tilespmem:$0x1E000] =	vst v63  }
0x65: {  	_ =	swait.ge [sflag:s22], $0x2000  }
0x66: {  	[sflag:s22] =	ssyncset.done $0x0  }
0x67: {  	s17 =	rddreg [dreg:$0x10];
	[sflag:s22] =	ssyncadd.s32 $0xFFFFE000  }
0x68: {  	[spmem:s17] =	stream.linear.scatter [tilespmem:s21], [sflag:$0xD], $0x2000, $0x38;
	[tilespmem:$0x1E000] =	vst v63  }
0x69: {  	_ =	swait.ge [sflag:s22], $0x2000  }
0x6a: {  	[sflag:s22] =	ssyncset.done $0x0  }
0x6b: {  	[sflag:s22] =	ssyncadd.s32 $0xFFFFE000  }
0x6c: {  	[bflag:$0x0] =	sbarrier.arrive $0xFFFF  }
0x6d: {  	s11 =	simm.s32 $0x0;
	s13 =	simm.s32 $0x1C000;
	s12 =	rddreg [dreg:$0x4]  }
0x6e: {  	[tilespmem:s13], [sflag:$0x9] =	stream.linear.gather [hbm4b:s12+s11], $0x800, $0x38;
	[tilespmem:$0x1E000] =	vst v63  }
0x6f: {  	s14 =	simm.s32 $0x1D000;
	s18 =	rddreg [dreg:$0x5]  }
0x70: {  	[tilespmem:s14], [sflag:$0xA] =	stream.linear.gather [hbm4b:s18+s11], $0x800, $0x38;
	[tilespmem:$0x1E000] =	vst v63  }
0x71: {  	_ =	swait.ge [sflag:s25], $0x800  }
0x72: {  	[sflag:s25] =	ssyncset.done $0x0  }
0x73: {  	[sflag:s25] =	ssyncadd.s32 $0xFFFFF800  }
0x74: {  	_ =	swait.ge [sflag:s26], $0x800  }
0x75: {  	[sflag:s26] =	ssyncset.done $0x0  }
0x76: {  	[sflag:s26] =	ssyncadd.s32 $0xFFFFF800  }
0x77: {  	[tilespmem:s21], [sflag:$0x1] =	stream.indirect.gather [hbm4b:s1+s28], $0x80, s13, s28, $0xb8;
	[tilespmem:$0x1E000] =	vst v63  }
0x78: {  	s19 =	simm.s32 $0x1C080  }
0x79: {  	[tilespmem:s30], [sflag:$0x2] =	stream.indirect.gather [hbm4b:s1+s28], $0x80, s19, s28, $0xb8;
	[tilespmem:$0x1E000] =	vst v63  }
0x7a: {  	s20 =	simm.s32 $0x1C100;
	s19 =	rddreg [dreg:$0x11]  }
0x7b: {  	[tilespmem:s0], [sflag:$0x3] =	stream.indirect.gather [hbm4b:s1+s28], $0x80, s20, s28, $0xb8;
	[tilespmem:$0x1E000] =	vst v63  }
0x7c: {  	s23 =	simm.s32 $0x1C180;
	s20 =	rddreg [dreg:$0x12]  }
0x7d: {  	[tilespmem:s29], [sflag:$0x4] =	stream.indirect.gather [hbm4b:s1+s28], $0x80, s23, s28, $0xb8;
	[tilespmem:$0x1E000] =	vst v63  }
.LBB2_4:
0x7e: {  	s16 =	sand.u32 $0x1, s11  }
0x7f: {  	p0 =	seq.s32 s11, $0x9;
	s14 =	sxor.u32 $0x1, s16  }
0x80: {  	s15 =	sshll.u32 @!p0 s14, $0x3  }
0x81: {  	s17 =	sshll.u32 @!p0 s14, $0xB;
	s23 =	sshrl.u32 @!p0 s15, $0x2  }
0x82: {  	s12 =	simm.s32 @!p0 $0x0;
	s18 =	sor.u32 @!p0 $0x1C000, s17;
	s13 =	sor.u32 @!p0 $0x9, s23  }
0x83: {  	[tilespmem:s18], [sflag:s13] =	stream.linear.gather @!p0 [hbm4b:s20+s12], $0x800, $0x38;
	[tilespmem:$0x1E000] =	vst v63  }
0x84: {  	s13 =	sor.u32 @!p0 $0x1D000, s17;
	s17 =	sadd.s32 @!p0 $0xA, s23  }
0x85: {  	[tilespmem:s13], [sflag:s17] =	stream.linear.gather @!p0 [hbm4b:s19+s12], $0x800, $0x38;
	[tilespmem:$0x1E000] =	vst v63  }
0x86: {  	_ =	swait.ge [sflag:s3], $0x2000  }
0x87: {  	s16 =	sshll.u32 s16, $0xB;
	[sflag:s3] =	ssyncset.done $0x0  }
0x88: {  	s13 =	sor.u32 $0x1D000, s16;
	[sflag:s3] =	ssyncadd.s32 $0xFFFFE000  }
0x89: {  	[spmem:s2] =	stream.indirect.scatter.add.f32 [tilespmem:s21], [sflag:$0x5], $0x80, s13, s28, $0xb8;
	[tilespmem:$0x1E000] =	vst v63  }
0x8a: {  	_ =	swait.ge [sflag:s31], $0x2000  }
0x8b: {  	[sflag:s31] =	ssyncset.done $0x0  }
0x8c: {  	s17 =	sor.u32 $0x1D080, s16;
	[sflag:s31] =	ssyncadd.s32 $0xFFFFE000  }
0x8d: {  	[spmem:s2] =	stream.indirect.scatter.add.f32 [tilespmem:s30], [sflag:$0x6], $0x80, s17, s28, $0xb8;
	[tilespmem:$0x1E000] =	vst v63  }
0x8e: {  	_ =	swait.ge [sflag:s24], $0x2000  }
0x8f: {  	[sflag:s24] =	ssyncset.done $0x0  }
0x90: {  	s18 =	sor.u32 $0x1D100, s16;
	[sflag:s24] =	ssyncadd.s32 $0xFFFFE000  }
0x91: {  	[spmem:s2] =	stream.indirect.scatter.add.f32 [tilespmem:s0], [sflag:$0x7], $0x80, s18, s28, $0xb8;
	[tilespmem:$0x1E000] =	vst v63  }
0x92: {  	_ =	swait.ge [sflag:s6], $0x2000  }
0x93: {  	[sflag:s6] =	ssyncset.done $0x0  }
0x94: {  	s23 =	sor.u32 $0x1D180, s16;
	[sflag:s6] =	ssyncadd.s32 $0xFFFFE000  }
0x95: {  	[spmem:s2] =	stream.indirect.scatter.add.f32 [tilespmem:s29], [sflag:$0x8], $0x80, s23, s28, $0xb8;
	[tilespmem:$0x1E000] =	vst v63  }
0x96: {  	_ =	swait.ge [sflag:s7], $0x2000  }
0x97: {  	[sflag:s7] =	ssyncset.done $0x0  }
0x98: {  	s13 =	sor.u32 $0x1C200, s16;
	[sflag:s7] =	ssyncadd.s32 $0xFFFFE000  }
0x99: {  	[tilespmem:s21], [sflag:$0x1] =	stream.indirect.gather [hbm4b:s1+s28], $0x80, s13, s28, $0xb8;
	[tilespmem:$0x1E000] =	vst v63  }
0x9a: {  	_ =	swait.ge [sflag:s8], $0x2000  }
0x9b: {  	[sflag:s8] =	ssyncset.done $0x0  }
0x9c: {  	s17 =	sor.u32 $0x1C280, s16;
	[sflag:s8] =	ssyncadd.s32 $0xFFFFE000  }
0x9d: {  	[tilespmem:s30], [sflag:$0x2] =	stream.indirect.gather [hbm4b:s1+s28], $0x80, s17, s28, $0xb8;
	[tilespmem:$0x1E000] =	vst v63  }
0x9e: {  	_ =	swait.ge [sflag:s9], $0x2000  }
0x9f: {  	[sflag:s9] =	ssyncset.done $0x0  }
0xa0: {  	s18 =	sor.u32 $0x1C300, s16;
	[sflag:s9] =	ssyncadd.s32 $0xFFFFE000  }
0xa1: {  	[tilespmem:s0], [sflag:$0x3] =	stream.indirect.gather [hbm4b:s1+s28], $0x80, s18, s28, $0xb8;
	[tilespmem:$0x1E000] =	vst v63  }
0xa2: {  	_ =	swait.ge [sflag:s10], $0x2000  }
0xa3: {  	[sflag:s10] =	ssyncset.done $0x0  }
0xa4: {  	s23 =	sor.u32 $0x1C380, s16;
	[sflag:s10] =	ssyncadd.s32 $0xFFFFE000  }
0xa5: {  	[tilespmem:s29], [sflag:$0x4] =	stream.indirect.gather [hbm4b:s1+s28], $0x80, s23, s28, $0xb8;
	[tilespmem:$0x1E000] =	vst v63  }
0xa6: {  	_ =	swait.ge [sflag:s3], $0x2000  }
0xa7: {  	[sflag:s3] =	ssyncset.done $0x0  }
0xa8: {  	s13 =	sor.u32 $0x1D200, s16;
	[sflag:s3] =	ssyncadd.s32 $0xFFFFE000  }
0xa9: {  	[spmem:s2] =	stream.indirect.scatter.add.f32 [tilespmem:s21], [sflag:$0x5], $0x80, s13, s28, $0xb8;
	[tilespmem:$0x1E000] =	vst v63  }
0xaa: {  	_ =	swait.ge [sflag:s31], $0x2000  }
0xab: {  	[sflag:s31] =	ssyncset.done $0x0  }
0xac: {  	s17 =	sor.u32 $0x1D280, s16;
	[sflag:s31] =	ssyncadd.s32 $0xFFFFE000  }
0xad: {  	[spmem:s2] =	stream.indirect.scatter.add.f32 [tilespmem:s30], [sflag:$0x6], $0x80, s17, s28, $0xb8;
	[tilespmem:$0x1E000] =	vst v63  }
0xae: {  	_ =	swait.ge [sflag:s24], $0x2000  }
0xaf: {  	[sflag:s24] =	ssyncset.done $0x0  }
0xb0: {  	s18 =	sor.u32 $0x1D300, s16;
	[sflag:s24] =	ssyncadd.s32 $0xFFFFE000  }
0xb1: {  	[spmem:s2] =	stream.indirect.scatter.add.f32 [tilespmem:s0], [sflag:$0x7], $0x80, s18, s28, $0xb8;
	[tilespmem:$0x1E000] =	vst v63  }
0xb2: {  	_ =	swait.ge [sflag:s6], $0x2000  }
0xb3: {  	[sflag:s6] =	ssyncset.done $0x0  }
0xb4: {  	s23 =	sor.u32 $0x1D380, s16;
	[sflag:s6] =	ssyncadd.s32 $0xFFFFE000  }
0xb5: {  	[spmem:s2] =	stream.indirect.scatter.add.f32 [tilespmem:s29], [sflag:$0x8], $0x80, s23, s28, $0xb8;
	[tilespmem:$0x1E000] =	vst v63  }
0xb6: {  	_ =	swait.ge [sflag:s7], $0x2000  }
0xb7: {  	[sflag:s7] =	ssyncset.done $0x0  }
0xb8: {  	s13 =	sor.u32 $0x1C400, s16;
	[sflag:s7] =	ssyncadd.s32 $0xFFFFE000  }
0xb9: {  	[tilespmem:s21], [sflag:$0x1] =	stream.indirect.gather [hbm4b:s1+s28], $0x80, s13, s28, $0xb8;
	[tilespmem:$0x1E000] =	vst v63  }
0xba: {  	_ =	swait.ge [sflag:s8], $0x2000  }
0xbb: {  	[sflag:s8] =	ssyncset.done $0x0  }
0xbc: {  	s17 =	sor.u32 $0x1C480, s16;
	[sflag:s8] =	ssyncadd.s32 $0xFFFFE000  }
0xbd: {  	[tilespmem:s30], [sflag:$0x2] =	stream.indirect.gather [hbm4b:s1+s28], $0x80, s17, s28, $0xb8;
	[tilespmem:$0x1E000] =	vst v63  }
0xbe: {  	_ =	swait.ge [sflag:s9], $0x2000  }
0xbf: {  	[sflag:s9] =	ssyncset.done $0x0  }
0xc0: {  	s18 =	sor.u32 $0x1C500, s16;
	[sflag:s9] =	ssyncadd.s32 $0xFFFFE000  }
0xc1: {  	[tilespmem:s0], [sflag:$0x3] =	stream.indirect.gather [hbm4b:s1+s28], $0x80, s18, s28, $0xb8;
	[tilespmem:$0x1E000] =	vst v63  }
0xc2: {  	_ =	swait.ge [sflag:s10], $0x2000  }
0xc3: {  	[sflag:s10] =	ssyncset.done $0x0  }
0xc4: {  	s23 =	sor.u32 $0x1C580, s16;
	[sflag:s10] =	ssyncadd.s32 $0xFFFFE000  }
0xc5: {  	[tilespmem:s29], [sflag:$0x4] =	stream.indirect.gather [hbm4b:s1+s28], $0x80, s23, s28, $0xb8;
	[tilespmem:$0x1E000] =	vst v63  }
0xc6: {  	_ =	swait.ge [sflag:s3], $0x2000  }
0xc7: {  	[sflag:s3] =	ssyncset.done $0x0  }
0xc8: {  	s13 =	sor.u32 $0x1D400, s16;
	[sflag:s3] =	ssyncadd.s32 $0xFFFFE000  }
0xc9: {  	[spmem:s2] =	stream.indirect.scatter.add.f32 [tilespmem:s21], [sflag:$0x5], $0x80, s13, s28, $0xb8;
	[tilespmem:$0x1E000] =	vst v63  }
0xca: {  	_ =	swait.ge [sflag:s31], $0x2000  }
0xcb: {  	[sflag:s31] =	ssyncset.done $0x0  }
0xcc: {  	s17 =	sor.u32 $0x1D480, s16;
	[sflag:s31] =	ssyncadd.s32 $0xFFFFE000  }
0xcd: {  	[spmem:s2] =	stream.indirect.scatter.add.f32 [tilespmem:s30], [sflag:$0x6], $0x80, s17, s28, $0xb8;
	[tilespmem:$0x1E000] =	vst v63  }
0xce: {  	_ =	swait.ge [sflag:s24], $0x2000  }
0xcf: {  	[sflag:s24] =	ssyncset.done $0x0  }
0xd0: {  	s18 =	sor.u32 $0x1D500, s16;
	[sflag:s24] =	ssyncadd.s32 $0xFFFFE000  }
0xd1: {  	[spmem:s2] =	stream.indirect.scatter.add.f32 [tilespmem:s0], [sflag:$0x7], $0x80, s18, s28, $0xb8;
	[tilespmem:$0x1E000] =	vst v63  }
0xd2: {  	_ =	swait.ge [sflag:s6], $0x2000  }
0xd3: {  	[sflag:s6] =	ssyncset.done $0x0  }
0xd4: {  	s23 =	sor.u32 $0x1D580, s16;
	[sflag:s6] =	ssyncadd.s32 $0xFFFFE000  }
0xd5: {  	[spmem:s2] =	stream.indirect.scatter.add.f32 [tilespmem:s29], [sflag:$0x8], $0x80, s23, s28, $0xb8;
	[tilespmem:$0x1E000] =	vst v63  }
0xd6: {  	_ =	swait.ge [sflag:s7], $0x2000  }
0xd7: {  	[sflag:s7] =	ssyncset.done $0x0  }
0xd8: {  	s13 =	sor.u32 $0x1C600, s16;
	[sflag:s7] =	ssyncadd.s32 $0xFFFFE000  }
0xd9: {  	[tilespmem:s21], [sflag:$0x1] =	stream.indirect.gather [hbm4b:s1+s28], $0x80, s13, s28, $0xb8;
	[tilespmem:$0x1E000] =	vst v63  }
0xda: {  	_ =	swait.ge [sflag:s8], $0x2000  }
0xdb: {  	[sflag:s8] =	ssyncset.done $0x0  }
0xdc: {  	s17 =	sor.u32 $0x1C680, s16;
	[sflag:s8] =	ssyncadd.s32 $0xFFFFE000  }
0xdd: {  	[tilespmem:s30], [sflag:$0x2] =	stream.indirect.gather [hbm4b:s1+s28], $0x80, s17, s28, $0xb8;
	[tilespmem:$0x1E000] =	vst v63  }
0xde: {  	_ =	swait.ge [sflag:s9], $0x2000  }
0xdf: {  	[sflag:s9] =	ssyncset.done $0x0  }
0xe0: {  	s18 =	sor.u32 $0x1C700, s16;
	[sflag:s9] =	ssyncadd.s32 $0xFFFFE000  }
0xe1: {  	[tilespmem:s0], [sflag:$0x3] =	stream.indirect.gather [hbm4b:s1+s28], $0x80, s18, s28, $0xb8;
	[tilespmem:$0x1E000] =	vst v63  }
0xe2: {  	_ =	swait.ge [sflag:s10], $0x2000  }
0xe3: {  	[sflag:s10] =	ssyncset.done $0x0  }
0xe4: {  	s23 =	sor.u32 $0x1C780, s16;
	[sflag:s10] =	ssyncadd.s32 $0xFFFFE000  }
0xe5: {  	[tilespmem:s29], [sflag:$0x4] =	stream.indirect.gather [hbm4b:s1+s28], $0x80, s23, s28, $0xb8;
	[tilespmem:$0x1E000] =	vst v63  }
0xe6: {  	_ =	swait.ge [sflag:s3], $0x2000  }
0xe7: {  	[sflag:s3] =	ssyncset.done $0x0  }
0xe8: {  	s13 =	sor.u32 $0x1D600, s16;
	[sflag:s3] =	ssyncadd.s32 $0xFFFFE000  }
0xe9: {  	[spmem:s2] =	stream.indirect.scatter.add.f32 [tilespmem:s21], [sflag:$0x5], $0x80, s13, s28, $0xb8;
	[tilespmem:$0x1E000] =	vst v63  }
0xea: {  	_ =	swait.ge [sflag:s31], $0x2000  }
0xeb: {  	[sflag:s31] =	ssyncset.done $0x0  }
0xec: {  	s17 =	sor.u32 $0x1D680, s16;
	[sflag:s31] =	ssyncadd.s32 $0xFFFFE000  }
0xed: {  	[spmem:s2] =	stream.indirect.scatter.add.f32 [tilespmem:s30], [sflag:$0x6], $0x80, s17, s28, $0xb8;
	[tilespmem:$0x1E000] =	vst v63  }
0xee: {  	_ =	swait.ge [sflag:s24], $0x2000  }
0xef: {  	[sflag:s24] =	ssyncset.done $0x0  }
0xf0: {  	s18 =	sor.u32 $0x1D700, s16;
	[sflag:s24] =	ssyncadd.s32 $0xFFFFE000  }
0xf1: {  	[spmem:s2] =	stream.indirect.scatter.add.f32 [tilespmem:s0], [sflag:$0x7], $0x80, s18, s28, $0xb8;
	[tilespmem:$0x1E000] =	vst v63  }
.Ltmp3:
0xf2: {  	_ = 	snop;
	(pc) =	sbr.rel @p0 .LBB2_6-.Ltmp3, $4  }
0xf3: {  	_ =	swait.ge [sflag:s6], $0x2000  }
0xf4: {  	[sflag:s6] =	ssyncset.done $0x0  }
0xf5: {  	s23 =	sor.u32 $0x1D780, s16;
	[sflag:s6] =	ssyncadd.s32 $0xFFFFE000  }
0xf6: {  	[spmem:s2] =	stream.indirect.scatter.add.f32 [tilespmem:s29], [sflag:$0x8], $0x80, s23, s28, $0xb8;
	[tilespmem:$0x1E000] =	vst v63  }
0xf7: {  	s15 =	simm.s32 @p0 $0x0  }
0xf8: {  	s12 =	sshrl.u32 s15, $0x2  }
0xf9: {  	s13 =	sadd.s32 $0x9, s12  }
0xfa: {  	_ =	swait.ge [sflag:s13], $0x800  }
0xfb: {  	[sflag:s13] =	ssyncset.done $0x0  }
0xfc: {  	s12 =	sadd.s32 $0xA, s12;
	[sflag:s13] =	ssyncadd.s32 $0xFFFFF800  }
0xfd: {  	_ =	swait.ge [sflag:s12], $0x800  }
0xfe: {  	[sflag:s12] =	ssyncset.done $0x0  }
0xff: {  	[sflag:s12] =	ssyncadd.s32 $0xFFFFF800  }
0x100: {  	_ =	swait.ge [sflag:s7], $0x2000  }
0x101: {  	s16 =	sshll.u32 s14, $0xB;
	[sflag:s7] =	ssyncset.done $0x0  }
0x102: {  	s17 =	sor.u32 $0x1C000, s16;
	[sflag:s7] =	ssyncadd.s32 $0xFFFFE000  }
0x103: {  	[tilespmem:s21], [sflag:$0x1] =	stream.indirect.gather [hbm4b:s1+s28], $0x80, s17, s28, $0xb8;
	[tilespmem:$0x1E000] =	vst v63  }
0x104: {  	_ =	swait.ge [sflag:s8], $0x2000  }
0x105: {  	[sflag:s8] =	ssyncset.done $0x0  }
0x106: {  	s18 =	sor.u32 $0x1C080, s16;
	[sflag:s8] =	ssyncadd.s32 $0xFFFFE000  }
0x107: {  	[tilespmem:s30], [sflag:$0x2] =	stream.indirect.gather [hbm4b:s1+s28], $0x80, s18, s28, $0xb8;
	[tilespmem:$0x1E000] =	vst v63  }
0x108: {  	_ =	swait.ge [sflag:s9], $0x2000  }
0x109: {  	[sflag:s9] =	ssyncset.done $0x0  }
0x10a: {  	s23 =	sor.u32 $0x1C100, s16;
	[sflag:s9] =	ssyncadd.s32 $0xFFFFE000  }
0x10b: {  	[tilespmem:s0], [sflag:$0x3] =	stream.indirect.gather [hbm4b:s1+s28], $0x80, s23, s28, $0xb8;
	[tilespmem:$0x1E000] =	vst v63  }
.Ltmp4:
0x10c: {  	_ = 	snop;
	(pc) =	sbr.rel .LBB2_4-.Ltmp4, $4  }
0x10d: {  	_ =	swait.ge [sflag:s10], $0x2000  }
0x10e: {  	s11 =	sadd.s32 $0x1, s11;
	s19 =	sadd.s32 $0x100, s19;
	[sflag:s10] =	ssyncset.done $0x0  }
0x10f: {  	s20 =	sadd.s32 $0x100, s20;
	s12 =	sor.u32 $0x1C180, s16;
	[sflag:s10] =	ssyncadd.s32 $0xFFFFE000  }
0x110: {  	[tilespmem:s29], [sflag:$0x4] =	stream.indirect.gather [hbm4b:s1+s28], $0x80, s12, s28, $0xb8;
	[tilespmem:$0x1E000] =	vst v63  }
.LBB2_7:
0x111: {  	_ =	sfence.sel $0x180000  }
0x112: {  	[bflag:$0x0] =	sbarrier.arrive $0xFFFF  }
0x113: {  	_ =	strace $0x9000004A  }
0x114: {  	s0 =	stileid.u32;
	[bflag:$0x2] =	sbarrier.arrive $0xFFFF  }
0x115: {  	p0 =	sne.s32 s0, $0x0;
	s0 =	rddreg [dreg:$0x3]  }
0x116: {  	s0 =	sadd.s32 @!p0 $0x100000, s0  }
0x117: {  	[sflag:s0] =	ssyncadd.tile.s32 @!p0 $0x1;
	_ =	shalt  }
.Lfunc_end2:
_tile_overlayer_lowered:
.L_overlay_start_2:
0x118: {  	(tag) =	ssettag $0x2  }
0x119: {  	s0 =	rddreg [dreg:$0x0];
	s2 =	stileid.u32  }
0x11a: {  	s1 =	rddreg [dreg:$0x1];
	p0 =	sne.s32 s2, $0x0  }
0x11b: {  	s3 =	rddreg [dreg:$0x2];
	[bflag:$0x3] =	sbarrier.arrive $0xFFFF;
	s2 =	simm.s32 @!p0 $0x1C0D  }
0x11c: {  	[timem:s3], [sflag:s2] =	dma.local @!p0 [hbm:s0], s1  }
0x11d: {  	s0 =	simm.s32 @!p0 $0xD  }
0x11e: {  	_ =	swait.ge @!p0 [sflag:s0], s1  }
0x11f: {  	s1 =	ssub.s32 @!p0 $0x0, s1;
	[sflag:s0] =	ssyncset.done @!p0 $0x0  }
0x120: {  	[sflag:s0] =	ssyncadd.s32 @!p0 s1  }
0x121: {  	[bflag:$0x3] =	sbarrier.arrive $0xFFFF  }
0x122: {  	_ =	shalt  }

// kernel: kernel.16.cloned.1.call-start
scs
__scs_entry_jumppad:
0x0: {  	(pc) =	sbr.rel $0x88, $3  }
0x1: {  	(tag) =	ssettag $0x0;
	lr =	simm.s32 $0x1  }
0x2: {  	[smem:$0x3F95] =	sst lr;
	_ =	strace $0xD0000000  }
0x3: {  	_ = 	snop  }
0x4: {  	_ = 	snop  }
0x5: {  	_ = 	snop  }
0x6: {  	_ = 	snop  }
0x7: {  	_ = 	snop  }
__scs_overlays_trampoline_lowered:
0x8: {  	[smem:$0x3FA4] =	sst s0  }
0x9: {  	[smem:$0x3FA5] =	sst s1  }
0xa: {  	[smem:$0x3FA6] =	sst s2  }
0xb: {  	[smem:$0x3FA7] =	sst s3  }
0xc: {  	[smem:$0x3FA8] =	sst s4  }
0xd: {  	[smem:$0x3FA9] =	sst s5  }
0xe: {  	[smem:$0x3FAA] =	sst s6  }
0xf: {  	[smem:$0x3FAB] =	sst s7  }
0x10: {  	[smem:$0x3FAC] =	sst s8  }
0x11: {  	[smem:$0x3FAD] =	sst s9;
	s0 =	simm.s32 @!p0 $0x0  }
0x12: {  	s1 =	sld [smem:$0x3F93];
	s0 =	simm.s32 @p0 $0x1  }
0x13: {  	[smem:$0x3FAE] =	sst s0;
	s0 =	simm.s32 @!p1 $0x0  }
0x14: {  	s2 =	sld [smem:$0x3F92];
	s0 =	simm.s32 @p1 $0x1  }
0x15: {  	[smem:$0x3FAF] =	sst s0;
	s0 =	simm.s32 @!p2 $0x0  }
0x16: {  	s3 =	sld [smem:$0x3FDB];
	s0 =	simm.s32 @p2 $0x1  }
0x17: {  	s4 =	simm.s32 $0x1BF5;
	[smem:$0x3FB1] =	sst s0  }
0x18: {  	s0 =	sld [smem:$0x3F94];
	_ =	swait.ge [sflag:s4], $0x0  }
0x19: {  	s7 =	sld [smem:$0x3F95]  }
0x1a: {  	s8 =	sadd.s32 $0xFFFFE003, lr  }
0x1b: {  	s9 =	sadd.s32 $0xFFFFFEF7, lr;
	s5 =	simm.s32 $0xFFFFFFFF;
	p2 =	slt.u32 s8, $0xFFFFF086  }
0x1c: {  	p1 =	slt.u32 s9, $0xF7A;
	s5 =	simm.s32 @!p2 $0x0  }
0x1d: {  	s5 =	simm.s32 @p1 $0x1;
	p0 =	seq.s32 s7, s2  }
0x1e: {  	s7 =	smul.u32 @!p0 $0xF7A, s2;
	p2 =	seq.s32 @!p0 s5, $0x0  }
0x1f: {  	s9 =	smul.u32 $0xF7A, s1;
	s8 =	simm.s32 @!p0 $0x1BF5;
	p2 =	por !p2, p0  }
0x20: {  	[sflag:s8] =	ssyncset.s32 @!p0 $0xFFFFF086;
	s6 =	sadd.s32 @!p0 s3, s7;
	s7 =	simm.s32 @!p0 $0x108  }
0x21: {  	s3 =	sadd.s32 s3, s9;
	s6 =	sadd.s32 @!p0 $0x88, s6;
	s7 =	simm.s32 @p2 $0x1082  }
0x22: {  	[simem:s7], [sflag:s8] =	dma.local @!p0 [hbm:s6], $0xF7A  }
0x23: {  	s9 =	sor.u32 $0xD0000000, s2;
	s6 =	simm.s32 $0x108;
	_ =	swait.ge @!p0 [sflag:s8], $0x0  }
0x24: {  	s3 =	sadd.s32 $0x88, s3;
	s6 =	simm.s32 @!p1 $0x1082;
	[sflag:s4] =	ssyncset.s32 $0xFFFFF086  }
0x25: {  	[simem:s6], [sflag:s4] =	dma.local [hbm:s3], $0xF7A  }
0x26: {  	[smem:$0x3F95] =	sst s1;
	(tag) =	ssettag s2;
	_ =	strace s9  }
0x27: {  	s1 =	sld [smem:$0x3FA5]  }
0x28: {  	s2 =	sld [smem:$0x3FA6]  }
0x29: {  	s4 =	sld [smem:$0x3FA8]  }
0x2a: {  	p0 =	seq.s32 s5, $0x0;
	s5 =	sld [smem:$0x3FA9]  }
0x2b: {  	s6 =	sld [smem:$0x3FAA]  }
0x2c: {  	s7 =	sld [smem:$0x3FAB]  }
0x2d: {  	s3 =	simm.s32 $0x108;
	s8 =	sld [smem:$0x3FAC]  }
0x2e: {  	s3 =	simm.s32 @!p0 $0x1082;
	s9 =	sld [smem:$0x3FAD]  }
0x2f: {  	lr =	sadd.s32 s0, s3;
	s0 =	sld [smem:$0x3FA4]  }
0x30: {  	s3 =	sld [smem:$0x3FA7]  }
0x31: {  	[smem:$0x3FB0] =	sst s10  }
0x32: {  	s10 =	sld [smem:$0x3FAE];
	_ =	sdelay $0x3  }
0x33: {  	p0 =	seq.s32 s10, $0x1;
	s10 =	sld [smem:$0x3FB0];
	_ =	sdelay $0x3  }
0x34: {  	[smem:$0x3FB0] =	sst s10  }
0x35: {  	s10 =	sld [smem:$0x3FAF];
	_ =	sdelay $0x3  }
0x36: {  	p1 =	seq.s32 s10, $0x1;
	s10 =	sld [smem:$0x3FB0];
	_ =	sdelay $0x3  }
0x37: {  	[smem:$0x3FB0] =	sst s10  }
0x38: {  	s10 =	sld [smem:$0x3FB1]  }
0x39: {  	_ = 	snop;
	(pc) =	sbr.ind lr, $3  }
0x3a: {  	_ = 	snop  }
0x3b: {  	_ = 	snop  }
0x3c: {  	p2 =	seq.s32 s10, $0x1;
	s10 =	sld [smem:$0x3FB0]  }
0x3d: {  	_ =	shalt  }
0x3e: {  	_ =	shalt  }
0x3f: {  	_ =	shalt  }
0x40: {  	_ =	shalt  }
0x41: {  	_ =	shalt  }
0x42: {  	_ =	shalt  }
0x43: {  	_ =	shalt  }
0x44: {  	_ =	shalt  }
0x45: {  	_ =	shalt  }
0x46: {  	_ =	shalt  }
0x47: {  	_ =	shalt  }
0x48: {  	_ =	shalt  }
0x49: {  	_ =	shalt  }
0x4a: {  	_ =	shalt  }
0x4b: {  	_ =	shalt  }
0x4c: {  	_ =	shalt  }
0x4d: {  	_ =	shalt  }
0x4e: {  	_ =	shalt  }
0x4f: {  	_ =	shalt  }
0x50: {  	_ =	shalt  }
0x51: {  	_ =	shalt  }
0x52: {  	_ =	shalt  }
0x53: {  	_ =	shalt  }
0x54: {  	_ =	shalt  }
0x55: {  	_ =	shalt  }
0x56: {  	_ =	shalt  }
0x57: {  	_ =	shalt  }
0x58: {  	_ =	shalt  }
0x59: {  	_ =	shalt  }
0x5a: {  	_ =	shalt  }
0x5b: {  	_ =	shalt  }
0x5c: {  	_ =	shalt  }
0x5d: {  	_ =	shalt  }
0x5e: {  	_ =	shalt  }
0x5f: {  	_ =	shalt  }
0x60: {  	_ =	shalt  }
0x61: {  	_ =	shalt  }
0x62: {  	_ =	shalt  }
0x63: {  	_ =	shalt  }
0x64: {  	_ =	shalt  }
0x65: {  	_ =	shalt  }
0x66: {  	_ =	shalt  }
0x67: {  	_ =	shalt  }
0x68: {  	_ =	shalt  }
0x69: {  	_ =	shalt  }
0x6a: {  	_ =	shalt  }
0x6b: {  	_ =	shalt  }
0x6c: {  	_ =	shalt  }
0x6d: {  	_ =	shalt  }
0x6e: {  	_ =	shalt  }
0x6f: {  	_ =	shalt  }
0x70: {  	_ =	shalt  }
0x71: {  	_ =	shalt  }
0x72: {  	_ =	shalt  }
0x73: {  	_ =	shalt  }
0x74: {  	_ =	shalt  }
0x75: {  	_ =	shalt  }
0x76: {  	_ =	shalt  }
0x77: {  	_ =	shalt  }
0x78: {  	_ =	shalt  }
0x79: {  	_ =	shalt  }
0x7a: {  	_ =	shalt  }
0x7b: {  	_ =	shalt  }
0x7c: {  	_ =	shalt  }
0x7d: {  	_ =	shalt  }
0x7e: {  	_ =	shalt  }
0x7f: {  	_ =	shalt  }
0x80: {  	_ =	shalt  }
0x81: {  	_ =	shalt  }
0x82: {  	_ =	shalt  }
0x83: {  	_ =	shalt  }
0x84: {  	_ =	shalt  }
0x85: {  	_ =	shalt  }
0x86: {  	_ =	shalt  }
0x87: {  	_ =	shalt  }
.Lfunc_end0:
.L_simem_size_0:
called_computation.2_lowered:
.L_overlay_start_0:
0x88: {  	s2 =	sld [smem:$0x3FD9]  }
0x89: {  	s3 =	sld [smem:$0x3FFE];
	_ =	sdelay $0x1  }
0x8a: {  	s1 =	srdreg.scid  }
0x8b: {  	s0 =	sand.u32 $0x1, s1  }
0x8c: {  	s17 =	sshll.u32 s0, $0xA;
	s2 =	sadd.s32 s3, s2  }
0x8d: {  	s2 =	sadd.s32 s2, s17  }
0x8e: {  	[smem:$0x3FBC] =	sst s2  }
0x8f: {  	_ = 	snop  }
0x90: {  	s2 =	sld [smem:$0x3FD0];
	(tm) =	ssettm $0x1  }
0x91: {  	s18 =	sld [smem:$0x3FFB];
	_ =	sdelay $0x3  }
0x92: {  	_ =	strace s18  }
0x93: {  	s3 =	sld [smem:$0x3FFC];
	_ =	sdelay $0x3  }
0x94: {  	_ =	strace s3  }
0x95: {  	s3 =	sld [smem:$0x3FFD];
	_ =	sdelay $0x3  }
0x96: {  	_ =	strace s3  }
0x97: {  	_ =	strace $0x8FFFFFFF  }
0x98: {  	s19 =	sld [smem:$0x3FDB];
	_ =	sdelay $0x1  }
0x99: {  	s4 =	simm.s32 $_scs_section_size  }
0x9a: {  	s5 =	simm.s32 $_size__tile_overlayer_lowered;
	s6 =	simm.s32 $_tile_overlayer_lowered  }
0x9b: {  	s22 =	simm.s32 $0x1BFF;
	s21 =	sshll.u32 s6, $0x1;
	s3 =	sadd.s32 s4, s19  }
0x9c: {  	s7 =	simm.s32 $0x0;
	s20 =	sshll.u32 s5, $0x1;
	s5 =	sadd.s32 s21, s3  }
0x9d: {  	[timem:s7], [sflag:s22] =	dma.local [hbm:s5], s20  }
0x9e: {  	_ =	swait.ge [sflag:s22], s20  }
0x9f: {  	s4 =	ssub.s32 $0x0, s20;
	[sflag:s22] =	ssyncset.done $0x0  }
0xa0: {  	[sflag:s22] =	ssyncadd.s32 s4;
	_ =	sdelay $0x1  }
0xa1: {  	s23 =	simm.s32 $0x1B8B  }
0xa2: {  	_ =	swait.ge [sflag:s23], $0x1  }
0xa3: {  	[sflag:s23] =	ssyncset.done $0x0  }
0xa4: {  	s25 =	simm.s32 $0x1B8E;
	s24 =	sld [smem:$0x3FFE];
	[sflag:s23] =	ssyncadd.s32 $0xFFFFFFFF  }
0xa5: {  	s26 =	simm.s32 $execute0_lowered;
	[smem:$0x3FD2] =	sst s25  }
0xa6: {  	s5 =	sshll.u32 s26, $0x1;
	_ =	strace $0x8000004C;
	[dreg:$0x1] =	wrdreg $0xFFFFFFFF  }
0xa7: {  	s28 =	simm.s32 $_size_execute0_lowered;
	s3 =	sadd.s32 s3, s5;
	[dreg:$0x0] =	wrdreg $0x0  }
0xa8: {  	s5 =	sshll.u32 s28, $0x1;
	[dreg:$0x2] =	wrdreg s3  }
0xa9: {  	[dreg:$0x3] =	wrdreg s5  }
0xaa: {  	[dreg:$0x4] =	wrdreg $0xC0  }
0xab: {  	_ =	task [dreg:s7], $0x5FFFF  }
0xac: {  	[dreg:$0x1] =	wrdreg $0xFFFFFFFF  }
0xad: {  	[dreg:$0x0] =	wrdreg $0x60  }
0xae: {  	[dreg:$0x2] =	wrdreg s2  }
0xaf: {  	[dreg:$0x3] =	wrdreg s24  }
0xb0: {  	[dreg:$0x4] =	wrdreg $0x0  }
0xb1: {  	[dreg:$0x5] =	wrdreg $0x9  }
0xb2: {  	_ =	task.clear_ibuf [dreg:s7], $0x6FFFF;
	_ =	strace $0x9000004C  }
0xb3: {  	s29 =	simm.s32 $0x9;
	_ =	strace $0x8000004E  }
0xb4: {  	_ =	swait.ge [sflag:s29], $0x1  }
0xb5: {  	[sflag:s29] =	ssyncadd.s32 $0xFFFFFFFF  }
0xb6: {  	_ =	strace $0x9000004E  }
0xb7: {  	_ =	sfence  }
0xb8: {  	s30 =	sld [smem:$0x0];
	_ =	sdelay $0x2  }
0xb9: {  	s31 =	sshll.u32 s1, $0xD;
	s1 =	sshrl.u32 s1, $0x2  }
0xba: {  	s3 =	sand.u32 $0x4000, s31;
	s1 =	sadd.s32 s1, s30  }
0xbb: {  	s0 =	sor.u32 s3, s0;
	s1 =	sshll.u32 s1, $0x11  }
0xbc: {  	s0 =	sor.u32 s1, s0  }
0xbd: {  	s0 =	sadd.s32 $0x8F2B, s0  }
0xbe: {  	[sflag:s0] =	ssyncadd.remote.s32 $0x1  }
0xbf: {  	_ =	sfence.sel $0xFFFF  }
0xc0: {  	[dreg:$0x0] =	wrdreg $0xFFFFFFFF;
	(pc) =	sbr.abs _section_cstart, $3  }
0xc1: {  	[dreg:$0x1] =	wrdreg $0xFFFFFFFF  }
0xc2: {  	_ =	task.clear_ibuf [dreg:s7], $0x2FFFF;
	_ =	strace $0x9FFFFFFF  }
0xc3: {  	(tm) =	ssettm $0x7FFFFFFF  }
tec
execute0_lowered:
.L_overlay_start_1:
0x0: {  	(tag) =	ssettag $0x1  }
0x1: {  	s1 =	rddreg [dreg:$0x0]  }
0x2: {  	s0 =	rddreg [dreg:$0x1]  }
0x3: {  	s2 =	rddreg [dreg:$0x2]  }
0x4: {  	s3 =	srdreg.scid;
	s4 =	simm.s32 $0x0;
	s11 =	stileid.u32  }
0x5: {  	s3 =	sand.u32 $0x1, s3;
	[smem:$0x7FF] =	sst s4;
	s6 =	smul.u32 $0x14000, s11  }
0x6: {  	s7 =	sadd.s32 $0x17800, s0;
	s5 =	smul.u32 $0x140000, s3;
	s8 =	sshll.u32 s3, $0x4  }
0x7: {  	s26 =	smul.u32 $0x50000, s11;
	s9 =	ssub.s32 $0x2, s3;
	s25 =	sor.u32 s11, s8  }
0x8: {  	s12 =	sshrl.u32 s9, $0x1;
	s5 =	sadd.s32 s6, s5;
	s6 =	smul.u32 $0x5000, s25  }
0x9: {  	s10 =	sadd.s32 $0x3800, s0;
	_ =	strace $0x8000004D;
	s9 =	ssub.s32 s9, s12  }
0xa: {  	s13 =	sshrl.u32 s26, $0x2;
	s16 =	smax.u32 s9, $0x1;
	s6 =	sshrl.u32 s6, $0x3  }
0xb: {  	s5 =	sshrl.u32 s5, $0x3;
	[dreg:$0x7] =	wrdreg s16;
	s14 =	sadd.s32 s7, s6  }
0xc: {  	s0 =	sadd.s32 s5, s0;
	s6 =	sadd.s32 s10, s6;
	[dreg:$0x4] =	wrdreg s14  }
0xd: {  	s5 =	sadd.s32 s13, s2;
	s0 =	sadd.s32 $0x52A00, s0;
	[dreg:$0x5] =	wrdreg s6  }
0xe: {  	s28 =	simm.s32 $0x40;
	s17 =	sadd.s32 $0x2000, s5;
	[dreg:$0x6] =	wrdreg s0  }
0xf: {  	s30 =	simm.s32 $0x16000;
	s18 =	sadd.s32 $0x4000, s5;
	[dreg:$0x8] =	wrdreg s17  }
0x10: {  	s29 =	simm.s32 $0x1A000;
	s19 =	sadd.s32 $0x6000, s5;
	[dreg:$0x9] =	wrdreg s18  }
0x11: {  	s31 =	simm.s32 $0x2;
	s20 =	sadd.s32 $0x8000, s5;
	[dreg:$0xa] =	wrdreg s19  }
0x12: {  	s15 =	smul.u32 $0x5000, s11;
	s21 =	sadd.s32 $0xA000, s5;
	[dreg:$0xb] =	wrdreg s20  }
0x13: {  	s3 =	smul.u32 $0x50000, s3;
	s22 =	sadd.s32 $0xC000, s5;
	[dreg:$0xc] =	wrdreg s21  }
0x14: {  	s8 =	simm.s32 $0x6;
	s23 =	sadd.s32 $0xE000, s5;
	[dreg:$0xd] =	wrdreg s22  }
0x15: {  	s9 =	simm.s32 $0x7;
	s24 =	sadd.s32 $0x10000, s5;
	[dreg:$0xe] =	wrdreg s23  }
0x16: {  	s25 =	sadd.s32 $0x12000, s5;
	s0 =	sadd.s32 s15, s3;
	[dreg:$0xf] =	wrdreg s24  }
0x17: {  	[dreg:$0x10] =	wrdreg s25;
	s21 =	simm.s32 $0x14000;
	s22 =	simm.s32 $0xD  }
.Ltmp0:
0x18: {  	s25 =	simm.s32 $0x9;
	s0 =	sor.u32 $0x800, s0;
	(pc) =	sbr.rel .LBB2_1-.Ltmp0, $4  }
0x19: {  	s3 =	simm.s32 $0x1;
	s24 =	simm.s32 $0x3;
	s0 =	sshrl.u32 s0, $0x3  }
0x1a: {  	s6 =	simm.s32 $0x4;
	s26 =	sadd.s32 s0, s10;
	s0 =	sadd.s32 s0, s7  }
0x1b: {  	s7 =	simm.s32 $0x5;
	s10 =	simm.s32 $0x8;
	[dreg:$0x11] =	wrdreg s26  }
0x1c: {  	v0 =	vimm.f32 $0.0e+00;
	[dreg:$0x12] =	wrdreg s0;
	s26 =	simm.s32 $0xA;
	s0 =	simm.s32 $0x18000  }
.LBB2_6:
0x1d: {  	_ =	swait.ge [sflag:s7], $0x2000  }
0x1e: {  	[sflag:s7] =	ssyncset.done $0x0  }
0x1f: {  	[sflag:s7] =	ssyncadd.s32 $0xFFFFE000  }
0x20: {  	_ =	swait.ge [sflag:s8], $0x2000  }
0x21: {  	[sflag:s8] =	ssyncset.done $0x0  }
0x22: {  	[sflag:s8] =	ssyncadd.s32 $0xFFFFE000  }
0x23: {  	_ =	swait.ge [sflag:s9], $0x2000  }
0x24: {  	[sflag:s9] =	ssyncset.done $0x0  }
0x25: {  	[sflag:s9] =	ssyncadd.s32 $0xFFFFE000  }
0x26: {  	_ =	swait.ge [sflag:s10], $0x2000  }
0x27: {  	[sflag:s10] =	ssyncset.done $0x0  }
0x28: {  	s11 =	stileid.u32;
	[sflag:s10] =	ssyncadd.s32 $0xFFFFE000  }
0x29: {  	s11 =	sshll.u32 s11, $0x6;
	[bflag:$0x0] =	sbarrier.arrive $0xFFFF  }
0x2a: {  	s12 =	sshrl.u32 s5, $0x3;
	s11 =	sor.u32 $0x1C0D, s11;
	s13 =	rddreg [dreg:$0x6]  }
0x2b: {  	[hbm:s13], [sflag:s11] =	dma.local [spmem:s12], $0x2800  }
0x2c: {  	_ =	swait.ge [sflag:s22], $0x2800  }
0x2d: {  	s4 =	sadd.s32 $0x1, s4;
	s23 =	rddreg [dreg:$0x7]  }
0x2e: {  	p0 =	sne.s32 s4, s23  }
.Ltmp1:
0x2f: {  	_ = 	snop;
	(pc) =	sbr.rel @!p0 .LBB2_7-.Ltmp1, $3  }
0x30: {  	_ =	sdelay $0x1  }
0x31: {  	[sflag:s22] =	ssyncset.done $0x0  }
0x32: {  	[sflag:s22] =	ssyncadd.s32 $0xFFFFD800  }
.LBB2_1:
0x33: {  	s11 =	simm.s32 $0x0;
	s14 =	simm.s32 $0x200  }
.LBB2_2:
0x34: {  	p0 =	sne.s32 s14, $0x7E00;
	[tilespmem:s11+$0x14070] =	vst v0  }
0x35: {  	[tilespmem:s11+$0x14000] =	vst v0  }
0x36: {  	[tilespmem:s11+$0x14010] =	vst v0  }
.Ltmp2:
0x37: {  	[tilespmem:s11+$0x14020] =	vst v0;
	(pc) =	sbr.rel @p0 .LBB2_2-.Ltmp2, $4  }
0x38: {  	[tilespmem:s11+$0x14030] =	vst v0  }
0x39: {  	[tilespmem:s11+$0x14040] =	vst v0  }
0x3a: {  	[tilespmem:s11+$0x14050] =	vst v0  }
0x3b: {  	[tilespmem:s11+$0x14060] =	vst v0;
	s11 =	sshra.s32 s14, $0x2;
	s14 =	sadd.s32 $0x200, s14  }
0x3c: {  	[tilespmem:s11+$0x14070] =	vst v0  }
0x3d: {  	[tilespmem:s11+$0x14000] =	vst v0  }
0x3e: {  	[tilespmem:s11+$0x14010] =	vst v0  }
0x3f: {  	[tilespmem:s11+$0x14020] =	vst v0  }
0x40: {  	[tilespmem:s11+$0x14030] =	vst v0  }
0x41: {  	[tilespmem:s11+$0x14040] =	vst v0  }
0x42: {  	[tilespmem:s11+$0x14050] =	vst v0  }
0x43: {  	[tilespmem:s11+$0x14060] =	vst v0  }
0x44: {  	[spmem:s5] =	stream.linear.scatter [tilespmem:s21], [sflag:$0xD], $0x2000, $0x38;
	[tilespmem:$0x1E000] =	vst v63  }
0x45: {  	_ =	swait.ge [sflag:s22], $0x2000  }
0x46: {  	[sflag:s22] =	ssyncset.done $0x0  }
0x47: {  	s19 =	rddreg [dreg:$0x8];
	[sflag:s22] =	ssyncadd.s32 $0xFFFFE000  }
0x48: {  	[spmem:s19] =	stream.linear.scatter [tilespmem:s21], [sflag:$0xD], $0x2000, $0x38;
	[tilespmem:$0x1E000] =	vst v63  }
0x49: {  	_ =	swait.ge [sflag:s22], $0x2000  }
0x4a: {  	[sflag:s22] =	ssyncset.done $0x0  }
0x4b: {  	s20 =	rddreg [dreg:$0x9];
	[sflag:s22] =	ssyncadd.s32 $0xFFFFE000  }
0x4c: {  	[spmem:s20] =	stream.linear.scatter [tilespmem:s21], [sflag:$0xD], $0x2000, $0x38;
	[tilespmem:$0x1E000] =	vst v63  }
0x4d: {  	_ =	swait.ge [sflag:s22], $0x2000  }
0x4e: {  	[sflag:s22] =	ssyncset.done $0x0  }
0x4f: {  	s23 =	rddreg [dreg:$0xa];
	[sflag:s22] =	ssyncadd.s32 $0xFFFFE000  }
0x50: {  	[spmem:s23] =	stream.linear.scatter [tilespmem:s21], [sflag:$0xD], $0x2000, $0x38;
	[tilespmem:$0x1E000] =	vst v63  }
0x51: {  	_ =	swait.ge [sflag:s22], $0x2000  }
0x52: {  	[sflag:s22] =	ssyncset.done $0x0  }
0x53: {  	s12 =	rddreg [dreg:$0xb];
	[sflag:s22] =	ssyncadd.s32 $0xFFFFE000  }
0x54: {  	[spmem:s12] =	stream.linear.scatter [tilespmem:s21], [sflag:$0xD], $0x2000, $0x38;
	[tilespmem:$0x1E000] =	vst v63  }
0x55: {  	_ =	swait.ge [sflag:s22], $0x2000  }
0x56: {  	[sflag:s22] =	ssyncset.done $0x0  }
0x57: {  	s13 =	rddreg [dreg:$0xc];
	[sflag:s22] =	ssyncadd.s32 $0xFFFFE000  }
0x58: {  	[spmem:s13] =	stream.linear.scatter [tilespmem:s21], [sflag:$0xD], $0x2000, $0x38;
	[tilespmem:$0x1E000] =	vst v63  }
0x59: {  	_ =	swait.ge [sflag:s22], $0x2000  }
0x5a: {  	[sflag:s22] =	ssyncset.done $0x0  }
0x5b: {  	s14 =	rddreg [dreg:$0xd];
	[sflag:s22] =	ssyncadd.s32 $0xFFFFE000  }
0x5c: {  	[spmem:s14] =	stream.linear.scatter [tilespmem:s21], [sflag:$0xD], $0x2000, $0x38;
	[tilespmem:$0x1E000] =	vst v63  }
0x5d: {  	_ =	swait.ge [sflag:s22], $0x2000  }
0x5e: {  	[sflag:s22] =	ssyncset.done $0x0  }
0x5f: {  	s15 =	rddreg [dreg:$0xe];
	[sflag:s22] =	ssyncadd.s32 $0xFFFFE000  }
0x60: {  	[spmem:s15] =	stream.linear.scatter [tilespmem:s21], [sflag:$0xD], $0x2000, $0x38;
	[tilespmem:$0x1E000] =	vst v63  }
0x61: {  	_ =	swait.ge [sflag:s22], $0x2000  }
0x62: {  	[sflag:s22] =	ssyncset.done $0x0  }
0x63: {  	s16 =	rddreg [dreg:$0xf];
	[sflag:s22] =	ssyncadd.s32 $0xFFFFE000  }
0x64: {  	[spmem:s16] =	stream.linear.scatter [tilespmem:s21], [sflag:$0xD], $0x2000, $0x38;
	[tilespmem:$0x1E000] =	vst v63  }
0x65: {  	_ =	swait.ge [sflag:s22], $0x2000  }
0x66: {  	[sflag:s22] =	ssyncset.done $0x0  }
0x67: {  	s17 =	rddreg [dreg:$0x10];
	[sflag:s22] =	ssyncadd.s32 $0xFFFFE000  }
0x68: {  	[spmem:s17] =	stream.linear.scatter [tilespmem:s21], [sflag:$0xD], $0x2000, $0x38;
	[tilespmem:$0x1E000] =	vst v63  }
0x69: {  	_ =	swait.ge [sflag:s22], $0x2000  }
0x6a: {  	[sflag:s22] =	ssyncset.done $0x0  }
0x6b: {  	[sflag:s22] =	ssyncadd.s32 $0xFFFFE000  }
0x6c: {  	[bflag:$0x0] =	sbarrier.arrive $0xFFFF  }
0x6d: {  	s11 =	simm.s32 $0x0;
	s13 =	simm.s32 $0x1C000;
	s12 =	rddreg [dreg:$0x4]  }
0x6e: {  	[tilespmem:s13], [sflag:$0x9] =	stream.linear.gather [hbm4b:s12+s11], $0x800, $0x38;
	[tilespmem:$0x1E000] =	vst v63  }
0x6f: {  	s14 =	simm.s32 $0x1D000;
	s18 =	rddreg [dreg:$0x5]  }
0x70: {  	[tilespmem:s14], [sflag:$0xA] =	stream.linear.gather [hbm4b:s18+s11], $0x800, $0x38;
	[tilespmem:$0x1E000] =	vst v63  }
0x71: {  	_ =	swait.ge [sflag:s25], $0x800  }
0x72: {  	[sflag:s25] =	ssyncset.done $0x0  }
0x73: {  	[sflag:s25] =	ssyncadd.s32 $0xFFFFF800  }
0x74: {  	_ =	swait.ge [sflag:s26], $0x800  }
0x75: {  	[sflag:s26] =	ssyncset.done $0x0  }
0x76: {  	[sflag:s26] =	ssyncadd.s32 $0xFFFFF800  }
0x77: {  	[tilespmem:s21], [sflag:$0x1] =	stream.indirect.gather [hbm4b:s1+s28], $0x80, s13, s28, $0xb8;
	[tilespmem:$0x1E000] =	vst v63  }
0x78: {  	s19 =	simm.s32 $0x1C080  }
0x79: {  	[tilespmem:s30], [sflag:$0x2] =	stream.indirect.gather [hbm4b:s1+s28], $0x80, s19, s28, $0xb8;
	[tilespmem:$0x1E000] =	vst v63  }
0x7a: {  	s20 =	simm.s32 $0x1C100;
	s19 =	rddreg [dreg:$0x11]  }
0x7b: {  	[tilespmem:s0], [sflag:$0x3] =	stream.indirect.gather [hbm4b:s1+s28], $0x80, s20, s28, $0xb8;
	[tilespmem:$0x1E000] =	vst v63  }
0x7c: {  	s23 =	simm.s32 $0x1C180;
	s20 =	rddreg [dreg:$0x12]  }
0x7d: {  	[tilespmem:s29], [sflag:$0x4] =	stream.indirect.gather [hbm4b:s1+s28], $0x80, s23, s28, $0xb8;
	[tilespmem:$0x1E000] =	vst v63  }
.LBB2_4:
0x7e: {  	s16 =	sand.u32 $0x1, s11  }
0x7f: {  	p0 =	seq.s32 s11, $0x9;
	s14 =	sxor.u32 $0x1, s16  }
0x80: {  	s15 =	sshll.u32 @!p0 s14, $0x3  }
0x81: {  	s17 =	sshll.u32 @!p0 s14, $0xB;
	s23 =	sshrl.u32 @!p0 s15, $0x2  }
0x82: {  	s12 =	simm.s32 @!p0 $0x0;
	s18 =	sor.u32 @!p0 $0x1C000, s17;
	s13 =	sor.u32 @!p0 $0x9, s23  }
0x83: {  	[tilespmem:s18], [sflag:s13] =	stream.linear.gather @!p0 [hbm4b:s20+s12], $0x800, $0x38;
	[tilespmem:$0x1E000] =	vst v63  }
0x84: {  	s13 =	sor.u32 @!p0 $0x1D000, s17;
	s17 =	sadd.s32 @!p0 $0xA, s23  }
0x85: {  	[tilespmem:s13], [sflag:s17] =	stream.linear.gather @!p0 [hbm4b:s19+s12], $0x800, $0x38;
	[tilespmem:$0x1E000] =	vst v63  }
0x86: {  	_ =	swait.ge [sflag:s3], $0x2000  }
0x87: {  	s16 =	sshll.u32 s16, $0xB;
	[sflag:s3] =	ssyncset.done $0x0  }
0x88: {  	s13 =	sor.u32 $0x1D000, s16;
	[sflag:s3] =	ssyncadd.s32 $0xFFFFE000  }
0x89: {  	[spmem:s2] =	stream.indirect.scatter.add.f32 [tilespmem:s21], [sflag:$0x5], $0x80, s13, s28, $0xb8;
	[tilespmem:$0x1E000] =	vst v63  }
0x8a: {  	_ =	swait.ge [sflag:s31], $0x2000  }
0x8b: {  	[sflag:s31] =	ssyncset.done $0x0  }
0x8c: {  	s17 =	sor.u32 $0x1D080, s16;
	[sflag:s31] =	ssyncadd.s32 $0xFFFFE000  }
0x8d: {  	[spmem:s2] =	stream.indirect.scatter.add.f32 [tilespmem:s30], [sflag:$0x6], $0x80, s17, s28, $0xb8;
	[tilespmem:$0x1E000] =	vst v63  }
0x8e: {  	_ =	swait.ge [sflag:s24], $0x2000  }
0x8f: {  	[sflag:s24] =	ssyncset.done $0x0  }
0x90: {  	s18 =	sor.u32 $0x1D100, s16;
	[sflag:s24] =	ssyncadd.s32 $0xFFFFE000  }
0x91: {  	[spmem:s2] =	stream.indirect.scatter.add.f32 [tilespmem:s0], [sflag:$0x7], $0x80, s18, s28, $0xb8;
	[tilespmem:$0x1E000] =	vst v63  }
0x92: {  	_ =	swait.ge [sflag:s6], $0x2000  }
0x93: {  	[sflag:s6] =	ssyncset.done $0x0  }
0x94: {  	s23 =	sor.u32 $0x1D180, s16;
	[sflag:s6] =	ssyncadd.s32 $0xFFFFE000  }
0x95: {  	[spmem:s2] =	stream.indirect.scatter.add.f32 [tilespmem:s29], [sflag:$0x8], $0x80, s23, s28, $0xb8;
	[tilespmem:$0x1E000] =	vst v63  }
0x96: {  	_ =	swait.ge [sflag:s7], $0x2000  }
0x97: {  	[sflag:s7] =	ssyncset.done $0x0  }
0x98: {  	s13 =	sor.u32 $0x1C200, s16;
	[sflag:s7] =	ssyncadd.s32 $0xFFFFE000  }
0x99: {  	[tilespmem:s21], [sflag:$0x1] =	stream.indirect.gather [hbm4b:s1+s28], $0x80, s13, s28, $0xb8;
	[tilespmem:$0x1E000] =	vst v63  }
0x9a: {  	_ =	swait.ge [sflag:s8], $0x2000  }
0x9b: {  	[sflag:s8] =	ssyncset.done $0x0  }
0x9c: {  	s17 =	sor.u32 $0x1C280, s16;
	[sflag:s8] =	ssyncadd.s32 $0xFFFFE000  }
0x9d: {  	[tilespmem:s30], [sflag:$0x2] =	stream.indirect.gather [hbm4b:s1+s28], $0x80, s17, s28, $0xb8;
	[tilespmem:$0x1E000] =	vst v63  }
0x9e: {  	_ =	swait.ge [sflag:s9], $0x2000  }
0x9f: {  	[sflag:s9] =	ssyncset.done $0x0  }
0xa0: {  	s18 =	sor.u32 $0x1C300, s16;
	[sflag:s9] =	ssyncadd.s32 $0xFFFFE000  }
0xa1: {  	[tilespmem:s0], [sflag:$0x3] =	stream.indirect.gather [hbm4b:s1+s28], $0x80, s18, s28, $0xb8;
	[tilespmem:$0x1E000] =	vst v63  }
0xa2: {  	_ =	swait.ge [sflag:s10], $0x2000  }
0xa3: {  	[sflag:s10] =	ssyncset.done $0x0  }
0xa4: {  	s23 =	sor.u32 $0x1C380, s16;
	[sflag:s10] =	ssyncadd.s32 $0xFFFFE000  }
0xa5: {  	[tilespmem:s29], [sflag:$0x4] =	stream.indirect.gather [hbm4b:s1+s28], $0x80, s23, s28, $0xb8;
	[tilespmem:$0x1E000] =	vst v63  }
0xa6: {  	_ =	swait.ge [sflag:s3], $0x2000  }
0xa7: {  	[sflag:s3] =	ssyncset.done $0x0  }
0xa8: {  	s13 =	sor.u32 $0x1D200, s16;
	[sflag:s3] =	ssyncadd.s32 $0xFFFFE000  }
0xa9: {  	[spmem:s2] =	stream.indirect.scatter.add.f32 [tilespmem:s21], [sflag:$0x5], $0x80, s13, s28, $0xb8;
	[tilespmem:$0x1E000] =	vst v63  }
0xaa: {  	_ =	swait.ge [sflag:s31], $0x2000  }
0xab: {  	[sflag:s31] =	ssyncset.done $0x0  }
0xac: {  	s17 =	sor.u32 $0x1D280, s16;
	[sflag:s31] =	ssyncadd.s32 $0xFFFFE000  }
0xad: {  	[spmem:s2] =	stream.indirect.scatter.add.f32 [tilespmem:s30], [sflag:$0x6], $0x80, s17, s28, $0xb8;
	[tilespmem:$0x1E000] =	vst v63  }
0xae: {  	_ =	swait.ge [sflag:s24], $0x2000  }
0xaf: {  	[sflag:s24] =	ssyncset.done $0x0  }
0xb0: {  	s18 =	sor.u32 $0x1D300, s16;
	[sflag:s24] =	ssyncadd.s32 $0xFFFFE000  }
0xb1: {  	[spmem:s2] =	stream.indirect.scatter.add.f32 [tilespmem:s0], [sflag:$0x7], $0x80, s18, s28, $0xb8;
	[tilespmem:$0x1E000] =	vst v63  }
0xb2: {  	_ =	swait.ge [sflag:s6], $0x2000  }
0xb3: {  	[sflag:s6] =	ssyncset.done $0x0  }
0xb4: {  	s23 =	sor.u32 $0x1D380, s16;
	[sflag:s6] =	ssyncadd.s32 $0xFFFFE000  }
0xb5: {  	[spmem:s2] =	stream.indirect.scatter.add.f32 [tilespmem:s29], [sflag:$0x8], $0x80, s23, s28, $0xb8;
	[tilespmem:$0x1E000] =	vst v63  }
0xb6: {  	_ =	swait.ge [sflag:s7], $0x2000  }
0xb7: {  	[sflag:s7] =	ssyncset.done $0x0  }
0xb8: {  	s13 =	sor.u32 $0x1C400, s16;
	[sflag:s7] =	ssyncadd.s32 $0xFFFFE000  }
0xb9: {  	[tilespmem:s21], [sflag:$0x1] =	stream.indirect.gather [hbm4b:s1+s28], $0x80, s13, s28, $0xb8;
	[tilespmem:$0x1E000] =	vst v63  }
0xba: {  	_ =	swait.ge [sflag:s8], $0x2000  }
0xbb: {  	[sflag:s8] =	ssyncset.done $0x0  }
0xbc: {  	s17 =	sor.u32 $0x1C480, s16;
	[sflag:s8] =	ssyncadd.s32 $0xFFFFE000  }
0xbd: {  	[tilespmem:s30], [sflag:$0x2] =	stream.indirect.gather [hbm4b:s1+s28], $0x80, s17, s28, $0xb8;
	[tilespmem:$0x1E000] =	vst v63  }
0xbe: {  	_ =	swait.ge [sflag:s9], $0x2000  }
0xbf: {  	[sflag:s9] =	ssyncset.done $0x0  }
0xc0: {  	s18 =	sor.u32 $0x1C500, s16;
	[sflag:s9] =	ssyncadd.s32 $0xFFFFE000  }
0xc1: {  	[tilespmem:s0], [sflag:$0x3] =	stream.indirect.gather [hbm4b:s1+s28], $0x80, s18, s28, $0xb8;
	[tilespmem:$0x1E000] =	vst v63  }
0xc2: {  	_ =	swait.ge [sflag:s10], $0x2000  }
0xc3: {  	[sflag:s10] =	ssyncset.done $0x0  }
0xc4: {  	s23 =	sor.u32 $0x1C580, s16;
	[sflag:s10] =	ssyncadd.s32 $0xFFFFE000  }
0xc5: {  	[tilespmem:s29], [sflag:$0x4] =	stream.indirect.gather [hbm4b:s1+s28], $0x80, s23, s28, $0xb8;
	[tilespmem:$0x1E000] =	vst v63  }
0xc6: {  	_ =	swait.ge [sflag:s3], $0x2000  }
0xc7: {  	[sflag:s3] =	ssyncset.done $0x0  }
0xc8: {  	s13 =	sor.u32 $0x1D400, s16;
	[sflag:s3] =	ssyncadd.s32 $0xFFFFE000  }
0xc9: {  	[spmem:s2] =	stream.indirect.scatter.add.f32 [tilespmem:s21], [sflag:$0x5], $0x80, s13, s28, $0xb8;
	[tilespmem:$0x1E000] =	vst v63  }
0xca: {  	_ =	swait.ge [sflag:s31], $0x2000  }
0xcb: {  	[sflag:s31] =	ssyncset.done $0x0  }
0xcc: {  	s17 =	sor.u32 $0x1D480, s16;
	[sflag:s31] =	ssyncadd.s32 $0xFFFFE000  }
0xcd: {  	[spmem:s2] =	stream.indirect.scatter.add.f32 [tilespmem:s30], [sflag:$0x6], $0x80, s17, s28, $0xb8;
	[tilespmem:$0x1E000] =	vst v63  }
0xce: {  	_ =	swait.ge [sflag:s24], $0x2000  }
0xcf: {  	[sflag:s24] =	ssyncset.done $0x0  }
0xd0: {  	s18 =	sor.u32 $0x1D500, s16;
	[sflag:s24] =	ssyncadd.s32 $0xFFFFE000  }
0xd1: {  	[spmem:s2] =	stream.indirect.scatter.add.f32 [tilespmem:s0], [sflag:$0x7], $0x80, s18, s28, $0xb8;
	[tilespmem:$0x1E000] =	vst v63  }
0xd2: {  	_ =	swait.ge [sflag:s6], $0x2000  }
0xd3: {  	[sflag:s6] =	ssyncset.done $0x0  }
0xd4: {  	s23 =	sor.u32 $0x1D580, s16;
	[sflag:s6] =	ssyncadd.s32 $0xFFFFE000  }
0xd5: {  	[spmem:s2] =	stream.indirect.scatter.add.f32 [tilespmem:s29], [sflag:$0x8], $0x80, s23, s28, $0xb8;
	[tilespmem:$0x1E000] =	vst v63  }
0xd6: {  	_ =	swait.ge [sflag:s7], $0x2000  }
0xd7: {  	[sflag:s7] =	ssyncset.done $0x0  }
0xd8: {  	s13 =	sor.u32 $0x1C600, s16;
	[sflag:s7] =	ssyncadd.s32 $0xFFFFE000  }
0xd9: {  	[tilespmem:s21], [sflag:$0x1] =	stream.indirect.gather [hbm4b:s1+s28], $0x80, s13, s28, $0xb8;
	[tilespmem:$0x1E000] =	vst v63  }
0xda: {  	_ =	swait.ge [sflag:s8], $0x2000  }
0xdb: {  	[sflag:s8] =	ssyncset.done $0x0  }
0xdc: {  	s17 =	sor.u32 $0x1C680, s16;
	[sflag:s8] =	ssyncadd.s32 $0xFFFFE000  }
0xdd: {  	[tilespmem:s30], [sflag:$0x2] =	stream.indirect.gather [hbm4b:s1+s28], $0x80, s17, s28, $0xb8;
	[tilespmem:$0x1E000] =	vst v63  }
0xde: {  	_ =	swait.ge [sflag:s9], $0x2000  }
0xdf: {  	[sflag:s9] =	ssyncset.done $0x0  }
0xe0: {  	s18 =	sor.u32 $0x1C700, s16;
	[sflag:s9] =	ssyncadd.s32 $0xFFFFE000  }
0xe1: {  	[tilespmem:s0], [sflag:$0x3] =	stream.indirect.gather [hbm4b:s1+s28], $0x80, s18, s28, $0xb8;
	[tilespmem:$0x1E000] =	vst v63  }
0xe2: {  	_ =	swait.ge [sflag:s10], $0x2000  }
0xe3: {  	[sflag:s10] =	ssyncset.done $0x0  }
0xe4: {  	s23 =	sor.u32 $0x1C780, s16;
	[sflag:s10] =	ssyncadd.s32 $0xFFFFE000  }
0xe5: {  	[tilespmem:s29], [sflag:$0x4] =	stream.indirect.gather [hbm4b:s1+s28], $0x80, s23, s28, $0xb8;
	[tilespmem:$0x1E000] =	vst v63  }
0xe6: {  	_ =	swait.ge [sflag:s3], $0x2000  }
0xe7: {  	[sflag:s3] =	ssyncset.done $0x0  }
0xe8: {  	s13 =	sor.u32 $0x1D600, s16;
	[sflag:s3] =	ssyncadd.s32 $0xFFFFE000  }
0xe9: {  	[spmem:s2] =	stream.indirect.scatter.add.f32 [tilespmem:s21], [sflag:$0x5], $0x80, s13, s28, $0xb8;
	[tilespmem:$0x1E000] =	vst v63  }
0xea: {  	_ =	swait.ge [sflag:s31], $0x2000  }
0xeb: {  	[sflag:s31] =	ssyncset.done $0x0  }
0xec: {  	s17 =	sor.u32 $0x1D680, s16;
	[sflag:s31] =	ssyncadd.s32 $0xFFFFE000  }
0xed: {  	[spmem:s2] =	stream.indirect.scatter.add.f32 [tilespmem:s30], [sflag:$0x6], $0x80, s17, s28, $0xb8;
	[tilespmem:$0x1E000] =	vst v63  }
0xee: {  	_ =	swait.ge [sflag:s24], $0x2000  }
0xef: {  	[sflag:s24] =	ssyncset.done $0x0  }
0xf0: {  	s18 =	sor.u32 $0x1D700, s16;
	[sflag:s24] =	ssyncadd.s32 $0xFFFFE000  }
0xf1: {  	[spmem:s2] =	stream.indirect.scatter.add.f32 [tilespmem:s0], [sflag:$0x7], $0x80, s18, s28, $0xb8;
	[tilespmem:$0x1E000] =	vst v63  }
.Ltmp3:
0xf2: {  	_ = 	snop;
	(pc) =	sbr.rel @p0 .LBB2_6-.Ltmp3, $4  }
0xf3: {  	_ =	swait.ge [sflag:s6], $0x2000  }
0xf4: {  	[sflag:s6] =	ssyncset.done $0x0  }
0xf5: {  	s23 =	sor.u32 $0x1D780, s16;
	[sflag:s6] =	ssyncadd.s32 $0xFFFFE000  }
0xf6: {  	[spmem:s2] =	stream.indirect.scatter.add.f32 [tilespmem:s29], [sflag:$0x8], $0x80, s23, s28, $0xb8;
	[tilespmem:$0x1E000] =	vst v63  }
0xf7: {  	s15 =	simm.s32 @p0 $0x0  }
0xf8: {  	s12 =	sshrl.u32 s15, $0x2  }
0xf9: {  	s13 =	sadd.s32 $0x9, s12  }
0xfa: {  	_ =	swait.ge [sflag:s13], $0x800  }
0xfb: {  	[sflag:s13] =	ssyncset.done $0x0  }
0xfc: {  	s12 =	sadd.s32 $0xA, s12;
	[sflag:s13] =	ssyncadd.s32 $0xFFFFF800  }
0xfd: {  	_ =	swait.ge [sflag:s12], $0x800  }
0xfe: {  	[sflag:s12] =	ssyncset.done $0x0  }
0xff: {  	[sflag:s12] =	ssyncadd.s32 $0xFFFFF800  }
0x100: {  	_ =	swait.ge [sflag:s7], $0x2000  }
0x101: {  	s16 =	sshll.u32 s14, $0xB;
	[sflag:s7] =	ssyncset.done $0x0  }
0x102: {  	s17 =	sor.u32 $0x1C000, s16;
	[sflag:s7] =	ssyncadd.s32 $0xFFFFE000  }
0x103: {  	[tilespmem:s21], [sflag:$0x1] =	stream.indirect.gather [hbm4b:s1+s28], $0x80, s17, s28, $0xb8;
	[tilespmem:$0x1E000] =	vst v63  }
0x104: {  	_ =	swait.ge [sflag:s8], $0x2000  }
0x105: {  	[sflag:s8] =	ssyncset.done $0x0  }
0x106: {  	s18 =	sor.u32 $0x1C080, s16;
	[sflag:s8] =	ssyncadd.s32 $0xFFFFE000  }
0x107: {  	[tilespmem:s30], [sflag:$0x2] =	stream.indirect.gather [hbm4b:s1+s28], $0x80, s18, s28, $0xb8;
	[tilespmem:$0x1E000] =	vst v63  }
0x108: {  	_ =	swait.ge [sflag:s9], $0x2000  }
0x109: {  	[sflag:s9] =	ssyncset.done $0x0  }
0x10a: {  	s23 =	sor.u32 $0x1C100, s16;
	[sflag:s9] =	ssyncadd.s32 $0xFFFFE000  }
0x10b: {  	[tilespmem:s0], [sflag:$0x3] =	stream.indirect.gather [hbm4b:s1+s28], $0x80, s23, s28, $0xb8;
	[tilespmem:$0x1E000] =	vst v63  }
.Ltmp4:
0x10c: {  	_ = 	snop;
	(pc) =	sbr.rel .LBB2_4-.Ltmp4, $4  }
0x10d: {  	_ =	swait.ge [sflag:s10], $0x2000  }
0x10e: {  	s11 =	sadd.s32 $0x1, s11;
	s19 =	sadd.s32 $0x100, s19;
	[sflag:s10] =	ssyncset.done $0x0  }
0x10f: {  	s20 =	sadd.s32 $0x100, s20;
	s12 =	sor.u32 $0x1C180, s16;
	[sflag:s10] =	ssyncadd.s32 $0xFFFFE000  }
0x110: {  	[tilespmem:s29], [sflag:$0x4] =	stream.indirect.gather [hbm4b:s1+s28], $0x80, s12, s28, $0xb8;
	[tilespmem:$0x1E000] =	vst v63  }
.LBB2_7:
0x111: {  	_ =	sfence.sel $0x180000  }
0x112: {  	[bflag:$0x0] =	sbarrier.arrive $0xFFFF  }
0x113: {  	_ =	strace $0x9000004D  }
0x114: {  	s0 =	stileid.u32;
	[bflag:$0x2] =	sbarrier.arrive $0xFFFF  }
0x115: {  	p0 =	sne.s32 s0, $0x0;
	s0 =	rddreg [dreg:$0x3]  }
0x116: {  	s0 =	sadd.s32 @!p0 $0x100000, s0  }
0x117: {  	[sflag:s0] =	ssyncadd.tile.s32 @!p0 $0x1;
	_ =	shalt  }
.Lfunc_end2:
_tile_overlayer_lowered:
.L_overlay_start_2:
0x118: {  	(tag) =	ssettag $0x2  }
0x119: {  	s0 =	rddreg [dreg:$0x0];
	s2 =	stileid.u32  }
0x11a: {  	s1 =	rddreg [dreg:$0x1];
	p0 =	sne.s32 s2, $0x0  }
0x11b: {  	s3 =	rddreg [dreg:$0x2];
	[bflag:$0x3] =	sbarrier.arrive $0xFFFF;
	s2 =	simm.s32 @!p0 $0x1C0D  }
0x11c: {  	[timem:s3], [sflag:s2] =	dma.local @!p0 [hbm:s0], s1  }
0x11d: {  	s0 =	simm.s32 @!p0 $0xD  }
0x11e: {  	_ =	swait.ge @!p0 [sflag:s0], s1  }
0x11f: {  	s1 =	ssub.s32 @!p0 $0x0, s1;
	[sflag:s0] =	ssyncset.done @!p0 $0x0  }
0x120: {  	[sflag:s0] =	ssyncadd.s32 @!p0 s1  }
0x121: {  	[bflag:$0x3] =	sbarrier.arrive $0xFFFF  }
0x122: {  	_ =	shalt  }

// kernel: kernel.19.cloned.1.call-start
scs
__scs_entry_jumppad:
0x0: {  	(pc) =	sbr.rel $0x88, $3  }
0x1: {  	(tag) =	ssettag $0x0;
	lr =	simm.s32 $0x1  }
0x2: {  	[smem:$0x3F95] =	sst lr;
	_ =	strace $0xD0000000  }
0x3: {  	_ = 	snop  }
0x4: {  	_ = 	snop  }
0x5: {  	_ = 	snop  }
0x6: {  	_ = 	snop  }
0x7: {  	_ = 	snop  }
__scs_overlays_trampoline_lowered:
0x8: {  	[smem:$0x3FA4] =	sst s0  }
0x9: {  	[smem:$0x3FA5] =	sst s1  }
0xa: {  	[smem:$0x3FA6] =	sst s2  }
0xb: {  	[smem:$0x3FA7] =	sst s3  }
0xc: {  	[smem:$0x3FA8] =	sst s4  }
0xd: {  	[smem:$0x3FA9] =	sst s5  }
0xe: {  	[smem:$0x3FAA] =	sst s6  }
0xf: {  	[smem:$0x3FAB] =	sst s7  }
0x10: {  	[smem:$0x3FAC] =	sst s8  }
0x11: {  	[smem:$0x3FAD] =	sst s9;
	s0 =	simm.s32 @!p0 $0x0  }
0x12: {  	s1 =	sld [smem:$0x3F93];
	s0 =	simm.s32 @p0 $0x1  }
0x13: {  	[smem:$0x3FAE] =	sst s0;
	s0 =	simm.s32 @!p1 $0x0  }
0x14: {  	s2 =	sld [smem:$0x3F92];
	s0 =	simm.s32 @p1 $0x1  }
0x15: {  	[smem:$0x3FAF] =	sst s0;
	s0 =	simm.s32 @!p2 $0x0  }
0x16: {  	s3 =	sld [smem:$0x3FDB];
	s0 =	simm.s32 @p2 $0x1  }
0x17: {  	s4 =	simm.s32 $0x1BF5;
	[smem:$0x3FB1] =	sst s0  }
0x18: {  	s0 =	sld [smem:$0x3F94];
	_ =	swait.ge [sflag:s4], $0x0  }
0x19: {  	s7 =	sld [smem:$0x3F95]  }
0x1a: {  	s8 =	sadd.s32 $0xFFFFE003, lr  }
0x1b: {  	s9 =	sadd.s32 $0xFFFFFEF7, lr;
	s5 =	simm.s32 $0xFFFFFFFF;
	p2 =	slt.u32 s8, $0xFFFFF086  }
0x1c: {  	p1 =	slt.u32 s9, $0xF7A;
	s5 =	simm.s32 @!p2 $0x0  }
0x1d: {  	s5 =	simm.s32 @p1 $0x1;
	p0 =	seq.s32 s7, s2  }
0x1e: {  	s7 =	smul.u32 @!p0 $0xF7A, s2;
	p2 =	seq.s32 @!p0 s5, $0x0  }
0x1f: {  	s9 =	smul.u32 $0xF7A, s1;
	s8 =	simm.s32 @!p0 $0x1BF5;
	p2 =	por !p2, p0  }
0x20: {  	[sflag:s8] =	ssyncset.s32 @!p0 $0xFFFFF086;
	s6 =	sadd.s32 @!p0 s3, s7;
	s7 =	simm.s32 @!p0 $0x108  }
0x21: {  	s3 =	sadd.s32 s3, s9;
	s6 =	sadd.s32 @!p0 $0x88, s6;
	s7 =	simm.s32 @p2 $0x1082  }
0x22: {  	[simem:s7], [sflag:s8] =	dma.local @!p0 [hbm:s6], $0xF7A  }
0x23: {  	s9 =	sor.u32 $0xD0000000, s2;
	s6 =	simm.s32 $0x108;
	_ =	swait.ge @!p0 [sflag:s8], $0x0  }
0x24: {  	s3 =	sadd.s32 $0x88, s3;
	s6 =	simm.s32 @!p1 $0x1082;
	[sflag:s4] =	ssyncset.s32 $0xFFFFF086  }
0x25: {  	[simem:s6], [sflag:s4] =	dma.local [hbm:s3], $0xF7A  }
0x26: {  	[smem:$0x3F95] =	sst s1;
	(tag) =	ssettag s2;
	_ =	strace s9  }
0x27: {  	s1 =	sld [smem:$0x3FA5]  }
0x28: {  	s2 =	sld [smem:$0x3FA6]  }
0x29: {  	s4 =	sld [smem:$0x3FA8]  }
0x2a: {  	p0 =	seq.s32 s5, $0x0;
	s5 =	sld [smem:$0x3FA9]  }
0x2b: {  	s6 =	sld [smem:$0x3FAA]  }
0x2c: {  	s7 =	sld [smem:$0x3FAB]  }
0x2d: {  	s3 =	simm.s32 $0x108;
	s8 =	sld [smem:$0x3FAC]  }
0x2e: {  	s3 =	simm.s32 @!p0 $0x1082;
	s9 =	sld [smem:$0x3FAD]  }
0x2f: {  	lr =	sadd.s32 s0, s3;
	s0 =	sld [smem:$0x3FA4]  }
0x30: {  	s3 =	sld [smem:$0x3FA7]  }
0x31: {  	[smem:$0x3FB0] =	sst s10  }
0x32: {  	s10 =	sld [smem:$0x3FAE];
	_ =	sdelay $0x3  }
0x33: {  	p0 =	seq.s32 s10, $0x1;
	s10 =	sld [smem:$0x3FB0];
	_ =	sdelay $0x3  }
0x34: {  	[smem:$0x3FB0] =	sst s10  }
0x35: {  	s10 =	sld [smem:$0x3FAF];
	_ =	sdelay $0x3  }
0x36: {  	p1 =	seq.s32 s10, $0x1;
	s10 =	sld [smem:$0x3FB0];
	_ =	sdelay $0x3  }
0x37: {  	[smem:$0x3FB0] =	sst s10  }
0x38: {  	s10 =	sld [smem:$0x3FB1]  }
0x39: {  	_ = 	snop;
	(pc) =	sbr.ind lr, $3  }
0x3a: {  	_ = 	snop  }
0x3b: {  	_ = 	snop  }
0x3c: {  	p2 =	seq.s32 s10, $0x1;
	s10 =	sld [smem:$0x3FB0]  }
0x3d: {  	_ =	shalt  }
0x3e: {  	_ =	shalt  }
0x3f: {  	_ =	shalt  }
0x40: {  	_ =	shalt  }
0x41: {  	_ =	shalt  }
0x42: {  	_ =	shalt  }
0x43: {  	_ =	shalt  }
0x44: {  	_ =	shalt  }
0x45: {  	_ =	shalt  }
0x46: {  	_ =	shalt  }
0x47: {  	_ =	shalt  }
0x48: {  	_ =	shalt  }
0x49: {  	_ =	shalt  }
0x4a: {  	_ =	shalt  }
0x4b: {  	_ =	shalt  }
0x4c: {  	_ =	shalt  }
0x4d: {  	_ =	shalt  }
0x4e: {  	_ =	shalt  }
0x4f: {  	_ =	shalt  }
0x50: {  	_ =	shalt  }
0x51: {  	_ =	shalt  }
0x52: {  	_ =	shalt  }
0x53: {  	_ =	shalt  }
0x54: {  	_ =	shalt  }
0x55: {  	_ =	shalt  }
0x56: {  	_ =	shalt  }
0x57: {  	_ =	shalt  }
0x58: {  	_ =	shalt  }
0x59: {  	_ =	shalt  }
0x5a: {  	_ =	shalt  }
0x5b: {  	_ =	shalt  }
0x5c: {  	_ =	shalt  }
0x5d: {  	_ =	shalt  }
0x5e: {  	_ =	shalt  }
0x5f: {  	_ =	shalt  }
0x60: {  	_ =	shalt  }
0x61: {  	_ =	shalt  }
0x62: {  	_ =	shalt  }
0x63: {  	_ =	shalt  }
0x64: {  	_ =	shalt  }
0x65: {  	_ =	shalt  }
0x66: {  	_ =	shalt  }
0x67: {  	_ =	shalt  }
0x68: {  	_ =	shalt  }
0x69: {  	_ =	shalt  }
0x6a: {  	_ =	shalt  }
0x6b: {  	_ =	shalt  }
0x6c: {  	_ =	shalt  }
0x6d: {  	_ =	shalt  }
0x6e: {  	_ =	shalt  }
0x6f: {  	_ =	shalt  }
0x70: {  	_ =	shalt  }
0x71: {  	_ =	shalt  }
0x72: {  	_ =	shalt  }
0x73: {  	_ =	shalt  }
0x74: {  	_ =	shalt  }
0x75: {  	_ =	shalt  }
0x76: {  	_ =	shalt  }
0x77: {  	_ =	shalt  }
0x78: {  	_ =	shalt  }
0x79: {  	_ =	shalt  }
0x7a: {  	_ =	shalt  }
0x7b: {  	_ =	shalt  }
0x7c: {  	_ =	shalt  }
0x7d: {  	_ =	shalt  }
0x7e: {  	_ =	shalt  }
0x7f: {  	_ =	shalt  }
0x80: {  	_ =	shalt  }
0x81: {  	_ =	shalt  }
0x82: {  	_ =	shalt  }
0x83: {  	_ =	shalt  }
0x84: {  	_ =	shalt  }
0x85: {  	_ =	shalt  }
0x86: {  	_ =	shalt  }
0x87: {  	_ =	shalt  }
.Lfunc_end0:
.L_simem_size_0:
called_computation.3_lowered:
.L_overlay_start_0:
0x88: {  	s2 =	sld [smem:$0x3FD9]  }
0x89: {  	s3 =	sld [smem:$0x3FFE];
	_ =	sdelay $0x1  }
0x8a: {  	s1 =	srdreg.scid  }
0x8b: {  	s0 =	sand.u32 $0x1, s1  }
0x8c: {  	s17 =	sshll.u32 s0, $0xA;
	s2 =	sadd.s32 s3, s2  }
0x8d: {  	s2 =	sadd.s32 s2, s17  }
0x8e: {  	[smem:$0x3FBC] =	sst s2  }
0x8f: {  	_ = 	snop  }
0x90: {  	s2 =	sld [smem:$0x3FD0];
	(tm) =	ssettm $0x1  }
0x91: {  	s18 =	sld [smem:$0x3FFB];
	_ =	sdelay $0x3  }
0x92: {  	_ =	strace s18  }
0x93: {  	s3 =	sld [smem:$0x3FFC];
	_ =	sdelay $0x3  }
0x94: {  	_ =	strace s3  }
0x95: {  	s3 =	sld [smem:$0x3FFD];
	_ =	sdelay $0x3  }
0x96: {  	_ =	strace s3  }
0x97: {  	_ =	strace $0x8FFFFFFF  }
0x98: {  	s19 =	sld [smem:$0x3FDB];
	_ =	sdelay $0x1  }
0x99: {  	s4 =	simm.s32 $_scs_section_size  }
0x9a: {  	s5 =	simm.s32 $_size__tile_overlayer_lowered;
	s6 =	simm.s32 $_tile_overlayer_lowered  }
0x9b: {  	s22 =	simm.s32 $0x1BFF;
	s21 =	sshll.u32 s6, $0x1;
	s3 =	sadd.s32 s4, s19  }
0x9c: {  	s7 =	simm.s32 $0x0;
	s20 =	sshll.u32 s5, $0x1;
	s5 =	sadd.s32 s21, s3  }
0x9d: {  	[timem:s7], [sflag:s22] =	dma.local [hbm:s5], s20  }
0x9e: {  	_ =	swait.ge [sflag:s22], s20  }
0x9f: {  	s4 =	ssub.s32 $0x0, s20;
	[sflag:s22] =	ssyncset.done $0x0  }
0xa0: {  	[sflag:s22] =	ssyncadd.s32 s4;
	_ =	sdelay $0x1  }
0xa1: {  	s23 =	simm.s32 $0x1B8B  }
0xa2: {  	_ =	swait.ge [sflag:s23], $0x1  }
0xa3: {  	[sflag:s23] =	ssyncset.done $0x0  }
0xa4: {  	s25 =	simm.s32 $0x1B8E;
	s24 =	sld [smem:$0x3FFE];
	[sflag:s23] =	ssyncadd.s32 $0xFFFFFFFF  }
0xa5: {  	s26 =	simm.s32 $execute0_lowered;
	[smem:$0x3FD2] =	sst s25  }
0xa6: {  	s5 =	sshll.u32 s26, $0x1;
	_ =	strace $0x8000004F;
	[dreg:$0x1] =	wrdreg $0xFFFFFFFF  }
0xa7: {  	s28 =	simm.s32 $_size_execute0_lowered;
	s3 =	sadd.s32 s3, s5;
	[dreg:$0x0] =	wrdreg $0x0  }
0xa8: {  	s5 =	sshll.u32 s28, $0x1;
	[dreg:$0x2] =	wrdreg s3  }
0xa9: {  	[dreg:$0x3] =	wrdreg s5  }
0xaa: {  	[dreg:$0x4] =	wrdreg $0xC0  }
0xab: {  	_ =	task [dreg:s7], $0x5FFFF  }
0xac: {  	[dreg:$0x1] =	wrdreg $0xFFFFFFFF  }
0xad: {  	[dreg:$0x0] =	wrdreg $0x60  }
0xae: {  	[dreg:$0x2] =	wrdreg s2  }
0xaf: {  	[dreg:$0x3] =	wrdreg s24  }
0xb0: {  	[dreg:$0x4] =	wrdreg $0x0  }
0xb1: {  	[dreg:$0x5] =	wrdreg $0x9  }
0xb2: {  	_ =	task.clear_ibuf [dreg:s7], $0x6FFFF;
	_ =	strace $0x9000004F  }
0xb3: {  	s29 =	simm.s32 $0x9;
	_ =	strace $0x80000051  }
0xb4: {  	_ =	swait.ge [sflag:s29], $0x1  }
0xb5: {  	[sflag:s29] =	ssyncadd.s32 $0xFFFFFFFF  }
0xb6: {  	_ =	strace $0x90000051  }
0xb7: {  	_ =	sfence  }
0xb8: {  	s30 =	sld [smem:$0x0];
	_ =	sdelay $0x2  }
0xb9: {  	s31 =	sshll.u32 s1, $0xD;
	s1 =	sshrl.u32 s1, $0x2  }
0xba: {  	s3 =	sand.u32 $0x4000, s31;
	s1 =	sadd.s32 s1, s30  }
0xbb: {  	s0 =	sor.u32 s3, s0;
	s1 =	sshll.u32 s1, $0x11  }
0xbc: {  	s0 =	sor.u32 s1, s0  }
0xbd: {  	s0 =	sadd.s32 $0x8F2B, s0  }
0xbe: {  	[sflag:s0] =	ssyncadd.remote.s32 $0x1  }
0xbf: {  	_ =	sfence.sel $0xFFFF  }
0xc0: {  	[dreg:$0x0] =	wrdreg $0xFFFFFFFF;
	(pc) =	sbr.abs _section_cstart, $3  }
0xc1: {  	[dreg:$0x1] =	wrdreg $0xFFFFFFFF  }
0xc2: {  	_ =	task.clear_ibuf [dreg:s7], $0x2FFFF;
	_ =	strace $0x9FFFFFFF  }
0xc3: {  	(tm) =	ssettm $0x7FFFFFFF  }
tec
execute0_lowered:
.L_overlay_start_1:
0x0: {  	(tag) =	ssettag $0x1  }
0x1: {  	s1 =	rddreg [dreg:$0x0]  }
0x2: {  	s0 =	rddreg [dreg:$0x1]  }
0x3: {  	s2 =	rddreg [dreg:$0x2]  }
0x4: {  	s3 =	srdreg.scid;
	s4 =	simm.s32 $0x0;
	s11 =	stileid.u32  }
0x5: {  	s3 =	sand.u32 $0x1, s3;
	[smem:$0x7FF] =	sst s4;
	s6 =	smul.u32 $0x14000, s11  }
0x6: {  	s7 =	sadd.s32 $0x17800, s0;
	s5 =	smul.u32 $0x140000, s3;
	s8 =	sshll.u32 s3, $0x4  }
0x7: {  	s26 =	smul.u32 $0x50000, s11;
	s9 =	ssub.s32 $0x2, s3;
	s25 =	sor.u32 s11, s8  }
0x8: {  	s12 =	sshrl.u32 s9, $0x1;
	s5 =	sadd.s32 s6, s5;
	s6 =	smul.u32 $0x5000, s25  }
0x9: {  	s10 =	sadd.s32 $0x3800, s0;
	_ =	strace $0x80000050;
	s9 =	ssub.s32 s9, s12  }
0xa: {  	s13 =	sshrl.u32 s26, $0x2;
	s16 =	smax.u32 s9, $0x1;
	s6 =	sshrl.u32 s6, $0x3  }
0xb: {  	s5 =	sshrl.u32 s5, $0x3;
	[dreg:$0x7] =	wrdreg s16;
	s14 =	sadd.s32 s7, s6  }
0xc: {  	s0 =	sadd.s32 s5, s0;
	s6 =	sadd.s32 s10, s6;
	[dreg:$0x4] =	wrdreg s14  }
0xd: {  	s5 =	sadd.s32 s13, s2;
	s0 =	sadd.s32 $0x52A00, s0;
	[dreg:$0x5] =	wrdreg s6  }
0xe: {  	s28 =	simm.s32 $0x40;
	s17 =	sadd.s32 $0x2000, s5;
	[dreg:$0x6] =	wrdreg s0  }
0xf: {  	s30 =	simm.s32 $0x16000;
	s18 =	sadd.s32 $0x4000, s5;
	[dreg:$0x8] =	wrdreg s17  }
0x10: {  	s29 =	simm.s32 $0x1A000;
	s19 =	sadd.s32 $0x6000, s5;
	[dreg:$0x9] =	wrdreg s18  }
0x11: {  	s31 =	simm.s32 $0x2;
	s20 =	sadd.s32 $0x8000, s5;
	[dreg:$0xa] =	wrdreg s19  }
0x12: {  	s15 =	smul.u32 $0x5000, s11;
	s21 =	sadd.s32 $0xA000, s5;
	[dreg:$0xb] =	wrdreg s20  }
0x13: {  	s3 =	smul.u32 $0x50000, s3;
	s22 =	sadd.s32 $0xC000, s5;
	[dreg:$0xc] =	wrdreg s21  }
0x14: {  	s8 =	simm.s32 $0x6;
	s23 =	sadd.s32 $0xE000, s5;
	[dreg:$0xd] =	wrdreg s22  }
0x15: {  	s9 =	simm.s32 $0x7;
	s24 =	sadd.s32 $0x10000, s5;
	[dreg:$0xe] =	wrdreg s23  }
0x16: {  	s25 =	sadd.s32 $0x12000, s5;
	s0 =	sadd.s32 s15, s3;
	[dreg:$0xf] =	wrdreg s24  }
0x17: {  	[dreg:$0x10] =	wrdreg s25;
	s21 =	simm.s32 $0x14000;
	s22 =	simm.s32 $0xD  }
.Ltmp0:
0x18: {  	s25 =	simm.s32 $0x9;
	s0 =	sor.u32 $0x800, s0;
	(pc) =	sbr.rel .LBB2_1-.Ltmp0, $4  }
0x19: {  	s3 =	simm.s32 $0x1;
	s24 =	simm.s32 $0x3;
	s0 =	sshrl.u32 s0, $0x3  }
0x1a: {  	s6 =	simm.s32 $0x4;
	s26 =	sadd.s32 s0, s10;
	s0 =	sadd.s32 s0, s7  }
0x1b: {  	s7 =	simm.s32 $0x5;
	s10 =	simm.s32 $0x8;
	[dreg:$0x11] =	wrdreg s26  }
0x1c: {  	v0 =	vimm.f32 $0.0e+00;
	[dreg:$0x12] =	wrdreg s0;
	s26 =	simm.s32 $0xA;
	s0 =	simm.s32 $0x18000  }
.LBB2_6:
0x1d: {  	_ =	swait.ge [sflag:s7], $0x2000  }
0x1e: {  	[sflag:s7] =	ssyncset.done $0x0  }
0x1f: {  	[sflag:s7] =	ssyncadd.s32 $0xFFFFE000  }
0x20: {  	_ =	swait.ge [sflag:s8], $0x2000  }
0x21: {  	[sflag:s8] =	ssyncset.done $0x0  }
0x22: {  	[sflag:s8] =	ssyncadd.s32 $0xFFFFE000  }
0x23: {  	_ =	swait.ge [sflag:s9], $0x2000  }
0x24: {  	[sflag:s9] =	ssyncset.done $0x0  }
0x25: {  	[sflag:s9] =	ssyncadd.s32 $0xFFFFE000  }
0x26: {  	_ =	swait.ge [sflag:s10], $0x2000  }
0x27: {  	[sflag:s10] =	ssyncset.done $0x0  }
0x28: {  	s11 =	stileid.u32;
	[sflag:s10] =	ssyncadd.s32 $0xFFFFE000  }
0x29: {  	s11 =	sshll.u32 s11, $0x6;
	[bflag:$0x0] =	sbarrier.arrive $0xFFFF  }
0x2a: {  	s12 =	sshrl.u32 s5, $0x3;
	s11 =	sor.u32 $0x1C0D, s11;
	s13 =	rddreg [dreg:$0x6]  }
0x2b: {  	[hbm:s13], [sflag:s11] =	dma.local [spmem:s12], $0x2800  }
0x2c: {  	_ =	swait.ge [sflag:s22], $0x2800  }
0x2d: {  	s4 =	sadd.s32 $0x1, s4;
	s23 =	rddreg [dreg:$0x7]  }
0x2e: {  	p0 =	sne.s32 s4, s23  }
.Ltmp1:
0x2f: {  	_ = 	snop;
	(pc) =	sbr.rel @!p0 .LBB2_7-.Ltmp1, $3  }
0x30: {  	_ =	sdelay $0x1  }
0x31: {  	[sflag:s22] =	ssyncset.done $0x0  }
0x32: {  	[sflag:s22] =	ssyncadd.s32 $0xFFFFD800  }
.LBB2_1:
0x33: {  	s11 =	simm.s32 $0x0;
	s14 =	simm.s32 $0x200  }
.LBB2_2:
0x34: {  	p0 =	sne.s32 s14, $0x7E00;
	[tilespmem:s11+$0x14070] =	vst v0  }
0x35: {  	[tilespmem:s11+$0x14000] =	vst v0  }
0x36: {  	[tilespmem:s11+$0x14010] =	vst v0  }
.Ltmp2:
0x37: {  	[tilespmem:s11+$0x14020] =	vst v0;
	(pc) =	sbr.rel @p0 .LBB2_2-.Ltmp2, $4  }
0x38: {  	[tilespmem:s11+$0x14030] =	vst v0  }
0x39: {  	[tilespmem:s11+$0x14040] =	vst v0  }
0x3a: {  	[tilespmem:s11+$0x14050] =	vst v0  }
0x3b: {  	[tilespmem:s11+$0x14060] =	vst v0;
	s11 =	sshra.s32 s14, $0x2;
	s14 =	sadd.s32 $0x200, s14  }
0x3c: {  	[tilespmem:s11+$0x14070] =	vst v0  }
0x3d: {  	[tilespmem:s11+$0x14000] =	vst v0  }
0x3e: {  	[tilespmem:s11+$0x14010] =	vst v0  }
0x3f: {  	[tilespmem:s11+$0x14020] =	vst v0  }
0x40: {  	[tilespmem:s11+$0x14030] =	vst v0  }
0x41: {  	[tilespmem:s11+$0x14040] =	vst v0  }
0x42: {  	[tilespmem:s11+$0x14050] =	vst v0  }
0x43: {  	[tilespmem:s11+$0x14060] =	vst v0  }
0x44: {  	[spmem:s5] =	stream.linear.scatter [tilespmem:s21], [sflag:$0xD], $0x2000, $0x38;
	[tilespmem:$0x1E000] =	vst v63  }
0x45: {  	_ =	swait.ge [sflag:s22], $0x2000  }
0x46: {  	[sflag:s22] =	ssyncset.done $0x0  }
0x47: {  	s19 =	rddreg [dreg:$0x8];
	[sflag:s22] =	ssyncadd.s32 $0xFFFFE000  }
0x48: {  	[spmem:s19] =	stream.linear.scatter [tilespmem:s21], [sflag:$0xD], $0x2000, $0x38;
	[tilespmem:$0x1E000] =	vst v63  }
0x49: {  	_ =	swait.ge [sflag:s22], $0x2000  }
0x4a: {  	[sflag:s22] =	ssyncset.done $0x0  }
0x4b: {  	s20 =	rddreg [dreg:$0x9];
	[sflag:s22] =	ssyncadd.s32 $0xFFFFE000  }
0x4c: {  	[spmem:s20] =	stream.linear.scatter [tilespmem:s21], [sflag:$0xD], $0x2000, $0x38;
	[tilespmem:$0x1E000] =	vst v63  }
0x4d: {  	_ =	swait.ge [sflag:s22], $0x2000  }
0x4e: {  	[sflag:s22] =	ssyncset.done $0x0  }
0x4f: {  	s23 =	rddreg [dreg:$0xa];
	[sflag:s22] =	ssyncadd.s32 $0xFFFFE000  }
0x50: {  	[spmem:s23] =	stream.linear.scatter [tilespmem:s21], [sflag:$0xD], $0x2000, $0x38;
	[tilespmem:$0x1E000] =	vst v63  }
0x51: {  	_ =	swait.ge [sflag:s22], $0x2000  }
0x52: {  	[sflag:s22] =	ssyncset.done $0x0  }
0x53: {  	s12 =	rddreg [dreg:$0xb];
	[sflag:s22] =	ssyncadd.s32 $0xFFFFE000  }
0x54: {  	[spmem:s12] =	stream.linear.scatter [tilespmem:s21], [sflag:$0xD], $0x2000, $0x38;
	[tilespmem:$0x1E000] =	vst v63  }
0x55: {  	_ =	swait.ge [sflag:s22], $0x2000  }
0x56: {  	[sflag:s22] =	ssyncset.done $0x0  }
0x57: {  	s13 =	rddreg [dreg:$0xc];
	[sflag:s22] =	ssyncadd.s32 $0xFFFFE000  }
0x58: {  	[spmem:s13] =	stream.linear.scatter [tilespmem:s21], [sflag:$0xD], $0x2000, $0x38;
	[tilespmem:$0x1E000] =	vst v63  }
0x59: {  	_ =	swait.ge [sflag:s22], $0x2000  }
0x5a: {  	[sflag:s22] =	ssyncset.done $0x0  }
0x5b: {  	s14 =	rddreg [dreg:$0xd];
	[sflag:s22] =	ssyncadd.s32 $0xFFFFE000  }
0x5c: {  	[spmem:s14] =	stream.linear.scatter [tilespmem:s21], [sflag:$0xD], $0x2000, $0x38;
	[tilespmem:$0x1E000] =	vst v63  }
0x5d: {  	_ =	swait.ge [sflag:s22], $0x2000  }
0x5e: {  	[sflag:s22] =	ssyncset.done $0x0  }
0x5f: {  	s15 =	rddreg [dreg:$0xe];
	[sflag:s22] =	ssyncadd.s32 $0xFFFFE000  }
0x60: {  	[spmem:s15] =	stream.linear.scatter [tilespmem:s21], [sflag:$0xD], $0x2000, $0x38;
	[tilespmem:$0x1E000] =	vst v63  }
0x61: {  	_ =	swait.ge [sflag:s22], $0x2000  }
0x62: {  	[sflag:s22] =	ssyncset.done $0x0  }
0x63: {  	s16 =	rddreg [dreg:$0xf];
	[sflag:s22] =	ssyncadd.s32 $0xFFFFE000  }
0x64: {  	[spmem:s16] =	stream.linear.scatter [tilespmem:s21], [sflag:$0xD], $0x2000, $0x38;
	[tilespmem:$0x1E000] =	vst v63  }
0x65: {  	_ =	swait.ge [sflag:s22], $0x2000  }
0x66: {  	[sflag:s22] =	ssyncset.done $0x0  }
0x67: {  	s17 =	rddreg [dreg:$0x10];
	[sflag:s22] =	ssyncadd.s32 $0xFFFFE000  }
0x68: {  	[spmem:s17] =	stream.linear.scatter [tilespmem:s21], [sflag:$0xD], $0x2000, $0x38;
	[tilespmem:$0x1E000] =	vst v63  }
0x69: {  	_ =	swait.ge [sflag:s22], $0x2000  }
0x6a: {  	[sflag:s22] =	ssyncset.done $0x0  }
0x6b: {  	[sflag:s22] =	ssyncadd.s32 $0xFFFFE000  }
0x6c: {  	[bflag:$0x0] =	sbarrier.arrive $0xFFFF  }
0x6d: {  	s11 =	simm.s32 $0x0;
	s13 =	simm.s32 $0x1C000;
	s12 =	rddreg [dreg:$0x4]  }
0x6e: {  	[tilespmem:s13], [sflag:$0x9] =	stream.linear.gather [hbm4b:s12+s11], $0x800, $0x38;
	[tilespmem:$0x1E000] =	vst v63  }
0x6f: {  	s14 =	simm.s32 $0x1D000;
	s18 =	rddreg [dreg:$0x5]  }
0x70: {  	[tilespmem:s14], [sflag:$0xA] =	stream.linear.gather [hbm4b:s18+s11], $0x800, $0x38;
	[tilespmem:$0x1E000] =	vst v63  }
0x71: {  	_ =	swait.ge [sflag:s25], $0x800  }
0x72: {  	[sflag:s25] =	ssyncset.done $0x0  }
0x73: {  	[sflag:s25] =	ssyncadd.s32 $0xFFFFF800  }
0x74: {  	_ =	swait.ge [sflag:s26], $0x800  }
0x75: {  	[sflag:s26] =	ssyncset.done $0x0  }
0x76: {  	[sflag:s26] =	ssyncadd.s32 $0xFFFFF800  }
0x77: {  	[tilespmem:s21], [sflag:$0x1] =	stream.indirect.gather [hbm4b:s1+s28], $0x80, s13, s28, $0xb8;
	[tilespmem:$0x1E000] =	vst v63  }
0x78: {  	s19 =	simm.s32 $0x1C080  }
0x79: {  	[tilespmem:s30], [sflag:$0x2] =	stream.indirect.gather [hbm4b:s1+s28], $0x80, s19, s28, $0xb8;
	[tilespmem:$0x1E000] =	vst v63  }
0x7a: {  	s20 =	simm.s32 $0x1C100;
	s19 =	rddreg [dreg:$0x11]  }
0x7b: {  	[tilespmem:s0], [sflag:$0x3] =	stream.indirect.gather [hbm4b:s1+s28], $0x80, s20, s28, $0xb8;
	[tilespmem:$0x1E000] =	vst v63  }
0x7c: {  	s23 =	simm.s32 $0x1C180;
	s20 =	rddreg [dreg:$0x12]  }
0x7d: {  	[tilespmem:s29], [sflag:$0x4] =	stream.indirect.gather [hbm4b:s1+s28], $0x80, s23, s28, $0xb8;
	[tilespmem:$0x1E000] =	vst v63  }
.LBB2_4:
0x7e: {  	s16 =	sand.u32 $0x1, s11  }
0x7f: {  	p0 =	seq.s32 s11, $0x9;
	s14 =	sxor.u32 $0x1, s16  }
0x80: {  	s15 =	sshll.u32 @!p0 s14, $0x3  }
0x81: {  	s17 =	sshll.u32 @!p0 s14, $0xB;
	s23 =	sshrl.u32 @!p0 s15, $0x2  }
0x82: {  	s12 =	simm.s32 @!p0 $0x0;
	s18 =	sor.u32 @!p0 $0x1C000, s17;
	s13 =	sor.u32 @!p0 $0x9, s23  }
0x83: {  	[tilespmem:s18], [sflag:s13] =	stream.linear.gather @!p0 [hbm4b:s20+s12], $0x800, $0x38;
	[tilespmem:$0x1E000] =	vst v63  }
0x84: {  	s13 =	sor.u32 @!p0 $0x1D000, s17;
	s17 =	sadd.s32 @!p0 $0xA, s23  }
0x85: {  	[tilespmem:s13], [sflag:s17] =	stream.linear.gather @!p0 [hbm4b:s19+s12], $0x800, $0x38;
	[tilespmem:$0x1E000] =	vst v63  }
0x86: {  	_ =	swait.ge [sflag:s3], $0x2000  }
0x87: {  	s16 =	sshll.u32 s16, $0xB;
	[sflag:s3] =	ssyncset.done $0x0  }
0x88: {  	s13 =	sor.u32 $0x1D000, s16;
	[sflag:s3] =	ssyncadd.s32 $0xFFFFE000  }
0x89: {  	[spmem:s2] =	stream.indirect.scatter.add.f32 [tilespmem:s21], [sflag:$0x5], $0x80, s13, s28, $0xb8;
	[tilespmem:$0x1E000] =	vst v63  }
0x8a: {  	_ =	swait.ge [sflag:s31], $0x2000  }
0x8b: {  	[sflag:s31] =	ssyncset.done $0x0  }
0x8c: {  	s17 =	sor.u32 $0x1D080, s16;
	[sflag:s31] =	ssyncadd.s32 $0xFFFFE000  }
0x8d: {  	[spmem:s2] =	stream.indirect.scatter.add.f32 [tilespmem:s30], [sflag:$0x6], $0x80, s17, s28, $0xb8;
	[tilespmem:$0x1E000] =	vst v63  }
0x8e: {  	_ =	swait.ge [sflag:s24], $0x2000  }
0x8f: {  	[sflag:s24] =	ssyncset.done $0x0  }
0x90: {  	s18 =	sor.u32 $0x1D100, s16;
	[sflag:s24] =	ssyncadd.s32 $0xFFFFE000  }
0x91: {  	[spmem:s2] =	stream.indirect.scatter.add.f32 [tilespmem:s0], [sflag:$0x7], $0x80, s18, s28, $0xb8;
	[tilespmem:$0x1E000] =	vst v63  }
0x92: {  	_ =	swait.ge [sflag:s6], $0x2000  }
0x93: {  	[sflag:s6] =	ssyncset.done $0x0  }
0x94: {  	s23 =	sor.u32 $0x1D180, s16;
	[sflag:s6] =	ssyncadd.s32 $0xFFFFE000  }
0x95: {  	[spmem:s2] =	stream.indirect.scatter.add.f32 [tilespmem:s29], [sflag:$0x8], $0x80, s23, s28, $0xb8;
	[tilespmem:$0x1E000] =	vst v63  }
0x96: {  	_ =	swait.ge [sflag:s7], $0x2000  }
0x97: {  	[sflag:s7] =	ssyncset.done $0x0  }
0x98: {  	s13 =	sor.u32 $0x1C200, s16;
	[sflag:s7] =	ssyncadd.s32 $0xFFFFE000  }
0x99: {  	[tilespmem:s21], [sflag:$0x1] =	stream.indirect.gather [hbm4b:s1+s28], $0x80, s13, s28, $0xb8;
	[tilespmem:$0x1E000] =	vst v63  }
0x9a: {  	_ =	swait.ge [sflag:s8], $0x2000  }
0x9b: {  	[sflag:s8] =	ssyncset.done $0x0  }
0x9c: {  	s17 =	sor.u32 $0x1C280, s16;
	[sflag:s8] =	ssyncadd.s32 $0xFFFFE000  }
0x9d: {  	[tilespmem:s30], [sflag:$0x2] =	stream.indirect.gather [hbm4b:s1+s28], $0x80, s17, s28, $0xb8;
	[tilespmem:$0x1E000] =	vst v63  }
0x9e: {  	_ =	swait.ge [sflag:s9], $0x2000  }
0x9f: {  	[sflag:s9] =	ssyncset.done $0x0  }
0xa0: {  	s18 =	sor.u32 $0x1C300, s16;
	[sflag:s9] =	ssyncadd.s32 $0xFFFFE000  }
0xa1: {  	[tilespmem:s0], [sflag:$0x3] =	stream.indirect.gather [hbm4b:s1+s28], $0x80, s18, s28, $0xb8;
	[tilespmem:$0x1E000] =	vst v63  }
0xa2: {  	_ =	swait.ge [sflag:s10], $0x2000  }
0xa3: {  	[sflag:s10] =	ssyncset.done $0x0  }
0xa4: {  	s23 =	sor.u32 $0x1C380, s16;
	[sflag:s10] =	ssyncadd.s32 $0xFFFFE000  }
0xa5: {  	[tilespmem:s29], [sflag:$0x4] =	stream.indirect.gather [hbm4b:s1+s28], $0x80, s23, s28, $0xb8;
	[tilespmem:$0x1E000] =	vst v63  }
0xa6: {  	_ =	swait.ge [sflag:s3], $0x2000  }
0xa7: {  	[sflag:s3] =	ssyncset.done $0x0  }
0xa8: {  	s13 =	sor.u32 $0x1D200, s16;
	[sflag:s3] =	ssyncadd.s32 $0xFFFFE000  }
0xa9: {  	[spmem:s2] =	stream.indirect.scatter.add.f32 [tilespmem:s21], [sflag:$0x5], $0x80, s13, s28, $0xb8;
	[tilespmem:$0x1E000] =	vst v63  }
0xaa: {  	_ =	swait.ge [sflag:s31], $0x2000  }
0xab: {  	[sflag:s31] =	ssyncset.done $0x0  }
0xac: {  	s17 =	sor.u32 $0x1D280, s16;
	[sflag:s31] =	ssyncadd.s32 $0xFFFFE000  }
0xad: {  	[spmem:s2] =	stream.indirect.scatter.add.f32 [tilespmem:s30], [sflag:$0x6], $0x80, s17, s28, $0xb8;
	[tilespmem:$0x1E000] =	vst v63  }
0xae: {  	_ =	swait.ge [sflag:s24], $0x2000  }
0xaf: {  	[sflag:s24] =	ssyncset.done $0x0  }
0xb0: {  	s18 =	sor.u32 $0x1D300, s16;
	[sflag:s24] =	ssyncadd.s32 $0xFFFFE000  }
0xb1: {  	[spmem:s2] =	stream.indirect.scatter.add.f32 [tilespmem:s0], [sflag:$0x7], $0x80, s18, s28, $0xb8;
	[tilespmem:$0x1E000] =	vst v63  }
0xb2: {  	_ =	swait.ge [sflag:s6], $0x2000  }
0xb3: {  	[sflag:s6] =	ssyncset.done $0x0  }
0xb4: {  	s23 =	sor.u32 $0x1D380, s16;
	[sflag:s6] =	ssyncadd.s32 $0xFFFFE000  }
0xb5: {  	[spmem:s2] =	stream.indirect.scatter.add.f32 [tilespmem:s29], [sflag:$0x8], $0x80, s23, s28, $0xb8;
	[tilespmem:$0x1E000] =	vst v63  }
0xb6: {  	_ =	swait.ge [sflag:s7], $0x2000  }
0xb7: {  	[sflag:s7] =	ssyncset.done $0x0  }
0xb8: {  	s13 =	sor.u32 $0x1C400, s16;
	[sflag:s7] =	ssyncadd.s32 $0xFFFFE000  }
0xb9: {  	[tilespmem:s21], [sflag:$0x1] =	stream.indirect.gather [hbm4b:s1+s28], $0x80, s13, s28, $0xb8;
	[tilespmem:$0x1E000] =	vst v63  }
0xba: {  	_ =	swait.ge [sflag:s8], $0x2000  }
0xbb: {  	[sflag:s8] =	ssyncset.done $0x0  }
0xbc: {  	s17 =	sor.u32 $0x1C480, s16;
	[sflag:s8] =	ssyncadd.s32 $0xFFFFE000  }
0xbd: {  	[tilespmem:s30], [sflag:$0x2] =	stream.indirect.gather [hbm4b:s1+s28], $0x80, s17, s28, $0xb8;
	[tilespmem:$0x1E000] =	vst v63  }
0xbe: {  	_ =	swait.ge [sflag:s9], $0x2000  }
0xbf: {  	[sflag:s9] =	ssyncset.done $0x0  }
0xc0: {  	s18 =	sor.u32 $0x1C500, s16;
	[sflag:s9] =	ssyncadd.s32 $0xFFFFE000  }
0xc1: {  	[tilespmem:s0], [sflag:$0x3] =	stream.indirect.gather [hbm4b:s1+s28], $0x80, s18, s28, $0xb8;
	[tilespmem:$0x1E000] =	vst v63  }
0xc2: {  	_ =	swait.ge [sflag:s10], $0x2000  }
0xc3: {  	[sflag:s10] =	ssyncset.done $0x0  }
0xc4: {  	s23 =	sor.u32 $0x1C580, s16;
	[sflag:s10] =	ssyncadd.s32 $0xFFFFE000  }
0xc5: {  	[tilespmem:s29], [sflag:$0x4] =	stream.indirect.gather [hbm4b:s1+s28], $0x80, s23, s28, $0xb8;
	[tilespmem:$0x1E000] =	vst v63  }
0xc6: {  	_ =	swait.ge [sflag:s3], $0x2000  }
0xc7: {  	[sflag:s3] =	ssyncset.done $0x0  }
0xc8: {  	s13 =	sor.u32 $0x1D400, s16;
	[sflag:s3] =	ssyncadd.s32 $0xFFFFE000  }
0xc9: {  	[spmem:s2] =	stream.indirect.scatter.add.f32 [tilespmem:s21], [sflag:$0x5], $0x80, s13, s28, $0xb8;
	[tilespmem:$0x1E000] =	vst v63  }
0xca: {  	_ =	swait.ge [sflag:s31], $0x2000  }
0xcb: {  	[sflag:s31] =	ssyncset.done $0x0  }
0xcc: {  	s17 =	sor.u32 $0x1D480, s16;
	[sflag:s31] =	ssyncadd.s32 $0xFFFFE000  }
0xcd: {  	[spmem:s2] =	stream.indirect.scatter.add.f32 [tilespmem:s30], [sflag:$0x6], $0x80, s17, s28, $0xb8;
	[tilespmem:$0x1E000] =	vst v63  }
0xce: {  	_ =	swait.ge [sflag:s24], $0x2000  }
0xcf: {  	[sflag:s24] =	ssyncset.done $0x0  }
0xd0: {  	s18 =	sor.u32 $0x1D500, s16;
	[sflag:s24] =	ssyncadd.s32 $0xFFFFE000  }
0xd1: {  	[spmem:s2] =	stream.indirect.scatter.add.f32 [tilespmem:s0], [sflag:$0x7], $0x80, s18, s28, $0xb8;
	[tilespmem:$0x1E000] =	vst v63  }
0xd2: {  	_ =	swait.ge [sflag:s6], $0x2000  }
0xd3: {  	[sflag:s6] =	ssyncset.done $0x0  }
0xd4: {  	s23 =	sor.u32 $0x1D580, s16;
	[sflag:s6] =	ssyncadd.s32 $0xFFFFE000  }
0xd5: {  	[spmem:s2] =	stream.indirect.scatter.add.f32 [tilespmem:s29], [sflag:$0x8], $0x80, s23, s28, $0xb8;
	[tilespmem:$0x1E000] =	vst v63  }
0xd6: {  	_ =	swait.ge [sflag:s7], $0x2000  }
0xd7: {  	[sflag:s7] =	ssyncset.done $0x0  }
0xd8: {  	s13 =	sor.u32 $0x1C600, s16;
	[sflag:s7] =	ssyncadd.s32 $0xFFFFE000  }
0xd9: {  	[tilespmem:s21], [sflag:$0x1] =	stream.indirect.gather [hbm4b:s1+s28], $0x80, s13, s28, $0xb8;
	[tilespmem:$0x1E000] =	vst v63  }
0xda: {  	_ =	swait.ge [sflag:s8], $0x2000  }
0xdb: {  	[sflag:s8] =	ssyncset.done $0x0  }
0xdc: {  	s17 =	sor.u32 $0x1C680, s16;
	[sflag:s8] =	ssyncadd.s32 $0xFFFFE000  }
0xdd: {  	[tilespmem:s30], [sflag:$0x2] =	stream.indirect.gather [hbm4b:s1+s28], $0x80, s17, s28, $0xb8;
	[tilespmem:$0x1E000] =	vst v63  }
0xde: {  	_ =	swait.ge [sflag:s9], $0x2000  }
0xdf: {  	[sflag:s9] =	ssyncset.done $0x0  }
0xe0: {  	s18 =	sor.u32 $0x1C700, s16;
	[sflag:s9] =	ssyncadd.s32 $0xFFFFE000  }
0xe1: {  	[tilespmem:s0], [sflag:$0x3] =	stream.indirect.gather [hbm4b:s1+s28], $0x80, s18, s28, $0xb8;
	[tilespmem:$0x1E000] =	vst v63  }
0xe2: {  	_ =	swait.ge [sflag:s10], $0x2000  }
0xe3: {  	[sflag:s10] =	ssyncset.done $0x0  }
0xe4: {  	s23 =	sor.u32 $0x1C780, s16;
	[sflag:s10] =	ssyncadd.s32 $0xFFFFE000  }
0xe5: {  	[tilespmem:s29], [sflag:$0x4] =	stream.indirect.gather [hbm4b:s1+s28], $0x80, s23, s28, $0xb8;
	[tilespmem:$0x1E000] =	vst v63  }
0xe6: {  	_ =	swait.ge [sflag:s3], $0x2000  }
0xe7: {  	[sflag:s3] =	ssyncset.done $0x0  }
0xe8: {  	s13 =	sor.u32 $0x1D600, s16;
	[sflag:s3] =	ssyncadd.s32 $0xFFFFE000  }
0xe9: {  	[spmem:s2] =	stream.indirect.scatter.add.f32 [tilespmem:s21], [sflag:$0x5], $0x80, s13, s28, $0xb8;
	[tilespmem:$0x1E000] =	vst v63  }
0xea: {  	_ =	swait.ge [sflag:s31], $0x2000  }
0xeb: {  	[sflag:s31] =	ssyncset.done $0x0  }
0xec: {  	s17 =	sor.u32 $0x1D680, s16;
	[sflag:s31] =	ssyncadd.s32 $0xFFFFE000  }
0xed: {  	[spmem:s2] =	stream.indirect.scatter.add.f32 [tilespmem:s30], [sflag:$0x6], $0x80, s17, s28, $0xb8;
	[tilespmem:$0x1E000] =	vst v63  }
0xee: {  	_ =	swait.ge [sflag:s24], $0x2000  }
0xef: {  	[sflag:s24] =	ssyncset.done $0x0  }
0xf0: {  	s18 =	sor.u32 $0x1D700, s16;
	[sflag:s24] =	ssyncadd.s32 $0xFFFFE000  }
0xf1: {  	[spmem:s2] =	stream.indirect.scatter.add.f32 [tilespmem:s0], [sflag:$0x7], $0x80, s18, s28, $0xb8;
	[tilespmem:$0x1E000] =	vst v63  }
.Ltmp3:
0xf2: {  	_ = 	snop;
	(pc) =	sbr.rel @p0 .LBB2_6-.Ltmp3, $4  }
0xf3: {  	_ =	swait.ge [sflag:s6], $0x2000  }
0xf4: {  	[sflag:s6] =	ssyncset.done $0x0  }
0xf5: {  	s23 =	sor.u32 $0x1D780, s16;
	[sflag:s6] =	ssyncadd.s32 $0xFFFFE000  }
0xf6: {  	[spmem:s2] =	stream.indirect.scatter.add.f32 [tilespmem:s29], [sflag:$0x8], $0x80, s23, s28, $0xb8;
	[tilespmem:$0x1E000] =	vst v63  }
0xf7: {  	s15 =	simm.s32 @p0 $0x0  }
0xf8: {  	s12 =	sshrl.u32 s15, $0x2  }
0xf9: {  	s13 =	sadd.s32 $0x9, s12  }
0xfa: {  	_ =	swait.ge [sflag:s13], $0x800  }
0xfb: {  	[sflag:s13] =	ssyncset.done $0x0  }
0xfc: {  	s12 =	sadd.s32 $0xA, s12;
	[sflag:s13] =	ssyncadd.s32 $0xFFFFF800  }
0xfd: {  	_ =	swait.ge [sflag:s12], $0x800  }
0xfe: {  	[sflag:s12] =	ssyncset.done $0x0  }
0xff: {  	[sflag:s12] =	ssyncadd.s32 $0xFFFFF800  }
0x100: {  	_ =	swait.ge [sflag:s7], $0x2000  }
0x101: {  	s16 =	sshll.u32 s14, $0xB;
	[sflag:s7] =	ssyncset.done $0x0  }
0x102: {  	s17 =	sor.u32 $0x1C000, s16;
	[sflag:s7] =	ssyncadd.s32 $0xFFFFE000  }
0x103: {  	[tilespmem:s21], [sflag:$0x1] =	stream.indirect.gather [hbm4b:s1+s28], $0x80, s17, s28, $0xb8;
	[tilespmem:$0x1E000] =	vst v63  }
0x104: {  	_ =	swait.ge [sflag:s8], $0x2000  }
0x105: {  	[sflag:s8] =	ssyncset.done $0x0  }
0x106: {  	s18 =	sor.u32 $0x1C080, s16;
	[sflag:s8] =	ssyncadd.s32 $0xFFFFE000  }
0x107: {  	[tilespmem:s30], [sflag:$0x2] =	stream.indirect.gather [hbm4b:s1+s28], $0x80, s18, s28, $0xb8;
	[tilespmem:$0x1E000] =	vst v63  }
0x108: {  	_ =	swait.ge [sflag:s9], $0x2000  }
0x109: {  	[sflag:s9] =	ssyncset.done $0x0  }
0x10a: {  	s23 =	sor.u32 $0x1C100, s16;
	[sflag:s9] =	ssyncadd.s32 $0xFFFFE000  }
0x10b: {  	[tilespmem:s0], [sflag:$0x3] =	stream.indirect.gather [hbm4b:s1+s28], $0x80, s23, s28, $0xb8;
	[tilespmem:$0x1E000] =	vst v63  }
.Ltmp4:
0x10c: {  	_ = 	snop;
	(pc) =	sbr.rel .LBB2_4-.Ltmp4, $4  }
0x10d: {  	_ =	swait.ge [sflag:s10], $0x2000  }
0x10e: {  	s11 =	sadd.s32 $0x1, s11;
	s19 =	sadd.s32 $0x100, s19;
	[sflag:s10] =	ssyncset.done $0x0  }
0x10f: {  	s20 =	sadd.s32 $0x100, s20;
	s12 =	sor.u32 $0x1C180, s16;
	[sflag:s10] =	ssyncadd.s32 $0xFFFFE000  }
0x110: {  	[tilespmem:s29], [sflag:$0x4] =	stream.indirect.gather [hbm4b:s1+s28], $0x80, s12, s28, $0xb8;
	[tilespmem:$0x1E000] =	vst v63  }
.LBB2_7:
0x111: {  	_ =	sfence.sel $0x180000  }
0x112: {  	[bflag:$0x0] =	sbarrier.arrive $0xFFFF  }
0x113: {  	_ =	strace $0x90000050  }
0x114: {  	s0 =	stileid.u32;
	[bflag:$0x2] =	sbarrier.arrive $0xFFFF  }
0x115: {  	p0 =	sne.s32 s0, $0x0;
	s0 =	rddreg [dreg:$0x3]  }
0x116: {  	s0 =	sadd.s32 @!p0 $0x100000, s0  }
0x117: {  	[sflag:s0] =	ssyncadd.tile.s32 @!p0 $0x1;
	_ =	shalt  }
.Lfunc_end2:
_tile_overlayer_lowered:
.L_overlay_start_2:
0x118: {  	(tag) =	ssettag $0x2  }
0x119: {  	s0 =	rddreg [dreg:$0x0];
	s2 =	stileid.u32  }
0x11a: {  	s1 =	rddreg [dreg:$0x1];
	p0 =	sne.s32 s2, $0x0  }
0x11b: {  	s3 =	rddreg [dreg:$0x2];
	[bflag:$0x3] =	sbarrier.arrive $0xFFFF;
	s2 =	simm.s32 @!p0 $0x1C0D  }
0x11c: {  	[timem:s3], [sflag:s2] =	dma.local @!p0 [hbm:s0], s1  }
0x11d: {  	s0 =	simm.s32 @!p0 $0xD  }
0x11e: {  	_ =	swait.ge @!p0 [sflag:s0], s1  }
0x11f: {  	s1 =	ssub.s32 @!p0 $0x0, s1;
	[sflag:s0] =	ssyncset.done @!p0 $0x0  }
0x120: {  	[sflag:s0] =	ssyncadd.s32 @!p0 s1  }
0x121: {  	[bflag:$0x3] =	sbarrier.arrive $0xFFFF  }
0x122: {  	_ =	shalt  }

</sc_bundles>
